<compile_context>
chip_gen: v7x
topology: tpu7x:2x2x1
jax: 0.10.2.dev20260603
libtpu: 0.0.44.dev20260713+nightly
codegen_flags: <defaults>
</compile_context>

<pallas_src>
import functools

import jax
import jax.numpy as jnp
from jax import lax
from jax.experimental import pallas as pl
from jax.experimental.pallas import tpu as pltpu
from jax.experimental.pallas import tpu_sc as plsc

N = 10000
E = 320000
L = 2
T = 1000
D = 128
H = 128

NC = 2
NS = 16

TPAD = 1024
RD = N + 16
CHUNK = 128
ECHUNK = 80
EPT4 = 20160
EPT6 = 20160

_mesh = plsc.VectorSubcoreMesh(core_axis_name="c", subcore_axis_name="s")
_sc_params = pltpu.CompilerParams(needs_layout_passes=False)


def _splat_i32(x):
    return jnp.zeros((16,), jnp.int32) + x


@functools.partial(
    pl.kernel,
    out_type=(
        jax.ShapeDtypeStruct((6 * TPAD, D), jnp.float32),
        jax.ShapeDtypeStruct((L * TPAD,), jnp.int32),
    ),
    mesh=_mesh,
    scratch_types=[
        pltpu.VMEM((96,), jnp.int32),
        pltpu.VMEM((96, D), jnp.float32),
        pltpu.VMEM((TPAD,), jnp.int32),
        pltpu.VMEM((64,), jnp.int32),
        pltpu.SemaphoreType.DMA,
    ],
    compiler_params=_sc_params,
)
def _k1(feat_hbm, gidx_hbm, chosen_hbm, rows_hbm, sidx_hbm,
        idx_v, rows_v, ch_v, sidx_v, sem):
    c = lax.axis_index("c")
    s = lax.axis_index("s")
    wid = c * NS + s
    for j in range(2):
        base = wid * 192 + j * 96
        pltpu.sync_copy(gidx_hbm.at[pl.ds(base, 96)], idx_v)
        pltpu.async_copy(feat_hbm.at[idx_v], rows_v, sem).wait()
        pltpu.sync_copy(rows_v, rows_hbm.at[pl.ds(base, 96)])
    pltpu.sync_copy(chosen_hbm.at[pl.ds(c * TPAD, TPAD)], ch_v)
    lane = lax.iota(jnp.int32, 16)
    tbase = s * 64

    def t_body(t, carry):
        tv = _splat_i32(t)
        val = plsc.load_gather(ch_v, [tv])

        def k_body(k, acc):
            c16 = ch_v[pl.ds(k * 16, 16)]
            m = (c16 == val) & ((lane + k * 16) > tv)
            return acc + plsc.all_reduce_population_count(m)

        later = lax.fori_loop(0, TPAD // 16, k_body, jnp.zeros((16,), jnp.int32))
        outv = jnp.where(later == 0, val, _splat_i32(N))
        plsc.store_scatter(sidx_v, [tv - tbase], outv, mask=(lane == 0))
        return carry

    lax.fori_loop(tbase, tbase + 64, t_body, 0)
    pltpu.sync_copy(sidx_v, sidx_hbm.at[pl.ds(c * TPAD + tbase, 64)])


def _k2_body(rows_ref, delta_ref, ws_ref, out_ref):
    ft = rows_ref[0, 0]
    f1 = rows_ref[0, 1]
    f2 = rows_ref[0, 2]
    interp = ft + delta_ref[0] * (0.5 * (f1 + f2) - ft)
    out_ref[0] = jnp.dot(interp, ws_ref[...], preferred_element_type=jnp.float32)


def _k2(rows, delta_b, w_s):
    return pl.pallas_call(
        _k2_body,
        grid=(L,),
        in_specs=[
            pl.BlockSpec((1, 3, TPAD, D), lambda l: (l, 0, 0, 0)),
            pl.BlockSpec((1, TPAD, D), lambda l: (l, 0, 0)),
            pl.BlockSpec((D, D), lambda l: (0, 0)),
        ],
        out_specs=pl.BlockSpec((1, TPAD, D), lambda l: (l, 0, 0)),
        out_shape=jax.ShapeDtypeStruct((L, TPAD, D), jnp.float32),
    )(rows, delta_b, w_s)


@functools.partial(
    pl.kernel,
    out_type=jax.ShapeDtypeStruct((L * RD, D), jnp.float32),
    mesh=_mesh,
    scratch_types=[
        pltpu.VMEM((CHUNK, D), jnp.float32),
        pltpu.VMEM((64, D), jnp.float32),
        pltpu.VMEM((64,), jnp.int32),
    ],
    compiler_params=_sc_params,
)
def _k3(feat_hbm, nf_hbm, sidx_hbm, fds_hbm, buf_v, nf_v, idx_v):
    c = lax.axis_index("c")
    s = lax.axis_index("s")
    for j in range(5):
        b = jnp.minimum(s * 640 + j * CHUNK, N - CHUNK)
        pltpu.sync_copy(feat_hbm.at[pl.ds(b, CHUNK)], buf_v)
        pltpu.sync_copy(buf_v, fds_hbm.at[pl.ds(c * RD + b, CHUNK)])
    plsc.subcore_barrier()
    base = c * TPAD + s * 64
    pltpu.sync_copy(sidx_hbm.at[pl.ds(base, 64)], idx_v)
    pltpu.sync_copy(nf_hbm.at[pl.ds(base, 64)], nf_v)
    pltpu.sync_copy(nf_v, fds_hbm.at[idx_v])


def _zero_rows(ref, nrows, ncols):
    z = jnp.zeros((16,), jnp.float32)

    def body(i, carry):
        for k in range(ncols // 16):
            ref[i, pl.ds(k * 16, 16)] = z
        return carry

    lax.fori_loop(0, nrows, body, 0)


HR = 10240


def _make_segsum(with_deg, nbuf, ept):
    acc_rows = N + 16
    epl = ept * NS

    out_type = [jax.ShapeDtypeStruct((L * N, D), jnp.float32)]
    scratch = [
        pltpu.VMEM_SHARED((acc_rows, D), jnp.float32),
        *[pltpu.VMEM((ECHUNK,), jnp.int32) for _ in range(nbuf)],
        *[pltpu.VMEM((ECHUNK,), jnp.int32) for _ in range(nbuf)],
        *[pltpu.VMEM((ECHUNK, D), jnp.float32) for _ in range(nbuf)],
        *[pltpu.SemaphoreType.DMA for _ in range(3 * nbuf)],
    ]
    if with_deg:
        out_type.append(jax.ShapeDtypeStruct((L * HR,), jnp.float32))
        out_type.append(jax.ShapeDtypeStruct((L * NS * HR,), jnp.float32))
        scratch.append(pltpu.VMEM((HR,), jnp.float32))
        scratch.append(pltpu.VMEM((640,), jnp.float32))
        scratch.append(pltpu.VMEM((640,), jnp.float32))

    def body(x_hbm, src_hbm, dst_hbm, *rest):
        if with_deg:
            msg_hbm, deg_hbm, dstage, acc = rest[0], rest[1], rest[2], rest[3]
            rest = rest[4:]
        else:
            msg_hbm, acc = rest[0], rest[1]
            rest = rest[2:]
        sidx = rest[:nbuf]
        didx = rest[nbuf:2 * nbuf]
        rows = rest[2 * nbuf:3 * nbuf]
        gsem = rest[3 * nbuf:4 * nbuf]
        ssem = rest[4 * nbuf:5 * nbuf]
        isem = rest[5 * nbuf:6 * nbuf]
        if with_deg:
            hist, dtmp, daccv = rest[6 * nbuf:]
        rows_v = rows[0]
        c = lax.axis_index("c")
        s = lax.axis_index("s")
        z16 = jnp.zeros((16,), jnp.float32)
        o16 = jnp.ones((16,), jnp.float32)
        _zero_rows(rows_v, ECHUNK, D)
        zdescs = []
        for j in range(-(-640 // ECHUNK)):
            b = jnp.minimum(s * 640 + j * ECHUNK, acc_rows - ECHUNK)
            zdescs.append(
                pltpu.async_copy(rows_v, acc.at[pl.ds(b, ECHUNK)], gsem[0]))
        for zd in zdescs:
            zd.wait()
        if with_deg:
            def zh(i, carry):
                hist[pl.ds(i * 16, 16)] = z16
                return carry

            lax.fori_loop(0, HR // 16, zh, 0)
        plsc.subcore_barrier()

        ebase = c * epl + s * ept

        def emit_round(g, wait_scatter):
            base = ebase + g * (nbuf * ECHUNK)
            idescs = []
            for b in range(nbuf):
                if wait_scatter:
                    pltpu.make_async_copy(
                        rows[b], acc.at[didx[b]], ssem[b]).wait()
                idescs.append((
                    pltpu.async_copy(
                        src_hbm.at[pl.ds(base + b * ECHUNK, ECHUNK)],
                        sidx[b], isem[b]),
                    pltpu.async_copy(
                        dst_hbm.at[pl.ds(base + b * ECHUNK, ECHUNK)],
                        didx[b], isem[b])))
            descs = []
            for b in range(nbuf):
                idescs[b][0].wait()
                idescs[b][1].wait()
                descs.append(
                    pltpu.async_copy(x_hbm.at[sidx[b]], rows[b], gsem[b]))
            for b in range(nbuf):
                descs[b].wait()
                pltpu.async_copy(
                    rows[b], acc.at[didx[b]], ssem[b], add=True)
                if with_deg:
                    for k in range(ECHUNK // 16):
                        plsc.addupdate_scatter(
                            hist, [didx[b][pl.ds(k * 16, 16)]], o16)

        emit_round(0, wait_scatter=False)

        def round_body(g, carry):
            emit_round(g, wait_scatter=True)
            return carry

        lax.fori_loop(1, ept // (nbuf * ECHUNK), round_body, 0)
        for b in range(nbuf):
            pltpu.make_async_copy(rows[b], acc.at[didx[b]], ssem[b]).wait()
        if with_deg:
            pltpu.sync_copy(hist, dstage.at[pl.ds((c * NS + s) * HR, HR)])
        plsc.subcore_barrier()

        hdescs = {}
        for j in range(-(-640 // ECHUNK)):
            bb = j % nbuf
            if j >= nbuf:
                hdescs[bb].wait()
            b = jnp.minimum(s * 640 + j * ECHUNK, N - ECHUNK)
            pltpu.sync_copy(acc.at[pl.ds(b, ECHUNK)], rows[bb])
            hdescs[bb] = pltpu.async_copy(
                rows[bb], msg_hbm.at[pl.ds(c * N + b, ECHUNK)], ssem[bb])
        for bb in range(nbuf):
            hdescs[bb].wait()

        if with_deg:
            sbase = s * 640

            def zb(i, carry):
                daccv[pl.ds(i * 16, 16)] = z16
                return carry

            lax.fori_loop(0, 40, zb, 0)
            for t in range(NS):
                pltpu.sync_copy(
                    dstage.at[pl.ds((c * NS + t) * HR + sbase, 640)], dtmp)

                def ab(i, carry):
                    daccv[pl.ds(i * 16, 16)] = (
                        daccv[pl.ds(i * 16, 16)] + dtmp[pl.ds(i * 16, 16)])
                    return carry

                lax.fori_loop(0, 40, ab, 0)
            pltpu.sync_copy(daccv, deg_hbm.at[pl.ds(c * HR + sbase, 640)])

    return pl.kernel(
        body,
        out_type=tuple(out_type) if with_deg else out_type[0],
        mesh=_mesh,
        scratch_types=scratch,
        compiler_params=_sc_params,
    )


_k4 = _make_segsum(with_deg=True, nbuf=3, ept=EPT4)
_k6 = _make_segsum(with_deg=False, nbuf=4, ept=EPT6)


RB = 400


def _make_agg(relu):
    def body(x_ref, msg_ref, deg_ref, w_ref, out_ref):
        d = deg_ref[0, :, 0:1]
        a = (x_ref[0] + msg_ref[0]) / (d + 1.0)
        h = jnp.dot(a, w_ref[...], preferred_element_type=jnp.float32)
        out_ref[0] = jnp.maximum(h, 0.0) if relu else h

    def call(x, msg, deg, w):
        return pl.pallas_call(
            body,
            grid=(L, N // RB),
            in_specs=[
                pl.BlockSpec((1, RB, D), lambda l, r: (l, r, 0)),
                pl.BlockSpec((1, RB, D), lambda l, r: (l, r, 0)),
                pl.BlockSpec((1, RB, 16), lambda l, r: (l, r, 0)),
                pl.BlockSpec((D, H), lambda l, r: (0, 0)),
            ],
            out_specs=pl.BlockSpec((1, RB, H), lambda l, r: (l, r, 0)),
            out_shape=jax.ShapeDtypeStruct((L, N, H), jnp.float32),
        )(x, msg, deg, w)

    return call


_k5 = _make_agg(relu=True)
_k7 = _make_agg(relu=False)


def kernel(feature, adj_new_list, labels, chosen_tail_lists,
           first_neighbor_lists, second_neighbor_lists, center_dict_lists,
           W_s, W1, W2):
    del labels
    chosen = chosen_tail_lists.astype(jnp.int32)
    first = first_neighbor_lists.astype(jnp.int32)
    second = second_neighbor_lists.astype(jnp.int32)
    src = adj_new_list[:, 0, :].astype(jnp.int32)
    dst = adj_new_list[:, 1, :].astype(jnp.int32)

    def pad_t(a, v):
        return jnp.concatenate(
            [a, jnp.full((L, TPAD - T), v, a.dtype)], axis=1)

    cp0 = pad_t(chosen, 0)
    gidx = jnp.stack([cp0, pad_t(first, 0), pad_t(second, 0)],
                     axis=1).reshape(-1)
    chosenN = pad_t(chosen, N).reshape(-1)

    rows, scat_idx = _k1(feature, gidx, chosenN)

    delta_b = jnp.broadcast_to(
        pad_t(center_dict_lists, 0.0)[:, :, None], (L, TPAD, D))
    new_feat = _k2(rows.reshape(L, 3, TPAD, D), delta_b, W_s)

    layer_off = (jnp.arange(L, dtype=jnp.int32) * RD)[:, None]
    sidx_adj = (scat_idx.reshape(L, TPAD) + layer_off).reshape(-1)
    fds = _k3(feature, new_feat.reshape(L * TPAD, D), sidx_adj)

    def pad_edges(a, v, epl):
        return jnp.concatenate(
            [a, jnp.full((L, epl - E), v, jnp.int32)], axis=1)

    lidx = jnp.arange(L, dtype=jnp.int32)[:, None]
    src_fds = (pad_edges(src, 0, EPT4 * NS) + lidx * RD).reshape(-1)
    dstf4 = pad_edges(dst, N, EPT4 * NS).reshape(-1)
    src_h = (pad_edges(src, 0, EPT6 * NS) + lidx * N).reshape(-1)
    dstf6 = pad_edges(dst, N, EPT6 * NS).reshape(-1)

    msg1, deg, _ = _k4(fds, src_fds, dstf4)
    deg3 = jnp.broadcast_to(deg.reshape(L, HR)[:, :N, None], (L, N, 16))

    x0 = fds.reshape(L, RD, D)[:, :N]
    h = _k5(x0, msg1.reshape(L, N, D), deg3, W1)

    msg2 = _k6(h.reshape(L * N, D), src_h, dstf6)
    out = _k7(h, msg2.reshape(L, N, D), deg3, W2)
    return out

# --- scband reference (transcript-rebuilt; emitter-appended) ---
"""Pipeline reference for scband-smote-hg-4569845202981 (READ-ONLY COPY).

The authoritative reference and input builder live on the scoring server;
editing this copy changes nothing except your own understanding.
"""

import jax, jax.numpy as jnp
import numpy as np

N = 10000
E = 320000
L = 2
T = 1000
D = 128
H = 128


def setup_inputs(seed: int = 0) -> dict:
    key = jax.random.key(seed)
    ks = jax.random.split(key, 10)
    feature = jax.random.normal(ks[0], (N, D), dtype=jnp.float32)
    adj_new_list = jax.random.randint(ks[1], (L, 2, E), 0, N, dtype=jnp.int64)
    labels = jax.random.randint(ks[2], (N,), 0, 5, dtype=jnp.int64)
    chosen_tail_lists = jax.random.randint(ks[3], (L, T), 0, N, dtype=jnp.int64)
    first_neighbor_lists = jax.random.randint(ks[4], (L, T), 0, N, dtype=jnp.int64)
    second_neighbor_lists = jax.random.randint(ks[5], (L, T), 0, N, dtype=jnp.int64)
    center_dict_lists = jax.random.uniform(ks[6], (L, T), dtype=jnp.float32)
    W_s = jax.random.normal(ks[7], (D, D), dtype=jnp.float32) * 0.05
    W1 = jax.random.normal(ks[8], (D, H), dtype=jnp.float32) * 0.05
    W2 = jax.random.normal(ks[9], (H, H), dtype=jnp.float32) * 0.05
    return {
        "feature": feature,
        "adj_new_list": adj_new_list,
        "labels": labels,
        "chosen_tail_lists": chosen_tail_lists,
        "first_neighbor_lists": first_neighbor_lists,
        "second_neighbor_lists": second_neighbor_lists,
        "center_dict_lists": center_dict_lists,
        "W_s": W_s,
        "W1": W1,
        "W2": W2,
    }


def _dynamic_smote(feature, chosen, first, second, delta, W_s):
    # SMOTE-style interpolation: tail node feature moved toward the mean of
    # its 1-hop and 2-hop neighbor features, mixing weight delta in [0,1],
    # then transformed by a learned projection and scattered back (overwrite).
    f_t = feature[chosen]
    f1 = feature[first]
    f2 = feature[second]
    mix = 0.5 * (f1 + f2)
    interp = f_t + delta[:, None] * (mix - f_t)
    new_feat = interp @ W_s
    return feature.at[chosen].set(new_feat)


def _gcn_agg(x, src, dst, n):
    msg = jax.ops.segment_sum(x[src], dst, num_segments=n)
    deg = jax.ops.segment_sum(jnp.ones((src.shape[0],), dtype=x.dtype), dst, num_segments=n)
    return (x + msg) / (deg[:, None] + 1.0)


def _gcn(x, edge_index, W1, W2):
    src = edge_index[0]
    dst = edge_index[1]
    n = x.shape[0]
    h = jax.nn.relu(_gcn_agg(x, src, dst, n) @ W1)
    # dropout skipped (eval mode)
    h = _gcn_agg(h, src, dst, n) @ W2
    return h


def reference(feature, adj_new_list, labels, chosen_tail_lists, first_neighbor_lists,
              second_neighbor_lists, center_dict_lists, W_s, W1, W2):
    outs = []
    for i in range(adj_new_list.shape[0]):
        features_ds = _dynamic_smote(feature, chosen_tail_lists[i], first_neighbor_lists[i],
                                     second_neighbor_lists[i], center_dict_lists[i], W_s)
        outs.append(_gcn(features_ds, adj_new_list[i], W1, W2))
    return jnp.stack(outs, axis=0)

if __name__ == "__main__":
    import jax
    _d = setup_inputs()
    print(jax.jit(kernel)(*tuple(_d.values())))

</pallas_src>

<mosaic_0001>
#map = affine_map<(d0, d1) -> (0, 0)>
#map1 = affine_map<(d0, d1) -> (0)>
module attributes {stable_mosaic.version = 14 : i64} {
  func.func @_k3(%arg0: i32, %arg1: i32, %arg2: memref<10000x128xf32, #tpu.memory_space<hbm>>, %arg3: memref<2048x128xf32, #tpu.memory_space<hbm>>, %arg4: memref<2048xi32, #tpu.memory_space<hbm>>, %arg5: memref<20032x128xf32, #tpu.memory_space<hbm>>, %arg6: memref<128x128xf32, #tpu.memory_space<vmem>>, %arg7: memref<64x128xf32, #tpu.memory_space<vmem>>, %arg8: memref<64xi32, #tpu.memory_space<vmem>>) attributes {dimension_semantics = [#tpu.dimension_semantics<core_parallel>, #tpu.dimension_semantics<subcore_parallel>], iteration_bounds = array<i64: 2, 16>, scalar_prefetch = 0 : i64, scratch_operands = 3 : i64, tpu.core_type = #tpu.core_type<sc_vector_subcore>, window_params = [{transform_indices = #map}, {transform_indices = #map}, {transform_indices = #map1}, {transform_indices = #map}]} {
    %mul3A = arith.constant 640 : i32
    %mul3A_0 = arith.muli %arg1, %mul3A : i32
    %add3A = arith.constant 0 : i32
    %add3A_1 = arith.addi %mul3A_0, %add3A : i32
    %min3A = arith.constant 9872 : i32
    %min3A_2 = arith.minsi %add3A_1, %min3A : i32
    "tpu.region"() ({
      %run_scoped3A = tpu.sem_alloc : memref<!tpu.dma_semaphore, #tpu.memory_space<semaphore_mem>>
      %dma_start3A = arith.constant 0 : i32
      %dma_start3A_47 = tpu.memref_slice %arg2[%min3A_2, %dma_start3A] : memref<10000x128xf32, #tpu.memory_space<hbm>> -> memref<128x128xf32, #tpu.memory_space<hbm>>
      %dma_start3A_48 = arith.constant 0 : i32
      %dma_start3A_49 = tpu.memref_slice %arg2[%min3A_2, %dma_start3A_48] : memref<10000x128xf32, #tpu.memory_space<hbm>> -> memref<128x128xf32, #tpu.memory_space<hbm>>
      tpu.enqueue_dma source(%dma_start3A_49 : memref<128x128xf32, #tpu.memory_space<hbm>>) target(%arg6 : memref<128x128xf32, #tpu.memory_space<vmem>>) target_semaphore(%run_scoped3A : memref<!tpu.dma_semaphore, #tpu.memory_space<semaphore_mem>>)
      %dma_wait3A = arith.constant 0 : i32
      %dma_wait3A_50 = tpu.memref_slice %arg2[%min3A_2, %dma_wait3A] : memref<10000x128xf32, #tpu.memory_space<hbm>> -> memref<128x128xf32, #tpu.memory_space<hbm>>
      %dma_wait3A_51 = arith.constant 0 : i32
      %dma_wait3A_52 = tpu.memref_slice %arg2[%min3A_2, %dma_wait3A_51] : memref<10000x128xf32, #tpu.memory_space<hbm>> -> memref<128x128xf32, #tpu.memory_space<hbm>>
      tpu.wait_dma2 semaphore(%run_scoped3A : memref<!tpu.dma_semaphore, #tpu.memory_space<semaphore_mem>>) src(%dma_wait3A_52 : memref<128x128xf32, #tpu.memory_space<hbm>>) dst(%arg6 : memref<128x128xf32, #tpu.memory_space<vmem>>)
      tpu.yield
    }) : () -> ()
    %mul3A_3 = arith.constant 10016 : i32
    %mul3A_4 = arith.muli %arg0, %mul3A_3 : i32
    %add3A_5 = arith.addi %mul3A_4, %min3A_2 : i32
    "tpu.region"() ({
      %run_scoped3A = tpu.sem_alloc : memref<!tpu.dma_semaphore, #tpu.memory_space<semaphore_mem>>
      %dma_start3A = arith.constant 0 : i32
      %dma_start3A_47 = tpu.memref_slice %arg5[%add3A_5, %dma_start3A] : memref<20032x128xf32, #tpu.memory_space<hbm>> -> memref<128x128xf32, #tpu.memory_space<hbm>>
      %dma_start3A_48 = arith.constant 0 : i32
      %dma_start3A_49 = tpu.memref_slice %arg5[%add3A_5, %dma_start3A_48] : memref<20032x128xf32, #tpu.memory_space<hbm>> -> memref<128x128xf32, #tpu.memory_space<hbm>>
      tpu.enqueue_dma source(%arg6 : memref<128x128xf32, #tpu.memory_space<vmem>>) target(%dma_start3A_49 : memref<128x128xf32, #tpu.memory_space<hbm>>) target_semaphore(%run_scoped3A : memref<!tpu.dma_semaphore, #tpu.memory_space<semaphore_mem>>)
      %dma_wait3A = arith.constant 0 : i32
      %dma_wait3A_50 = tpu.memref_slice %arg5[%add3A_5, %dma_wait3A] : memref<20032x128xf32, #tpu.memory_space<hbm>> -> memref<128x128xf32, #tpu.memory_space<hbm>>
      %dma_wait3A_51 = arith.constant 0 : i32
      %dma_wait3A_52 = tpu.memref_slice %arg5[%add3A_5, %dma_wait3A_51] : memref<20032x128xf32, #tpu.memory_space<hbm>> -> memref<128x128xf32, #tpu.memory_space<hbm>>
      tpu.wait_dma2 semaphore(%run_scoped3A : memref<!tpu.dma_semaphore, #tpu.memory_space<semaphore_mem>>) src(%arg6 : memref<128x128xf32, #tpu.memory_space<vmem>>) dst(%dma_wait3A_52 : memref<128x128xf32, #tpu.memory_space<hbm>>)
      tpu.yield
    }) : () -> ()
    %mul3A_6 = arith.constant 640 : i32
    %mul3A_7 = arith.muli %arg1, %mul3A_6 : i32
    %add3A_8 = arith.constant 128 : i32
    %add3A_9 = arith.addi %mul3A_7, %add3A_8 : i32
    %min3A_10 = arith.constant 9872 : i32
    %min3A_11 = arith.minsi %add3A_9, %min3A_10 : i32
    "tpu.region"() ({
      %run_scoped3A = tpu.sem_alloc : memref<!tpu.dma_semaphore, #tpu.memory_space<semaphore_mem>>
      %dma_start3A = arith.constant 0 : i32
      %dma_start3A_47 = tpu.memref_slice %arg2[%min3A_11, %dma_start3A] : memref<10000x128xf32, #tpu.memory_space<hbm>> -> memref<128x128xf32, #tpu.memory_space<hbm>>
      %dma_start3A_48 = arith.constant 0 : i32
      %dma_start3A_49 = tpu.memref_slice %arg2[%min3A_11, %dma_start3A_48] : memref<10000x128xf32, #tpu.memory_space<hbm>> -> memref<128x128xf32, #tpu.memory_space<hbm>>
      tpu.enqueue_dma source(%dma_start3A_49 : memref<128x128xf32, #tpu.memory_space<hbm>>) target(%arg6 : memref<128x128xf32, #tpu.memory_space<vmem>>) target_semaphore(%run_scoped3A : memref<!tpu.dma_semaphore, #tpu.memory_space<semaphore_mem>>)
      %dma_wait3A = arith.constant 0 : i32
      %dma_wait3A_50 = tpu.memref_slice %arg2[%min3A_11, %dma_wait3A] : memref<10000x128xf32, #tpu.memory_space<hbm>> -> memref<128x128xf32, #tpu.memory_space<hbm>>
      %dma_wait3A_51 = arith.constant 0 : i32
      %dma_wait3A_52 = tpu.memref_slice %arg2[%min3A_11, %dma_wait3A_51] : memref<10000x128xf32, #tpu.memory_space<hbm>> -> memref<128x128xf32, #tpu.memory_space<hbm>>
      tpu.wait_dma2 semaphore(%run_scoped3A : memref<!tpu.dma_semaphore, #tpu.memory_space<semaphore_mem>>) src(%dma_wait3A_52 : memref<128x128xf32, #tpu.memory_space<hbm>>) dst(%arg6 : memref<128x128xf32, #tpu.memory_space<vmem>>)
      tpu.yield
    }) : () -> ()
    %mul3A_12 = arith.constant 10016 : i32
    %mul3A_13 = arith.muli %arg0, %mul3A_12 : i32
    %add3A_14 = arith.addi %mul3A_13, %min3A_11 : i32
    "tpu.region"() ({
      %run_scoped3A = tpu.sem_alloc : memref<!tpu.dma_semaphore, #tpu.memory_space<semaphore_mem>>
      %dma_start3A = arith.constant 0 : i32
      %dma_start3A_47 = tpu.memref_slice %arg5[%add3A_14, %dma_start3A] : memref<20032x128xf32, #tpu.memory_space<hbm>> -> memref<128x128xf32, #tpu.memory_space<hbm>>
      %dma_start3A_48 = arith.constant 0 : i32
      %dma_start3A_49 = tpu.memref_slice %arg5[%add3A_14, %dma_start3A_48] : memref<20032x128xf32, #tpu.memory_space<hbm>> -> memref<128x128xf32, #tpu.memory_space<hbm>>
      tpu.enqueue_dma source(%arg6 : memref<128x128xf32, #tpu.memory_space<vmem>>) target(%dma_start3A_49 : memref<128x128xf32, #tpu.memory_space<hbm>>) target_semaphore(%run_scoped3A : memref<!tpu.dma_semaphore, #tpu.memory_space<semaphore_mem>>)
      %dma_wait3A = arith.constant 0 : i32
      %dma_wait3A_50 = tpu.memref_slice %arg5[%add3A_14, %dma_wait3A] : memref<20032x128xf32, #tpu.memory_space<hbm>> -> memref<128x128xf32, #tpu.memory_space<hbm>>
      %dma_wait3A_51 = arith.constant 0 : i32
      %dma_wait3A_52 = tpu.memref_slice %arg5[%add3A_14, %dma_wait3A_51] : memref<20032x128xf32, #tpu.memory_space<hbm>> -> memref<128x128xf32, #tpu.memory_space<hbm>>
      tpu.wait_dma2 semaphore(%run_scoped3A : memref<!tpu.dma_semaphore, #tpu.memory_space<semaphore_mem>>) src(%arg6 : memref<128x128xf32, #tpu.memory_space<vmem>>) dst(%dma_wait3A_52 : memref<128x128xf32, #tpu.memory_space<hbm>>)
      tpu.yield
    }) : () -> ()
    %mul3A_15 = arith.constant 640 : i32
    %mul3A_16 = arith.muli %arg1, %mul3A_15 : i32
    %add3A_17 = arith.constant 256 : i32
    %add3A_18 = arith.addi %mul3A_16, %add3A_17 : i32
    %min3A_19 = arith.constant 9872 : i32
    %min3A_20 = arith.minsi %add3A_18, %min3A_19 : i32
    "tpu.region"() ({
      %run_scoped3A = tpu.sem_alloc : memref<!tpu.dma_semaphore, #tpu.memory_space<semaphore_mem>>
      %dma_start3A = arith.constant 0 : i32
      %dma_start3A_47 = tpu.memref_slice %arg2[%min3A_20, %dma_start3A] : memref<10000x128xf32, #tpu.memory_space<hbm>> -> memref<128x128xf32, #tpu.memory_space<hbm>>
      %dma_start3A_48 = arith.constant 0 : i32
      %dma_start3A_49 = tpu.memref_slice %arg2[%min3A_20, %dma_start3A_48] : memref<10000x128xf32, #tpu.memory_space<hbm>> -> memref<128x128xf32, #tpu.memory_space<hbm>>
      tpu.enqueue_dma source(%dma_start3A_49 : memref<128x128xf32, #tpu.memory_space<hbm>>) target(%arg6 : memref<128x128xf32, #tpu.memory_space<vmem>>) target_semaphore(%run_scoped3A : memref<!tpu.dma_semaphore, #tpu.memory_space<semaphore_mem>>)
      %dma_wait3A = arith.constant 0 : i32
      %dma_wait3A_50 = tpu.memref_slice %arg2[%min3A_20, %dma_wait3A] : memref<10000x128xf32, #tpu.memory_space<hbm>> -> memref<128x128xf32, #tpu.memory_space<hbm>>
      %dma_wait3A_51 = arith.constant 0 : i32
      %dma_wait3A_52 = tpu.memref_slice %arg2[%min3A_20, %dma_wait3A_51] : memref<10000x128xf32, #tpu.memory_space<hbm>> -> memref<128x128xf32, #tpu.memory_space<hbm>>
      tpu.wait_dma2 semaphore(%run_scoped3A : memref<!tpu.dma_semaphore, #tpu.memory_space<semaphore_mem>>) src(%dma_wait3A_52 : memref<128x128xf32, #tpu.memory_space<hbm>>) dst(%arg6 : memref<128x128xf32, #tpu.memory_space<vmem>>)
      tpu.yield
    }) : () -> ()
    %mul3A_21 = arith.constant 10016 : i32
    %mul3A_22 = arith.muli %arg0, %mul3A_21 : i32
    %add3A_23 = arith.addi %mul3A_22, %min3A_20 : i32
    "tpu.region"() ({
      %run_scoped3A = tpu.sem_alloc : memref<!tpu.dma_semaphore, #tpu.memory_space<semaphore_mem>>
      %dma_start3A = arith.constant 0 : i32
      %dma_start3A_47 = tpu.memref_slice %arg5[%add3A_23, %dma_start3A] : memref<20032x128xf32, #tpu.memory_space<hbm>> -> memref<128x128xf32, #tpu.memory_space<hbm>>
      %dma_start3A_48 = arith.constant 0 : i32
      %dma_start3A_49 = tpu.memref_slice %arg5[%add3A_23, %dma_start3A_48] : memref<20032x128xf32, #tpu.memory_space<hbm>> -> memref<128x128xf32, #tpu.memory_space<hbm>>
      tpu.enqueue_dma source(%arg6 : memref<128x128xf32, #tpu.memory_space<vmem>>) target(%dma_start3A_49 : memref<128x128xf32, #tpu.memory_space<hbm>>) target_semaphore(%run_scoped3A : memref<!tpu.dma_semaphore, #tpu.memory_space<semaphore_mem>>)
      %dma_wait3A = arith.constant 0 : i32
      %dma_wait3A_50 = tpu.memref_slice %arg5[%add3A_23, %dma_wait3A] : memref<20032x128xf32, #tpu.memory_space<hbm>> -> memref<128x128xf32, #tpu.memory_space<hbm>>
      %dma_wait3A_51 = arith.constant 0 : i32
      %dma_wait3A_52 = tpu.memref_slice %arg5[%add3A_23, %dma_wait3A_51] : memref<20032x128xf32, #tpu.memory_space<hbm>> -> memref<128x128xf32, #tpu.memory_space<hbm>>
      tpu.wait_dma2 semaphore(%run_scoped3A : memref<!tpu.dma_semaphore, #tpu.memory_space<semaphore_mem>>) src(%arg6 : memref<128x128xf32, #tpu.memory_space<vmem>>) dst(%dma_wait3A_52 : memref<128x128xf32, #tpu.memory_space<hbm>>)
      tpu.yield
    }) : () -> ()
    %mul3A_24 = arith.constant 640 : i32
    %mul3A_25 = arith.muli %arg1, %mul3A_24 : i32
    %add3A_26 = arith.constant 384 : i32
    %add3A_27 = arith.addi %mul3A_25, %add3A_26 : i32
    %min3A_28 = arith.constant 9872 : i32
    %min3A_29 = arith.minsi %add3A_27, %min3A_28 : i32
    "tpu.region"() ({
      %run_scoped3A = tpu.sem_alloc : memref<!tpu.dma_semaphore, #tpu.memory_space<semaphore_mem>>
      %dma_start3A = arith.constant 0 : i32
      %dma_start3A_47 = tpu.memref_slice %arg2[%min3A_29, %dma_start3A] : memref<10000x128xf32, #tpu.memory_space<hbm>> -> memref<128x128xf32, #tpu.memory_space<hbm>>
      %dma_start3A_48 = arith.constant 0 : i32
      %dma_start3A_49 = tpu.memref_slice %arg2[%min3A_29, %dma_start3A_48] : memref<10000x128xf32, #tpu.memory_space<hbm>> -> memref<128x128xf32, #tpu.memory_space<hbm>>
      tpu.enqueue_dma source(%dma_start3A_49 : memref<128x128xf32, #tpu.memory_space<hbm>>) target(%arg6 : memref<128x128xf32, #tpu.memory_space<vmem>>) target_semaphore(%run_scoped3A : memref<!tpu.dma_semaphore, #tpu.memory_space<semaphore_mem>>)
      %dma_wait3A = arith.constant 0 : i32
      %dma_wait3A_50 = tpu.memref_slice %arg2[%min3A_29, %dma_wait3A] : memref<10000x128xf32, #tpu.memory_space<hbm>> -> memref<128x128xf32, #tpu.memory_space<hbm>>
      %dma_wait3A_51 = arith.constant 0 : i32
      %dma_wait3A_52 = tpu.memref_slice %arg2[%min3A_29, %dma_wait3A_51] : memref<10000x128xf32, #tpu.memory_space<hbm>> -> memref<128x128xf32, #tpu.memory_space<hbm>>
      tpu.wait_dma2 semaphore(%run_scoped3A : memref<!tpu.dma_semaphore, #tpu.memory_space<semaphore_mem>>) src(%dma_wait3A_52 : memref<128x128xf32, #tpu.memory_space<hbm>>) dst(%arg6 : memref<128x128xf32, #tpu.memory_space<vmem>>)
      tpu.yield
    }) : () -> ()
    %mul3A_30 = arith.constant 10016 : i32
    %mul3A_31 = arith.muli %arg0, %mul3A_30 : i32
    %add3A_32 = arith.addi %mul3A_31, %min3A_29 : i32
    "tpu.region"() ({
      %run_scoped3A = tpu.sem_alloc : memref<!tpu.dma_semaphore, #tpu.memory_space<semaphore_mem>>
      %dma_start3A = arith.constant 0 : i32
      %dma_start3A_47 = tpu.memref_slice %arg5[%add3A_32, %dma_start3A] : memref<20032x128xf32, #tpu.memory_space<hbm>> -> memref<128x128xf32, #tpu.memory_space<hbm>>
      %dma_start3A_48 = arith.constant 0 : i32
      %dma_start3A_49 = tpu.memref_slice %arg5[%add3A_32, %dma_start3A_48] : memref<20032x128xf32, #tpu.memory_space<hbm>> -> memref<128x128xf32, #tpu.memory_space<hbm>>
      tpu.enqueue_dma source(%arg6 : memref<128x128xf32, #tpu.memory_space<vmem>>) target(%dma_start3A_49 : memref<128x128xf32, #tpu.memory_space<hbm>>) target_semaphore(%run_scoped3A : memref<!tpu.dma_semaphore, #tpu.memory_space<semaphore_mem>>)
      %dma_wait3A = arith.constant 0 : i32
      %dma_wait3A_50 = tpu.memref_slice %arg5[%add3A_32, %dma_wait3A] : memref<20032x128xf32, #tpu.memory_space<hbm>> -> memref<128x128xf32, #tpu.memory_space<hbm>>
      %dma_wait3A_51 = arith.constant 0 : i32
      %dma_wait3A_52 = tpu.memref_slice %arg5[%add3A_32, %dma_wait3A_51] : memref<20032x128xf32, #tpu.memory_space<hbm>> -> memref<128x128xf32, #tpu.memory_space<hbm>>
      tpu.wait_dma2 semaphore(%run_scoped3A : memref<!tpu.dma_semaphore, #tpu.memory_space<semaphore_mem>>) src(%arg6 : memref<128x128xf32, #tpu.memory_space<vmem>>) dst(%dma_wait3A_52 : memref<128x128xf32, #tpu.memory_space<hbm>>)
      tpu.yield
    }) : () -> ()
    %mul3A_33 = arith.constant 640 : i32
    %mul3A_34 = arith.muli %arg1, %mul3A_33 : i32
    %add3A_35 = arith.constant 512 : i32
    %add3A_36 = arith.addi %mul3A_34, %add3A_35 : i32
    %min3A_37 = arith.constant 9872 : i32
    %min3A_38 = arith.minsi %add3A_36, %min3A_37 : i32
    "tpu.region"() ({
      %run_scoped3A = tpu.sem_alloc : memref<!tpu.dma_semaphore, #tpu.memory_space<semaphore_mem>>
      %dma_start3A = arith.constant 0 : i32
      %dma_start3A_47 = tpu.memref_slice %arg2[%min3A_38, %dma_start3A] : memref<10000x128xf32, #tpu.memory_space<hbm>> -> memref<128x128xf32, #tpu.memory_space<hbm>>
      %dma_start3A_48 = arith.constant 0 : i32
      %dma_start3A_49 = tpu.memref_slice %arg2[%min3A_38, %dma_start3A_48] : memref<10000x128xf32, #tpu.memory_space<hbm>> -> memref<128x128xf32, #tpu.memory_space<hbm>>
      tpu.enqueue_dma source(%dma_start3A_49 : memref<128x128xf32, #tpu.memory_space<hbm>>) target(%arg6 : memref<128x128xf32, #tpu.memory_space<vmem>>) target_semaphore(%run_scoped3A : memref<!tpu.dma_semaphore, #tpu.memory_space<semaphore_mem>>)
      %dma_wait3A = arith.constant 0 : i32
      %dma_wait3A_50 = tpu.memref_slice %arg2[%min3A_38, %dma_wait3A] : memref<10000x128xf32, #tpu.memory_space<hbm>> -> memref<128x128xf32, #tpu.memory_space<hbm>>
      %dma_wait3A_51 = arith.constant 0 : i32
      %dma_wait3A_52 = tpu.memref_slice %arg2[%min3A_38, %dma_wait3A_51] : memref<10000x128xf32, #tpu.memory_space<hbm>> -> memref<128x128xf32, #tpu.memory_space<hbm>>
      tpu.wait_dma2 semaphore(%run_scoped3A : memref<!tpu.dma_semaphore, #tpu.memory_space<semaphore_mem>>) src(%dma_wait3A_52 : memref<128x128xf32, #tpu.memory_space<hbm>>) dst(%arg6 : memref<128x128xf32, #tpu.memory_space<vmem>>)
      tpu.yield
    }) : () -> ()
    %mul3A_39 = arith.constant 10016 : i32
    %mul3A_40 = arith.muli %arg0, %mul3A_39 : i32
    %add3A_41 = arith.addi %mul3A_40, %min3A_38 : i32
    "tpu.region"() ({
      %run_scoped3A = tpu.sem_alloc : memref<!tpu.dma_semaphore, #tpu.memory_space<semaphore_mem>>
      %dma_start3A = arith.constant 0 : i32
      %dma_start3A_47 = tpu.memref_slice %arg5[%add3A_41, %dma_start3A] : memref<20032x128xf32, #tpu.memory_space<hbm>> -> memref<128x128xf32, #tpu.memory_space<hbm>>
      %dma_start3A_48 = arith.constant 0 : i32
      %dma_start3A_49 = tpu.memref_slice %arg5[%add3A_41, %dma_start3A_48] : memref<20032x128xf32, #tpu.memory_space<hbm>> -> memref<128x128xf32, #tpu.memory_space<hbm>>
      tpu.enqueue_dma source(%arg6 : memref<128x128xf32, #tpu.memory_space<vmem>>) target(%dma_start3A_49 : memref<128x128xf32, #tpu.memory_space<hbm>>) target_semaphore(%run_scoped3A : memref<!tpu.dma_semaphore, #tpu.memory_space<semaphore_mem>>)
      %dma_wait3A = arith.constant 0 : i32
      %dma_wait3A_50 = tpu.memref_slice %arg5[%add3A_41, %dma_wait3A] : memref<20032x128xf32, #tpu.memory_space<hbm>> -> memref<128x128xf32, #tpu.memory_space<hbm>>
      %dma_wait3A_51 = arith.constant 0 : i32
      %dma_wait3A_52 = tpu.memref_slice %arg5[%add3A_41, %dma_wait3A_51] : memref<20032x128xf32, #tpu.memory_space<hbm>> -> memref<128x128xf32, #tpu.memory_space<hbm>>
      tpu.wait_dma2 semaphore(%run_scoped3A : memref<!tpu.dma_semaphore, #tpu.memory_space<semaphore_mem>>) src(%arg6 : memref<128x128xf32, #tpu.memory_space<vmem>>) dst(%dma_wait3A_52 : memref<128x128xf32, #tpu.memory_space<hbm>>)
      tpu.yield
    }) : () -> ()
    %barrier3A = arith.constant 0 : index
    tpu.barrier barrier_id(%barrier3A)
    %mul3A_42 = arith.constant 1024 : i32
    %mul3A_43 = arith.muli %arg0, %mul3A_42 : i32
    %mul3A_44 = arith.constant 64 : i32
    %mul3A_45 = arith.muli %arg1, %mul3A_44 : i32
    %add3A_46 = arith.addi %mul3A_43, %mul3A_45 : i32
    "tpu.region"() ({
      %run_scoped3A = tpu.sem_alloc : memref<!tpu.dma_semaphore, #tpu.memory_space<semaphore_mem>>
      %dma_start3A = tpu.memref_slice %arg4[%add3A_46] : memref<2048xi32, #tpu.memory_space<hbm>> -> memref<64xi32, #tpu.memory_space<hbm>>
      %dma_start3A_47 = tpu.memref_slice %arg4[%add3A_46] : memref<2048xi32, #tpu.memory_space<hbm>> -> memref<64xi32, #tpu.memory_space<hbm>>
      tpu.enqueue_dma source(%dma_start3A_47 : memref<64xi32, #tpu.memory_space<hbm>>) target(%arg8 : memref<64xi32, #tpu.memory_space<vmem>>) target_semaphore(%run_scoped3A : memref<!tpu.dma_semaphore, #tpu.memory_space<semaphore_mem>>)
      %dma_wait3A = tpu.memref_slice %arg4[%add3A_46] : memref<2048xi32, #tpu.memory_space<hbm>> -> memref<64xi32, #tpu.memory_space<hbm>>
      %dma_wait3A_48 = tpu.memref_slice %arg4[%add3A_46] : memref<2048xi32, #tpu.memory_space<hbm>> -> memref<64xi32, #tpu.memory_space<hbm>>
      tpu.wait_dma2 semaphore(%run_scoped3A : memref<!tpu.dma_semaphore, #tpu.memory_space<semaphore_mem>>) src(%dma_wait3A_48 : memref<64xi32, #tpu.memory_space<hbm>>) dst(%arg8 : memref<64xi32, #tpu.memory_space<vmem>>)
      tpu.yield
    }) : () -> ()
    "tpu.region"() ({
      %run_scoped3A = tpu.sem_alloc : memref<!tpu.dma_semaphore, #tpu.memory_space<semaphore_mem>>
      %dma_start3A = arith.constant 0 : i32
      %dma_start3A_47 = tpu.memref_slice %arg3[%add3A_46, %dma_start3A] : memref<2048x128xf32, #tpu.memory_space<hbm>> -> memref<64x128xf32, #tpu.memory_space<hbm>>
      %dma_start3A_48 = arith.constant 0 : i32
      %dma_start3A_49 = tpu.memref_slice %arg3[%add3A_46, %dma_start3A_48] : memref<2048x128xf32, #tpu.memory_space<hbm>> -> memref<64x128xf32, #tpu.memory_space<hbm>>
      tpu.enqueue_dma source(%dma_start3A_49 : memref<64x128xf32, #tpu.memory_space<hbm>>) target(%arg7 : memref<64x128xf32, #tpu.memory_space<vmem>>) target_semaphore(%run_scoped3A : memref<!tpu.dma_semaphore, #tpu.memory_space<semaphore_mem>>)
      %dma_wait3A = arith.constant 0 : i32
      %dma_wait3A_50 = tpu.memref_slice %arg3[%add3A_46, %dma_wait3A] : memref<2048x128xf32, #tpu.memory_space<hbm>> -> memref<64x128xf32, #tpu.memory_space<hbm>>
      %dma_wait3A_51 = arith.constant 0 : i32
      %dma_wait3A_52 = tpu.memref_slice %arg3[%add3A_46, %dma_wait3A_51] : memref<2048x128xf32, #tpu.memory_space<hbm>> -> memref<64x128xf32, #tpu.memory_space<hbm>>
      tpu.wait_dma2 semaphore(%run_scoped3A : memref<!tpu.dma_semaphore, #tpu.memory_space<semaphore_mem>>) src(%dma_wait3A_52 : memref<64x128xf32, #tpu.memory_space<hbm>>) dst(%arg7 : memref<64x128xf32, #tpu.memory_space<vmem>>)
      tpu.yield
    }) : () -> ()
    "tpu.region"() ({
      %run_scoped3A = tpu.sem_alloc : memref<!tpu.dma_semaphore, #tpu.memory_space<semaphore_mem>>
      %dma_start3A = arith.constant 0 : i32
      %dma_start3A_47 = arith.constant 0 : i32
      %dma_start3A_48 = tpu.memref_slice %arg5[%dma_start3A, %dma_start3A_47] : memref<20032x128xf32, #tpu.memory_space<hbm>> -> memref<20032x128xf32, #tpu.memory_space<hbm>>
      tpu.enqueue_indirect_dma source(%arg7 : memref<64x128xf32, #tpu.memory_space<vmem>>) target(%dma_start3A_48 : memref<20032x128xf32, #tpu.memory_space<hbm>>) offsets(%arg8 : memref<64xi32, #tpu.memory_space<vmem>>) semaphore(%run_scoped3A : memref<!tpu.dma_semaphore, #tpu.memory_space<semaphore_mem>>)
      %dma_wait3A = arith.constant 0 : i32
      %dma_wait3A_49 = arith.constant 0 : i32
      %dma_wait3A_50 = tpu.memref_slice %arg5[%dma_wait3A, %dma_wait3A_49] : memref<20032x128xf32, #tpu.memory_space<hbm>> -> memref<20032x128xf32, #tpu.memory_space<hbm>>
      tpu.wait_indirect_dma semaphore(%run_scoped3A : memref<!tpu.dma_semaphore, #tpu.memory_space<semaphore_mem>>) src(%arg7 : memref<64x128xf32, #tpu.memory_space<vmem>>) dst(%dma_wait3A_50 : memref<20032x128xf32, #tpu.memory_space<hbm>>)
      tpu.yield
    }) : () -> ()
    return
  }
}

#map = affine_map<(d0, d1) -> (0, 0)>
#map1 = affine_map<(d0, d1) -> (0)>
module attributes {stable_mosaic.version = 14 : i64} {
  func.func @_k1(%arg0: i32, %arg1: i32, %arg2: memref<10000x128xf32, #tpu.memory_space<hbm>>, %arg3: memref<6144xi32, #tpu.memory_space<hbm>>, %arg4: memref<2048xi32, #tpu.memory_space<hbm>>, %arg5: memref<6144x128xf32, #tpu.memory_space<hbm>>, %arg6: memref<2048xi32, #tpu.memory_space<hbm>>, %arg7: memref<96xi32, #tpu.memory_space<vmem>>, %arg8: memref<96x128xf32, #tpu.memory_space<vmem>>, %arg9: memref<1024xi32, #tpu.memory_space<vmem>>, %arg10: memref<64xi32, #tpu.memory_space<vmem>>, %arg11: memref<!tpu.dma_semaphore, #tpu.memory_space<semaphore_mem>>) attributes {dimension_semantics = [#tpu.dimension_semantics<core_parallel>, #tpu.dimension_semantics<subcore_parallel>], iteration_bounds = array<i64: 2, 16>, scalar_prefetch = 0 : i64, scratch_operands = 5 : i64, tpu.core_type = #tpu.core_type<sc_vector_subcore>, window_params = [{transform_indices = #map}, {transform_indices = #map1}, {transform_indices = #map1}, {transform_indices = #map}, {transform_indices = #map1}]} {
    %mul3A = arith.constant 16 : i32
    %mul3A_0 = arith.muli %arg0, %mul3A : i32
    %add3A = arith.addi %mul3A_0, %arg1 : i32
    %mul3A_1 = arith.constant 192 : i32
    %mul3A_2 = arith.muli %add3A, %mul3A_1 : i32
    %add3A_3 = arith.constant 0 : i32
    %add3A_4 = arith.addi %mul3A_2, %add3A_3 : i32
    "tpu.region"() ({
      %run_scoped3A = tpu.sem_alloc : memref<!tpu.dma_semaphore, #tpu.memory_space<semaphore_mem>>
      %dma_start3A_36 = tpu.memref_slice %arg3[%add3A_4] : memref<6144xi32, #tpu.memory_space<hbm>> -> memref<96xi32, #tpu.memory_space<hbm>>
      %dma_start3A_37 = tpu.memref_slice %arg3[%add3A_4] : memref<6144xi32, #tpu.memory_space<hbm>> -> memref<96xi32, #tpu.memory_space<hbm>>
      tpu.enqueue_dma source(%dma_start3A_37 : memref<96xi32, #tpu.memory_space<hbm>>) target(%arg7 : memref<96xi32, #tpu.memory_space<vmem>>) target_semaphore(%run_scoped3A : memref<!tpu.dma_semaphore, #tpu.memory_space<semaphore_mem>>)
      %dma_wait3A_38 = tpu.memref_slice %arg3[%add3A_4] : memref<6144xi32, #tpu.memory_space<hbm>> -> memref<96xi32, #tpu.memory_space<hbm>>
      %dma_wait3A_39 = tpu.memref_slice %arg3[%add3A_4] : memref<6144xi32, #tpu.memory_space<hbm>> -> memref<96xi32, #tpu.memory_space<hbm>>
      tpu.wait_dma2 semaphore(%run_scoped3A : memref<!tpu.dma_semaphore, #tpu.memory_space<semaphore_mem>>) src(%dma_wait3A_39 : memref<96xi32, #tpu.memory_space<hbm>>) dst(%arg7 : memref<96xi32, #tpu.memory_space<vmem>>)
      tpu.yield
    }) : () -> ()
    %dma_start3A = arith.constant 0 : i32
    %dma_start3A_5 = arith.constant 0 : i32
    %dma_start3A_6 = tpu.memref_slice %arg2[%dma_start3A, %dma_start3A_5] : memref<10000x128xf32, #tpu.memory_space<hbm>> -> memref<10000x128xf32, #tpu.memory_space<hbm>>
    tpu.enqueue_indirect_dma source(%dma_start3A_6 : memref<10000x128xf32, #tpu.memory_space<hbm>>) target(%arg8 : memref<96x128xf32, #tpu.memory_space<vmem>>) offsets(%arg7 : memref<96xi32, #tpu.memory_space<vmem>>) semaphore(%arg11 : memref<!tpu.dma_semaphore, #tpu.memory_space<semaphore_mem>>)
    %dma_wait3A = arith.constant 0 : i32
    %dma_wait3A_7 = arith.constant 0 : i32
    %dma_wait3A_8 = tpu.memref_slice %arg2[%dma_wait3A, %dma_wait3A_7] : memref<10000x128xf32, #tpu.memory_space<hbm>> -> memref<10000x128xf32, #tpu.memory_space<hbm>>
    tpu.wait_indirect_dma semaphore(%arg11 : memref<!tpu.dma_semaphore, #tpu.memory_space<semaphore_mem>>) src(%dma_wait3A_8 : memref<10000x128xf32, #tpu.memory_space<hbm>>) dst(%arg8 : memref<96x128xf32, #tpu.memory_space<vmem>>)
    "tpu.region"() ({
      %run_scoped3A = tpu.sem_alloc : memref<!tpu.dma_semaphore, #tpu.memory_space<semaphore_mem>>
      %dma_start3A_36 = arith.constant 0 : i32
      %dma_start3A_37 = tpu.memref_slice %arg5[%add3A_4, %dma_start3A_36] : memref<6144x128xf32, #tpu.memory_space<hbm>> -> memref<96x128xf32, #tpu.memory_space<hbm>>
      %dma_start3A_38 = arith.constant 0 : i32
      %dma_start3A_39 = tpu.memref_slice %arg5[%add3A_4, %dma_start3A_38] : memref<6144x128xf32, #tpu.memory_space<hbm>> -> memref<96x128xf32, #tpu.memory_space<hbm>>
      tpu.enqueue_dma source(%arg8 : memref<96x128xf32, #tpu.memory_space<vmem>>) target(%dma_start3A_39 : memref<96x128xf32, #tpu.memory_space<hbm>>) target_semaphore(%run_scoped3A : memref<!tpu.dma_semaphore, #tpu.memory_space<semaphore_mem>>)
      %dma_wait3A_40 = arith.constant 0 : i32
      %dma_wait3A_41 = tpu.memref_slice %arg5[%add3A_4, %dma_wait3A_40] : memref<6144x128xf32, #tpu.memory_space<hbm>> -> memref<96x128xf32, #tpu.memory_space<hbm>>
      %dma_wait3A_42 = arith.constant 0 : i32
      %dma_wait3A_43 = tpu.memref_slice %arg5[%add3A_4, %dma_wait3A_42] : memref<6144x128xf32, #tpu.memory_space<hbm>> -> memref<96x128xf32, #tpu.memory_space<hbm>>
      tpu.wait_dma2 semaphore(%run_scoped3A : memref<!tpu.dma_semaphore, #tpu.memory_space<semaphore_mem>>) src(%arg8 : memref<96x128xf32, #tpu.memory_space<vmem>>) dst(%dma_wait3A_43 : memref<96x128xf32, #tpu.memory_space<hbm>>)
      tpu.yield
    }) : () -> ()
    %mul3A_9 = arith.constant 192 : i32
    %mul3A_10 = arith.muli %add3A, %mul3A_9 : i32
    %add3A_11 = arith.constant 96 : i32
    %add3A_12 = arith.addi %mul3A_10, %add3A_11 : i32
    "tpu.region"() ({
      %run_scoped3A = tpu.sem_alloc : memref<!tpu.dma_semaphore, #tpu.memory_space<semaphore_mem>>
      %dma_start3A_36 = tpu.memref_slice %arg3[%add3A_12] : memref<6144xi32, #tpu.memory_space<hbm>> -> memref<96xi32, #tpu.memory_space<hbm>>
      %dma_start3A_37 = tpu.memref_slice %arg3[%add3A_12] : memref<6144xi32, #tpu.memory_space<hbm>> -> memref<96xi32, #tpu.memory_space<hbm>>
      tpu.enqueue_dma source(%dma_start3A_37 : memref<96xi32, #tpu.memory_space<hbm>>) target(%arg7 : memref<96xi32, #tpu.memory_space<vmem>>) target_semaphore(%run_scoped3A : memref<!tpu.dma_semaphore, #tpu.memory_space<semaphore_mem>>)
      %dma_wait3A_38 = tpu.memref_slice %arg3[%add3A_12] : memref<6144xi32, #tpu.memory_space<hbm>> -> memref<96xi32, #tpu.memory_space<hbm>>
      %dma_wait3A_39 = tpu.memref_slice %arg3[%add3A_12] : memref<6144xi32, #tpu.memory_space<hbm>> -> memref<96xi32, #tpu.memory_space<hbm>>
      tpu.wait_dma2 semaphore(%run_scoped3A : memref<!tpu.dma_semaphore, #tpu.memory_space<semaphore_mem>>) src(%dma_wait3A_39 : memref<96xi32, #tpu.memory_space<hbm>>) dst(%arg7 : memref<96xi32, #tpu.memory_space<vmem>>)
      tpu.yield
    }) : () -> ()
    %dma_start3A_13 = arith.constant 0 : i32
    %dma_start3A_14 = arith.constant 0 : i32
    %dma_start3A_15 = tpu.memref_slice %arg2[%dma_start3A_13, %dma_start3A_14] : memref<10000x128xf32, #tpu.memory_space<hbm>> -> memref<10000x128xf32, #tpu.memory_space<hbm>>
    tpu.enqueue_indirect_dma source(%dma_start3A_15 : memref<10000x128xf32, #tpu.memory_space<hbm>>) target(%arg8 : memref<96x128xf32, #tpu.memory_space<vmem>>) offsets(%arg7 : memref<96xi32, #tpu.memory_space<vmem>>) semaphore(%arg11 : memref<!tpu.dma_semaphore, #tpu.memory_space<semaphore_mem>>)
    %dma_wait3A_16 = arith.constant 0 : i32
    %dma_wait3A_17 = arith.constant 0 : i32
    %dma_wait3A_18 = tpu.memref_slice %arg2[%dma_wait3A_16, %dma_wait3A_17] : memref<10000x128xf32, #tpu.memory_space<hbm>> -> memref<10000x128xf32, #tpu.memory_space<hbm>>
    tpu.wait_indirect_dma semaphore(%arg11 : memref<!tpu.dma_semaphore, #tpu.memory_space<semaphore_mem>>) src(%dma_wait3A_18 : memref<10000x128xf32, #tpu.memory_space<hbm>>) dst(%arg8 : memref<96x128xf32, #tpu.memory_space<vmem>>)
    "tpu.region"() ({
      %run_scoped3A = tpu.sem_alloc : memref<!tpu.dma_semaphore, #tpu.memory_space<semaphore_mem>>
      %dma_start3A_36 = arith.constant 0 : i32
      %dma_start3A_37 = tpu.memref_slice %arg5[%add3A_12, %dma_start3A_36] : memref<6144x128xf32, #tpu.memory_space<hbm>> -> memref<96x128xf32, #tpu.memory_space<hbm>>
      %dma_start3A_38 = arith.constant 0 : i32
      %dma_start3A_39 = tpu.memref_slice %arg5[%add3A_12, %dma_start3A_38] : memref<6144x128xf32, #tpu.memory_space<hbm>> -> memref<96x128xf32, #tpu.memory_space<hbm>>
      tpu.enqueue_dma source(%arg8 : memref<96x128xf32, #tpu.memory_space<vmem>>) target(%dma_start3A_39 : memref<96x128xf32, #tpu.memory_space<hbm>>) target_semaphore(%run_scoped3A : memref<!tpu.dma_semaphore, #tpu.memory_space<semaphore_mem>>)
      %dma_wait3A_40 = arith.constant 0 : i32
      %dma_wait3A_41 = tpu.memref_slice %arg5[%add3A_12, %dma_wait3A_40] : memref<6144x128xf32, #tpu.memory_space<hbm>> -> memref<96x128xf32, #tpu.memory_space<hbm>>
      %dma_wait3A_42 = arith.constant 0 : i32
      %dma_wait3A_43 = tpu.memref_slice %arg5[%add3A_12, %dma_wait3A_42] : memref<6144x128xf32, #tpu.memory_space<hbm>> -> memref<96x128xf32, #tpu.memory_space<hbm>>
      tpu.wait_dma2 semaphore(%run_scoped3A : memref<!tpu.dma_semaphore, #tpu.memory_space<semaphore_mem>>) src(%arg8 : memref<96x128xf32, #tpu.memory_space<vmem>>) dst(%dma_wait3A_43 : memref<96x128xf32, #tpu.memory_space<hbm>>)
      tpu.yield
    }) : () -> ()
    %mul3A_19 = arith.constant 1024 : i32
    %mul3A_20 = arith.muli %arg0, %mul3A_19 : i32
    "tpu.region"() ({
      %run_scoped3A = tpu.sem_alloc : memref<!tpu.dma_semaphore, #tpu.memory_space<semaphore_mem>>
      %dma_start3A_36 = tpu.memref_slice %arg4[%mul3A_20] : memref<2048xi32, #tpu.memory_space<hbm>> -> memref<1024xi32, #tpu.memory_space<hbm>>
      %dma_start3A_37 = tpu.memref_slice %arg4[%mul3A_20] : memref<2048xi32, #tpu.memory_space<hbm>> -> memref<1024xi32, #tpu.memory_space<hbm>>
      tpu.enqueue_dma source(%dma_start3A_37 : memref<1024xi32, #tpu.memory_space<hbm>>) target(%arg9 : memref<1024xi32, #tpu.memory_space<vmem>>) target_semaphore(%run_scoped3A : memref<!tpu.dma_semaphore, #tpu.memory_space<semaphore_mem>>)
      %dma_wait3A_38 = tpu.memref_slice %arg4[%mul3A_20] : memref<2048xi32, #tpu.memory_space<hbm>> -> memref<1024xi32, #tpu.memory_space<hbm>>
      %dma_wait3A_39 = tpu.memref_slice %arg4[%mul3A_20] : memref<2048xi32, #tpu.memory_space<hbm>> -> memref<1024xi32, #tpu.memory_space<hbm>>
      tpu.wait_dma2 semaphore(%run_scoped3A : memref<!tpu.dma_semaphore, #tpu.memory_space<semaphore_mem>>) src(%dma_wait3A_39 : memref<1024xi32, #tpu.memory_space<hbm>>) dst(%arg9 : memref<1024xi32, #tpu.memory_space<vmem>>)
      tpu.yield
    }) : () -> ()
    %iota3A = tpu.iota {dimensions = array<i32: 0>} : vector<16xi32>
    %mul3A_21 = arith.constant 64 : i32
    %mul3A_22 = arith.muli %arg1, %mul3A_21 : i32
    %add3A_23 = arith.constant 64 : i32
    %add3A_24 = arith.addi %mul3A_22, %add3A_23 : i32
    %while3A = arith.constant 0 : i32
    %while3A_25 = arith.subi %add3A_24, %mul3A_22 : i32
    %while3A_26 = arith.addi %mul3A_22, %while3A_25 : i32
    %while3A_27 = arith.constant 1 : i32
    %while3A_28 = arith.divsi %while3A_25, %while3A_27 : i32
    %while3A_29 = arith.muli %while3A_28, %while3A_27 : i32
    %while3A_30 = arith.addi %mul3A_22, %while3A_29 : i32
    %while3A_31 = arith.constant 1 : i32
    scf.for %while3A_36 = %mul3A_22 to %while3A_30 step %while3A_31  : i32 {
      %broadcast_in_dim3A = arith.constant 0 : i32
      %broadcast_in_dim3A_37 = vector.broadcast %broadcast_in_dim3A : i32 to vector<16xi32>
      %add3A_38 = vector.broadcast %while3A_36 : i32 to vector<16xi32>
      %add3A_39 = arith.addi %broadcast_in_dim3A_37, %add3A_38 : vector<16xi32>
      %gather3A = tpu.vector_load_idx %arg9[%add3A_39] : memref<1024xi32, #tpu.memory_space<vmem>>[vector<16xi32>], vector<16xi32>,
      %broadcast_in_dim3A_40 = arith.constant 0 : i32
      %broadcast_in_dim3A_41 = vector.broadcast %broadcast_in_dim3A_40 : i32 to vector<16xi32>
      %scan3A = arith.constant 0 : i32
      %scan3A_42 = arith.constant 64 : i32
      %scan3A_43 = arith.addi %scan3A, %scan3A_42 : i32
      %scan3A_44 = arith.constant 1 : i32
      %scan3A_45 = scf.for %scan3A_58 = %scan3A to %scan3A_43 step %scan3A_44 iter_args(%scan3A_59 = %broadcast_in_dim3A_41) -> (vector<16xi32>)  : i32 {
        %mul3A_60 = arith.constant 16 : i32
        %mul3A_61 = arith.muli %scan3A_58, %mul3A_60 : i32
        %get3A = arith.index_cast %mul3A_61 : i32 to index
        %get3A_62 = tpu.vector_load %arg9[%get3A] {strides = array<i32>} : memref<1024xi32, #tpu.memory_space<vmem>>, vector<16xi32>,
        %eq3A_63 = arith.cmpi eq, %get3A_62, %gather3A : vector<16xi32>
        %mul3A_64 = arith.constant 16 : i32
        %mul3A_65 = arith.muli %scan3A_58, %mul3A_64 : i32
        %add3A_66 = vector.broadcast %mul3A_65 : i32 to vector<16xi32>
        %add3A_67 = arith.addi %iota3A, %add3A_66 : vector<16xi32>
        %gt3A = arith.cmpi sgt, %add3A_67, %add3A_39 : vector<16xi32>
        %and3A = arith.andi %eq3A_63, %gt3A : vector<16xi1>
        %all_reduce_population_count3A = tpu.all_reduce %and3A {dim = 0 : i64, kind = #tpu.reduction_kind<sum>} : vector<16xi1> -> vector<16xi32>
        %add3A_68 = arith.addi %scan3A_59, %all_reduce_population_count3A : vector<16xi32>
        scf.yield %add3A_68 : vector<16xi32>
      }
      %scan3A_46 = arith.constant 64 : i32
      %eq3A = arith.constant 0 : i32
      %eq3A_47 = vector.broadcast %eq3A : i32 to vector<16xi32>
      %eq3A_48 = arith.cmpi eq, %scan3A_45, %eq3A_47 : vector<16xi32>
      %broadcast_in_dim3A_49 = arith.constant 0 : i32
      %broadcast_in_dim3A_50 = vector.broadcast %broadcast_in_dim3A_49 : i32 to vector<16xi32>
      %add3A_51 = arith.constant 10000 : i32
      %add3A_52 = vector.broadcast %add3A_51 : i32 to vector<16xi32>
      %add3A_53 = arith.addi %broadcast_in_dim3A_50, %add3A_52 : vector<16xi32>
      %select_n3A = arith.select %eq3A_48, %gather3A, %add3A_53 : vector<16xi1>, vector<16xi32>
      %sub3A = vector.broadcast %mul3A_22 : i32 to vector<16xi32>
      %sub3A_54 = arith.subi %add3A_39, %sub3A : vector<16xi32>
      %eq3A_55 = arith.constant 0 : i32
      %eq3A_56 = vector.broadcast %eq3A_55 : i32 to vector<16xi32>
      %eq3A_57 = arith.cmpi eq, %iota3A, %eq3A_56 : vector<16xi32>
      tpu.vector_store_idx %arg10[%sub3A_54], %select_n3A masked %eq3A_57 : memref<64xi32, #tpu.memory_space<vmem>>[vector<16xi32>], vector<16xi32>, vector<16xi1>
    }
    %while3A_32 = arith.constant 1 : i32
    scf.for %while3A_36 = %while3A_30 to %while3A_26 step %while3A_32  : i32 {
      %broadcast_in_dim3A = arith.constant 0 : i32
      %broadcast_in_dim3A_37 = vector.broadcast %broadcast_in_dim3A : i32 to vector<16xi32>
      %add3A_38 = vector.broadcast %while3A_36 : i32 to vector<16xi32>
      %add3A_39 = arith.addi %broadcast_in_dim3A_37, %add3A_38 : vector<16xi32>
      %gather3A = tpu.vector_load_idx %arg9[%add3A_39] : memref<1024xi32, #tpu.memory_space<vmem>>[vector<16xi32>], vector<16xi32>,
      %broadcast_in_dim3A_40 = arith.constant 0 : i32
      %broadcast_in_dim3A_41 = vector.broadcast %broadcast_in_dim3A_40 : i32 to vector<16xi32>
      %scan3A = arith.constant 0 : i32
      %scan3A_42 = arith.constant 64 : i32
      %scan3A_43 = arith.addi %scan3A, %scan3A_42 : i32
      %scan3A_44 = arith.constant 1 : i32
      %scan3A_45 = scf.for %scan3A_58 = %scan3A to %scan3A_43 step %scan3A_44 iter_args(%scan3A_59 = %broadcast_in_dim3A_41) -> (vector<16xi32>)  : i32 {
        %mul3A_60 = arith.constant 16 : i32
        %mul3A_61 = arith.muli %scan3A_58, %mul3A_60 : i32
        %get3A = arith.index_cast %mul3A_61 : i32 to index
        %get3A_62 = tpu.vector_load %arg9[%get3A] {strides = array<i32>} : memref<1024xi32, #tpu.memory_space<vmem>>, vector<16xi32>,
        %eq3A_63 = arith.cmpi eq, %get3A_62, %gather3A : vector<16xi32>
        %mul3A_64 = arith.constant 16 : i32
        %mul3A_65 = arith.muli %scan3A_58, %mul3A_64 : i32
        %add3A_66 = vector.broadcast %mul3A_65 : i32 to vector<16xi32>
        %add3A_67 = arith.addi %iota3A, %add3A_66 : vector<16xi32>
        %gt3A = arith.cmpi sgt, %add3A_67, %add3A_39 : vector<16xi32>
        %and3A = arith.andi %eq3A_63, %gt3A : vector<16xi1>
        %all_reduce_population_count3A = tpu.all_reduce %and3A {dim = 0 : i64, kind = #tpu.reduction_kind<sum>} : vector<16xi1> -> vector<16xi32>
        %add3A_68 = arith.addi %scan3A_59, %all_reduce_population_count3A : vector<16xi32>
        scf.yield %add3A_68 : vector<16xi32>
      }
      %scan3A_46 = arith.constant 64 : i32
      %eq3A = arith.constant 0 : i32
      %eq3A_47 = vector.broadcast %eq3A : i32 to vector<16xi32>
      %eq3A_48 = arith.cmpi eq, %scan3A_45, %eq3A_47 : vector<16xi32>
      %broadcast_in_dim3A_49 = arith.constant 0 : i32
      %broadcast_in_dim3A_50 = vector.broadcast %broadcast_in_dim3A_49 : i32 to vector<16xi32>
      %add3A_51 = arith.constant 10000 : i32
      %add3A_52 = vector.broadcast %add3A_51 : i32 to vector<16xi32>
      %add3A_53 = arith.addi %broadcast_in_dim3A_50, %add3A_52 : vector<16xi32>
      %select_n3A = arith.select %eq3A_48, %gather3A, %add3A_53 : vector<16xi1>, vector<16xi32>
      %sub3A = vector.broadcast %mul3A_22 : i32 to vector<16xi32>
      %sub3A_54 = arith.subi %add3A_39, %sub3A : vector<16xi32>
      %eq3A_55 = arith.constant 0 : i32
      %eq3A_56 = vector.broadcast %eq3A_55 : i32 to vector<16xi32>
      %eq3A_57 = arith.cmpi eq, %iota3A, %eq3A_56 : vector<16xi32>
      tpu.vector_store_idx %arg10[%sub3A_54], %select_n3A masked %eq3A_57 : memref<64xi32, #tpu.memory_space<vmem>>[vector<16xi32>], vector<16xi32>, vector<16xi1>
    }
    %mul3A_33 = arith.constant 1024 : i32
    %mul3A_34 = arith.muli %arg0, %mul3A_33 : i32
    %add3A_35 = arith.addi %mul3A_34, %mul3A_22 : i32
    "tpu.region"() ({
      %run_scoped3A = tpu.sem_alloc : memref<!tpu.dma_semaphore, #tpu.memory_space<semaphore_mem>>
      %dma_start3A_36 = tpu.memref_slice %arg6[%add3A_35] : memref<2048xi32, #tpu.memory_space<hbm>> -> memref<64xi32, #tpu.memory_space<hbm>>
      %dma_start3A_37 = tpu.memref_slice %arg6[%add3A_35] : memref<2048xi32, #tpu.memory_space<hbm>> -> memref<64xi32, #tpu.memory_space<hbm>>
      tpu.enqueue_dma source(%arg10 : memref<64xi32, #tpu.memory_space<vmem>>) target(%dma_start3A_37 : memref<64xi32, #tpu.memory_space<hbm>>) target_semaphore(%run_scoped3A : memref<!tpu.dma_semaphore, #tpu.memory_space<semaphore_mem>>)
      %dma_wait3A_38 = tpu.memref_slice %arg6[%add3A_35] : memref<2048xi32, #tpu.memory_space<hbm>> -> memref<64xi32, #tpu.memory_space<hbm>>
      %dma_wait3A_39 = tpu.memref_slice %arg6[%add3A_35] : memref<2048xi32, #tpu.memory_space<hbm>> -> memref<64xi32, #tpu.memory_space<hbm>>
      tpu.wait_dma2 semaphore(%run_scoped3A : memref<!tpu.dma_semaphore, #tpu.memory_space<semaphore_mem>>) src(%arg10 : memref<64xi32, #tpu.memory_space<vmem>>) dst(%dma_wait3A_39 : memref<64xi32, #tpu.memory_space<hbm>>)
      tpu.yield
    }) : () -> ()
    return
  }
}

#map = affine_map<(d0, d1) -> (0, 0)>
#map1 = affine_map<(d0, d1) -> (0)>
module attributes {stable_mosaic.version = 14 : i64} {
  func.func @body(%arg0: i32, %arg1: i32, %arg2: memref<20032x128xf32, #tpu.memory_space<hbm>>, %arg3: memref<645120xi32, #tpu.memory_space<hbm>>, %arg4: memref<645120xi32, #tpu.memory_space<hbm>>, %arg5: memref<20000x128xf32, #tpu.memory_space<hbm>>, %arg6: memref<20480xf32, #tpu.memory_space<hbm>>, %arg7: memref<327680xf32, #tpu.memory_space<hbm>>, %arg8: memref<10016x128xf32, #tpu.memory_space<vmem_shared>>, %arg9: memref<80xi32, #tpu.memory_space<vmem>>, %arg10: memref<80xi32, #tpu.memory_space<vmem>>, %arg11: memref<80xi32, #tpu.memory_space<vmem>>, %arg12: memref<80xi32, #tpu.memory_space<vmem>>, %arg13: memref<80xi32, #tpu.memory_space<vmem>>, %arg14: memref<80xi32, #tpu.memory_space<vmem>>, %arg15: memref<80x128xf32, #tpu.memory_space<vmem>>, %arg16: memref<80x128xf32, #tpu.memory_space<vmem>>, %arg17: memref<80x128xf32, #tpu.memory_space<vmem>>, %arg18: memref<!tpu.dma_semaphore, #tpu.memory_space<semaphore_mem>>, %arg19: memref<!tpu.dma_semaphore, #tpu.memory_space<semaphore_mem>>, %arg20: memref<!tpu.dma_semaphore, #tpu.memory_space<semaphore_mem>>, %arg21: memref<!tpu.dma_semaphore, #tpu.memory_space<semaphore_mem>>, %arg22: memref<!tpu.dma_semaphore, #tpu.memory_space<semaphore_mem>>, %arg23: memref<!tpu.dma_semaphore, #tpu.memory_space<semaphore_mem>>, %arg24: memref<!tpu.dma_semaphore, #tpu.memory_space<semaphore_mem>>, %arg25: memref<!tpu.dma_semaphore, #tpu.memory_space<semaphore_mem>>, %arg26: memref<!tpu.dma_semaphore, #tpu.memory_space<semaphore_mem>>, %arg27: memref<10240xf32, #tpu.memory_space<vmem>>, %arg28: memref<640xf32, #tpu.memory_space<vmem>>, %arg29: memref<640xf32, #tpu.memory_space<vmem>>) attributes {dimension_semantics = [#tpu.dimension_semantics<core_parallel>, #tpu.dimension_semantics<subcore_parallel>], iteration_bounds = array<i64: 2, 16>, scalar_prefetch = 0 : i64, scratch_operands = 22 : i64, tpu.core_type = #tpu.core_type<sc_vector_subcore>, window_params = [{transform_indices = #map}, {transform_indices = #map1}, {transform_indices = #map1}, {transform_indices = #map}, {transform_indices = #map1}, {transform_indices = #map1}]} {
    %broadcast_in_dim3A = arith.constant 0.000000e+00 : f32
    %broadcast_in_dim3A_0 = vector.broadcast %broadcast_in_dim3A : f32 to vector<16xf32>
    %broadcast_in_dim3A_1 = arith.constant 1.000000e+00 : f32
    %broadcast_in_dim3A_2 = vector.broadcast %broadcast_in_dim3A_1 : f32 to vector<16xf32>
    %broadcast_in_dim3A_3 = arith.constant 0.000000e+00 : f32
    %broadcast_in_dim3A_4 = vector.broadcast %broadcast_in_dim3A_3 : f32 to vector<16xf32>
    %scan3A = arith.constant 0 : i32
    %scan3A_5 = arith.constant 0 : i32
    %scan3A_6 = arith.constant 80 : i32
    %scan3A_7 = arith.addi %scan3A_5, %scan3A_6 : i32
    %scan3A_8 = arith.constant 1 : i32
    scf.for %scan3A_598 = %scan3A_5 to %scan3A_7 step %scan3A_8  : i32 {
      %swap3A = arith.index_cast %scan3A_598 : i32 to index
      %swap3A_599 = arith.constant 0 : index
      %swap3A_600 = tpu.vector_load %arg15[%swap3A, %swap3A_599] {strides = array<i32>} : memref<80x128xf32, #tpu.memory_space<vmem>>, vector<16xf32>,
      tpu.vector_store %arg15[%swap3A, %swap3A_599], %broadcast_in_dim3A_4 {strides = array<i32>} : memref<80x128xf32, #tpu.memory_space<vmem>>, vector<16xf32>,
      %swap3A_601 = arith.index_cast %scan3A_598 : i32 to index
      %swap3A_602 = arith.constant 16 : index
      %swap3A_603 = tpu.vector_load %arg15[%swap3A_601, %swap3A_602] {strides = array<i32>} : memref<80x128xf32, #tpu.memory_space<vmem>>, vector<16xf32>,
      tpu.vector_store %arg15[%swap3A_601, %swap3A_602], %broadcast_in_dim3A_4 {strides = array<i32>} : memref<80x128xf32, #tpu.memory_space<vmem>>, vector<16xf32>,
      %swap3A_604 = arith.index_cast %scan3A_598 : i32 to index
      %swap3A_605 = arith.constant 32 : index
      %swap3A_606 = tpu.vector_load %arg15[%swap3A_604, %swap3A_605] {strides = array<i32>} : memref<80x128xf32, #tpu.memory_space<vmem>>, vector<16xf32>,
      tpu.vector_store %arg15[%swap3A_604, %swap3A_605], %broadcast_in_dim3A_4 {strides = array<i32>} : memref<80x128xf32, #tpu.memory_space<vmem>>, vector<16xf32>,
      %swap3A_607 = arith.index_cast %scan3A_598 : i32 to index
      %swap3A_608 = arith.constant 48 : index
      %swap3A_609 = tpu.vector_load %arg15[%swap3A_607, %swap3A_608] {strides = array<i32>} : memref<80x128xf32, #tpu.memory_space<vmem>>, vector<16xf32>,
      tpu.vector_store %arg15[%swap3A_607, %swap3A_608], %broadcast_in_dim3A_4 {strides = array<i32>} : memref<80x128xf32, #tpu.memory_space<vmem>>, vector<16xf32>,
      %swap3A_610 = arith.index_cast %scan3A_598 : i32 to index
      %swap3A_611 = arith.constant 64 : index
      %swap3A_612 = tpu.vector_load %arg15[%swap3A_610, %swap3A_611] {strides = array<i32>} : memref<80x128xf32, #tpu.memory_space<vmem>>, vector<16xf32>,
      tpu.vector_store %arg15[%swap3A_610, %swap3A_611], %broadcast_in_dim3A_4 {strides = array<i32>} : memref<80x128xf32, #tpu.memory_space<vmem>>, vector<16xf32>,
      %swap3A_613 = arith.index_cast %scan3A_598 : i32 to index
      %swap3A_614 = arith.constant 80 : index
      %swap3A_615 = tpu.vector_load %arg15[%swap3A_613, %swap3A_614] {strides = array<i32>} : memref<80x128xf32, #tpu.memory_space<vmem>>, vector<16xf32>,
      tpu.vector_store %arg15[%swap3A_613, %swap3A_614], %broadcast_in_dim3A_4 {strides = array<i32>} : memref<80x128xf32, #tpu.memory_space<vmem>>, vector<16xf32>,
      %swap3A_616 = arith.index_cast %scan3A_598 : i32 to index
      %swap3A_617 = arith.constant 96 : index
      %swap3A_618 = tpu.vector_load %arg15[%swap3A_616, %swap3A_617] {strides = array<i32>} : memref<80x128xf32, #tpu.memory_space<vmem>>, vector<16xf32>,
      tpu.vector_store %arg15[%swap3A_616, %swap3A_617], %broadcast_in_dim3A_4 {strides = array<i32>} : memref<80x128xf32, #tpu.memory_space<vmem>>, vector<16xf32>,
      %swap3A_619 = arith.index_cast %scan3A_598 : i32 to index
      %swap3A_620 = arith.constant 112 : index
      %swap3A_621 = tpu.vector_load %arg15[%swap3A_619, %swap3A_620] {strides = array<i32>} : memref<80x128xf32, #tpu.memory_space<vmem>>, vector<16xf32>,
      tpu.vector_store %arg15[%swap3A_619, %swap3A_620], %broadcast_in_dim3A_4 {strides = array<i32>} : memref<80x128xf32, #tpu.memory_space<vmem>>, vector<16xf32>,
    }
    %scan3A_9 = arith.constant 80 : i32
    %mul3A = arith.constant 640 : i32
    %mul3A_10 = arith.muli %arg1, %mul3A : i32
    %add3A = arith.constant 0 : i32
    %add3A_11 = arith.addi %mul3A_10, %add3A : i32
    %min3A = arith.constant 9936 : i32
    %min3A_12 = arith.minsi %add3A_11, %min3A : i32
    %dma_start3A = arith.constant 0 : i32
    %dma_start3A_13 = tpu.memref_slice %arg8[%min3A_12, %dma_start3A] : memref<10016x128xf32, #tpu.memory_space<vmem_shared>> -> memref<80x128xf32, #tpu.memory_space<vmem_shared>>
    %dma_start3A_14 = arith.constant 0 : i32
    %dma_start3A_15 = tpu.memref_slice %arg8[%min3A_12, %dma_start3A_14] : memref<10016x128xf32, #tpu.memory_space<vmem_shared>> -> memref<80x128xf32, #tpu.memory_space<vmem_shared>>
    tpu.enqueue_dma source(%arg15 : memref<80x128xf32, #tpu.memory_space<vmem>>) target(%dma_start3A_15 : memref<80x128xf32, #tpu.memory_space<vmem_shared>>) target_semaphore(%arg18 : memref<!tpu.dma_semaphore, #tpu.memory_space<semaphore_mem>>)
    %mul3A_16 = arith.constant 640 : i32
    %mul3A_17 = arith.muli %arg1, %mul3A_16 : i32
    %add3A_18 = arith.constant 80 : i32
    %add3A_19 = arith.addi %mul3A_17, %add3A_18 : i32
    %min3A_20 = arith.constant 9936 : i32
    %min3A_21 = arith.minsi %add3A_19, %min3A_20 : i32
    %dma_start3A_22 = arith.constant 0 : i32
    %dma_start3A_23 = tpu.memref_slice %arg8[%min3A_21, %dma_start3A_22] : memref<10016x128xf32, #tpu.memory_space<vmem_shared>> -> memref<80x128xf32, #tpu.memory_space<vmem_shared>>
    %dma_start3A_24 = arith.constant 0 : i32
    %dma_start3A_25 = tpu.memref_slice %arg8[%min3A_21, %dma_start3A_24] : memref<10016x128xf32, #tpu.memory_space<vmem_shared>> -> memref<80x128xf32, #tpu.memory_space<vmem_shared>>
    tpu.enqueue_dma source(%arg15 : memref<80x128xf32, #tpu.memory_space<vmem>>) target(%dma_start3A_25 : memref<80x128xf32, #tpu.memory_space<vmem_shared>>) target_semaphore(%arg18 : memref<!tpu.dma_semaphore, #tpu.memory_space<semaphore_mem>>)
    %mul3A_26 = arith.constant 640 : i32
    %mul3A_27 = arith.muli %arg1, %mul3A_26 : i32
    %add3A_28 = arith.constant 160 : i32
    %add3A_29 = arith.addi %mul3A_27, %add3A_28 : i32
    %min3A_30 = arith.constant 9936 : i32
    %min3A_31 = arith.minsi %add3A_29, %min3A_30 : i32
    %dma_start3A_32 = arith.constant 0 : i32
    %dma_start3A_33 = tpu.memref_slice %arg8[%min3A_31, %dma_start3A_32] : memref<10016x128xf32, #tpu.memory_space<vmem_shared>> -> memref<80x128xf32, #tpu.memory_space<vmem_shared>>
    %dma_start3A_34 = arith.constant 0 : i32
    %dma_start3A_35 = tpu.memref_slice %arg8[%min3A_31, %dma_start3A_34] : memref<10016x128xf32, #tpu.memory_space<vmem_shared>> -> memref<80x128xf32, #tpu.memory_space<vmem_shared>>
    tpu.enqueue_dma source(%arg15 : memref<80x128xf32, #tpu.memory_space<vmem>>) target(%dma_start3A_35 : memref<80x128xf32, #tpu.memory_space<vmem_shared>>) target_semaphore(%arg18 : memref<!tpu.dma_semaphore, #tpu.memory_space<semaphore_mem>>)
    %mul3A_36 = arith.constant 640 : i32
    %mul3A_37 = arith.muli %arg1, %mul3A_36 : i32
    %add3A_38 = arith.constant 240 : i32
    %add3A_39 = arith.addi %mul3A_37, %add3A_38 : i32
    %min3A_40 = arith.constant 9936 : i32
    %min3A_41 = arith.minsi %add3A_39, %min3A_40 : i32
    %dma_start3A_42 = arith.constant 0 : i32
    %dma_start3A_43 = tpu.memref_slice %arg8[%min3A_41, %dma_start3A_42] : memref<10016x128xf32, #tpu.memory_space<vmem_shared>> -> memref<80x128xf32, #tpu.memory_space<vmem_shared>>
    %dma_start3A_44 = arith.constant 0 : i32
    %dma_start3A_45 = tpu.memref_slice %arg8[%min3A_41, %dma_start3A_44] : memref<10016x128xf32, #tpu.memory_space<vmem_shared>> -> memref<80x128xf32, #tpu.memory_space<vmem_shared>>
    tpu.enqueue_dma source(%arg15 : memref<80x128xf32, #tpu.memory_space<vmem>>) target(%dma_start3A_45 : memref<80x128xf32, #tpu.memory_space<vmem_shared>>) target_semaphore(%arg18 : memref<!tpu.dma_semaphore, #tpu.memory_space<semaphore_mem>>)
    %mul3A_46 = arith.constant 640 : i32
    %mul3A_47 = arith.muli %arg1, %mul3A_46 : i32
    %add3A_48 = arith.constant 320 : i32
    %add3A_49 = arith.addi %mul3A_47, %add3A_48 : i32
    %min3A_50 = arith.constant 9936 : i32
    %min3A_51 = arith.minsi %add3A_49, %min3A_50 : i32
    %dma_start3A_52 = arith.constant 0 : i32
    %dma_start3A_53 = tpu.memref_slice %arg8[%min3A_51, %dma_start3A_52] : memref<10016x128xf32, #tpu.memory_space<vmem_shared>> -> memref<80x128xf32, #tpu.memory_space<vmem_shared>>
    %dma_start3A_54 = arith.constant 0 : i32
    %dma_start3A_55 = tpu.memref_slice %arg8[%min3A_51, %dma_start3A_54] : memref<10016x128xf32, #tpu.memory_space<vmem_shared>> -> memref<80x128xf32, #tpu.memory_space<vmem_shared>>
    tpu.enqueue_dma source(%arg15 : memref<80x128xf32, #tpu.memory_space<vmem>>) target(%dma_start3A_55 : memref<80x128xf32, #tpu.memory_space<vmem_shared>>) target_semaphore(%arg18 : memref<!tpu.dma_semaphore, #tpu.memory_space<semaphore_mem>>)
    %mul3A_56 = arith.constant 640 : i32
    %mul3A_57 = arith.muli %arg1, %mul3A_56 : i32
    %add3A_58 = arith.constant 400 : i32
    %add3A_59 = arith.addi %mul3A_57, %add3A_58 : i32
    %min3A_60 = arith.constant 9936 : i32
    %min3A_61 = arith.minsi %add3A_59, %min3A_60 : i32
    %dma_start3A_62 = arith.constant 0 : i32
    %dma_start3A_63 = tpu.memref_slice %arg8[%min3A_61, %dma_start3A_62] : memref<10016x128xf32, #tpu.memory_space<vmem_shared>> -> memref<80x128xf32, #tpu.memory_space<vmem_shared>>
    %dma_start3A_64 = arith.constant 0 : i32
    %dma_start3A_65 = tpu.memref_slice %arg8[%min3A_61, %dma_start3A_64] : memref<10016x128xf32, #tpu.memory_space<vmem_shared>> -> memref<80x128xf32, #tpu.memory_space<vmem_shared>>
    tpu.enqueue_dma source(%arg15 : memref<80x128xf32, #tpu.memory_space<vmem>>) target(%dma_start3A_65 : memref<80x128xf32, #tpu.memory_space<vmem_shared>>) target_semaphore(%arg18 : memref<!tpu.dma_semaphore, #tpu.memory_space<semaphore_mem>>)
    %mul3A_66 = arith.constant 640 : i32
    %mul3A_67 = arith.muli %arg1, %mul3A_66 : i32
    %add3A_68 = arith.constant 480 : i32
    %add3A_69 = arith.addi %mul3A_67, %add3A_68 : i32
    %min3A_70 = arith.constant 9936 : i32
    %min3A_71 = arith.minsi %add3A_69, %min3A_70 : i32
    %dma_start3A_72 = arith.constant 0 : i32
    %dma_start3A_73 = tpu.memref_slice %arg8[%min3A_71, %dma_start3A_72] : memref<10016x128xf32, #tpu.memory_space<vmem_shared>> -> memref<80x128xf32, #tpu.memory_space<vmem_shared>>
    %dma_start3A_74 = arith.constant 0 : i32
    %dma_start3A_75 = tpu.memref_slice %arg8[%min3A_71, %dma_start3A_74] : memref<10016x128xf32, #tpu.memory_space<vmem_shared>> -> memref<80x128xf32, #tpu.memory_space<vmem_shared>>
    tpu.enqueue_dma source(%arg15 : memref<80x128xf32, #tpu.memory_space<vmem>>) target(%dma_start3A_75 : memref<80x128xf32, #tpu.memory_space<vmem_shared>>) target_semaphore(%arg18 : memref<!tpu.dma_semaphore, #tpu.memory_space<semaphore_mem>>)
    %mul3A_76 = arith.constant 640 : i32
    %mul3A_77 = arith.muli %arg1, %mul3A_76 : i32
    %add3A_78 = arith.constant 560 : i32
    %add3A_79 = arith.addi %mul3A_77, %add3A_78 : i32
    %min3A_80 = arith.constant 9936 : i32
    %min3A_81 = arith.minsi %add3A_79, %min3A_80 : i32
    %dma_start3A_82 = arith.constant 0 : i32
    %dma_start3A_83 = tpu.memref_slice %arg8[%min3A_81, %dma_start3A_82] : memref<10016x128xf32, #tpu.memory_space<vmem_shared>> -> memref<80x128xf32, #tpu.memory_space<vmem_shared>>
    %dma_start3A_84 = arith.constant 0 : i32
    %dma_start3A_85 = tpu.memref_slice %arg8[%min3A_81, %dma_start3A_84] : memref<10016x128xf32, #tpu.memory_space<vmem_shared>> -> memref<80x128xf32, #tpu.memory_space<vmem_shared>>
    tpu.enqueue_dma source(%arg15 : memref<80x128xf32, #tpu.memory_space<vmem>>) target(%dma_start3A_85 : memref<80x128xf32, #tpu.memory_space<vmem_shared>>) target_semaphore(%arg18 : memref<!tpu.dma_semaphore, #tpu.memory_space<semaphore_mem>>)
    %dma_wait3A = arith.constant 0 : i32
    %dma_wait3A_86 = tpu.memref_slice %arg8[%min3A_12, %dma_wait3A] : memref<10016x128xf32, #tpu.memory_space<vmem_shared>> -> memref<80x128xf32, #tpu.memory_space<vmem_shared>>
    %dma_wait3A_87 = arith.constant 0 : i32
    %dma_wait3A_88 = tpu.memref_slice %arg8[%min3A_12, %dma_wait3A_87] : memref<10016x128xf32, #tpu.memory_space<vmem_shared>> -> memref<80x128xf32, #tpu.memory_space<vmem_shared>>
    tpu.wait_dma2 semaphore(%arg18 : memref<!tpu.dma_semaphore, #tpu.memory_space<semaphore_mem>>) src(%arg15 : memref<80x128xf32, #tpu.memory_space<vmem>>) dst(%dma_wait3A_88 : memref<80x128xf32, #tpu.memory_space<vmem_shared>>)
    %dma_wait3A_89 = arith.constant 0 : i32
    %dma_wait3A_90 = tpu.memref_slice %arg8[%min3A_21, %dma_wait3A_89] : memref<10016x128xf32, #tpu.memory_space<vmem_shared>> -> memref<80x128xf32, #tpu.memory_space<vmem_shared>>
    %dma_wait3A_91 = arith.constant 0 : i32
    %dma_wait3A_92 = tpu.memref_slice %arg8[%min3A_21, %dma_wait3A_91] : memref<10016x128xf32, #tpu.memory_space<vmem_shared>> -> memref<80x128xf32, #tpu.memory_space<vmem_shared>>
    tpu.wait_dma2 semaphore(%arg18 : memref<!tpu.dma_semaphore, #tpu.memory_space<semaphore_mem>>) src(%arg15 : memref<80x128xf32, #tpu.memory_space<vmem>>) dst(%dma_wait3A_92 : memref<80x128xf32, #tpu.memory_space<vmem_shared>>)
    %dma_wait3A_93 = arith.constant 0 : i32
    %dma_wait3A_94 = tpu.memref_slice %arg8[%min3A_31, %dma_wait3A_93] : memref<10016x128xf32, #tpu.memory_space<vmem_shared>> -> memref<80x128xf32, #tpu.memory_space<vmem_shared>>
    %dma_wait3A_95 = arith.constant 0 : i32
    %dma_wait3A_96 = tpu.memref_slice %arg8[%min3A_31, %dma_wait3A_95] : memref<10016x128xf32, #tpu.memory_space<vmem_shared>> -> memref<80x128xf32, #tpu.memory_space<vmem_shared>>
    tpu.wait_dma2 semaphore(%arg18 : memref<!tpu.dma_semaphore, #tpu.memory_space<semaphore_mem>>) src(%arg15 : memref<80x128xf32, #tpu.memory_space<vmem>>) dst(%dma_wait3A_96 : memref<80x128xf32, #tpu.memory_space<vmem_shared>>)
    %dma_wait3A_97 = arith.constant 0 : i32
    %dma_wait3A_98 = tpu.memref_slice %arg8[%min3A_41, %dma_wait3A_97] : memref<10016x128xf32, #tpu.memory_space<vmem_shared>> -> memref<80x128xf32, #tpu.memory_space<vmem_shared>>
    %dma_wait3A_99 = arith.constant 0 : i32
    %dma_wait3A_100 = tpu.memref_slice %arg8[%min3A_41, %dma_wait3A_99] : memref<10016x128xf32, #tpu.memory_space<vmem_shared>> -> memref<80x128xf32, #tpu.memory_space<vmem_shared>>
    tpu.wait_dma2 semaphore(%arg18 : memref<!tpu.dma_semaphore, #tpu.memory_space<semaphore_mem>>) src(%arg15 : memref<80x128xf32, #tpu.memory_space<vmem>>) dst(%dma_wait3A_100 : memref<80x128xf32, #tpu.memory_space<vmem_shared>>)
    %dma_wait3A_101 = arith.constant 0 : i32
    %dma_wait3A_102 = tpu.memref_slice %arg8[%min3A_51, %dma_wait3A_101] : memref<10016x128xf32, #tpu.memory_space<vmem_shared>> -> memref<80x128xf32, #tpu.memory_space<vmem_shared>>
    %dma_wait3A_103 = arith.constant 0 : i32
    %dma_wait3A_104 = tpu.memref_slice %arg8[%min3A_51, %dma_wait3A_103] : memref<10016x128xf32, #tpu.memory_space<vmem_shared>> -> memref<80x128xf32, #tpu.memory_space<vmem_shared>>
    tpu.wait_dma2 semaphore(%arg18 : memref<!tpu.dma_semaphore, #tpu.memory_space<semaphore_mem>>) src(%arg15 : memref<80x128xf32, #tpu.memory_space<vmem>>) dst(%dma_wait3A_104 : memref<80x128xf32, #tpu.memory_space<vmem_shared>>)
    %dma_wait3A_105 = arith.constant 0 : i32
    %dma_wait3A_106 = tpu.memref_slice %arg8[%min3A_61, %dma_wait3A_105] : memref<10016x128xf32, #tpu.memory_space<vmem_shared>> -> memref<80x128xf32, #tpu.memory_space<vmem_shared>>
    %dma_wait3A_107 = arith.constant 0 : i32
    %dma_wait3A_108 = tpu.memref_slice %arg8[%min3A_61, %dma_wait3A_107] : memref<10016x128xf32, #tpu.memory_space<vmem_shared>> -> memref<80x128xf32, #tpu.memory_space<vmem_shared>>
    tpu.wait_dma2 semaphore(%arg18 : memref<!tpu.dma_semaphore, #tpu.memory_space<semaphore_mem>>) src(%arg15 : memref<80x128xf32, #tpu.memory_space<vmem>>) dst(%dma_wait3A_108 : memref<80x128xf32, #tpu.memory_space<vmem_shared>>)
    %dma_wait3A_109 = arith.constant 0 : i32
    %dma_wait3A_110 = tpu.memref_slice %arg8[%min3A_71, %dma_wait3A_109] : memref<10016x128xf32, #tpu.memory_space<vmem_shared>> -> memref<80x128xf32, #tpu.memory_space<vmem_shared>>
    %dma_wait3A_111 = arith.constant 0 : i32
    %dma_wait3A_112 = tpu.memref_slice %arg8[%min3A_71, %dma_wait3A_111] : memref<10016x128xf32, #tpu.memory_space<vmem_shared>> -> memref<80x128xf32, #tpu.memory_space<vmem_shared>>
    tpu.wait_dma2 semaphore(%arg18 : memref<!tpu.dma_semaphore, #tpu.memory_space<semaphore_mem>>) src(%arg15 : memref<80x128xf32, #tpu.memory_space<vmem>>) dst(%dma_wait3A_112 : memref<80x128xf32, #tpu.memory_space<vmem_shared>>)
    %dma_wait3A_113 = arith.constant 0 : i32
    %dma_wait3A_114 = tpu.memref_slice %arg8[%min3A_81, %dma_wait3A_113] : memref<10016x128xf32, #tpu.memory_space<vmem_shared>> -> memref<80x128xf32, #tpu.memory_space<vmem_shared>>
    %dma_wait3A_115 = arith.constant 0 : i32
    %dma_wait3A_116 = tpu.memref_slice %arg8[%min3A_81, %dma_wait3A_115] : memref<10016x128xf32, #tpu.memory_space<vmem_shared>> -> memref<80x128xf32, #tpu.memory_space<vmem_shared>>
    tpu.wait_dma2 semaphore(%arg18 : memref<!tpu.dma_semaphore, #tpu.memory_space<semaphore_mem>>) src(%arg15 : memref<80x128xf32, #tpu.memory_space<vmem>>) dst(%dma_wait3A_116 : memref<80x128xf32, #tpu.memory_space<vmem_shared>>)
    %scan3A_117 = arith.constant 0 : i32
    %scan3A_118 = arith.constant 0 : i32
    %scan3A_119 = arith.constant 640 : i32
    %scan3A_120 = arith.addi %scan3A_118, %scan3A_119 : i32
    %scan3A_121 = arith.constant 1 : i32
    scf.for %scan3A_598 = %scan3A_118 to %scan3A_120 step %scan3A_121  : i32 {
      %mul3A_599 = arith.constant 16 : i32
      %mul3A_600 = arith.muli %scan3A_598, %mul3A_599 : i32
      %swap3A = arith.index_cast %mul3A_600 : i32 to index
      %swap3A_601 = tpu.vector_load %arg27[%swap3A] {strides = array<i32>} : memref<10240xf32, #tpu.memory_space<vmem>>, vector<16xf32>,
      tpu.vector_store %arg27[%swap3A], %broadcast_in_dim3A_0 {strides = array<i32>} : memref<10240xf32, #tpu.memory_space<vmem>>, vector<16xf32>,
    }
    %scan3A_122 = arith.constant 640 : i32
    %barrier3A = arith.constant 0 : index
    tpu.barrier barrier_id(%barrier3A)
    %mul3A_123 = arith.constant 322560 : i32
    %mul3A_124 = arith.muli %arg0, %mul3A_123 : i32
    %mul3A_125 = arith.constant 20160 : i32
    %mul3A_126 = arith.muli %arg1, %mul3A_125 : i32
    %add3A_127 = arith.addi %mul3A_124, %mul3A_126 : i32
    %add3A_128 = arith.constant 0 : i32
    %add3A_129 = arith.addi %add3A_127, %add3A_128 : i32
    %add3A_130 = arith.constant 0 : i32
    %add3A_131 = arith.addi %add3A_129, %add3A_130 : i32
    %dma_start3A_132 = tpu.memref_slice %arg3[%add3A_131] : memref<645120xi32, #tpu.memory_space<hbm>> -> memref<80xi32, #tpu.memory_space<hbm>>
    %dma_start3A_133 = tpu.memref_slice %arg3[%add3A_131] : memref<645120xi32, #tpu.memory_space<hbm>> -> memref<80xi32, #tpu.memory_space<hbm>>
    tpu.enqueue_dma source(%dma_start3A_133 : memref<80xi32, #tpu.memory_space<hbm>>) target(%arg9 : memref<80xi32, #tpu.memory_space<vmem>>) target_semaphore(%arg24 : memref<!tpu.dma_semaphore, #tpu.memory_space<semaphore_mem>>)
    %add3A_134 = arith.constant 0 : i32
    %add3A_135 = arith.addi %add3A_129, %add3A_134 : i32
    %dma_start3A_136 = tpu.memref_slice %arg4[%add3A_135] : memref<645120xi32, #tpu.memory_space<hbm>> -> memref<80xi32, #tpu.memory_space<hbm>>
    %dma_start3A_137 = tpu.memref_slice %arg4[%add3A_135] : memref<645120xi32, #tpu.memory_space<hbm>> -> memref<80xi32, #tpu.memory_space<hbm>>
    tpu.enqueue_dma source(%dma_start3A_137 : memref<80xi32, #tpu.memory_space<hbm>>) target(%arg12 : memref<80xi32, #tpu.memory_space<vmem>>) target_semaphore(%arg24 : memref<!tpu.dma_semaphore, #tpu.memory_space<semaphore_mem>>)
    %add3A_138 = arith.constant 80 : i32
    %add3A_139 = arith.addi %add3A_129, %add3A_138 : i32
    %dma_start3A_140 = tpu.memref_slice %arg3[%add3A_139] : memref<645120xi32, #tpu.memory_space<hbm>> -> memref<80xi32, #tpu.memory_space<hbm>>
    %dma_start3A_141 = tpu.memref_slice %arg3[%add3A_139] : memref<645120xi32, #tpu.memory_space<hbm>> -> memref<80xi32, #tpu.memory_space<hbm>>
    tpu.enqueue_dma source(%dma_start3A_141 : memref<80xi32, #tpu.memory_space<hbm>>) target(%arg10 : memref<80xi32, #tpu.memory_space<vmem>>) target_semaphore(%arg25 : memref<!tpu.dma_semaphore, #tpu.memory_space<semaphore_mem>>)
    %add3A_142 = arith.constant 80 : i32
    %add3A_143 = arith.addi %add3A_129, %add3A_142 : i32
    %dma_start3A_144 = tpu.memref_slice %arg4[%add3A_143] : memref<645120xi32, #tpu.memory_space<hbm>> -> memref<80xi32, #tpu.memory_space<hbm>>
    %dma_start3A_145 = tpu.memref_slice %arg4[%add3A_143] : memref<645120xi32, #tpu.memory_space<hbm>> -> memref<80xi32, #tpu.memory_space<hbm>>
    tpu.enqueue_dma source(%dma_start3A_145 : memref<80xi32, #tpu.memory_space<hbm>>) target(%arg13 : memref<80xi32, #tpu.memory_space<vmem>>) target_semaphore(%arg25 : memref<!tpu.dma_semaphore, #tpu.memory_space<semaphore_mem>>)
    %add3A_146 = arith.constant 160 : i32
    %add3A_147 = arith.addi %add3A_129, %add3A_146 : i32
    %dma_start3A_148 = tpu.memref_slice %arg3[%add3A_147] : memref<645120xi32, #tpu.memory_space<hbm>> -> memref<80xi32, #tpu.memory_space<hbm>>
    %dma_start3A_149 = tpu.memref_slice %arg3[%add3A_147] : memref<645120xi32, #tpu.memory_space<hbm>> -> memref<80xi32, #tpu.memory_space<hbm>>
    tpu.enqueue_dma source(%dma_start3A_149 : memref<80xi32, #tpu.memory_space<hbm>>) target(%arg11 : memref<80xi32, #tpu.memory_space<vmem>>) target_semaphore(%arg26 : memref<!tpu.dma_semaphore, #tpu.memory_space<semaphore_mem>>)
    %add3A_150 = arith.constant 160 : i32
    %add3A_151 = arith.addi %add3A_129, %add3A_150 : i32
    %dma_start3A_152 = tpu.memref_slice %arg4[%add3A_151] : memref<645120xi32, #tpu.memory_space<hbm>> -> memref<80xi32, #tpu.memory_space<hbm>>
    %dma_start3A_153 = tpu.memref_slice %arg4[%add3A_151] : memref<645120xi32, #tpu.memory_space<hbm>> -> memref<80xi32, #tpu.memory_space<hbm>>
    tpu.enqueue_dma source(%dma_start3A_153 : memref<80xi32, #tpu.memory_space<hbm>>) target(%arg14 : memref<80xi32, #tpu.memory_space<vmem>>) target_semaphore(%arg26 : memref<!tpu.dma_semaphore, #tpu.memory_space<semaphore_mem>>)
    %dma_wait3A_154 = tpu.memref_slice %arg3[%add3A_131] : memref<645120xi32, #tpu.memory_space<hbm>> -> memref<80xi32, #tpu.memory_space<hbm>>
    %dma_wait3A_155 = tpu.memref_slice %arg3[%add3A_131] : memref<645120xi32, #tpu.memory_space<hbm>> -> memref<80xi32, #tpu.memory_space<hbm>>
    tpu.wait_dma2 semaphore(%arg24 : memref<!tpu.dma_semaphore, #tpu.memory_space<semaphore_mem>>) src(%dma_wait3A_155 : memref<80xi32, #tpu.memory_space<hbm>>) dst(%arg9 : memref<80xi32, #tpu.memory_space<vmem>>)
    %dma_wait3A_156 = tpu.memref_slice %arg4[%add3A_135] : memref<645120xi32, #tpu.memory_space<hbm>> -> memref<80xi32, #tpu.memory_space<hbm>>
    %dma_wait3A_157 = tpu.memref_slice %arg4[%add3A_135] : memref<645120xi32, #tpu.memory_space<hbm>> -> memref<80xi32, #tpu.memory_space<hbm>>
    tpu.wait_dma2 semaphore(%arg24 : memref<!tpu.dma_semaphore, #tpu.memory_space<semaphore_mem>>) src(%dma_wait3A_157 : memref<80xi32, #tpu.memory_space<hbm>>) dst(%arg12 : memref<80xi32, #tpu.memory_space<vmem>>)
    %dma_start3A_158 = arith.constant 0 : i32
    %dma_start3A_159 = arith.constant 0 : i32
    %dma_start3A_160 = tpu.memref_slice %arg2[%dma_start3A_158, %dma_start3A_159] : memref<20032x128xf32, #tpu.memory_space<hbm>> -> memref<20032x128xf32, #tpu.memory_space<hbm>>
    tpu.enqueue_indirect_dma source(%dma_start3A_160 : memref<20032x128xf32, #tpu.memory_space<hbm>>) target(%arg15 : memref<80x128xf32, #tpu.memory_space<vmem>>) offsets(%arg9 : memref<80xi32, #tpu.memory_space<vmem>>) semaphore(%arg18 : memref<!tpu.dma_semaphore, #tpu.memory_space<semaphore_mem>>)
    %dma_wait3A_161 = tpu.memref_slice %arg3[%add3A_139] : memref<645120xi32, #tpu.memory_space<hbm>> -> memref<80xi32, #tpu.memory_space<hbm>>
    %dma_wait3A_162 = tpu.memref_slice %arg3[%add3A_139] : memref<645120xi32, #tpu.memory_space<hbm>> -> memref<80xi32, #tpu.memory_space<hbm>>
    tpu.wait_dma2 semaphore(%arg25 : memref<!tpu.dma_semaphore, #tpu.memory_space<semaphore_mem>>) src(%dma_wait3A_162 : memref<80xi32, #tpu.memory_space<hbm>>) dst(%arg10 : memref<80xi32, #tpu.memory_space<vmem>>)
    %dma_wait3A_163 = tpu.memref_slice %arg4[%add3A_143] : memref<645120xi32, #tpu.memory_space<hbm>> -> memref<80xi32, #tpu.memory_space<hbm>>
    %dma_wait3A_164 = tpu.memref_slice %arg4[%add3A_143] : memref<645120xi32, #tpu.memory_space<hbm>> -> memref<80xi32, #tpu.memory_space<hbm>>
    tpu.wait_dma2 semaphore(%arg25 : memref<!tpu.dma_semaphore, #tpu.memory_space<semaphore_mem>>) src(%dma_wait3A_164 : memref<80xi32, #tpu.memory_space<hbm>>) dst(%arg13 : memref<80xi32, #tpu.memory_space<vmem>>)
    %dma_start3A_165 = arith.constant 0 : i32
    %dma_start3A_166 = arith.constant 0 : i32
    %dma_start3A_167 = tpu.memref_slice %arg2[%dma_start3A_165, %dma_start3A_166] : memref<20032x128xf32, #tpu.memory_space<hbm>> -> memref<20032x128xf32, #tpu.memory_space<hbm>>
    tpu.enqueue_indirect_dma source(%dma_start3A_167 : memref<20032x128xf32, #tpu.memory_space<hbm>>) target(%arg16 : memref<80x128xf32, #tpu.memory_space<vmem>>) offsets(%arg10 : memref<80xi32, #tpu.memory_space<vmem>>) semaphore(%arg19 : memref<!tpu.dma_semaphore, #tpu.memory_space<semaphore_mem>>)
    %dma_wait3A_168 = tpu.memref_slice %arg3[%add3A_147] : memref<645120xi32, #tpu.memory_space<hbm>> -> memref<80xi32, #tpu.memory_space<hbm>>
    %dma_wait3A_169 = tpu.memref_slice %arg3[%add3A_147] : memref<645120xi32, #tpu.memory_space<hbm>> -> memref<80xi32, #tpu.memory_space<hbm>>
    tpu.wait_dma2 semaphore(%arg26 : memref<!tpu.dma_semaphore, #tpu.memory_space<semaphore_mem>>) src(%dma_wait3A_169 : memref<80xi32, #tpu.memory_space<hbm>>) dst(%arg11 : memref<80xi32, #tpu.memory_space<vmem>>)
    %dma_wait3A_170 = tpu.memref_slice %arg4[%add3A_151] : memref<645120xi32, #tpu.memory_space<hbm>> -> memref<80xi32, #tpu.memory_space<hbm>>
    %dma_wait3A_171 = tpu.memref_slice %arg4[%add3A_151] : memref<645120xi32, #tpu.memory_space<hbm>> -> memref<80xi32, #tpu.memory_space<hbm>>
    tpu.wait_dma2 semaphore(%arg26 : memref<!tpu.dma_semaphore, #tpu.memory_space<semaphore_mem>>) src(%dma_wait3A_171 : memref<80xi32, #tpu.memory_space<hbm>>) dst(%arg14 : memref<80xi32, #tpu.memory_space<vmem>>)
    %dma_start3A_172 = arith.constant 0 : i32
    %dma_start3A_173 = arith.constant 0 : i32
    %dma_start3A_174 = tpu.memref_slice %arg2[%dma_start3A_172, %dma_start3A_173] : memref<20032x128xf32, #tpu.memory_space<hbm>> -> memref<20032x128xf32, #tpu.memory_space<hbm>>
    tpu.enqueue_indirect_dma source(%dma_start3A_174 : memref<20032x128xf32, #tpu.memory_space<hbm>>) target(%arg17 : memref<80x128xf32, #tpu.memory_space<vmem>>) offsets(%arg11 : memref<80xi32, #tpu.memory_space<vmem>>) semaphore(%arg20 : memref<!tpu.dma_semaphore, #tpu.memory_space<semaphore_mem>>)
    %dma_wait3A_175 = arith.constant 0 : i32
    %dma_wait3A_176 = arith.constant 0 : i32
    %dma_wait3A_177 = tpu.memref_slice %arg2[%dma_wait3A_175, %dma_wait3A_176] : memref<20032x128xf32, #tpu.memory_space<hbm>> -> memref<20032x128xf32, #tpu.memory_space<hbm>>
    tpu.wait_indirect_dma semaphore(%arg18 : memref<!tpu.dma_semaphore, #tpu.memory_space<semaphore_mem>>) src(%dma_wait3A_177 : memref<20032x128xf32, #tpu.memory_space<hbm>>) dst(%arg15 : memref<80x128xf32, #tpu.memory_space<vmem>>)
    %dma_start3A_178 = arith.constant 0 : i32
    %dma_start3A_179 = arith.constant 0 : i32
    %dma_start3A_180 = tpu.memref_slice %arg8[%dma_start3A_178, %dma_start3A_179] : memref<10016x128xf32, #tpu.memory_space<vmem_shared>> -> memref<10016x128xf32, #tpu.memory_space<vmem_shared>>
    tpu.enqueue_indirect_dma source(%arg15 : memref<80x128xf32, #tpu.memory_space<vmem>>) target(%dma_start3A_180 : memref<10016x128xf32, #tpu.memory_space<vmem_shared>>) offsets(%arg12 : memref<80xi32, #tpu.memory_space<vmem>>) semaphore(%arg21 : memref<!tpu.dma_semaphore, #tpu.memory_space<semaphore_mem>>) {add = true}
    %get3A = arith.constant 0 : index
    %get3A_181 = tpu.vector_load %arg12[%get3A] {strides = array<i32>} : memref<80xi32, #tpu.memory_space<vmem>>, vector<16xi32>,
    tpu.vector_store_idx %arg27[%get3A_181], %broadcast_in_dim3A_2 {add = true} : memref<10240xf32, #tpu.memory_space<vmem>>[vector<16xi32>], vector<16xf32>,
    %get3A_182 = arith.constant 16 : index
    %get3A_183 = tpu.vector_load %arg12[%get3A_182] {strides = array<i32>} : memref<80xi32, #tpu.memory_space<vmem>>, vector<16xi32>,
    tpu.vector_store_idx %arg27[%get3A_183], %broadcast_in_dim3A_2 {add = true} : memref<10240xf32, #tpu.memory_space<vmem>>[vector<16xi32>], vector<16xf32>,
    %get3A_184 = arith.constant 32 : index
    %get3A_185 = tpu.vector_load %arg12[%get3A_184] {strides = array<i32>} : memref<80xi32, #tpu.memory_space<vmem>>, vector<16xi32>,
    tpu.vector_store_idx %arg27[%get3A_185], %broadcast_in_dim3A_2 {add = true} : memref<10240xf32, #tpu.memory_space<vmem>>[vector<16xi32>], vector<16xf32>,
    %get3A_186 = arith.constant 48 : index
    %get3A_187 = tpu.vector_load %arg12[%get3A_186] {strides = array<i32>} : memref<80xi32, #tpu.memory_space<vmem>>, vector<16xi32>,
    tpu.vector_store_idx %arg27[%get3A_187], %broadcast_in_dim3A_2 {add = true} : memref<10240xf32, #tpu.memory_space<vmem>>[vector<16xi32>], vector<16xf32>,
    %get3A_188 = arith.constant 64 : index
    %get3A_189 = tpu.vector_load %arg12[%get3A_188] {strides = array<i32>} : memref<80xi32, #tpu.memory_space<vmem>>, vector<16xi32>,
    tpu.vector_store_idx %arg27[%get3A_189], %broadcast_in_dim3A_2 {add = true} : memref<10240xf32, #tpu.memory_space<vmem>>[vector<16xi32>], vector<16xf32>,
    %dma_wait3A_190 = arith.constant 0 : i32
    %dma_wait3A_191 = arith.constant 0 : i32
    %dma_wait3A_192 = tpu.memref_slice %arg2[%dma_wait3A_190, %dma_wait3A_191] : memref<20032x128xf32, #tpu.memory_space<hbm>> -> memref<20032x128xf32, #tpu.memory_space<hbm>>
    tpu.wait_indirect_dma semaphore(%arg19 : memref<!tpu.dma_semaphore, #tpu.memory_space<semaphore_mem>>) src(%dma_wait3A_192 : memref<20032x128xf32, #tpu.memory_space<hbm>>) dst(%arg16 : memref<80x128xf32, #tpu.memory_space<vmem>>)
    %dma_start3A_193 = arith.constant 0 : i32
    %dma_start3A_194 = arith.constant 0 : i32
    %dma_start3A_195 = tpu.memref_slice %arg8[%dma_start3A_193, %dma_start3A_194] : memref<10016x128xf32, #tpu.memory_space<vmem_shared>> -> memref<10016x128xf32, #tpu.memory_space<vmem_shared>>
    tpu.enqueue_indirect_dma source(%arg16 : memref<80x128xf32, #tpu.memory_space<vmem>>) target(%dma_start3A_195 : memref<10016x128xf32, #tpu.memory_space<vmem_shared>>) offsets(%arg13 : memref<80xi32, #tpu.memory_space<vmem>>) semaphore(%arg22 : memref<!tpu.dma_semaphore, #tpu.memory_space<semaphore_mem>>) {add = true}
    %get3A_196 = arith.constant 0 : index
    %get3A_197 = tpu.vector_load %arg13[%get3A_196] {strides = array<i32>} : memref<80xi32, #tpu.memory_space<vmem>>, vector<16xi32>,
    tpu.vector_store_idx %arg27[%get3A_197], %broadcast_in_dim3A_2 {add = true} : memref<10240xf32, #tpu.memory_space<vmem>>[vector<16xi32>], vector<16xf32>,
    %get3A_198 = arith.constant 16 : index
    %get3A_199 = tpu.vector_load %arg13[%get3A_198] {strides = array<i32>} : memref<80xi32, #tpu.memory_space<vmem>>, vector<16xi32>,
    tpu.vector_store_idx %arg27[%get3A_199], %broadcast_in_dim3A_2 {add = true} : memref<10240xf32, #tpu.memory_space<vmem>>[vector<16xi32>], vector<16xf32>,
    %get3A_200 = arith.constant 32 : index
    %get3A_201 = tpu.vector_load %arg13[%get3A_200] {strides = array<i32>} : memref<80xi32, #tpu.memory_space<vmem>>, vector<16xi32>,
    tpu.vector_store_idx %arg27[%get3A_201], %broadcast_in_dim3A_2 {add = true} : memref<10240xf32, #tpu.memory_space<vmem>>[vector<16xi32>], vector<16xf32>,
    %get3A_202 = arith.constant 48 : index
    %get3A_203 = tpu.vector_load %arg13[%get3A_202] {strides = array<i32>} : memref<80xi32, #tpu.memory_space<vmem>>, vector<16xi32>,
    tpu.vector_store_idx %arg27[%get3A_203], %broadcast_in_dim3A_2 {add = true} : memref<10240xf32, #tpu.memory_space<vmem>>[vector<16xi32>], vector<16xf32>,
    %get3A_204 = arith.constant 64 : index
    %get3A_205 = tpu.vector_load %arg13[%get3A_204] {strides = array<i32>} : memref<80xi32, #tpu.memory_space<vmem>>, vector<16xi32>,
    tpu.vector_store_idx %arg27[%get3A_205], %broadcast_in_dim3A_2 {add = true} : memref<10240xf32, #tpu.memory_space<vmem>>[vector<16xi32>], vector<16xf32>,
    %dma_wait3A_206 = arith.constant 0 : i32
    %dma_wait3A_207 = arith.constant 0 : i32
    %dma_wait3A_208 = tpu.memref_slice %arg2[%dma_wait3A_206, %dma_wait3A_207] : memref<20032x128xf32, #tpu.memory_space<hbm>> -> memref<20032x128xf32, #tpu.memory_space<hbm>>
    tpu.wait_indirect_dma semaphore(%arg20 : memref<!tpu.dma_semaphore, #tpu.memory_space<semaphore_mem>>) src(%dma_wait3A_208 : memref<20032x128xf32, #tpu.memory_space<hbm>>) dst(%arg17 : memref<80x128xf32, #tpu.memory_space<vmem>>)
    %dma_start3A_209 = arith.constant 0 : i32
    %dma_start3A_210 = arith.constant 0 : i32
    %dma_start3A_211 = tpu.memref_slice %arg8[%dma_start3A_209, %dma_start3A_210] : memref<10016x128xf32, #tpu.memory_space<vmem_shared>> -> memref<10016x128xf32, #tpu.memory_space<vmem_shared>>
    tpu.enqueue_indirect_dma source(%arg17 : memref<80x128xf32, #tpu.memory_space<vmem>>) target(%dma_start3A_211 : memref<10016x128xf32, #tpu.memory_space<vmem_shared>>) offsets(%arg14 : memref<80xi32, #tpu.memory_space<vmem>>) semaphore(%arg23 : memref<!tpu.dma_semaphore, #tpu.memory_space<semaphore_mem>>) {add = true}
    %get3A_212 = arith.constant 0 : index
    %get3A_213 = tpu.vector_load %arg14[%get3A_212] {strides = array<i32>} : memref<80xi32, #tpu.memory_space<vmem>>, vector<16xi32>,
    tpu.vector_store_idx %arg27[%get3A_213], %broadcast_in_dim3A_2 {add = true} : memref<10240xf32, #tpu.memory_space<vmem>>[vector<16xi32>], vector<16xf32>,
    %get3A_214 = arith.constant 16 : index
    %get3A_215 = tpu.vector_load %arg14[%get3A_214] {strides = array<i32>} : memref<80xi32, #tpu.memory_space<vmem>>, vector<16xi32>,
    tpu.vector_store_idx %arg27[%get3A_215], %broadcast_in_dim3A_2 {add = true} : memref<10240xf32, #tpu.memory_space<vmem>>[vector<16xi32>], vector<16xf32>,
    %get3A_216 = arith.constant 32 : index
    %get3A_217 = tpu.vector_load %arg14[%get3A_216] {strides = array<i32>} : memref<80xi32, #tpu.memory_space<vmem>>, vector<16xi32>,
    tpu.vector_store_idx %arg27[%get3A_217], %broadcast_in_dim3A_2 {add = true} : memref<10240xf32, #tpu.memory_space<vmem>>[vector<16xi32>], vector<16xf32>,
    %get3A_218 = arith.constant 48 : index
    %get3A_219 = tpu.vector_load %arg14[%get3A_218] {strides = array<i32>} : memref<80xi32, #tpu.memory_space<vmem>>, vector<16xi32>,
    tpu.vector_store_idx %arg27[%get3A_219], %broadcast_in_dim3A_2 {add = true} : memref<10240xf32, #tpu.memory_space<vmem>>[vector<16xi32>], vector<16xf32>,
    %get3A_220 = arith.constant 64 : index
    %get3A_221 = tpu.vector_load %arg14[%get3A_220] {strides = array<i32>} : memref<80xi32, #tpu.memory_space<vmem>>, vector<16xi32>,
    tpu.vector_store_idx %arg27[%get3A_221], %broadcast_in_dim3A_2 {add = true} : memref<10240xf32, #tpu.memory_space<vmem>>[vector<16xi32>], vector<16xf32>,
    %scan3A_222 = arith.constant 0 : i32
    %scan3A_223 = arith.constant 1 : i32
    %scan3A_224 = arith.constant 83 : i32
    %scan3A_225 = arith.addi %scan3A_223, %scan3A_224 : i32
    %scan3A_226 = arith.constant 1 : i32
    scf.for %scan3A_598 = %scan3A_223 to %scan3A_225 step %scan3A_226  : i32 {
      %mul3A_599 = arith.constant 240 : i32
      %mul3A_600 = arith.muli %scan3A_598, %mul3A_599 : i32
      %add3A_601 = arith.addi %add3A_127, %mul3A_600 : i32
      %dma_wait3A_602 = arith.constant 0 : i32
      %dma_wait3A_603 = arith.constant 0 : i32
      %dma_wait3A_604 = tpu.memref_slice %arg8[%dma_wait3A_602, %dma_wait3A_603] : memref<10016x128xf32, #tpu.memory_space<vmem_shared>> -> memref<10016x128xf32, #tpu.memory_space<vmem_shared>>
      tpu.wait_indirect_dma semaphore(%arg21 : memref<!tpu.dma_semaphore, #tpu.memory_space<semaphore_mem>>) src(%arg15 : memref<80x128xf32, #tpu.memory_space<vmem>>) dst(%dma_wait3A_604 : memref<10016x128xf32, #tpu.memory_space<vmem_shared>>)
      %add3A_605 = arith.constant 0 : i32
      %add3A_606 = arith.addi %add3A_601, %add3A_605 : i32
      %dma_start3A_607 = tpu.memref_slice %arg3[%add3A_606] : memref<645120xi32, #tpu.memory_space<hbm>> -> memref<80xi32, #tpu.memory_space<hbm>>
      %dma_start3A_608 = tpu.memref_slice %arg3[%add3A_606] : memref<645120xi32, #tpu.memory_space<hbm>> -> memref<80xi32, #tpu.memory_space<hbm>>
      tpu.enqueue_dma source(%dma_start3A_608 : memref<80xi32, #tpu.memory_space<hbm>>) target(%arg9 : memref<80xi32, #tpu.memory_space<vmem>>) target_semaphore(%arg24 : memref<!tpu.dma_semaphore, #tpu.memory_space<semaphore_mem>>)
      %add3A_609 = arith.constant 0 : i32
      %add3A_610 = arith.addi %add3A_601, %add3A_609 : i32
      %dma_start3A_611 = tpu.memref_slice %arg4[%add3A_610] : memref<645120xi32, #tpu.memory_space<hbm>> -> memref<80xi32, #tpu.memory_space<hbm>>
      %dma_start3A_612 = tpu.memref_slice %arg4[%add3A_610] : memref<645120xi32, #tpu.memory_space<hbm>> -> memref<80xi32, #tpu.memory_space<hbm>>
      tpu.enqueue_dma source(%dma_start3A_612 : memref<80xi32, #tpu.memory_space<hbm>>) target(%arg12 : memref<80xi32, #tpu.memory_space<vmem>>) target_semaphore(%arg24 : memref<!tpu.dma_semaphore, #tpu.memory_space<semaphore_mem>>)
      %dma_wait3A_613 = arith.constant 0 : i32
      %dma_wait3A_614 = arith.constant 0 : i32
      %dma_wait3A_615 = tpu.memref_slice %arg8[%dma_wait3A_613, %dma_wait3A_614] : memref<10016x128xf32, #tpu.memory_space<vmem_shared>> -> memref<10016x128xf32, #tpu.memory_space<vmem_shared>>
      tpu.wait_indirect_dma semaphore(%arg22 : memref<!tpu.dma_semaphore, #tpu.memory_space<semaphore_mem>>) src(%arg16 : memref<80x128xf32, #tpu.memory_space<vmem>>) dst(%dma_wait3A_615 : memref<10016x128xf32, #tpu.memory_space<vmem_shared>>)
      %add3A_616 = arith.constant 80 : i32
      %add3A_617 = arith.addi %add3A_601, %add3A_616 : i32
      %dma_start3A_618 = tpu.memref_slice %arg3[%add3A_617] : memref<645120xi32, #tpu.memory_space<hbm>> -> memref<80xi32, #tpu.memory_space<hbm>>
      %dma_start3A_619 = tpu.memref_slice %arg3[%add3A_617] : memref<645120xi32, #tpu.memory_space<hbm>> -> memref<80xi32, #tpu.memory_space<hbm>>
      tpu.enqueue_dma source(%dma_start3A_619 : memref<80xi32, #tpu.memory_space<hbm>>) target(%arg10 : memref<80xi32, #tpu.memory_space<vmem>>) target_semaphore(%arg25 : memref<!tpu.dma_semaphore, #tpu.memory_space<semaphore_mem>>)
      %add3A_620 = arith.constant 80 : i32
      %add3A_621 = arith.addi %add3A_601, %add3A_620 : i32
      %dma_start3A_622 = tpu.memref_slice %arg4[%add3A_621] : memref<645120xi32, #tpu.memory_space<hbm>> -> memref<80xi32, #tpu.memory_space<hbm>>
      %dma_start3A_623 = tpu.memref_slice %arg4[%add3A_621] : memref<645120xi32, #tpu.memory_space<hbm>> -> memref<80xi32, #tpu.memory_space<hbm>>
      tpu.enqueue_dma source(%dma_start3A_623 : memref<80xi32, #tpu.memory_space<hbm>>) target(%arg13 : memref<80xi32, #tpu.memory_space<vmem>>) target_semaphore(%arg25 : memref<!tpu.dma_semaphore, #tpu.memory_space<semaphore_mem>>)
      %dma_wait3A_624 = arith.constant 0 : i32
      %dma_wait3A_625 = arith.constant 0 : i32
      %dma_wait3A_626 = tpu.memref_slice %arg8[%dma_wait3A_624, %dma_wait3A_625] : memref<10016x128xf32, #tpu.memory_space<vmem_shared>> -> memref<10016x128xf32, #tpu.memory_space<vmem_shared>>
      tpu.wait_indirect_dma semaphore(%arg23 : memref<!tpu.dma_semaphore, #tpu.memory_space<semaphore_mem>>) src(%arg17 : memref<80x128xf32, #tpu.memory_space<vmem>>) dst(%dma_wait3A_626 : memref<10016x128xf32, #tpu.memory_space<vmem_shared>>)
      %add3A_627 = arith.constant 160 : i32
      %add3A_628 = arith.addi %add3A_601, %add3A_627 : i32
      %dma_start3A_629 = tpu.memref_slice %arg3[%add3A_628] : memref<645120xi32, #tpu.memory_space<hbm>> -> memref<80xi32, #tpu.memory_space<hbm>>
      %dma_start3A_630 = tpu.memref_slice %arg3[%add3A_628] : memref<645120xi32, #tpu.memory_space<hbm>> -> memref<80xi32, #tpu.memory_space<hbm>>
      tpu.enqueue_dma source(%dma_start3A_630 : memref<80xi32, #tpu.memory_space<hbm>>) target(%arg11 : memref<80xi32, #tpu.memory_space<vmem>>) target_semaphore(%arg26 : memref<!tpu.dma_semaphore, #tpu.memory_space<semaphore_mem>>)
      %add3A_631 = arith.constant 160 : i32
      %add3A_632 = arith.addi %add3A_601, %add3A_631 : i32
      %dma_start3A_633 = tpu.memref_slice %arg4[%add3A_632] : memref<645120xi32, #tpu.memory_space<hbm>> -> memref<80xi32, #tpu.memory_space<hbm>>
      %dma_start3A_634 = tpu.memref_slice %arg4[%add3A_632] : memref<645120xi32, #tpu.memory_space<hbm>> -> memref<80xi32, #tpu.memory_space<hbm>>
      tpu.enqueue_dma source(%dma_start3A_634 : memref<80xi32, #tpu.memory_space<hbm>>) target(%arg14 : memref<80xi32, #tpu.memory_space<vmem>>) target_semaphore(%arg26 : memref<!tpu.dma_semaphore, #tpu.memory_space<semaphore_mem>>)
      %dma_wait3A_635 = tpu.memref_slice %arg3[%add3A_606] : memref<645120xi32, #tpu.memory_space<hbm>> -> memref<80xi32, #tpu.memory_space<hbm>>
      %dma_wait3A_636 = tpu.memref_slice %arg3[%add3A_606] : memref<645120xi32, #tpu.memory_space<hbm>> -> memref<80xi32, #tpu.memory_space<hbm>>
      tpu.wait_dma2 semaphore(%arg24 : memref<!tpu.dma_semaphore, #tpu.memory_space<semaphore_mem>>) src(%dma_wait3A_636 : memref<80xi32, #tpu.memory_space<hbm>>) dst(%arg9 : memref<80xi32, #tpu.memory_space<vmem>>)
      %dma_wait3A_637 = tpu.memref_slice %arg4[%add3A_610] : memref<645120xi32, #tpu.memory_space<hbm>> -> memref<80xi32, #tpu.memory_space<hbm>>
      %dma_wait3A_638 = tpu.memref_slice %arg4[%add3A_610] : memref<645120xi32, #tpu.memory_space<hbm>> -> memref<80xi32, #tpu.memory_space<hbm>>
      tpu.wait_dma2 semaphore(%arg24 : memref<!tpu.dma_semaphore, #tpu.memory_space<semaphore_mem>>) src(%dma_wait3A_638 : memref<80xi32, #tpu.memory_space<hbm>>) dst(%arg12 : memref<80xi32, #tpu.memory_space<vmem>>)
      %dma_start3A_639 = arith.constant 0 : i32
      %dma_start3A_640 = arith.constant 0 : i32
      %dma_start3A_641 = tpu.memref_slice %arg2[%dma_start3A_639, %dma_start3A_640] : memref<20032x128xf32, #tpu.memory_space<hbm>> -> memref<20032x128xf32, #tpu.memory_space<hbm>>
      tpu.enqueue_indirect_dma source(%dma_start3A_641 : memref<20032x128xf32, #tpu.memory_space<hbm>>) target(%arg15 : memref<80x128xf32, #tpu.memory_space<vmem>>) offsets(%arg9 : memref<80xi32, #tpu.memory_space<vmem>>) semaphore(%arg18 : memref<!tpu.dma_semaphore, #tpu.memory_space<semaphore_mem>>)
      %dma_wait3A_642 = tpu.memref_slice %arg3[%add3A_617] : memref<645120xi32, #tpu.memory_space<hbm>> -> memref<80xi32, #tpu.memory_space<hbm>>
      %dma_wait3A_643 = tpu.memref_slice %arg3[%add3A_617] : memref<645120xi32, #tpu.memory_space<hbm>> -> memref<80xi32, #tpu.memory_space<hbm>>
      tpu.wait_dma2 semaphore(%arg25 : memref<!tpu.dma_semaphore, #tpu.memory_space<semaphore_mem>>) src(%dma_wait3A_643 : memref<80xi32, #tpu.memory_space<hbm>>) dst(%arg10 : memref<80xi32, #tpu.memory_space<vmem>>)
      %dma_wait3A_644 = tpu.memref_slice %arg4[%add3A_621] : memref<645120xi32, #tpu.memory_space<hbm>> -> memref<80xi32, #tpu.memory_space<hbm>>
      %dma_wait3A_645 = tpu.memref_slice %arg4[%add3A_621] : memref<645120xi32, #tpu.memory_space<hbm>> -> memref<80xi32, #tpu.memory_space<hbm>>
      tpu.wait_dma2 semaphore(%arg25 : memref<!tpu.dma_semaphore, #tpu.memory_space<semaphore_mem>>) src(%dma_wait3A_645 : memref<80xi32, #tpu.memory_space<hbm>>) dst(%arg13 : memref<80xi32, #tpu.memory_space<vmem>>)
      %dma_start3A_646 = arith.constant 0 : i32
      %dma_start3A_647 = arith.constant 0 : i32
      %dma_start3A_648 = tpu.memref_slice %arg2[%dma_start3A_646, %dma_start3A_647] : memref<20032x128xf32, #tpu.memory_space<hbm>> -> memref<20032x128xf32, #tpu.memory_space<hbm>>
      tpu.enqueue_indirect_dma source(%dma_start3A_648 : memref<20032x128xf32, #tpu.memory_space<hbm>>) target(%arg16 : memref<80x128xf32, #tpu.memory_space<vmem>>) offsets(%arg10 : memref<80xi32, #tpu.memory_space<vmem>>) semaphore(%arg19 : memref<!tpu.dma_semaphore, #tpu.memory_space<semaphore_mem>>)
      %dma_wait3A_649 = tpu.memref_slice %arg3[%add3A_628] : memref<645120xi32, #tpu.memory_space<hbm>> -> memref<80xi32, #tpu.memory_space<hbm>>
      %dma_wait3A_650 = tpu.memref_slice %arg3[%add3A_628] : memref<645120xi32, #tpu.memory_space<hbm>> -> memref<80xi32, #tpu.memory_space<hbm>>
      tpu.wait_dma2 semaphore(%arg26 : memref<!tpu.dma_semaphore, #tpu.memory_space<semaphore_mem>>) src(%dma_wait3A_650 : memref<80xi32, #tpu.memory_space<hbm>>) dst(%arg11 : memref<80xi32, #tpu.memory_space<vmem>>)
      %dma_wait3A_651 = tpu.memref_slice %arg4[%add3A_632] : memref<645120xi32, #tpu.memory_space<hbm>> -> memref<80xi32, #tpu.memory_space<hbm>>
      %dma_wait3A_652 = tpu.memref_slice %arg4[%add3A_632] : memref<645120xi32, #tpu.memory_space<hbm>> -> memref<80xi32, #tpu.memory_space<hbm>>
      tpu.wait_dma2 semaphore(%arg26 : memref<!tpu.dma_semaphore, #tpu.memory_space<semaphore_mem>>) src(%dma_wait3A_652 : memref<80xi32, #tpu.memory_space<hbm>>) dst(%arg14 : memref<80xi32, #tpu.memory_space<vmem>>)
      %dma_start3A_653 = arith.constant 0 : i32
      %dma_start3A_654 = arith.constant 0 : i32
      %dma_start3A_655 = tpu.memref_slice %arg2[%dma_start3A_653, %dma_start3A_654] : memref<20032x128xf32, #tpu.memory_space<hbm>> -> memref<20032x128xf32, #tpu.memory_space<hbm>>
      tpu.enqueue_indirect_dma source(%dma_start3A_655 : memref<20032x128xf32, #tpu.memory_space<hbm>>) target(%arg17 : memref<80x128xf32, #tpu.memory_space<vmem>>) offsets(%arg11 : memref<80xi32, #tpu.memory_space<vmem>>) semaphore(%arg20 : memref<!tpu.dma_semaphore, #tpu.memory_space<semaphore_mem>>)
      %dma_wait3A_656 = arith.constant 0 : i32
      %dma_wait3A_657 = arith.constant 0 : i32
      %dma_wait3A_658 = tpu.memref_slice %arg2[%dma_wait3A_656, %dma_wait3A_657] : memref<20032x128xf32, #tpu.memory_space<hbm>> -> memref<20032x128xf32, #tpu.memory_space<hbm>>
      tpu.wait_indirect_dma semaphore(%arg18 : memref<!tpu.dma_semaphore, #tpu.memory_space<semaphore_mem>>) src(%dma_wait3A_658 : memref<20032x128xf32, #tpu.memory_space<hbm>>) dst(%arg15 : memref<80x128xf32, #tpu.memory_space<vmem>>)
      %dma_start3A_659 = arith.constant 0 : i32
      %dma_start3A_660 = arith.constant 0 : i32
      %dma_start3A_661 = tpu.memref_slice %arg8[%dma_start3A_659, %dma_start3A_660] : memref<10016x128xf32, #tpu.memory_space<vmem_shared>> -> memref<10016x128xf32, #tpu.memory_space<vmem_shared>>
      tpu.enqueue_indirect_dma source(%arg15 : memref<80x128xf32, #tpu.memory_space<vmem>>) target(%dma_start3A_661 : memref<10016x128xf32, #tpu.memory_space<vmem_shared>>) offsets(%arg12 : memref<80xi32, #tpu.memory_space<vmem>>) semaphore(%arg21 : memref<!tpu.dma_semaphore, #tpu.memory_space<semaphore_mem>>) {add = true}
      %get3A_662 = arith.constant 0 : index
      %get3A_663 = tpu.vector_load %arg12[%get3A_662] {strides = array<i32>} : memref<80xi32, #tpu.memory_space<vmem>>, vector<16xi32>,
      tpu.vector_store_idx %arg27[%get3A_663], %broadcast_in_dim3A_2 {add = true} : memref<10240xf32, #tpu.memory_space<vmem>>[vector<16xi32>], vector<16xf32>,
      %get3A_664 = arith.constant 16 : index
      %get3A_665 = tpu.vector_load %arg12[%get3A_664] {strides = array<i32>} : memref<80xi32, #tpu.memory_space<vmem>>, vector<16xi32>,
      tpu.vector_store_idx %arg27[%get3A_665], %broadcast_in_dim3A_2 {add = true} : memref<10240xf32, #tpu.memory_space<vmem>>[vector<16xi32>], vector<16xf32>,
      %get3A_666 = arith.constant 32 : index
      %get3A_667 = tpu.vector_load %arg12[%get3A_666] {strides = array<i32>} : memref<80xi32, #tpu.memory_space<vmem>>, vector<16xi32>,
      tpu.vector_store_idx %arg27[%get3A_667], %broadcast_in_dim3A_2 {add = true} : memref<10240xf32, #tpu.memory_space<vmem>>[vector<16xi32>], vector<16xf32>,
      %get3A_668 = arith.constant 48 : index
      %get3A_669 = tpu.vector_load %arg12[%get3A_668] {strides = array<i32>} : memref<80xi32, #tpu.memory_space<vmem>>, vector<16xi32>,
      tpu.vector_store_idx %arg27[%get3A_669], %broadcast_in_dim3A_2 {add = true} : memref<10240xf32, #tpu.memory_space<vmem>>[vector<16xi32>], vector<16xf32>,
      %get3A_670 = arith.constant 64 : index
      %get3A_671 = tpu.vector_load %arg12[%get3A_670] {strides = array<i32>} : memref<80xi32, #tpu.memory_space<vmem>>, vector<16xi32>,
      tpu.vector_store_idx %arg27[%get3A_671], %broadcast_in_dim3A_2 {add = true} : memref<10240xf32, #tpu.memory_space<vmem>>[vector<16xi32>], vector<16xf32>,
      %dma_wait3A_672 = arith.constant 0 : i32
      %dma_wait3A_673 = arith.constant 0 : i32
      %dma_wait3A_674 = tpu.memref_slice %arg2[%dma_wait3A_672, %dma_wait3A_673] : memref<20032x128xf32, #tpu.memory_space<hbm>> -> memref<20032x128xf32, #tpu.memory_space<hbm>>
      tpu.wait_indirect_dma semaphore(%arg19 : memref<!tpu.dma_semaphore, #tpu.memory_space<semaphore_mem>>) src(%dma_wait3A_674 : memref<20032x128xf32, #tpu.memory_space<hbm>>) dst(%arg16 : memref<80x128xf32, #tpu.memory_space<vmem>>)
      %dma_start3A_675 = arith.constant 0 : i32
      %dma_start3A_676 = arith.constant 0 : i32
      %dma_start3A_677 = tpu.memref_slice %arg8[%dma_start3A_675, %dma_start3A_676] : memref<10016x128xf32, #tpu.memory_space<vmem_shared>> -> memref<10016x128xf32, #tpu.memory_space<vmem_shared>>
      tpu.enqueue_indirect_dma source(%arg16 : memref<80x128xf32, #tpu.memory_space<vmem>>) target(%dma_start3A_677 : memref<10016x128xf32, #tpu.memory_space<vmem_shared>>) offsets(%arg13 : memref<80xi32, #tpu.memory_space<vmem>>) semaphore(%arg22 : memref<!tpu.dma_semaphore, #tpu.memory_space<semaphore_mem>>) {add = true}
      %get3A_678 = arith.constant 0 : index
      %get3A_679 = tpu.vector_load %arg13[%get3A_678] {strides = array<i32>} : memref<80xi32, #tpu.memory_space<vmem>>, vector<16xi32>,
      tpu.vector_store_idx %arg27[%get3A_679], %broadcast_in_dim3A_2 {add = true} : memref<10240xf32, #tpu.memory_space<vmem>>[vector<16xi32>], vector<16xf32>,
      %get3A_680 = arith.constant 16 : index
      %get3A_681 = tpu.vector_load %arg13[%get3A_680] {strides = array<i32>} : memref<80xi32, #tpu.memory_space<vmem>>, vector<16xi32>,
      tpu.vector_store_idx %arg27[%get3A_681], %broadcast_in_dim3A_2 {add = true} : memref<10240xf32, #tpu.memory_space<vmem>>[vector<16xi32>], vector<16xf32>,
      %get3A_682 = arith.constant 32 : index
      %get3A_683 = tpu.vector_load %arg13[%get3A_682] {strides = array<i32>} : memref<80xi32, #tpu.memory_space<vmem>>, vector<16xi32>,
      tpu.vector_store_idx %arg27[%get3A_683], %broadcast_in_dim3A_2 {add = true} : memref<10240xf32, #tpu.memory_space<vmem>>[vector<16xi32>], vector<16xf32>,
      %get3A_684 = arith.constant 48 : index
      %get3A_685 = tpu.vector_load %arg13[%get3A_684] {strides = array<i32>} : memref<80xi32, #tpu.memory_space<vmem>>, vector<16xi32>,
      tpu.vector_store_idx %arg27[%get3A_685], %broadcast_in_dim3A_2 {add = true} : memref<10240xf32, #tpu.memory_space<vmem>>[vector<16xi32>], vector<16xf32>,
      %get3A_686 = arith.constant 64 : index
      %get3A_687 = tpu.vector_load %arg13[%get3A_686] {strides = array<i32>} : memref<80xi32, #tpu.memory_space<vmem>>, vector<16xi32>,
      tpu.vector_store_idx %arg27[%get3A_687], %broadcast_in_dim3A_2 {add = true} : memref<10240xf32, #tpu.memory_space<vmem>>[vector<16xi32>], vector<16xf32>,
      %dma_wait3A_688 = arith.constant 0 : i32
      %dma_wait3A_689 = arith.constant 0 : i32
      %dma_wait3A_690 = tpu.memref_slice %arg2[%dma_wait3A_688, %dma_wait3A_689] : memref<20032x128xf32, #tpu.memory_space<hbm>> -> memref<20032x128xf32, #tpu.memory_space<hbm>>
      tpu.wait_indirect_dma semaphore(%arg20 : memref<!tpu.dma_semaphore, #tpu.memory_space<semaphore_mem>>) src(%dma_wait3A_690 : memref<20032x128xf32, #tpu.memory_space<hbm>>) dst(%arg17 : memref<80x128xf32, #tpu.memory_space<vmem>>)
      %dma_start3A_691 = arith.constant 0 : i32
      %dma_start3A_692 = arith.constant 0 : i32
      %dma_start3A_693 = tpu.memref_slice %arg8[%dma_start3A_691, %dma_start3A_692] : memref<10016x128xf32, #tpu.memory_space<vmem_shared>> -> memref<10016x128xf32, #tpu.memory_space<vmem_shared>>
      tpu.enqueue_indirect_dma source(%arg17 : memref<80x128xf32, #tpu.memory_space<vmem>>) target(%dma_start3A_693 : memref<10016x128xf32, #tpu.memory_space<vmem_shared>>) offsets(%arg14 : memref<80xi32, #tpu.memory_space<vmem>>) semaphore(%arg23 : memref<!tpu.dma_semaphore, #tpu.memory_space<semaphore_mem>>) {add = true}
      %get3A_694 = arith.constant 0 : index
      %get3A_695 = tpu.vector_load %arg14[%get3A_694] {strides = array<i32>} : memref<80xi32, #tpu.memory_space<vmem>>, vector<16xi32>,
      tpu.vector_store_idx %arg27[%get3A_695], %broadcast_in_dim3A_2 {add = true} : memref<10240xf32, #tpu.memory_space<vmem>>[vector<16xi32>], vector<16xf32>,
      %get3A_696 = arith.constant 16 : index
      %get3A_697 = tpu.vector_load %arg14[%get3A_696] {strides = array<i32>} : memref<80xi32, #tpu.memory_space<vmem>>, vector<16xi32>,
      tpu.vector_store_idx %arg27[%get3A_697], %broadcast_in_dim3A_2 {add = true} : memref<10240xf32, #tpu.memory_space<vmem>>[vector<16xi32>], vector<16xf32>,
      %get3A_698 = arith.constant 32 : index
      %get3A_699 = tpu.vector_load %arg14[%get3A_698] {strides = array<i32>} : memref<80xi32, #tpu.memory_space<vmem>>, vector<16xi32>,
      tpu.vector_store_idx %arg27[%get3A_699], %broadcast_in_dim3A_2 {add = true} : memref<10240xf32, #tpu.memory_space<vmem>>[vector<16xi32>], vector<16xf32>,
      %get3A_700 = arith.constant 48 : index
      %get3A_701 = tpu.vector_load %arg14[%get3A_700] {strides = array<i32>} : memref<80xi32, #tpu.memory_space<vmem>>, vector<16xi32>,
      tpu.vector_store_idx %arg27[%get3A_701], %broadcast_in_dim3A_2 {add = true} : memref<10240xf32, #tpu.memory_space<vmem>>[vector<16xi32>], vector<16xf32>,
      %get3A_702 = arith.constant 64 : index
      %get3A_703 = tpu.vector_load %arg14[%get3A_702] {strides = array<i32>} : memref<80xi32, #tpu.memory_space<vmem>>, vector<16xi32>,
      tpu.vector_store_idx %arg27[%get3A_703], %broadcast_in_dim3A_2 {add = true} : memref<10240xf32, #tpu.memory_space<vmem>>[vector<16xi32>], vector<16xf32>,
    }
    %scan3A_227 = arith.constant 83 : i32
    %dma_wait3A_228 = arith.constant 0 : i32
    %dma_wait3A_229 = arith.constant 0 : i32
    %dma_wait3A_230 = tpu.memref_slice %arg8[%dma_wait3A_228, %dma_wait3A_229] : memref<10016x128xf32, #tpu.memory_space<vmem_shared>> -> memref<10016x128xf32, #tpu.memory_space<vmem_shared>>
    tpu.wait_indirect_dma semaphore(%arg21 : memref<!tpu.dma_semaphore, #tpu.memory_space<semaphore_mem>>) src(%arg15 : memref<80x128xf32, #tpu.memory_space<vmem>>) dst(%dma_wait3A_230 : memref<10016x128xf32, #tpu.memory_space<vmem_shared>>)
    %dma_wait3A_231 = arith.constant 0 : i32
    %dma_wait3A_232 = arith.constant 0 : i32
    %dma_wait3A_233 = tpu.memref_slice %arg8[%dma_wait3A_231, %dma_wait3A_232] : memref<10016x128xf32, #tpu.memory_space<vmem_shared>> -> memref<10016x128xf32, #tpu.memory_space<vmem_shared>>
    tpu.wait_indirect_dma semaphore(%arg22 : memref<!tpu.dma_semaphore, #tpu.memory_space<semaphore_mem>>) src(%arg16 : memref<80x128xf32, #tpu.memory_space<vmem>>) dst(%dma_wait3A_233 : memref<10016x128xf32, #tpu.memory_space<vmem_shared>>)
    %dma_wait3A_234 = arith.constant 0 : i32
    %dma_wait3A_235 = arith.constant 0 : i32
    %dma_wait3A_236 = tpu.memref_slice %arg8[%dma_wait3A_234, %dma_wait3A_235] : memref<10016x128xf32, #tpu.memory_space<vmem_shared>> -> memref<10016x128xf32, #tpu.memory_space<vmem_shared>>
    tpu.wait_indirect_dma semaphore(%arg23 : memref<!tpu.dma_semaphore, #tpu.memory_space<semaphore_mem>>) src(%arg17 : memref<80x128xf32, #tpu.memory_space<vmem>>) dst(%dma_wait3A_236 : memref<10016x128xf32, #tpu.memory_space<vmem_shared>>)
    %mul3A_237 = arith.constant 16 : i32
    %mul3A_238 = arith.muli %arg0, %mul3A_237 : i32
    %add3A_239 = arith.addi %mul3A_238, %arg1 : i32
    %mul3A_240 = arith.constant 10240 : i32
    %mul3A_241 = arith.muli %add3A_239, %mul3A_240 : i32
    "tpu.region"() ({
      %run_scoped3A = tpu.sem_alloc : memref<!tpu.dma_semaphore, #tpu.memory_space<semaphore_mem>>
      %dma_start3A_598 = tpu.memref_slice %arg7[%mul3A_241] : memref<327680xf32, #tpu.memory_space<hbm>> -> memref<10240xf32, #tpu.memory_space<hbm>>
      %dma_start3A_599 = tpu.memref_slice %arg7[%mul3A_241] : memref<327680xf32, #tpu.memory_space<hbm>> -> memref<10240xf32, #tpu.memory_space<hbm>>
      tpu.enqueue_dma source(%arg27 : memref<10240xf32, #tpu.memory_space<vmem>>) target(%dma_start3A_599 : memref<10240xf32, #tpu.memory_space<hbm>>) target_semaphore(%run_scoped3A : memref<!tpu.dma_semaphore, #tpu.memory_space<semaphore_mem>>)
      %dma_wait3A_600 = tpu.memref_slice %arg7[%mul3A_241] : memref<327680xf32, #tpu.memory_space<hbm>> -> memref<10240xf32, #tpu.memory_space<hbm>>
      %dma_wait3A_601 = tpu.memref_slice %arg7[%mul3A_241] : memref<327680xf32, #tpu.memory_space<hbm>> -> memref<10240xf32, #tpu.memory_space<hbm>>
      tpu.wait_dma2 semaphore(%run_scoped3A : memref<!tpu.dma_semaphore, #tpu.memory_space<semaphore_mem>>) src(%arg27 : memref<10240xf32, #tpu.memory_space<vmem>>) dst(%dma_wait3A_601 : memref<10240xf32, #tpu.memory_space<hbm>>)
      tpu.yield
    }) : () -> ()
    %barrier3A_242 = arith.constant 0 : index
    tpu.barrier barrier_id(%barrier3A_242)
    %mul3A_243 = arith.constant 640 : i32
    %mul3A_244 = arith.muli %arg1, %mul3A_243 : i32
    %add3A_245 = arith.constant 0 : i32
    %add3A_246 = arith.addi %mul3A_244, %add3A_245 : i32
    %min3A_247 = arith.constant 9920 : i32
    %min3A_248 = arith.minsi %add3A_246, %min3A_247 : i32
    "tpu.region"() ({
      %run_scoped3A = tpu.sem_alloc : memref<!tpu.dma_semaphore, #tpu.memory_space<semaphore_mem>>
      %dma_start3A_598 = arith.constant 0 : i32
      %dma_start3A_599 = tpu.memref_slice %arg8[%min3A_248, %dma_start3A_598] : memref<10016x128xf32, #tpu.memory_space<vmem_shared>> -> memref<80x128xf32, #tpu.memory_space<vmem_shared>>
      %dma_start3A_600 = arith.constant 0 : i32
      %dma_start3A_601 = tpu.memref_slice %arg8[%min3A_248, %dma_start3A_600] : memref<10016x128xf32, #tpu.memory_space<vmem_shared>> -> memref<80x128xf32, #tpu.memory_space<vmem_shared>>
      tpu.enqueue_dma source(%dma_start3A_601 : memref<80x128xf32, #tpu.memory_space<vmem_shared>>) target(%arg15 : memref<80x128xf32, #tpu.memory_space<vmem>>) target_semaphore(%run_scoped3A : memref<!tpu.dma_semaphore, #tpu.memory_space<semaphore_mem>>)
      %dma_wait3A_602 = arith.constant 0 : i32
      %dma_wait3A_603 = tpu.memref_slice %arg8[%min3A_248, %dma_wait3A_602] : memref<10016x128xf32, #tpu.memory_space<vmem_shared>> -> memref<80x128xf32, #tpu.memory_space<vmem_shared>>
      %dma_wait3A_604 = arith.constant 0 : i32
      %dma_wait3A_605 = tpu.memref_slice %arg8[%min3A_248, %dma_wait3A_604] : memref<10016x128xf32, #tpu.memory_space<vmem_shared>> -> memref<80x128xf32, #tpu.memory_space<vmem_shared>>
      tpu.wait_dma2 semaphore(%run_scoped3A : memref<!tpu.dma_semaphore, #tpu.memory_space<semaphore_mem>>) src(%dma_wait3A_605 : memref<80x128xf32, #tpu.memory_space<vmem_shared>>) dst(%arg15 : memref<80x128xf32, #tpu.memory_space<vmem>>)
      tpu.yield
    }) : () -> ()
    %mul3A_249 = arith.constant 10000 : i32
    %mul3A_250 = arith.muli %arg0, %mul3A_249 : i32
    %add3A_251 = arith.addi %mul3A_250, %min3A_248 : i32
    %dma_start3A_252 = arith.constant 0 : i32
    %dma_start3A_253 = tpu.memref_slice %arg5[%add3A_251, %dma_start3A_252] : memref<20000x128xf32, #tpu.memory_space<hbm>> -> memref<80x128xf32, #tpu.memory_space<hbm>>
    %dma_start3A_254 = arith.constant 0 : i32
    %dma_start3A_255 = tpu.memref_slice %arg5[%add3A_251, %dma_start3A_254] : memref<20000x128xf32, #tpu.memory_space<hbm>> -> memref<80x128xf32, #tpu.memory_space<hbm>>
    tpu.enqueue_dma source(%arg15 : memref<80x128xf32, #tpu.memory_space<vmem>>) target(%dma_start3A_255 : memref<80x128xf32, #tpu.memory_space<hbm>>) target_semaphore(%arg21 : memref<!tpu.dma_semaphore, #tpu.memory_space<semaphore_mem>>)
    %mul3A_256 = arith.constant 640 : i32
    %mul3A_257 = arith.muli %arg1, %mul3A_256 : i32
    %add3A_258 = arith.constant 80 : i32
    %add3A_259 = arith.addi %mul3A_257, %add3A_258 : i32
    %min3A_260 = arith.constant 9920 : i32
    %min3A_261 = arith.minsi %add3A_259, %min3A_260 : i32
    "tpu.region"() ({
      %run_scoped3A = tpu.sem_alloc : memref<!tpu.dma_semaphore, #tpu.memory_space<semaphore_mem>>
      %dma_start3A_598 = arith.constant 0 : i32
      %dma_start3A_599 = tpu.memref_slice %arg8[%min3A_261, %dma_start3A_598] : memref<10016x128xf32, #tpu.memory_space<vmem_shared>> -> memref<80x128xf32, #tpu.memory_space<vmem_shared>>
      %dma_start3A_600 = arith.constant 0 : i32
      %dma_start3A_601 = tpu.memref_slice %arg8[%min3A_261, %dma_start3A_600] : memref<10016x128xf32, #tpu.memory_space<vmem_shared>> -> memref<80x128xf32, #tpu.memory_space<vmem_shared>>
      tpu.enqueue_dma source(%dma_start3A_601 : memref<80x128xf32, #tpu.memory_space<vmem_shared>>) target(%arg16 : memref<80x128xf32, #tpu.memory_space<vmem>>) target_semaphore(%run_scoped3A : memref<!tpu.dma_semaphore, #tpu.memory_space<semaphore_mem>>)
      %dma_wait3A_602 = arith.constant 0 : i32
      %dma_wait3A_603 = tpu.memref_slice %arg8[%min3A_261, %dma_wait3A_602] : memref<10016x128xf32, #tpu.memory_space<vmem_shared>> -> memref<80x128xf32, #tpu.memory_space<vmem_shared>>
      %dma_wait3A_604 = arith.constant 0 : i32
      %dma_wait3A_605 = tpu.memref_slice %arg8[%min3A_261, %dma_wait3A_604] : memref<10016x128xf32, #tpu.memory_space<vmem_shared>> -> memref<80x128xf32, #tpu.memory_space<vmem_shared>>
      tpu.wait_dma2 semaphore(%run_scoped3A : memref<!tpu.dma_semaphore, #tpu.memory_space<semaphore_mem>>) src(%dma_wait3A_605 : memref<80x128xf32, #tpu.memory_space<vmem_shared>>) dst(%arg16 : memref<80x128xf32, #tpu.memory_space<vmem>>)
      tpu.yield
    }) : () -> ()
    %mul3A_262 = arith.constant 10000 : i32
    %mul3A_263 = arith.muli %arg0, %mul3A_262 : i32
    %add3A_264 = arith.addi %mul3A_263, %min3A_261 : i32
    %dma_start3A_265 = arith.constant 0 : i32
    %dma_start3A_266 = tpu.memref_slice %arg5[%add3A_264, %dma_start3A_265] : memref<20000x128xf32, #tpu.memory_space<hbm>> -> memref<80x128xf32, #tpu.memory_space<hbm>>
    %dma_start3A_267 = arith.constant 0 : i32
    %dma_start3A_268 = tpu.memref_slice %arg5[%add3A_264, %dma_start3A_267] : memref<20000x128xf32, #tpu.memory_space<hbm>> -> memref<80x128xf32, #tpu.memory_space<hbm>>
    tpu.enqueue_dma source(%arg16 : memref<80x128xf32, #tpu.memory_space<vmem>>) target(%dma_start3A_268 : memref<80x128xf32, #tpu.memory_space<hbm>>) target_semaphore(%arg22 : memref<!tpu.dma_semaphore, #tpu.memory_space<semaphore_mem>>)
    %mul3A_269 = arith.constant 640 : i32
    %mul3A_270 = arith.muli %arg1, %mul3A_269 : i32
    %add3A_271 = arith.constant 160 : i32
    %add3A_272 = arith.addi %mul3A_270, %add3A_271 : i32
    %min3A_273 = arith.constant 9920 : i32
    %min3A_274 = arith.minsi %add3A_272, %min3A_273 : i32
    "tpu.region"() ({
      %run_scoped3A = tpu.sem_alloc : memref<!tpu.dma_semaphore, #tpu.memory_space<semaphore_mem>>
      %dma_start3A_598 = arith.constant 0 : i32
      %dma_start3A_599 = tpu.memref_slice %arg8[%min3A_274, %dma_start3A_598] : memref<10016x128xf32, #tpu.memory_space<vmem_shared>> -> memref<80x128xf32, #tpu.memory_space<vmem_shared>>
      %dma_start3A_600 = arith.constant 0 : i32
      %dma_start3A_601 = tpu.memref_slice %arg8[%min3A_274, %dma_start3A_600] : memref<10016x128xf32, #tpu.memory_space<vmem_shared>> -> memref<80x128xf32, #tpu.memory_space<vmem_shared>>
      tpu.enqueue_dma source(%dma_start3A_601 : memref<80x128xf32, #tpu.memory_space<vmem_shared>>) target(%arg17 : memref<80x128xf32, #tpu.memory_space<vmem>>) target_semaphore(%run_scoped3A : memref<!tpu.dma_semaphore, #tpu.memory_space<semaphore_mem>>)
      %dma_wait3A_602 = arith.constant 0 : i32
      %dma_wait3A_603 = tpu.memref_slice %arg8[%min3A_274, %dma_wait3A_602] : memref<10016x128xf32, #tpu.memory_space<vmem_shared>> -> memref<80x128xf32, #tpu.memory_space<vmem_shared>>
      %dma_wait3A_604 = arith.constant 0 : i32
      %dma_wait3A_605 = tpu.memref_slice %arg8[%min3A_274, %dma_wait3A_604] : memref<10016x128xf32, #tpu.memory_space<vmem_shared>> -> memref<80x128xf32, #tpu.memory_space<vmem_shared>>
      tpu.wait_dma2 semaphore(%run_scoped3A : memref<!tpu.dma_semaphore, #tpu.memory_space<semaphore_mem>>) src(%dma_wait3A_605 : memref<80x128xf32, #tpu.memory_space<vmem_shared>>) dst(%arg17 : memref<80x128xf32, #tpu.memory_space<vmem>>)
      tpu.yield
    }) : () -> ()
    %mul3A_275 = arith.constant 10000 : i32
    %mul3A_276 = arith.muli %arg0, %mul3A_275 : i32
    %add3A_277 = arith.addi %mul3A_276, %min3A_274 : i32
    %dma_start3A_278 = arith.constant 0 : i32
    %dma_start3A_279 = tpu.memref_slice %arg5[%add3A_277, %dma_start3A_278] : memref<20000x128xf32, #tpu.memory_space<hbm>> -> memref<80x128xf32, #tpu.memory_space<hbm>>
    %dma_start3A_280 = arith.constant 0 : i32
    %dma_start3A_281 = tpu.memref_slice %arg5[%add3A_277, %dma_start3A_280] : memref<20000x128xf32, #tpu.memory_space<hbm>> -> memref<80x128xf32, #tpu.memory_space<hbm>>
    tpu.enqueue_dma source(%arg17 : memref<80x128xf32, #tpu.memory_space<vmem>>) target(%dma_start3A_281 : memref<80x128xf32, #tpu.memory_space<hbm>>) target_semaphore(%arg23 : memref<!tpu.dma_semaphore, #tpu.memory_space<semaphore_mem>>)
    %dma_wait3A_282 = arith.constant 0 : i32
    %dma_wait3A_283 = tpu.memref_slice %arg5[%add3A_251, %dma_wait3A_282] : memref<20000x128xf32, #tpu.memory_space<hbm>> -> memref<80x128xf32, #tpu.memory_space<hbm>>
    %dma_wait3A_284 = arith.constant 0 : i32
    %dma_wait3A_285 = tpu.memref_slice %arg5[%add3A_251, %dma_wait3A_284] : memref<20000x128xf32, #tpu.memory_space<hbm>> -> memref<80x128xf32, #tpu.memory_space<hbm>>
    tpu.wait_dma2 semaphore(%arg21 : memref<!tpu.dma_semaphore, #tpu.memory_space<semaphore_mem>>) src(%arg15 : memref<80x128xf32, #tpu.memory_space<vmem>>) dst(%dma_wait3A_285 : memref<80x128xf32, #tpu.memory_space<hbm>>)
    %mul3A_286 = arith.constant 640 : i32
    %mul3A_287 = arith.muli %arg1, %mul3A_286 : i32
    %add3A_288 = arith.constant 240 : i32
    %add3A_289 = arith.addi %mul3A_287, %add3A_288 : i32
    %min3A_290 = arith.constant 9920 : i32
    %min3A_291 = arith.minsi %add3A_289, %min3A_290 : i32
    "tpu.region"() ({
      %run_scoped3A = tpu.sem_alloc : memref<!tpu.dma_semaphore, #tpu.memory_space<semaphore_mem>>
      %dma_start3A_598 = arith.constant 0 : i32
      %dma_start3A_599 = tpu.memref_slice %arg8[%min3A_291, %dma_start3A_598] : memref<10016x128xf32, #tpu.memory_space<vmem_shared>> -> memref<80x128xf32, #tpu.memory_space<vmem_shared>>
      %dma_start3A_600 = arith.constant 0 : i32
      %dma_start3A_601 = tpu.memref_slice %arg8[%min3A_291, %dma_start3A_600] : memref<10016x128xf32, #tpu.memory_space<vmem_shared>> -> memref<80x128xf32, #tpu.memory_space<vmem_shared>>
      tpu.enqueue_dma source(%dma_start3A_601 : memref<80x128xf32, #tpu.memory_space<vmem_shared>>) target(%arg15 : memref<80x128xf32, #tpu.memory_space<vmem>>) target_semaphore(%run_scoped3A : memref<!tpu.dma_semaphore, #tpu.memory_space<semaphore_mem>>)
      %dma_wait3A_602 = arith.constant 0 : i32
      %dma_wait3A_603 = tpu.memref_slice %arg8[%min3A_291, %dma_wait3A_602] : memref<10016x128xf32, #tpu.memory_space<vmem_shared>> -> memref<80x128xf32, #tpu.memory_space<vmem_shared>>
      %dma_wait3A_604 = arith.constant 0 : i32
      %dma_wait3A_605 = tpu.memref_slice %arg8[%min3A_291, %dma_wait3A_604] : memref<10016x128xf32, #tpu.memory_space<vmem_shared>> -> memref<80x128xf32, #tpu.memory_space<vmem_shared>>
      tpu.wait_dma2 semaphore(%run_scoped3A : memref<!tpu.dma_semaphore, #tpu.memory_space<semaphore_mem>>) src(%dma_wait3A_605 : memref<80x128xf32, #tpu.memory_space<vmem_shared>>) dst(%arg15 : memref<80x128xf32, #tpu.memory_space<vmem>>)
      tpu.yield
    }) : () -> ()
    %mul3A_292 = arith.constant 10000 : i32
    %mul3A_293 = arith.muli %arg0, %mul3A_292 : i32
    %add3A_294 = arith.addi %mul3A_293, %min3A_291 : i32
    %dma_start3A_295 = arith.constant 0 : i32
    %dma_start3A_296 = tpu.memref_slice %arg5[%add3A_294, %dma_start3A_295] : memref<20000x128xf32, #tpu.memory_space<hbm>> -> memref<80x128xf32, #tpu.memory_space<hbm>>
    %dma_start3A_297 = arith.constant 0 : i32
    %dma_start3A_298 = tpu.memref_slice %arg5[%add3A_294, %dma_start3A_297] : memref<20000x128xf32, #tpu.memory_space<hbm>> -> memref<80x128xf32, #tpu.memory_space<hbm>>
    tpu.enqueue_dma source(%arg15 : memref<80x128xf32, #tpu.memory_space<vmem>>) target(%dma_start3A_298 : memref<80x128xf32, #tpu.memory_space<hbm>>) target_semaphore(%arg21 : memref<!tpu.dma_semaphore, #tpu.memory_space<semaphore_mem>>)
    %dma_wait3A_299 = arith.constant 0 : i32
    %dma_wait3A_300 = tpu.memref_slice %arg5[%add3A_264, %dma_wait3A_299] : memref<20000x128xf32, #tpu.memory_space<hbm>> -> memref<80x128xf32, #tpu.memory_space<hbm>>
    %dma_wait3A_301 = arith.constant 0 : i32
    %dma_wait3A_302 = tpu.memref_slice %arg5[%add3A_264, %dma_wait3A_301] : memref<20000x128xf32, #tpu.memory_space<hbm>> -> memref<80x128xf32, #tpu.memory_space<hbm>>
    tpu.wait_dma2 semaphore(%arg22 : memref<!tpu.dma_semaphore, #tpu.memory_space<semaphore_mem>>) src(%arg16 : memref<80x128xf32, #tpu.memory_space<vmem>>) dst(%dma_wait3A_302 : memref<80x128xf32, #tpu.memory_space<hbm>>)
    %mul3A_303 = arith.constant 640 : i32
    %mul3A_304 = arith.muli %arg1, %mul3A_303 : i32
    %add3A_305 = arith.constant 320 : i32
    %add3A_306 = arith.addi %mul3A_304, %add3A_305 : i32
    %min3A_307 = arith.constant 9920 : i32
    %min3A_308 = arith.minsi %add3A_306, %min3A_307 : i32
    "tpu.region"() ({
      %run_scoped3A = tpu.sem_alloc : memref<!tpu.dma_semaphore, #tpu.memory_space<semaphore_mem>>
      %dma_start3A_598 = arith.constant 0 : i32
      %dma_start3A_599 = tpu.memref_slice %arg8[%min3A_308, %dma_start3A_598] : memref<10016x128xf32, #tpu.memory_space<vmem_shared>> -> memref<80x128xf32, #tpu.memory_space<vmem_shared>>
      %dma_start3A_600 = arith.constant 0 : i32
      %dma_start3A_601 = tpu.memref_slice %arg8[%min3A_308, %dma_start3A_600] : memref<10016x128xf32, #tpu.memory_space<vmem_shared>> -> memref<80x128xf32, #tpu.memory_space<vmem_shared>>
      tpu.enqueue_dma source(%dma_start3A_601 : memref<80x128xf32, #tpu.memory_space<vmem_shared>>) target(%arg16 : memref<80x128xf32, #tpu.memory_space<vmem>>) target_semaphore(%run_scoped3A : memref<!tpu.dma_semaphore, #tpu.memory_space<semaphore_mem>>)
      %dma_wait3A_602 = arith.constant 0 : i32
      %dma_wait3A_603 = tpu.memref_slice %arg8[%min3A_308, %dma_wait3A_602] : memref<10016x128xf32, #tpu.memory_space<vmem_shared>> -> memref<80x128xf32, #tpu.memory_space<vmem_shared>>
      %dma_wait3A_604 = arith.constant 0 : i32
      %dma_wait3A_605 = tpu.memref_slice %arg8[%min3A_308, %dma_wait3A_604] : memref<10016x128xf32, #tpu.memory_space<vmem_shared>> -> memref<80x128xf32, #tpu.memory_space<vmem_shared>>
      tpu.wait_dma2 semaphore(%run_scoped3A : memref<!tpu.dma_semaphore, #tpu.memory_space<semaphore_mem>>) src(%dma_wait3A_605 : memref<80x128xf32, #tpu.memory_space<vmem_shared>>) dst(%arg16 : memref<80x128xf32, #tpu.memory_space<vmem>>)
      tpu.yield
    }) : () -> ()
    %mul3A_309 = arith.constant 10000 : i32
    %mul3A_310 = arith.muli %arg0, %mul3A_309 : i32
    %add3A_311 = arith.addi %mul3A_310, %min3A_308 : i32
    %dma_start3A_312 = arith.constant 0 : i32
    %dma_start3A_313 = tpu.memref_slice %arg5[%add3A_311, %dma_start3A_312] : memref<20000x128xf32, #tpu.memory_space<hbm>> -> memref<80x128xf32, #tpu.memory_space<hbm>>
    %dma_start3A_314 = arith.constant 0 : i32
    %dma_start3A_315 = tpu.memref_slice %arg5[%add3A_311, %dma_start3A_314] : memref<20000x128xf32, #tpu.memory_space<hbm>> -> memref<80x128xf32, #tpu.memory_space<hbm>>
    tpu.enqueue_dma source(%arg16 : memref<80x128xf32, #tpu.memory_space<vmem>>) target(%dma_start3A_315 : memref<80x128xf32, #tpu.memory_space<hbm>>) target_semaphore(%arg22 : memref<!tpu.dma_semaphore, #tpu.memory_space<semaphore_mem>>)
    %dma_wait3A_316 = arith.constant 0 : i32
    %dma_wait3A_317 = tpu.memref_slice %arg5[%add3A_277, %dma_wait3A_316] : memref<20000x128xf32, #tpu.memory_space<hbm>> -> memref<80x128xf32, #tpu.memory_space<hbm>>
    %dma_wait3A_318 = arith.constant 0 : i32
    %dma_wait3A_319 = tpu.memref_slice %arg5[%add3A_277, %dma_wait3A_318] : memref<20000x128xf32, #tpu.memory_space<hbm>> -> memref<80x128xf32, #tpu.memory_space<hbm>>
    tpu.wait_dma2 semaphore(%arg23 : memref<!tpu.dma_semaphore, #tpu.memory_space<semaphore_mem>>) src(%arg17 : memref<80x128xf32, #tpu.memory_space<vmem>>) dst(%dma_wait3A_319 : memref<80x128xf32, #tpu.memory_space<hbm>>)
    %mul3A_320 = arith.constant 640 : i32
    %mul3A_321 = arith.muli %arg1, %mul3A_320 : i32
    %add3A_322 = arith.constant 400 : i32
    %add3A_323 = arith.addi %mul3A_321, %add3A_322 : i32
    %min3A_324 = arith.constant 9920 : i32
    %min3A_325 = arith.minsi %add3A_323, %min3A_324 : i32
    "tpu.region"() ({
      %run_scoped3A = tpu.sem_alloc : memref<!tpu.dma_semaphore, #tpu.memory_space<semaphore_mem>>
      %dma_start3A_598 = arith.constant 0 : i32
      %dma_start3A_599 = tpu.memref_slice %arg8[%min3A_325, %dma_start3A_598] : memref<10016x128xf32, #tpu.memory_space<vmem_shared>> -> memref<80x128xf32, #tpu.memory_space<vmem_shared>>
      %dma_start3A_600 = arith.constant 0 : i32
      %dma_start3A_601 = tpu.memref_slice %arg8[%min3A_325, %dma_start3A_600] : memref<10016x128xf32, #tpu.memory_space<vmem_shared>> -> memref<80x128xf32, #tpu.memory_space<vmem_shared>>
      tpu.enqueue_dma source(%dma_start3A_601 : memref<80x128xf32, #tpu.memory_space<vmem_shared>>) target(%arg17 : memref<80x128xf32, #tpu.memory_space<vmem>>) target_semaphore(%run_scoped3A : memref<!tpu.dma_semaphore, #tpu.memory_space<semaphore_mem>>)
      %dma_wait3A_602 = arith.constant 0 : i32
      %dma_wait3A_603 = tpu.memref_slice %arg8[%min3A_325, %dma_wait3A_602] : memref<10016x128xf32, #tpu.memory_space<vmem_shared>> -> memref<80x128xf32, #tpu.memory_space<vmem_shared>>
      %dma_wait3A_604 = arith.constant 0 : i32
      %dma_wait3A_605 = tpu.memref_slice %arg8[%min3A_325, %dma_wait3A_604] : memref<10016x128xf32, #tpu.memory_space<vmem_shared>> -> memref<80x128xf32, #tpu.memory_space<vmem_shared>>
      tpu.wait_dma2 semaphore(%run_scoped3A : memref<!tpu.dma_semaphore, #tpu.memory_space<semaphore_mem>>) src(%dma_wait3A_605 : memref<80x128xf32, #tpu.memory_space<vmem_shared>>) dst(%arg17 : memref<80x128xf32, #tpu.memory_space<vmem>>)
      tpu.yield
    }) : () -> ()
    %mul3A_326 = arith.constant 10000 : i32
    %mul3A_327 = arith.muli %arg0, %mul3A_326 : i32
    %add3A_328 = arith.addi %mul3A_327, %min3A_325 : i32
    %dma_start3A_329 = arith.constant 0 : i32
    %dma_start3A_330 = tpu.memref_slice %arg5[%add3A_328, %dma_start3A_329] : memref<20000x128xf32, #tpu.memory_space<hbm>> -> memref<80x128xf32, #tpu.memory_space<hbm>>
    %dma_start3A_331 = arith.constant 0 : i32
    %dma_start3A_332 = tpu.memref_slice %arg5[%add3A_328, %dma_start3A_331] : memref<20000x128xf32, #tpu.memory_space<hbm>> -> memref<80x128xf32, #tpu.memory_space<hbm>>
    tpu.enqueue_dma source(%arg17 : memref<80x128xf32, #tpu.memory_space<vmem>>) target(%dma_start3A_332 : memref<80x128xf32, #tpu.memory_space<hbm>>) target_semaphore(%arg23 : memref<!tpu.dma_semaphore, #tpu.memory_space<semaphore_mem>>)
    %dma_wait3A_333 = arith.constant 0 : i32
    %dma_wait3A_334 = tpu.memref_slice %arg5[%add3A_294, %dma_wait3A_333] : memref<20000x128xf32, #tpu.memory_space<hbm>> -> memref<80x128xf32, #tpu.memory_space<hbm>>
    %dma_wait3A_335 = arith.constant 0 : i32
    %dma_wait3A_336 = tpu.memref_slice %arg5[%add3A_294, %dma_wait3A_335] : memref<20000x128xf32, #tpu.memory_space<hbm>> -> memref<80x128xf32, #tpu.memory_space<hbm>>
    tpu.wait_dma2 semaphore(%arg21 : memref<!tpu.dma_semaphore, #tpu.memory_space<semaphore_mem>>) src(%arg15 : memref<80x128xf32, #tpu.memory_space<vmem>>) dst(%dma_wait3A_336 : memref<80x128xf32, #tpu.memory_space<hbm>>)
    %mul3A_337 = arith.constant 640 : i32
    %mul3A_338 = arith.muli %arg1, %mul3A_337 : i32
    %add3A_339 = arith.constant 480 : i32
    %add3A_340 = arith.addi %mul3A_338, %add3A_339 : i32
    %min3A_341 = arith.constant 9920 : i32
    %min3A_342 = arith.minsi %add3A_340, %min3A_341 : i32
    "tpu.region"() ({
      %run_scoped3A = tpu.sem_alloc : memref<!tpu.dma_semaphore, #tpu.memory_space<semaphore_mem>>
      %dma_start3A_598 = arith.constant 0 : i32
      %dma_start3A_599 = tpu.memref_slice %arg8[%min3A_342, %dma_start3A_598] : memref<10016x128xf32, #tpu.memory_space<vmem_shared>> -> memref<80x128xf32, #tpu.memory_space<vmem_shared>>
      %dma_start3A_600 = arith.constant 0 : i32
      %dma_start3A_601 = tpu.memref_slice %arg8[%min3A_342, %dma_start3A_600] : memref<10016x128xf32, #tpu.memory_space<vmem_shared>> -> memref<80x128xf32, #tpu.memory_space<vmem_shared>>
      tpu.enqueue_dma source(%dma_start3A_601 : memref<80x128xf32, #tpu.memory_space<vmem_shared>>) target(%arg15 : memref<80x128xf32, #tpu.memory_space<vmem>>) target_semaphore(%run_scoped3A : memref<!tpu.dma_semaphore, #tpu.memory_space<semaphore_mem>>)
      %dma_wait3A_602 = arith.constant 0 : i32
      %dma_wait3A_603 = tpu.memref_slice %arg8[%min3A_342, %dma_wait3A_602] : memref<10016x128xf32, #tpu.memory_space<vmem_shared>> -> memref<80x128xf32, #tpu.memory_space<vmem_shared>>
      %dma_wait3A_604 = arith.constant 0 : i32
      %dma_wait3A_605 = tpu.memref_slice %arg8[%min3A_342, %dma_wait3A_604] : memref<10016x128xf32, #tpu.memory_space<vmem_shared>> -> memref<80x128xf32, #tpu.memory_space<vmem_shared>>
      tpu.wait_dma2 semaphore(%run_scoped3A : memref<!tpu.dma_semaphore, #tpu.memory_space<semaphore_mem>>) src(%dma_wait3A_605 : memref<80x128xf32, #tpu.memory_space<vmem_shared>>) dst(%arg15 : memref<80x128xf32, #tpu.memory_space<vmem>>)
      tpu.yield
    }) : () -> ()
    %mul3A_343 = arith.constant 10000 : i32
    %mul3A_344 = arith.muli %arg0, %mul3A_343 : i32
    %add3A_345 = arith.addi %mul3A_344, %min3A_342 : i32
    %dma_start3A_346 = arith.constant 0 : i32
    %dma_start3A_347 = tpu.memref_slice %arg5[%add3A_345, %dma_start3A_346] : memref<20000x128xf32, #tpu.memory_space<hbm>> -> memref<80x128xf32, #tpu.memory_space<hbm>>
    %dma_start3A_348 = arith.constant 0 : i32
    %dma_start3A_349 = tpu.memref_slice %arg5[%add3A_345, %dma_start3A_348] : memref<20000x128xf32, #tpu.memory_space<hbm>> -> memref<80x128xf32, #tpu.memory_space<hbm>>
    tpu.enqueue_dma source(%arg15 : memref<80x128xf32, #tpu.memory_space<vmem>>) target(%dma_start3A_349 : memref<80x128xf32, #tpu.memory_space<hbm>>) target_semaphore(%arg21 : memref<!tpu.dma_semaphore, #tpu.memory_space<semaphore_mem>>)
    %dma_wait3A_350 = arith.constant 0 : i32
    %dma_wait3A_351 = tpu.memref_slice %arg5[%add3A_311, %dma_wait3A_350] : memref<20000x128xf32, #tpu.memory_space<hbm>> -> memref<80x128xf32, #tpu.memory_space<hbm>>
    %dma_wait3A_352 = arith.constant 0 : i32
    %dma_wait3A_353 = tpu.memref_slice %arg5[%add3A_311, %dma_wait3A_352] : memref<20000x128xf32, #tpu.memory_space<hbm>> -> memref<80x128xf32, #tpu.memory_space<hbm>>
    tpu.wait_dma2 semaphore(%arg22 : memref<!tpu.dma_semaphore, #tpu.memory_space<semaphore_mem>>) src(%arg16 : memref<80x128xf32, #tpu.memory_space<vmem>>) dst(%dma_wait3A_353 : memref<80x128xf32, #tpu.memory_space<hbm>>)
    %mul3A_354 = arith.constant 640 : i32
    %mul3A_355 = arith.muli %arg1, %mul3A_354 : i32
    %add3A_356 = arith.constant 560 : i32
    %add3A_357 = arith.addi %mul3A_355, %add3A_356 : i32
    %min3A_358 = arith.constant 9920 : i32
    %min3A_359 = arith.minsi %add3A_357, %min3A_358 : i32
    "tpu.region"() ({
      %run_scoped3A = tpu.sem_alloc : memref<!tpu.dma_semaphore, #tpu.memory_space<semaphore_mem>>
      %dma_start3A_598 = arith.constant 0 : i32
      %dma_start3A_599 = tpu.memref_slice %arg8[%min3A_359, %dma_start3A_598] : memref<10016x128xf32, #tpu.memory_space<vmem_shared>> -> memref<80x128xf32, #tpu.memory_space<vmem_shared>>
      %dma_start3A_600 = arith.constant 0 : i32
      %dma_start3A_601 = tpu.memref_slice %arg8[%min3A_359, %dma_start3A_600] : memref<10016x128xf32, #tpu.memory_space<vmem_shared>> -> memref<80x128xf32, #tpu.memory_space<vmem_shared>>
      tpu.enqueue_dma source(%dma_start3A_601 : memref<80x128xf32, #tpu.memory_space<vmem_shared>>) target(%arg16 : memref<80x128xf32, #tpu.memory_space<vmem>>) target_semaphore(%run_scoped3A : memref<!tpu.dma_semaphore, #tpu.memory_space<semaphore_mem>>)
      %dma_wait3A_602 = arith.constant 0 : i32
      %dma_wait3A_603 = tpu.memref_slice %arg8[%min3A_359, %dma_wait3A_602] : memref<10016x128xf32, #tpu.memory_space<vmem_shared>> -> memref<80x128xf32, #tpu.memory_space<vmem_shared>>
      %dma_wait3A_604 = arith.constant 0 : i32
      %dma_wait3A_605 = tpu.memref_slice %arg8[%min3A_359, %dma_wait3A_604] : memref<10016x128xf32, #tpu.memory_space<vmem_shared>> -> memref<80x128xf32, #tpu.memory_space<vmem_shared>>
      tpu.wait_dma2 semaphore(%run_scoped3A : memref<!tpu.dma_semaphore, #tpu.memory_space<semaphore_mem>>) src(%dma_wait3A_605 : memref<80x128xf32, #tpu.memory_space<vmem_shared>>) dst(%arg16 : memref<80x128xf32, #tpu.memory_space<vmem>>)
      tpu.yield
    }) : () -> ()
    %mul3A_360 = arith.constant 10000 : i32
    %mul3A_361 = arith.muli %arg0, %mul3A_360 : i32
    %add3A_362 = arith.addi %mul3A_361, %min3A_359 : i32
    %dma_start3A_363 = arith.constant 0 : i32
    %dma_start3A_364 = tpu.memref_slice %arg5[%add3A_362, %dma_start3A_363] : memref<20000x128xf32, #tpu.memory_space<hbm>> -> memref<80x128xf32, #tpu.memory_space<hbm>>
    %dma_start3A_365 = arith.constant 0 : i32
    %dma_start3A_366 = tpu.memref_slice %arg5[%add3A_362, %dma_start3A_365] : memref<20000x128xf32, #tpu.memory_space<hbm>> -> memref<80x128xf32, #tpu.memory_space<hbm>>
    tpu.enqueue_dma source(%arg16 : memref<80x128xf32, #tpu.memory_space<vmem>>) target(%dma_start3A_366 : memref<80x128xf32, #tpu.memory_space<hbm>>) target_semaphore(%arg22 : memref<!tpu.dma_semaphore, #tpu.memory_space<semaphore_mem>>)
    %dma_wait3A_367 = arith.constant 0 : i32
    %dma_wait3A_368 = tpu.memref_slice %arg5[%add3A_345, %dma_wait3A_367] : memref<20000x128xf32, #tpu.memory_space<hbm>> -> memref<80x128xf32, #tpu.memory_space<hbm>>
    %dma_wait3A_369 = arith.constant 0 : i32
    %dma_wait3A_370 = tpu.memref_slice %arg5[%add3A_345, %dma_wait3A_369] : memref<20000x128xf32, #tpu.memory_space<hbm>> -> memref<80x128xf32, #tpu.memory_space<hbm>>
    tpu.wait_dma2 semaphore(%arg21 : memref<!tpu.dma_semaphore, #tpu.memory_space<semaphore_mem>>) src(%arg15 : memref<80x128xf32, #tpu.memory_space<vmem>>) dst(%dma_wait3A_370 : memref<80x128xf32, #tpu.memory_space<hbm>>)
    %dma_wait3A_371 = arith.constant 0 : i32
    %dma_wait3A_372 = tpu.memref_slice %arg5[%add3A_362, %dma_wait3A_371] : memref<20000x128xf32, #tpu.memory_space<hbm>> -> memref<80x128xf32, #tpu.memory_space<hbm>>
    %dma_wait3A_373 = arith.constant 0 : i32
    %dma_wait3A_374 = tpu.memref_slice %arg5[%add3A_362, %dma_wait3A_373] : memref<20000x128xf32, #tpu.memory_space<hbm>> -> memref<80x128xf32, #tpu.memory_space<hbm>>
    tpu.wait_dma2 semaphore(%arg22 : memref<!tpu.dma_semaphore, #tpu.memory_space<semaphore_mem>>) src(%arg16 : memref<80x128xf32, #tpu.memory_space<vmem>>) dst(%dma_wait3A_374 : memref<80x128xf32, #tpu.memory_space<hbm>>)
    %dma_wait3A_375 = arith.constant 0 : i32
    %dma_wait3A_376 = tpu.memref_slice %arg5[%add3A_328, %dma_wait3A_375] : memref<20000x128xf32, #tpu.memory_space<hbm>> -> memref<80x128xf32, #tpu.memory_space<hbm>>
    %dma_wait3A_377 = arith.constant 0 : i32
    %dma_wait3A_378 = tpu.memref_slice %arg5[%add3A_328, %dma_wait3A_377] : memref<20000x128xf32, #tpu.memory_space<hbm>> -> memref<80x128xf32, #tpu.memory_space<hbm>>
    tpu.wait_dma2 semaphore(%arg23 : memref<!tpu.dma_semaphore, #tpu.memory_space<semaphore_mem>>) src(%arg17 : memref<80x128xf32, #tpu.memory_space<vmem>>) dst(%dma_wait3A_378 : memref<80x128xf32, #tpu.memory_space<hbm>>)
    %mul3A_379 = arith.constant 640 : i32
    %mul3A_380 = arith.muli %arg1, %mul3A_379 : i32
    %scan3A_381 = arith.constant 0 : i32
    %scan3A_382 = arith.constant 0 : i32
    %scan3A_383 = arith.constant 40 : i32
    %scan3A_384 = arith.addi %scan3A_382, %scan3A_383 : i32
    %scan3A_385 = arith.constant 1 : i32
    scf.for %scan3A_598 = %scan3A_382 to %scan3A_384 step %scan3A_385  : i32 {
      %mul3A_599 = arith.constant 16 : i32
      %mul3A_600 = arith.muli %scan3A_598, %mul3A_599 : i32
      %swap3A = arith.index_cast %mul3A_600 : i32 to index
      %swap3A_601 = tpu.vector_load %arg29[%swap3A] {strides = array<i32>} : memref<640xf32, #tpu.memory_space<vmem>>, vector<16xf32>,
      tpu.vector_store %arg29[%swap3A], %broadcast_in_dim3A_0 {strides = array<i32>} : memref<640xf32, #tpu.memory_space<vmem>>, vector<16xf32>,
    }
    %scan3A_386 = arith.constant 40 : i32
    %mul3A_387 = arith.constant 16 : i32
    %mul3A_388 = arith.muli %arg0, %mul3A_387 : i32
    %add3A_389 = arith.constant 0 : i32
    %add3A_390 = arith.addi %mul3A_388, %add3A_389 : i32
    %mul3A_391 = arith.constant 10240 : i32
    %mul3A_392 = arith.muli %add3A_390, %mul3A_391 : i32
    %add3A_393 = arith.addi %mul3A_392, %mul3A_380 : i32
    "tpu.region"() ({
      %run_scoped3A = tpu.sem_alloc : memref<!tpu.dma_semaphore, #tpu.memory_space<semaphore_mem>>
      %dma_start3A_598 = tpu.memref_slice %arg7[%add3A_393] : memref<327680xf32, #tpu.memory_space<hbm>> -> memref<640xf32, #tpu.memory_space<hbm>>
      %dma_start3A_599 = tpu.memref_slice %arg7[%add3A_393] : memref<327680xf32, #tpu.memory_space<hbm>> -> memref<640xf32, #tpu.memory_space<hbm>>
      tpu.enqueue_dma source(%dma_start3A_599 : memref<640xf32, #tpu.memory_space<hbm>>) target(%arg28 : memref<640xf32, #tpu.memory_space<vmem>>) target_semaphore(%run_scoped3A : memref<!tpu.dma_semaphore, #tpu.memory_space<semaphore_mem>>)
      %dma_wait3A_600 = tpu.memref_slice %arg7[%add3A_393] : memref<327680xf32, #tpu.memory_space<hbm>> -> memref<640xf32, #tpu.memory_space<hbm>>
      %dma_wait3A_601 = tpu.memref_slice %arg7[%add3A_393] : memref<327680xf32, #tpu.memory_space<hbm>> -> memref<640xf32, #tpu.memory_space<hbm>>
      tpu.wait_dma2 semaphore(%run_scoped3A : memref<!tpu.dma_semaphore, #tpu.memory_space<semaphore_mem>>) src(%dma_wait3A_601 : memref<640xf32, #tpu.memory_space<hbm>>) dst(%arg28 : memref<640xf32, #tpu.memory_space<vmem>>)
      tpu.yield
    }) : () -> ()
    %scan3A_394 = arith.constant 0 : i32
    %scan3A_395 = arith.constant 0 : i32
    %scan3A_396 = arith.constant 40 : i32
    %scan3A_397 = arith.addi %scan3A_395, %scan3A_396 : i32
    %scan3A_398 = arith.constant 1 : i32
    scf.for %scan3A_598 = %scan3A_395 to %scan3A_397 step %scan3A_398  : i32 {
      %mul3A_599 = arith.constant 16 : i32
      %mul3A_600 = arith.muli %scan3A_598, %mul3A_599 : i32
      %get3A_601 = arith.index_cast %mul3A_600 : i32 to index
      %get3A_602 = tpu.vector_load %arg29[%get3A_601] {strides = array<i32>} : memref<640xf32, #tpu.memory_space<vmem>>, vector<16xf32>,
      %mul3A_603 = arith.constant 16 : i32
      %mul3A_604 = arith.muli %scan3A_598, %mul3A_603 : i32
      %get3A_605 = arith.index_cast %mul3A_604 : i32 to index
      %get3A_606 = tpu.vector_load %arg28[%get3A_605] {strides = array<i32>} : memref<640xf32, #tpu.memory_space<vmem>>, vector<16xf32>,
      %add3A_607 = arith.addf %get3A_602, %get3A_606 : vector<16xf32>
      %mul3A_608 = arith.constant 16 : i32
      %mul3A_609 = arith.muli %scan3A_598, %mul3A_608 : i32
      %swap3A = arith.index_cast %mul3A_609 : i32 to index
      %swap3A_610 = tpu.vector_load %arg29[%swap3A] {strides = array<i32>} : memref<640xf32, #tpu.memory_space<vmem>>, vector<16xf32>,
      tpu.vector_store %arg29[%swap3A], %add3A_607 {strides = array<i32>} : memref<640xf32, #tpu.memory_space<vmem>>, vector<16xf32>,
    }
    %scan3A_399 = arith.constant 40 : i32
    %mul3A_400 = arith.constant 16 : i32
    %mul3A_401 = arith.muli %arg0, %mul3A_400 : i32
    %add3A_402 = arith.constant 1 : i32
    %add3A_403 = arith.addi %mul3A_401, %add3A_402 : i32
    %mul3A_404 = arith.constant 10240 : i32
    %mul3A_405 = arith.muli %add3A_403, %mul3A_404 : i32
    %add3A_406 = arith.addi %mul3A_405, %mul3A_380 : i32
    "tpu.region"() ({
      %run_scoped3A = tpu.sem_alloc : memref<!tpu.dma_semaphore, #tpu.memory_space<semaphore_mem>>
      %dma_start3A_598 = tpu.memref_slice %arg7[%add3A_406] : memref<327680xf32, #tpu.memory_space<hbm>> -> memref<640xf32, #tpu.memory_space<hbm>>
      %dma_start3A_599 = tpu.memref_slice %arg7[%add3A_406] : memref<327680xf32, #tpu.memory_space<hbm>> -> memref<640xf32, #tpu.memory_space<hbm>>
      tpu.enqueue_dma source(%dma_start3A_599 : memref<640xf32, #tpu.memory_space<hbm>>) target(%arg28 : memref<640xf32, #tpu.memory_space<vmem>>) target_semaphore(%run_scoped3A : memref<!tpu.dma_semaphore, #tpu.memory_space<semaphore_mem>>)
      %dma_wait3A_600 = tpu.memref_slice %arg7[%add3A_406] : memref<327680xf32, #tpu.memory_space<hbm>> -> memref<640xf32, #tpu.memory_space<hbm>>
      %dma_wait3A_601 = tpu.memref_slice %arg7[%add3A_406] : memref<327680xf32, #tpu.memory_space<hbm>> -> memref<640xf32, #tpu.memory_space<hbm>>
      tpu.wait_dma2 semaphore(%run_scoped3A : memref<!tpu.dma_semaphore, #tpu.memory_space<semaphore_mem>>) src(%dma_wait3A_601 : memref<640xf32, #tpu.memory_space<hbm>>) dst(%arg28 : memref<640xf32, #tpu.memory_space<vmem>>)
      tpu.yield
    }) : () -> ()
    %scan3A_407 = arith.constant 0 : i32
    %scan3A_408 = arith.constant 0 : i32
    %scan3A_409 = arith.constant 40 : i32
    %scan3A_410 = arith.addi %scan3A_408, %scan3A_409 : i32
    %scan3A_411 = arith.constant 1 : i32
    scf.for %scan3A_598 = %scan3A_408 to %scan3A_410 step %scan3A_411  : i32 {
      %mul3A_599 = arith.constant 16 : i32
      %mul3A_600 = arith.muli %scan3A_598, %mul3A_599 : i32
      %get3A_601 = arith.index_cast %mul3A_600 : i32 to index
      %get3A_602 = tpu.vector_load %arg29[%get3A_601] {strides = array<i32>} : memref<640xf32, #tpu.memory_space<vmem>>, vector<16xf32>,
      %mul3A_603 = arith.constant 16 : i32
      %mul3A_604 = arith.muli %scan3A_598, %mul3A_603 : i32
      %get3A_605 = arith.index_cast %mul3A_604 : i32 to index
      %get3A_606 = tpu.vector_load %arg28[%get3A_605] {strides = array<i32>} : memref<640xf32, #tpu.memory_space<vmem>>, vector<16xf32>,
      %add3A_607 = arith.addf %get3A_602, %get3A_606 : vector<16xf32>
      %mul3A_608 = arith.constant 16 : i32
      %mul3A_609 = arith.muli %scan3A_598, %mul3A_608 : i32
      %swap3A = arith.index_cast %mul3A_609 : i32 to index
      %swap3A_610 = tpu.vector_load %arg29[%swap3A] {strides = array<i32>} : memref<640xf32, #tpu.memory_space<vmem>>, vector<16xf32>,
      tpu.vector_store %arg29[%swap3A], %add3A_607 {strides = array<i32>} : memref<640xf32, #tpu.memory_space<vmem>>, vector<16xf32>,
    }
    %scan3A_412 = arith.constant 40 : i32
    %mul3A_413 = arith.constant 16 : i32
    %mul3A_414 = arith.muli %arg0, %mul3A_413 : i32
    %add3A_415 = arith.constant 2 : i32
    %add3A_416 = arith.addi %mul3A_414, %add3A_415 : i32
    %mul3A_417 = arith.constant 10240 : i32
    %mul3A_418 = arith.muli %add3A_416, %mul3A_417 : i32
    %add3A_419 = arith.addi %mul3A_418, %mul3A_380 : i32
    "tpu.region"() ({
      %run_scoped3A = tpu.sem_alloc : memref<!tpu.dma_semaphore, #tpu.memory_space<semaphore_mem>>
      %dma_start3A_598 = tpu.memref_slice %arg7[%add3A_419] : memref<327680xf32, #tpu.memory_space<hbm>> -> memref<640xf32, #tpu.memory_space<hbm>>
      %dma_start3A_599 = tpu.memref_slice %arg7[%add3A_419] : memref<327680xf32, #tpu.memory_space<hbm>> -> memref<640xf32, #tpu.memory_space<hbm>>
      tpu.enqueue_dma source(%dma_start3A_599 : memref<640xf32, #tpu.memory_space<hbm>>) target(%arg28 : memref<640xf32, #tpu.memory_space<vmem>>) target_semaphore(%run_scoped3A : memref<!tpu.dma_semaphore, #tpu.memory_space<semaphore_mem>>)
      %dma_wait3A_600 = tpu.memref_slice %arg7[%add3A_419] : memref<327680xf32, #tpu.memory_space<hbm>> -> memref<640xf32, #tpu.memory_space<hbm>>
      %dma_wait3A_601 = tpu.memref_slice %arg7[%add3A_419] : memref<327680xf32, #tpu.memory_space<hbm>> -> memref<640xf32, #tpu.memory_space<hbm>>
      tpu.wait_dma2 semaphore(%run_scoped3A : memref<!tpu.dma_semaphore, #tpu.memory_space<semaphore_mem>>) src(%dma_wait3A_601 : memref<640xf32, #tpu.memory_space<hbm>>) dst(%arg28 : memref<640xf32, #tpu.memory_space<vmem>>)
      tpu.yield
    }) : () -> ()
    %scan3A_420 = arith.constant 0 : i32
    %scan3A_421 = arith.constant 0 : i32
    %scan3A_422 = arith.constant 40 : i32
    %scan3A_423 = arith.addi %scan3A_421, %scan3A_422 : i32
    %scan3A_424 = arith.constant 1 : i32
    scf.for %scan3A_598 = %scan3A_421 to %scan3A_423 step %scan3A_424  : i32 {
      %mul3A_599 = arith.constant 16 : i32
      %mul3A_600 = arith.muli %scan3A_598, %mul3A_599 : i32
      %get3A_601 = arith.index_cast %mul3A_600 : i32 to index
      %get3A_602 = tpu.vector_load %arg29[%get3A_601] {strides = array<i32>} : memref<640xf32, #tpu.memory_space<vmem>>, vector<16xf32>,
      %mul3A_603 = arith.constant 16 : i32
      %mul3A_604 = arith.muli %scan3A_598, %mul3A_603 : i32
      %get3A_605 = arith.index_cast %mul3A_604 : i32 to index
      %get3A_606 = tpu.vector_load %arg28[%get3A_605] {strides = array<i32>} : memref<640xf32, #tpu.memory_space<vmem>>, vector<16xf32>,
      %add3A_607 = arith.addf %get3A_602, %get3A_606 : vector<16xf32>
      %mul3A_608 = arith.constant 16 : i32
      %mul3A_609 = arith.muli %scan3A_598, %mul3A_608 : i32
      %swap3A = arith.index_cast %mul3A_609 : i32 to index
      %swap3A_610 = tpu.vector_load %arg29[%swap3A] {strides = array<i32>} : memref<640xf32, #tpu.memory_space<vmem>>, vector<16xf32>,
      tpu.vector_store %arg29[%swap3A], %add3A_607 {strides = array<i32>} : memref<640xf32, #tpu.memory_space<vmem>>, vector<16xf32>,
    }
    %scan3A_425 = arith.constant 40 : i32
    %mul3A_426 = arith.constant 16 : i32
    %mul3A_427 = arith.muli %arg0, %mul3A_426 : i32
    %add3A_428 = arith.constant 3 : i32
    %add3A_429 = arith.addi %mul3A_427, %add3A_428 : i32
    %mul3A_430 = arith.constant 10240 : i32
    %mul3A_431 = arith.muli %add3A_429, %mul3A_430 : i32
    %add3A_432 = arith.addi %mul3A_431, %mul3A_380 : i32
    "tpu.region"() ({
      %run_scoped3A = tpu.sem_alloc : memref<!tpu.dma_semaphore, #tpu.memory_space<semaphore_mem>>
      %dma_start3A_598 = tpu.memref_slice %arg7[%add3A_432] : memref<327680xf32, #tpu.memory_space<hbm>> -> memref<640xf32, #tpu.memory_space<hbm>>
      %dma_start3A_599 = tpu.memref_slice %arg7[%add3A_432] : memref<327680xf32, #tpu.memory_space<hbm>> -> memref<640xf32, #tpu.memory_space<hbm>>
      tpu.enqueue_dma source(%dma_start3A_599 : memref<640xf32, #tpu.memory_space<hbm>>) target(%arg28 : memref<640xf32, #tpu.memory_space<vmem>>) target_semaphore(%run_scoped3A : memref<!tpu.dma_semaphore, #tpu.memory_space<semaphore_mem>>)
      %dma_wait3A_600 = tpu.memref_slice %arg7[%add3A_432] : memref<327680xf32, #tpu.memory_space<hbm>> -> memref<640xf32, #tpu.memory_space<hbm>>
      %dma_wait3A_601 = tpu.memref_slice %arg7[%add3A_432] : memref<327680xf32, #tpu.memory_space<hbm>> -> memref<640xf32, #tpu.memory_space<hbm>>
      tpu.wait_dma2 semaphore(%run_scoped3A : memref<!tpu.dma_semaphore, #tpu.memory_space<semaphore_mem>>) src(%dma_wait3A_601 : memref<640xf32, #tpu.memory_space<hbm>>) dst(%arg28 : memref<640xf32, #tpu.memory_space<vmem>>)
      tpu.yield
    }) : () -> ()
    %scan3A_433 = arith.constant 0 : i32
    %scan3A_434 = arith.constant 0 : i32
    %scan3A_435 = arith.constant 40 : i32
    %scan3A_436 = arith.addi %scan3A_434, %scan3A_435 : i32
    %scan3A_437 = arith.constant 1 : i32
    scf.for %scan3A_598 = %scan3A_434 to %scan3A_436 step %scan3A_437  : i32 {
      %mul3A_599 = arith.constant 16 : i32
      %mul3A_600 = arith.muli %scan3A_598, %mul3A_599 : i32
      %get3A_601 = arith.index_cast %mul3A_600 : i32 to index
      %get3A_602 = tpu.vector_load %arg29[%get3A_601] {strides = array<i32>} : memref<640xf32, #tpu.memory_space<vmem>>, vector<16xf32>,
      %mul3A_603 = arith.constant 16 : i32
      %mul3A_604 = arith.muli %scan3A_598, %mul3A_603 : i32
      %get3A_605 = arith.index_cast %mul3A_604 : i32 to index
      %get3A_606 = tpu.vector_load %arg28[%get3A_605] {strides = array<i32>} : memref<640xf32, #tpu.memory_space<vmem>>, vector<16xf32>,
      %add3A_607 = arith.addf %get3A_602, %get3A_606 : vector<16xf32>
      %mul3A_608 = arith.constant 16 : i32
      %mul3A_609 = arith.muli %scan3A_598, %mul3A_608 : i32
      %swap3A = arith.index_cast %mul3A_609 : i32 to index
      %swap3A_610 = tpu.vector_load %arg29[%swap3A] {strides = array<i32>} : memref<640xf32, #tpu.memory_space<vmem>>, vector<16xf32>,
      tpu.vector_store %arg29[%swap3A], %add3A_607 {strides = array<i32>} : memref<640xf32, #tpu.memory_space<vmem>>, vector<16xf32>,
    }
    %scan3A_438 = arith.constant 40 : i32
    %mul3A_439 = arith.constant 16 : i32
    %mul3A_440 = arith.muli %arg0, %mul3A_439 : i32
    %add3A_441 = arith.constant 4 : i32
    %add3A_442 = arith.addi %mul3A_440, %add3A_441 : i32
    %mul3A_443 = arith.constant 10240 : i32
    %mul3A_444 = arith.muli %add3A_442, %mul3A_443 : i32
    %add3A_445 = arith.addi %mul3A_444, %mul3A_380 : i32
    "tpu.region"() ({
      %run_scoped3A = tpu.sem_alloc : memref<!tpu.dma_semaphore, #tpu.memory_space<semaphore_mem>>
      %dma_start3A_598 = tpu.memref_slice %arg7[%add3A_445] : memref<327680xf32, #tpu.memory_space<hbm>> -> memref<640xf32, #tpu.memory_space<hbm>>
      %dma_start3A_599 = tpu.memref_slice %arg7[%add3A_445] : memref<327680xf32, #tpu.memory_space<hbm>> -> memref<640xf32, #tpu.memory_space<hbm>>
      tpu.enqueue_dma source(%dma_start3A_599 : memref<640xf32, #tpu.memory_space<hbm>>) target(%arg28 : memref<640xf32, #tpu.memory_space<vmem>>) target_semaphore(%run_scoped3A : memref<!tpu.dma_semaphore, #tpu.memory_space<semaphore_mem>>)
      %dma_wait3A_600 = tpu.memref_slice %arg7[%add3A_445] : memref<327680xf32, #tpu.memory_space<hbm>> -> memref<640xf32, #tpu.memory_space<hbm>>
      %dma_wait3A_601 = tpu.memref_slice %arg7[%add3A_445] : memref<327680xf32, #tpu.memory_space<hbm>> -> memref<640xf32, #tpu.memory_space<hbm>>
      tpu.wait_dma2 semaphore(%run_scoped3A : memref<!tpu.dma_semaphore, #tpu.memory_space<semaphore_mem>>) src(%dma_wait3A_601 : memref<640xf32, #tpu.memory_space<hbm>>) dst(%arg28 : memref<640xf32, #tpu.memory_space<vmem>>)
      tpu.yield
    }) : () -> ()
    %scan3A_446 = arith.constant 0 : i32
    %scan3A_447 = arith.constant 0 : i32
    %scan3A_448 = arith.constant 40 : i32
    %scan3A_449 = arith.addi %scan3A_447, %scan3A_448 : i32
    %scan3A_450 = arith.constant 1 : i32
    scf.for %scan3A_598 = %scan3A_447 to %scan3A_449 step %scan3A_450  : i32 {
      %mul3A_599 = arith.constant 16 : i32
      %mul3A_600 = arith.muli %scan3A_598, %mul3A_599 : i32
      %get3A_601 = arith.index_cast %mul3A_600 : i32 to index
      %get3A_602 = tpu.vector_load %arg29[%get3A_601] {strides = array<i32>} : memref<640xf32, #tpu.memory_space<vmem>>, vector<16xf32>,
      %mul3A_603 = arith.constant 16 : i32
      %mul3A_604 = arith.muli %scan3A_598, %mul3A_603 : i32
      %get3A_605 = arith.index_cast %mul3A_604 : i32 to index
      %get3A_606 = tpu.vector_load %arg28[%get3A_605] {strides = array<i32>} : memref<640xf32, #tpu.memory_space<vmem>>, vector<16xf32>,
      %add3A_607 = arith.addf %get3A_602, %get3A_606 : vector<16xf32>
      %mul3A_608 = arith.constant 16 : i32
      %mul3A_609 = arith.muli %scan3A_598, %mul3A_608 : i32
      %swap3A = arith.index_cast %mul3A_609 : i32 to index
      %swap3A_610 = tpu.vector_load %arg29[%swap3A] {strides = array<i32>} : memref<640xf32, #tpu.memory_space<vmem>>, vector<16xf32>,
      tpu.vector_store %arg29[%swap3A], %add3A_607 {strides = array<i32>} : memref<640xf32, #tpu.memory_space<vmem>>, vector<16xf32>,
    }
    %scan3A_451 = arith.constant 40 : i32
    %mul3A_452 = arith.constant 16 : i32
    %mul3A_453 = arith.muli %arg0, %mul3A_452 : i32
    %add3A_454 = arith.constant 5 : i32
    %add3A_455 = arith.addi %mul3A_453, %add3A_454 : i32
    %mul3A_456 = arith.constant 10240 : i32
    %mul3A_457 = arith.muli %add3A_455, %mul3A_456 : i32
    %add3A_458 = arith.addi %mul3A_457, %mul3A_380 : i32
    "tpu.region"() ({
      %run_scoped3A = tpu.sem_alloc : memref<!tpu.dma_semaphore, #tpu.memory_space<semaphore_mem>>
      %dma_start3A_598 = tpu.memref_slice %arg7[%add3A_458] : memref<327680xf32, #tpu.memory_space<hbm>> -> memref<640xf32, #tpu.memory_space<hbm>>
      %dma_start3A_599 = tpu.memref_slice %arg7[%add3A_458] : memref<327680xf32, #tpu.memory_space<hbm>> -> memref<640xf32, #tpu.memory_space<hbm>>
      tpu.enqueue_dma source(%dma_start3A_599 : memref<640xf32, #tpu.memory_space<hbm>>) target(%arg28 : memref<640xf32, #tpu.memory_space<vmem>>) target_semaphore(%run_scoped3A : memref<!tpu.dma_semaphore, #tpu.memory_space<semaphore_mem>>)
      %dma_wait3A_600 = tpu.memref_slice %arg7[%add3A_458] : memref<327680xf32, #tpu.memory_space<hbm>> -> memref<640xf32, #tpu.memory_space<hbm>>
      %dma_wait3A_601 = tpu.memref_slice %arg7[%add3A_458] : memref<327680xf32, #tpu.memory_space<hbm>> -> memref<640xf32, #tpu.memory_space<hbm>>
      tpu.wait_dma2 semaphore(%run_scoped3A : memref<!tpu.dma_semaphore, #tpu.memory_space<semaphore_mem>>) src(%dma_wait3A_601 : memref<640xf32, #tpu.memory_space<hbm>>) dst(%arg28 : memref<640xf32, #tpu.memory_space<vmem>>)
      tpu.yield
    }) : () -> ()
    %scan3A_459 = arith.constant 0 : i32
    %scan3A_460 = arith.constant 0 : i32
    %scan3A_461 = arith.constant 40 : i32
    %scan3A_462 = arith.addi %scan3A_460, %scan3A_461 : i32
    %scan3A_463 = arith.constant 1 : i32
    scf.for %scan3A_598 = %scan3A_460 to %scan3A_462 step %scan3A_463  : i32 {
      %mul3A_599 = arith.constant 16 : i32
      %mul3A_600 = arith.muli %scan3A_598, %mul3A_599 : i32
      %get3A_601 = arith.index_cast %mul3A_600 : i32 to index
      %get3A_602 = tpu.vector_load %arg29[%get3A_601] {strides = array<i32>} : memref<640xf32, #tpu.memory_space<vmem>>, vector<16xf32>,
      %mul3A_603 = arith.constant 16 : i32
      %mul3A_604 = arith.muli %scan3A_598, %mul3A_603 : i32
      %get3A_605 = arith.index_cast %mul3A_604 : i32 to index
      %get3A_606 = tpu.vector_load %arg28[%get3A_605] {strides = array<i32>} : memref<640xf32, #tpu.memory_space<vmem>>, vector<16xf32>,
      %add3A_607 = arith.addf %get3A_602, %get3A_606 : vector<16xf32>
      %mul3A_608 = arith.constant 16 : i32
      %mul3A_609 = arith.muli %scan3A_598, %mul3A_608 : i32
      %swap3A = arith.index_cast %mul3A_609 : i32 to index
      %swap3A_610 = tpu.vector_load %arg29[%swap3A] {strides = array<i32>} : memref<640xf32, #tpu.memory_space<vmem>>, vector<16xf32>,
      tpu.vector_store %arg29[%swap3A], %add3A_607 {strides = array<i32>} : memref<640xf32, #tpu.memory_space<vmem>>, vector<16xf32>,
    }
    %scan3A_464 = arith.constant 40 : i32
    %mul3A_465 = arith.constant 16 : i32
    %mul3A_466 = arith.muli %arg0, %mul3A_465 : i32
    %add3A_467 = arith.constant 6 : i32
    %add3A_468 = arith.addi %mul3A_466, %add3A_467 : i32
    %mul3A_469 = arith.constant 10240 : i32
    %mul3A_470 = arith.muli %add3A_468, %mul3A_469 : i32
    %add3A_471 = arith.addi %mul3A_470, %mul3A_380 : i32
    "tpu.region"() ({
      %run_scoped3A = tpu.sem_alloc : memref<!tpu.dma_semaphore, #tpu.memory_space<semaphore_mem>>
      %dma_start3A_598 = tpu.memref_slice %arg7[%add3A_471] : memref<327680xf32, #tpu.memory_space<hbm>> -> memref<640xf32, #tpu.memory_space<hbm>>
      %dma_start3A_599 = tpu.memref_slice %arg7[%add3A_471] : memref<327680xf32, #tpu.memory_space<hbm>> -> memref<640xf32, #tpu.memory_space<hbm>>
      tpu.enqueue_dma source(%dma_start3A_599 : memref<640xf32, #tpu.memory_space<hbm>>) target(%arg28 : memref<640xf32, #tpu.memory_space<vmem>>) target_semaphore(%run_scoped3A : memref<!tpu.dma_semaphore, #tpu.memory_space<semaphore_mem>>)
      %dma_wait3A_600 = tpu.memref_slice %arg7[%add3A_471] : memref<327680xf32, #tpu.memory_space<hbm>> -> memref<640xf32, #tpu.memory_space<hbm>>
      %dma_wait3A_601 = tpu.memref_slice %arg7[%add3A_471] : memref<327680xf32, #tpu.memory_space<hbm>> -> memref<640xf32, #tpu.memory_space<hbm>>
      tpu.wait_dma2 semaphore(%run_scoped3A : memref<!tpu.dma_semaphore, #tpu.memory_space<semaphore_mem>>) src(%dma_wait3A_601 : memref<640xf32, #tpu.memory_space<hbm>>) dst(%arg28 : memref<640xf32, #tpu.memory_space<vmem>>)
      tpu.yield
    }) : () -> ()
    %scan3A_472 = arith.constant 0 : i32
    %scan3A_473 = arith.constant 0 : i32
    %scan3A_474 = arith.constant 40 : i32
    %scan3A_475 = arith.addi %scan3A_473, %scan3A_474 : i32
    %scan3A_476 = arith.constant 1 : i32
    scf.for %scan3A_598 = %scan3A_473 to %scan3A_475 step %scan3A_476  : i32 {
      %mul3A_599 = arith.constant 16 : i32
      %mul3A_600 = arith.muli %scan3A_598, %mul3A_599 : i32
      %get3A_601 = arith.index_cast %mul3A_600 : i32 to index
      %get3A_602 = tpu.vector_load %arg29[%get3A_601] {strides = array<i32>} : memref<640xf32, #tpu.memory_space<vmem>>, vector<16xf32>,
      %mul3A_603 = arith.constant 16 : i32
      %mul3A_604 = arith.muli %scan3A_598, %mul3A_603 : i32
      %get3A_605 = arith.index_cast %mul3A_604 : i32 to index
      %get3A_606 = tpu.vector_load %arg28[%get3A_605] {strides = array<i32>} : memref<640xf32, #tpu.memory_space<vmem>>, vector<16xf32>,
      %add3A_607 = arith.addf %get3A_602, %get3A_606 : vector<16xf32>
      %mul3A_608 = arith.constant 16 : i32
      %mul3A_609 = arith.muli %scan3A_598, %mul3A_608 : i32
      %swap3A = arith.index_cast %mul3A_609 : i32 to index
      %swap3A_610 = tpu.vector_load %arg29[%swap3A] {strides = array<i32>} : memref<640xf32, #tpu.memory_space<vmem>>, vector<16xf32>,
      tpu.vector_store %arg29[%swap3A], %add3A_607 {strides = array<i32>} : memref<640xf32, #tpu.memory_space<vmem>>, vector<16xf32>,
    }
    %scan3A_477 = arith.constant 40 : i32
    %mul3A_478 = arith.constant 16 : i32
    %mul3A_479 = arith.muli %arg0, %mul3A_478 : i32
    %add3A_480 = arith.constant 7 : i32
    %add3A_481 = arith.addi %mul3A_479, %add3A_480 : i32
    %mul3A_482 = arith.constant 10240 : i32
    %mul3A_483 = arith.muli %add3A_481, %mul3A_482 : i32
    %add3A_484 = arith.addi %mul3A_483, %mul3A_380 : i32
    "tpu.region"() ({
      %run_scoped3A = tpu.sem_alloc : memref<!tpu.dma_semaphore, #tpu.memory_space<semaphore_mem>>
      %dma_start3A_598 = tpu.memref_slice %arg7[%add3A_484] : memref<327680xf32, #tpu.memory_space<hbm>> -> memref<640xf32, #tpu.memory_space<hbm>>
      %dma_start3A_599 = tpu.memref_slice %arg7[%add3A_484] : memref<327680xf32, #tpu.memory_space<hbm>> -> memref<640xf32, #tpu.memory_space<hbm>>
      tpu.enqueue_dma source(%dma_start3A_599 : memref<640xf32, #tpu.memory_space<hbm>>) target(%arg28 : memref<640xf32, #tpu.memory_space<vmem>>) target_semaphore(%run_scoped3A : memref<!tpu.dma_semaphore, #tpu.memory_space<semaphore_mem>>)
      %dma_wait3A_600 = tpu.memref_slice %arg7[%add3A_484] : memref<327680xf32, #tpu.memory_space<hbm>> -> memref<640xf32, #tpu.memory_space<hbm>>
      %dma_wait3A_601 = tpu.memref_slice %arg7[%add3A_484] : memref<327680xf32, #tpu.memory_space<hbm>> -> memref<640xf32, #tpu.memory_space<hbm>>
      tpu.wait_dma2 semaphore(%run_scoped3A : memref<!tpu.dma_semaphore, #tpu.memory_space<semaphore_mem>>) src(%dma_wait3A_601 : memref<640xf32, #tpu.memory_space<hbm>>) dst(%arg28 : memref<640xf32, #tpu.memory_space<vmem>>)
      tpu.yield
    }) : () -> ()
    %scan3A_485 = arith.constant 0 : i32
    %scan3A_486 = arith.constant 0 : i32
    %scan3A_487 = arith.constant 40 : i32
    %scan3A_488 = arith.addi %scan3A_486, %scan3A_487 : i32
    %scan3A_489 = arith.constant 1 : i32
    scf.for %scan3A_598 = %scan3A_486 to %scan3A_488 step %scan3A_489  : i32 {
      %mul3A_599 = arith.constant 16 : i32
      %mul3A_600 = arith.muli %scan3A_598, %mul3A_599 : i32
      %get3A_601 = arith.index_cast %mul3A_600 : i32 to index
      %get3A_602 = tpu.vector_load %arg29[%get3A_601] {strides = array<i32>} : memref<640xf32, #tpu.memory_space<vmem>>, vector<16xf32>,
      %mul3A_603 = arith.constant 16 : i32
      %mul3A_604 = arith.muli %scan3A_598, %mul3A_603 : i32
      %get3A_605 = arith.index_cast %mul3A_604 : i32 to index
      %get3A_606 = tpu.vector_load %arg28[%get3A_605] {strides = array<i32>} : memref<640xf32, #tpu.memory_space<vmem>>, vector<16xf32>,
      %add3A_607 = arith.addf %get3A_602, %get3A_606 : vector<16xf32>
      %mul3A_608 = arith.constant 16 : i32
      %mul3A_609 = arith.muli %scan3A_598, %mul3A_608 : i32
      %swap3A = arith.index_cast %mul3A_609 : i32 to index
      %swap3A_610 = tpu.vector_load %arg29[%swap3A] {strides = array<i32>} : memref<640xf32, #tpu.memory_space<vmem>>, vector<16xf32>,
      tpu.vector_store %arg29[%swap3A], %add3A_607 {strides = array<i32>} : memref<640xf32, #tpu.memory_space<vmem>>, vector<16xf32>,
    }
    %scan3A_490 = arith.constant 40 : i32
    %mul3A_491 = arith.constant 16 : i32
    %mul3A_492 = arith.muli %arg0, %mul3A_491 : i32
    %add3A_493 = arith.constant 8 : i32
    %add3A_494 = arith.addi %mul3A_492, %add3A_493 : i32
    %mul3A_495 = arith.constant 10240 : i32
    %mul3A_496 = arith.muli %add3A_494, %mul3A_495 : i32
    %add3A_497 = arith.addi %mul3A_496, %mul3A_380 : i32
    "tpu.region"() ({
      %run_scoped3A = tpu.sem_alloc : memref<!tpu.dma_semaphore, #tpu.memory_space<semaphore_mem>>
      %dma_start3A_598 = tpu.memref_slice %arg7[%add3A_497] : memref<327680xf32, #tpu.memory_space<hbm>> -> memref<640xf32, #tpu.memory_space<hbm>>
      %dma_start3A_599 = tpu.memref_slice %arg7[%add3A_497] : memref<327680xf32, #tpu.memory_space<hbm>> -> memref<640xf32, #tpu.memory_space<hbm>>
      tpu.enqueue_dma source(%dma_start3A_599 : memref<640xf32, #tpu.memory_space<hbm>>) target(%arg28 : memref<640xf32, #tpu.memory_space<vmem>>) target_semaphore(%run_scoped3A : memref<!tpu.dma_semaphore, #tpu.memory_space<semaphore_mem>>)
      %dma_wait3A_600 = tpu.memref_slice %arg7[%add3A_497] : memref<327680xf32, #tpu.memory_space<hbm>> -> memref<640xf32, #tpu.memory_space<hbm>>
      %dma_wait3A_601 = tpu.memref_slice %arg7[%add3A_497] : memref<327680xf32, #tpu.memory_space<hbm>> -> memref<640xf32, #tpu.memory_space<hbm>>
      tpu.wait_dma2 semaphore(%run_scoped3A : memref<!tpu.dma_semaphore, #tpu.memory_space<semaphore_mem>>) src(%dma_wait3A_601 : memref<640xf32, #tpu.memory_space<hbm>>) dst(%arg28 : memref<640xf32, #tpu.memory_space<vmem>>)
      tpu.yield
    }) : () -> ()
    %scan3A_498 = arith.constant 0 : i32
    %scan3A_499 = arith.constant 0 : i32
    %scan3A_500 = arith.constant 40 : i32
    %scan3A_501 = arith.addi %scan3A_499, %scan3A_500 : i32
    %scan3A_502 = arith.constant 1 : i32
    scf.for %scan3A_598 = %scan3A_499 to %scan3A_501 step %scan3A_502  : i32 {
      %mul3A_599 = arith.constant 16 : i32
      %mul3A_600 = arith.muli %scan3A_598, %mul3A_599 : i32
      %get3A_601 = arith.index_cast %mul3A_600 : i32 to index
      %get3A_602 = tpu.vector_load %arg29[%get3A_601] {strides = array<i32>} : memref<640xf32, #tpu.memory_space<vmem>>, vector<16xf32>,
      %mul3A_603 = arith.constant 16 : i32
      %mul3A_604 = arith.muli %scan3A_598, %mul3A_603 : i32
      %get3A_605 = arith.index_cast %mul3A_604 : i32 to index
      %get3A_606 = tpu.vector_load %arg28[%get3A_605] {strides = array<i32>} : memref<640xf32, #tpu.memory_space<vmem>>, vector<16xf32>,
      %add3A_607 = arith.addf %get3A_602, %get3A_606 : vector<16xf32>
      %mul3A_608 = arith.constant 16 : i32
      %mul3A_609 = arith.muli %scan3A_598, %mul3A_608 : i32
      %swap3A = arith.index_cast %mul3A_609 : i32 to index
      %swap3A_610 = tpu.vector_load %arg29[%swap3A] {strides = array<i32>} : memref<640xf32, #tpu.memory_space<vmem>>, vector<16xf32>,
      tpu.vector_store %arg29[%swap3A], %add3A_607 {strides = array<i32>} : memref<640xf32, #tpu.memory_space<vmem>>, vector<16xf32>,
    }
    %scan3A_503 = arith.constant 40 : i32
    %mul3A_504 = arith.constant 16 : i32
    %mul3A_505 = arith.muli %arg0, %mul3A_504 : i32
    %add3A_506 = arith.constant 9 : i32
    %add3A_507 = arith.addi %mul3A_505, %add3A_506 : i32
    %mul3A_508 = arith.constant 10240 : i32
    %mul3A_509 = arith.muli %add3A_507, %mul3A_508 : i32
    %add3A_510 = arith.addi %mul3A_509, %mul3A_380 : i32
    "tpu.region"() ({
      %run_scoped3A = tpu.sem_alloc : memref<!tpu.dma_semaphore, #tpu.memory_space<semaphore_mem>>
      %dma_start3A_598 = tpu.memref_slice %arg7[%add3A_510] : memref<327680xf32, #tpu.memory_space<hbm>> -> memref<640xf32, #tpu.memory_space<hbm>>
      %dma_start3A_599 = tpu.memref_slice %arg7[%add3A_510] : memref<327680xf32, #tpu.memory_space<hbm>> -> memref<640xf32, #tpu.memory_space<hbm>>
      tpu.enqueue_dma source(%dma_start3A_599 : memref<640xf32, #tpu.memory_space<hbm>>) target(%arg28 : memref<640xf32, #tpu.memory_space<vmem>>) target_semaphore(%run_scoped3A : memref<!tpu.dma_semaphore, #tpu.memory_space<semaphore_mem>>)
      %dma_wait3A_600 = tpu.memref_slice %arg7[%add3A_510] : memref<327680xf32, #tpu.memory_space<hbm>> -> memref<640xf32, #tpu.memory_space<hbm>>
      %dma_wait3A_601 = tpu.memref_slice %arg7[%add3A_510] : memref<327680xf32, #tpu.memory_space<hbm>> -> memref<640xf32, #tpu.memory_space<hbm>>
      tpu.wait_dma2 semaphore(%run_scoped3A : memref<!tpu.dma_semaphore, #tpu.memory_space<semaphore_mem>>) src(%dma_wait3A_601 : memref<640xf32, #tpu.memory_space<hbm>>) dst(%arg28 : memref<640xf32, #tpu.memory_space<vmem>>)
      tpu.yield
    }) : () -> ()
    %scan3A_511 = arith.constant 0 : i32
    %scan3A_512 = arith.constant 0 : i32
    %scan3A_513 = arith.constant 40 : i32
    %scan3A_514 = arith.addi %scan3A_512, %scan3A_513 : i32
    %scan3A_515 = arith.constant 1 : i32
    scf.for %scan3A_598 = %scan3A_512 to %scan3A_514 step %scan3A_515  : i32 {
      %mul3A_599 = arith.constant 16 : i32
      %mul3A_600 = arith.muli %scan3A_598, %mul3A_599 : i32
      %get3A_601 = arith.index_cast %mul3A_600 : i32 to index
      %get3A_602 = tpu.vector_load %arg29[%get3A_601] {strides = array<i32>} : memref<640xf32, #tpu.memory_space<vmem>>, vector<16xf32>,
      %mul3A_603 = arith.constant 16 : i32
      %mul3A_604 = arith.muli %scan3A_598, %mul3A_603 : i32
      %get3A_605 = arith.index_cast %mul3A_604 : i32 to index
      %get3A_606 = tpu.vector_load %arg28[%get3A_605] {strides = array<i32>} : memref<640xf32, #tpu.memory_space<vmem>>, vector<16xf32>,
      %add3A_607 = arith.addf %get3A_602, %get3A_606 : vector<16xf32>
      %mul3A_608 = arith.constant 16 : i32
      %mul3A_609 = arith.muli %scan3A_598, %mul3A_608 : i32
      %swap3A = arith.index_cast %mul3A_609 : i32 to index
      %swap3A_610 = tpu.vector_load %arg29[%swap3A] {strides = array<i32>} : memref<640xf32, #tpu.memory_space<vmem>>, vector<16xf32>,
      tpu.vector_store %arg29[%swap3A], %add3A_607 {strides = array<i32>} : memref<640xf32, #tpu.memory_space<vmem>>, vector<16xf32>,
    }
    %scan3A_516 = arith.constant 40 : i32
    %mul3A_517 = arith.constant 16 : i32
    %mul3A_518 = arith.muli %arg0, %mul3A_517 : i32
    %add3A_519 = arith.constant 10 : i32
    %add3A_520 = arith.addi %mul3A_518, %add3A_519 : i32
    %mul3A_521 = arith.constant 10240 : i32
    %mul3A_522 = arith.muli %add3A_520, %mul3A_521 : i32
    %add3A_523 = arith.addi %mul3A_522, %mul3A_380 : i32
    "tpu.region"() ({
      %run_scoped3A = tpu.sem_alloc : memref<!tpu.dma_semaphore, #tpu.memory_space<semaphore_mem>>
      %dma_start3A_598 = tpu.memref_slice %arg7[%add3A_523] : memref<327680xf32, #tpu.memory_space<hbm>> -> memref<640xf32, #tpu.memory_space<hbm>>
      %dma_start3A_599 = tpu.memref_slice %arg7[%add3A_523] : memref<327680xf32, #tpu.memory_space<hbm>> -> memref<640xf32, #tpu.memory_space<hbm>>
      tpu.enqueue_dma source(%dma_start3A_599 : memref<640xf32, #tpu.memory_space<hbm>>) target(%arg28 : memref<640xf32, #tpu.memory_space<vmem>>) target_semaphore(%run_scoped3A : memref<!tpu.dma_semaphore, #tpu.memory_space<semaphore_mem>>)
      %dma_wait3A_600 = tpu.memref_slice %arg7[%add3A_523] : memref<327680xf32, #tpu.memory_space<hbm>> -> memref<640xf32, #tpu.memory_space<hbm>>
      %dma_wait3A_601 = tpu.memref_slice %arg7[%add3A_523] : memref<327680xf32, #tpu.memory_space<hbm>> -> memref<640xf32, #tpu.memory_space<hbm>>
      tpu.wait_dma2 semaphore(%run_scoped3A : memref<!tpu.dma_semaphore, #tpu.memory_space<semaphore_mem>>) src(%dma_wait3A_601 : memref<640xf32, #tpu.memory_space<hbm>>) dst(%arg28 : memref<640xf32, #tpu.memory_space<vmem>>)
      tpu.yield
    }) : () -> ()
    %scan3A_524 = arith.constant 0 : i32
    %scan3A_525 = arith.constant 0 : i32
    %scan3A_526 = arith.constant 40 : i32
    %scan3A_527 = arith.addi %scan3A_525, %scan3A_526 : i32
    %scan3A_528 = arith.constant 1 : i32
    scf.for %scan3A_598 = %scan3A_525 to %scan3A_527 step %scan3A_528  : i32 {
      %mul3A_599 = arith.constant 16 : i32
      %mul3A_600 = arith.muli %scan3A_598, %mul3A_599 : i32
      %get3A_601 = arith.index_cast %mul3A_600 : i32 to index
      %get3A_602 = tpu.vector_load %arg29[%get3A_601] {strides = array<i32>} : memref<640xf32, #tpu.memory_space<vmem>>, vector<16xf32>,
      %mul3A_603 = arith.constant 16 : i32
      %mul3A_604 = arith.muli %scan3A_598, %mul3A_603 : i32
      %get3A_605 = arith.index_cast %mul3A_604 : i32 to index
      %get3A_606 = tpu.vector_load %arg28[%get3A_605] {strides = array<i32>} : memref<640xf32, #tpu.memory_space<vmem>>, vector<16xf32>,
      %add3A_607 = arith.addf %get3A_602, %get3A_606 : vector<16xf32>
      %mul3A_608 = arith.constant 16 : i32
      %mul3A_609 = arith.muli %scan3A_598, %mul3A_608 : i32
      %swap3A = arith.index_cast %mul3A_609 : i32 to index
      %swap3A_610 = tpu.vector_load %arg29[%swap3A] {strides = array<i32>} : memref<640xf32, #tpu.memory_space<vmem>>, vector<16xf32>,
      tpu.vector_store %arg29[%swap3A], %add3A_607 {strides = array<i32>} : memref<640xf32, #tpu.memory_space<vmem>>, vector<16xf32>,
    }
    %scan3A_529 = arith.constant 40 : i32
    %mul3A_530 = arith.constant 16 : i32
    %mul3A_531 = arith.muli %arg0, %mul3A_530 : i32
    %add3A_532 = arith.constant 11 : i32
    %add3A_533 = arith.addi %mul3A_531, %add3A_532 : i32
    %mul3A_534 = arith.constant 10240 : i32
    %mul3A_535 = arith.muli %add3A_533, %mul3A_534 : i32
    %add3A_536 = arith.addi %mul3A_535, %mul3A_380 : i32
    "tpu.region"() ({
      %run_scoped3A = tpu.sem_alloc : memref<!tpu.dma_semaphore, #tpu.memory_space<semaphore_mem>>
      %dma_start3A_598 = tpu.memref_slice %arg7[%add3A_536] : memref<327680xf32, #tpu.memory_space<hbm>> -> memref<640xf32, #tpu.memory_space<hbm>>
      %dma_start3A_599 = tpu.memref_slice %arg7[%add3A_536] : memref<327680xf32, #tpu.memory_space<hbm>> -> memref<640xf32, #tpu.memory_space<hbm>>
      tpu.enqueue_dma source(%dma_start3A_599 : memref<640xf32, #tpu.memory_space<hbm>>) target(%arg28 : memref<640xf32, #tpu.memory_space<vmem>>) target_semaphore(%run_scoped3A : memref<!tpu.dma_semaphore, #tpu.memory_space<semaphore_mem>>)
      %dma_wait3A_600 = tpu.memref_slice %arg7[%add3A_536] : memref<327680xf32, #tpu.memory_space<hbm>> -> memref<640xf32, #tpu.memory_space<hbm>>
      %dma_wait3A_601 = tpu.memref_slice %arg7[%add3A_536] : memref<327680xf32, #tpu.memory_space<hbm>> -> memref<640xf32, #tpu.memory_space<hbm>>
      tpu.wait_dma2 semaphore(%run_scoped3A : memref<!tpu.dma_semaphore, #tpu.memory_space<semaphore_mem>>) src(%dma_wait3A_601 : memref<640xf32, #tpu.memory_space<hbm>>) dst(%arg28 : memref<640xf32, #tpu.memory_space<vmem>>)
      tpu.yield
    }) : () -> ()
    %scan3A_537 = arith.constant 0 : i32
    %scan3A_538 = arith.constant 0 : i32
    %scan3A_539 = arith.constant 40 : i32
    %scan3A_540 = arith.addi %scan3A_538, %scan3A_539 : i32
    %scan3A_541 = arith.constant 1 : i32
    scf.for %scan3A_598 = %scan3A_538 to %scan3A_540 step %scan3A_541  : i32 {
      %mul3A_599 = arith.constant 16 : i32
      %mul3A_600 = arith.muli %scan3A_598, %mul3A_599 : i32
      %get3A_601 = arith.index_cast %mul3A_600 : i32 to index
      %get3A_602 = tpu.vector_load %arg29[%get3A_601] {strides = array<i32>} : memref<640xf32, #tpu.memory_space<vmem>>, vector<16xf32>,
      %mul3A_603 = arith.constant 16 : i32
      %mul3A_604 = arith.muli %scan3A_598, %mul3A_603 : i32
      %get3A_605 = arith.index_cast %mul3A_604 : i32 to index
      %get3A_606 = tpu.vector_load %arg28[%get3A_605] {strides = array<i32>} : memref<640xf32, #tpu.memory_space<vmem>>, vector<16xf32>,
      %add3A_607 = arith.addf %get3A_602, %get3A_606 : vector<16xf32>
      %mul3A_608 = arith.constant 16 : i32
      %mul3A_609 = arith.muli %scan3A_598, %mul3A_608 : i32
      %swap3A = arith.index_cast %mul3A_609 : i32 to index
      %swap3A_610 = tpu.vector_load %arg29[%swap3A] {strides = array<i32>} : memref<640xf32, #tpu.memory_space<vmem>>, vector<16xf32>,
      tpu.vector_store %arg29[%swap3A], %add3A_607 {strides = array<i32>} : memref<640xf32, #tpu.memory_space<vmem>>, vector<16xf32>,
    }
    %scan3A_542 = arith.constant 40 : i32
    %mul3A_543 = arith.constant 16 : i32
    %mul3A_544 = arith.muli %arg0, %mul3A_543 : i32
    %add3A_545 = arith.constant 12 : i32
    %add3A_546 = arith.addi %mul3A_544, %add3A_545 : i32
    %mul3A_547 = arith.constant 10240 : i32
    %mul3A_548 = arith.muli %add3A_546, %mul3A_547 : i32
    %add3A_549 = arith.addi %mul3A_548, %mul3A_380 : i32
    "tpu.region"() ({
      %run_scoped3A = tpu.sem_alloc : memref<!tpu.dma_semaphore, #tpu.memory_space<semaphore_mem>>
      %dma_start3A_598 = tpu.memref_slice %arg7[%add3A_549] : memref<327680xf32, #tpu.memory_space<hbm>> -> memref<640xf32, #tpu.memory_space<hbm>>
      %dma_start3A_599 = tpu.memref_slice %arg7[%add3A_549] : memref<327680xf32, #tpu.memory_space<hbm>> -> memref<640xf32, #tpu.memory_space<hbm>>
      tpu.enqueue_dma source(%dma_start3A_599 : memref<640xf32, #tpu.memory_space<hbm>>) target(%arg28 : memref<640xf32, #tpu.memory_space<vmem>>) target_semaphore(%run_scoped3A : memref<!tpu.dma_semaphore, #tpu.memory_space<semaphore_mem>>)
      %dma_wait3A_600 = tpu.memref_slice %arg7[%add3A_549] : memref<327680xf32, #tpu.memory_space<hbm>> -> memref<640xf32, #tpu.memory_space<hbm>>
      %dma_wait3A_601 = tpu.memref_slice %arg7[%add3A_549] : memref<327680xf32, #tpu.memory_space<hbm>> -> memref<640xf32, #tpu.memory_space<hbm>>
      tpu.wait_dma2 semaphore(%run_scoped3A : memref<!tpu.dma_semaphore, #tpu.memory_space<semaphore_mem>>) src(%dma_wait3A_601 : memref<640xf32, #tpu.memory_space<hbm>>) dst(%arg28 : memref<640xf32, #tpu.memory_space<vmem>>)
      tpu.yield
    }) : () -> ()
    %scan3A_550 = arith.constant 0 : i32
    %scan3A_551 = arith.constant 0 : i32
    %scan3A_552 = arith.constant 40 : i32
    %scan3A_553 = arith.addi %scan3A_551, %scan3A_552 : i32
    %scan3A_554 = arith.constant 1 : i32
    scf.for %scan3A_598 = %scan3A_551 to %scan3A_553 step %scan3A_554  : i32 {
      %mul3A_599 = arith.constant 16 : i32
      %mul3A_600 = arith.muli %scan3A_598, %mul3A_599 : i32
      %get3A_601 = arith.index_cast %mul3A_600 : i32 to index
      %get3A_602 = tpu.vector_load %arg29[%get3A_601] {strides = array<i32>} : memref<640xf32, #tpu.memory_space<vmem>>, vector<16xf32>,
      %mul3A_603 = arith.constant 16 : i32
      %mul3A_604 = arith.muli %scan3A_598, %mul3A_603 : i32
      %get3A_605 = arith.index_cast %mul3A_604 : i32 to index
      %get3A_606 = tpu.vector_load %arg28[%get3A_605] {strides = array<i32>} : memref<640xf32, #tpu.memory_space<vmem>>, vector<16xf32>,
      %add3A_607 = arith.addf %get3A_602, %get3A_606 : vector<16xf32>
      %mul3A_608 = arith.constant 16 : i32
      %mul3A_609 = arith.muli %scan3A_598, %mul3A_608 : i32
      %swap3A = arith.index_cast %mul3A_609 : i32 to index
      %swap3A_610 = tpu.vector_load %arg29[%swap3A] {strides = array<i32>} : memref<640xf32, #tpu.memory_space<vmem>>, vector<16xf32>,
      tpu.vector_store %arg29[%swap3A], %add3A_607 {strides = array<i32>} : memref<640xf32, #tpu.memory_space<vmem>>, vector<16xf32>,
    }
    %scan3A_555 = arith.constant 40 : i32
    %mul3A_556 = arith.constant 16 : i32
    %mul3A_557 = arith.muli %arg0, %mul3A_556 : i32
    %add3A_558 = arith.constant 13 : i32
    %add3A_559 = arith.addi %mul3A_557, %add3A_558 : i32
    %mul3A_560 = arith.constant 10240 : i32
    %mul3A_561 = arith.muli %add3A_559, %mul3A_560 : i32
    %add3A_562 = arith.addi %mul3A_561, %mul3A_380 : i32
    "tpu.region"() ({
      %run_scoped3A = tpu.sem_alloc : memref<!tpu.dma_semaphore, #tpu.memory_space<semaphore_mem>>
      %dma_start3A_598 = tpu.memref_slice %arg7[%add3A_562] : memref<327680xf32, #tpu.memory_space<hbm>> -> memref<640xf32, #tpu.memory_space<hbm>>
      %dma_start3A_599 = tpu.memref_slice %arg7[%add3A_562] : memref<327680xf32, #tpu.memory_space<hbm>> -> memref<640xf32, #tpu.memory_space<hbm>>
      tpu.enqueue_dma source(%dma_start3A_599 : memref<640xf32, #tpu.memory_space<hbm>>) target(%arg28 : memref<640xf32, #tpu.memory_space<vmem>>) target_semaphore(%run_scoped3A : memref<!tpu.dma_semaphore, #tpu.memory_space<semaphore_mem>>)
      %dma_wait3A_600 = tpu.memref_slice %arg7[%add3A_562] : memref<327680xf32, #tpu.memory_space<hbm>> -> memref<640xf32, #tpu.memory_space<hbm>>
      %dma_wait3A_601 = tpu.memref_slice %arg7[%add3A_562] : memref<327680xf32, #tpu.memory_space<hbm>> -> memref<640xf32, #tpu.memory_space<hbm>>
      tpu.wait_dma2 semaphore(%run_scoped3A : memref<!tpu.dma_semaphore, #tpu.memory_space<semaphore_mem>>) src(%dma_wait3A_601 : memref<640xf32, #tpu.memory_space<hbm>>) dst(%arg28 : memref<640xf32, #tpu.memory_space<vmem>>)
      tpu.yield
    }) : () -> ()
    %scan3A_563 = arith.constant 0 : i32
    %scan3A_564 = arith.constant 0 : i32
    %scan3A_565 = arith.constant 40 : i32
    %scan3A_566 = arith.addi %scan3A_564, %scan3A_565 : i32
    %scan3A_567 = arith.constant 1 : i32
    scf.for %scan3A_598 = %scan3A_564 to %scan3A_566 step %scan3A_567  : i32 {
      %mul3A_599 = arith.constant 16 : i32
      %mul3A_600 = arith.muli %scan3A_598, %mul3A_599 : i32
      %get3A_601 = arith.index_cast %mul3A_600 : i32 to index
      %get3A_602 = tpu.vector_load %arg29[%get3A_601] {strides = array<i32>} : memref<640xf32, #tpu.memory_space<vmem>>, vector<16xf32>,
      %mul3A_603 = arith.constant 16 : i32
      %mul3A_604 = arith.muli %scan3A_598, %mul3A_603 : i32
      %get3A_605 = arith.index_cast %mul3A_604 : i32 to index
      %get3A_606 = tpu.vector_load %arg28[%get3A_605] {strides = array<i32>} : memref<640xf32, #tpu.memory_space<vmem>>, vector<16xf32>,
      %add3A_607 = arith.addf %get3A_602, %get3A_606 : vector<16xf32>
      %mul3A_608 = arith.constant 16 : i32
      %mul3A_609 = arith.muli %scan3A_598, %mul3A_608 : i32
      %swap3A = arith.index_cast %mul3A_609 : i32 to index
      %swap3A_610 = tpu.vector_load %arg29[%swap3A] {strides = array<i32>} : memref<640xf32, #tpu.memory_space<vmem>>, vector<16xf32>,
      tpu.vector_store %arg29[%swap3A], %add3A_607 {strides = array<i32>} : memref<640xf32, #tpu.memory_space<vmem>>, vector<16xf32>,
    }
    %scan3A_568 = arith.constant 40 : i32
    %mul3A_569 = arith.constant 16 : i32
    %mul3A_570 = arith.muli %arg0, %mul3A_569 : i32
    %add3A_571 = arith.constant 14 : i32
    %add3A_572 = arith.addi %mul3A_570, %add3A_571 : i32
    %mul3A_573 = arith.constant 10240 : i32
    %mul3A_574 = arith.muli %add3A_572, %mul3A_573 : i32
    %add3A_575 = arith.addi %mul3A_574, %mul3A_380 : i32
    "tpu.region"() ({
      %run_scoped3A = tpu.sem_alloc : memref<!tpu.dma_semaphore, #tpu.memory_space<semaphore_mem>>
      %dma_start3A_598 = tpu.memref_slice %arg7[%add3A_575] : memref<327680xf32, #tpu.memory_space<hbm>> -> memref<640xf32, #tpu.memory_space<hbm>>
      %dma_start3A_599 = tpu.memref_slice %arg7[%add3A_575] : memref<327680xf32, #tpu.memory_space<hbm>> -> memref<640xf32, #tpu.memory_space<hbm>>
      tpu.enqueue_dma source(%dma_start3A_599 : memref<640xf32, #tpu.memory_space<hbm>>) target(%arg28 : memref<640xf32, #tpu.memory_space<vmem>>) target_semaphore(%run_scoped3A : memref<!tpu.dma_semaphore, #tpu.memory_space<semaphore_mem>>)
      %dma_wait3A_600 = tpu.memref_slice %arg7[%add3A_575] : memref<327680xf32, #tpu.memory_space<hbm>> -> memref<640xf32, #tpu.memory_space<hbm>>
      %dma_wait3A_601 = tpu.memref_slice %arg7[%add3A_575] : memref<327680xf32, #tpu.memory_space<hbm>> -> memref<640xf32, #tpu.memory_space<hbm>>
      tpu.wait_dma2 semaphore(%run_scoped3A : memref<!tpu.dma_semaphore, #tpu.memory_space<semaphore_mem>>) src(%dma_wait3A_601 : memref<640xf32, #tpu.memory_space<hbm>>) dst(%arg28 : memref<640xf32, #tpu.memory_space<vmem>>)
      tpu.yield
    }) : () -> ()
    %scan3A_576 = arith.constant 0 : i32
    %scan3A_577 = arith.constant 0 : i32
    %scan3A_578 = arith.constant 40 : i32
    %scan3A_579 = arith.addi %scan3A_577, %scan3A_578 : i32
    %scan3A_580 = arith.constant 1 : i32
    scf.for %scan3A_598 = %scan3A_577 to %scan3A_579 step %scan3A_580  : i32 {
      %mul3A_599 = arith.constant 16 : i32
      %mul3A_600 = arith.muli %scan3A_598, %mul3A_599 : i32
      %get3A_601 = arith.index_cast %mul3A_600 : i32 to index
      %get3A_602 = tpu.vector_load %arg29[%get3A_601] {strides = array<i32>} : memref<640xf32, #tpu.memory_space<vmem>>, vector<16xf32>,
      %mul3A_603 = arith.constant 16 : i32
      %mul3A_604 = arith.muli %scan3A_598, %mul3A_603 : i32
      %get3A_605 = arith.index_cast %mul3A_604 : i32 to index
      %get3A_606 = tpu.vector_load %arg28[%get3A_605] {strides = array<i32>} : memref<640xf32, #tpu.memory_space<vmem>>, vector<16xf32>,
      %add3A_607 = arith.addf %get3A_602, %get3A_606 : vector<16xf32>
      %mul3A_608 = arith.constant 16 : i32
      %mul3A_609 = arith.muli %scan3A_598, %mul3A_608 : i32
      %swap3A = arith.index_cast %mul3A_609 : i32 to index
      %swap3A_610 = tpu.vector_load %arg29[%swap3A] {strides = array<i32>} : memref<640xf32, #tpu.memory_space<vmem>>, vector<16xf32>,
      tpu.vector_store %arg29[%swap3A], %add3A_607 {strides = array<i32>} : memref<640xf32, #tpu.memory_space<vmem>>, vector<16xf32>,
    }
    %scan3A_581 = arith.constant 40 : i32
    %mul3A_582 = arith.constant 16 : i32
    %mul3A_583 = arith.muli %arg0, %mul3A_582 : i32
    %add3A_584 = arith.constant 15 : i32
    %add3A_585 = arith.addi %mul3A_583, %add3A_584 : i32
    %mul3A_586 = arith.constant 10240 : i32
    %mul3A_587 = arith.muli %add3A_585, %mul3A_586 : i32
    %add3A_588 = arith.addi %mul3A_587, %mul3A_380 : i32
    "tpu.region"() ({
      %run_scoped3A = tpu.sem_alloc : memref<!tpu.dma_semaphore, #tpu.memory_space<semaphore_mem>>
      %dma_start3A_598 = tpu.memref_slice %arg7[%add3A_588] : memref<327680xf32, #tpu.memory_space<hbm>> -> memref<640xf32, #tpu.memory_space<hbm>>
      %dma_start3A_599 = tpu.memref_slice %arg7[%add3A_588] : memref<327680xf32, #tpu.memory_space<hbm>> -> memref<640xf32, #tpu.memory_space<hbm>>
      tpu.enqueue_dma source(%dma_start3A_599 : memref<640xf32, #tpu.memory_space<hbm>>) target(%arg28 : memref<640xf32, #tpu.memory_space<vmem>>) target_semaphore(%run_scoped3A : memref<!tpu.dma_semaphore, #tpu.memory_space<semaphore_mem>>)
      %dma_wait3A_600 = tpu.memref_slice %arg7[%add3A_588] : memref<327680xf32, #tpu.memory_space<hbm>> -> memref<640xf32, #tpu.memory_space<hbm>>
      %dma_wait3A_601 = tpu.memref_slice %arg7[%add3A_588] : memref<327680xf32, #tpu.memory_space<hbm>> -> memref<640xf32, #tpu.memory_space<hbm>>
      tpu.wait_dma2 semaphore(%run_scoped3A : memref<!tpu.dma_semaphore, #tpu.memory_space<semaphore_mem>>) src(%dma_wait3A_601 : memref<640xf32, #tpu.memory_space<hbm>>) dst(%arg28 : memref<640xf32, #tpu.memory_space<vmem>>)
      tpu.yield
    }) : () -> ()
    %scan3A_589 = arith.constant 0 : i32
    %scan3A_590 = arith.constant 0 : i32
    %scan3A_591 = arith.constant 40 : i32
    %scan3A_592 = arith.addi %scan3A_590, %scan3A_591 : i32
    %scan3A_593 = arith.constant 1 : i32
    scf.for %scan3A_598 = %scan3A_590 to %scan3A_592 step %scan3A_593  : i32 {
      %mul3A_599 = arith.constant 16 : i32
      %mul3A_600 = arith.muli %scan3A_598, %mul3A_599 : i32
      %get3A_601 = arith.index_cast %mul3A_600 : i32 to index
      %get3A_602 = tpu.vector_load %arg29[%get3A_601] {strides = array<i32>} : memref<640xf32, #tpu.memory_space<vmem>>, vector<16xf32>,
      %mul3A_603 = arith.constant 16 : i32
      %mul3A_604 = arith.muli %scan3A_598, %mul3A_603 : i32
      %get3A_605 = arith.index_cast %mul3A_604 : i32 to index
      %get3A_606 = tpu.vector_load %arg28[%get3A_605] {strides = array<i32>} : memref<640xf32, #tpu.memory_space<vmem>>, vector<16xf32>,
      %add3A_607 = arith.addf %get3A_602, %get3A_606 : vector<16xf32>
      %mul3A_608 = arith.constant 16 : i32
      %mul3A_609 = arith.muli %scan3A_598, %mul3A_608 : i32
      %swap3A = arith.index_cast %mul3A_609 : i32 to index
      %swap3A_610 = tpu.vector_load %arg29[%swap3A] {strides = array<i32>} : memref<640xf32, #tpu.memory_space<vmem>>, vector<16xf32>,
      tpu.vector_store %arg29[%swap3A], %add3A_607 {strides = array<i32>} : memref<640xf32, #tpu.memory_space<vmem>>, vector<16xf32>,
    }
    %scan3A_594 = arith.constant 40 : i32
    %mul3A_595 = arith.constant 10240 : i32
    %mul3A_596 = arith.muli %arg0, %mul3A_595 : i32
    %add3A_597 = arith.addi %mul3A_596, %mul3A_380 : i32
    "tpu.region"() ({
      %run_scoped3A = tpu.sem_alloc : memref<!tpu.dma_semaphore, #tpu.memory_space<semaphore_mem>>
      %dma_start3A_598 = tpu.memref_slice %arg6[%add3A_597] : memref<20480xf32, #tpu.memory_space<hbm>> -> memref<640xf32, #tpu.memory_space<hbm>>
      %dma_start3A_599 = tpu.memref_slice %arg6[%add3A_597] : memref<20480xf32, #tpu.memory_space<hbm>> -> memref<640xf32, #tpu.memory_space<hbm>>
      tpu.enqueue_dma source(%arg29 : memref<640xf32, #tpu.memory_space<vmem>>) target(%dma_start3A_599 : memref<640xf32, #tpu.memory_space<hbm>>) target_semaphore(%run_scoped3A : memref<!tpu.dma_semaphore, #tpu.memory_space<semaphore_mem>>)
      %dma_wait3A_600 = tpu.memref_slice %arg6[%add3A_597] : memref<20480xf32, #tpu.memory_space<hbm>> -> memref<640xf32, #tpu.memory_space<hbm>>
      %dma_wait3A_601 = tpu.memref_slice %arg6[%add3A_597] : memref<20480xf32, #tpu.memory_space<hbm>> -> memref<640xf32, #tpu.memory_space<hbm>>
      tpu.wait_dma2 semaphore(%run_scoped3A : memref<!tpu.dma_semaphore, #tpu.memory_space<semaphore_mem>>) src(%arg29 : memref<640xf32, #tpu.memory_space<vmem>>) dst(%dma_wait3A_601 : memref<640xf32, #tpu.memory_space<hbm>>)
      tpu.yield
    }) : () -> ()
    return
  }
}

#map = affine_map<(d0, d1) -> (0, 0)>
#map1 = affine_map<(d0, d1) -> (0)>
module attributes {stable_mosaic.version = 14 : i64} {
  func.func @body(%arg0: i32, %arg1: i32, %arg2: memref<20000x128xf32, #tpu.memory_space<hbm>>, %arg3: memref<645120xi32, #tpu.memory_space<hbm>>, %arg4: memref<645120xi32, #tpu.memory_space<hbm>>, %arg5: memref<20000x128xf32, #tpu.memory_space<hbm>>, %arg6: memref<10016x128xf32, #tpu.memory_space<vmem_shared>>, %arg7: memref<80xi32, #tpu.memory_space<vmem>>, %arg8: memref<80xi32, #tpu.memory_space<vmem>>, %arg9: memref<80xi32, #tpu.memory_space<vmem>>, %arg10: memref<80xi32, #tpu.memory_space<vmem>>, %arg11: memref<80xi32, #tpu.memory_space<vmem>>, %arg12: memref<80xi32, #tpu.memory_space<vmem>>, %arg13: memref<80xi32, #tpu.memory_space<vmem>>, %arg14: memref<80xi32, #tpu.memory_space<vmem>>, %arg15: memref<80x128xf32, #tpu.memory_space<vmem>>, %arg16: memref<80x128xf32, #tpu.memory_space<vmem>>, %arg17: memref<80x128xf32, #tpu.memory_space<vmem>>, %arg18: memref<80x128xf32, #tpu.memory_space<vmem>>, %arg19: memref<!tpu.dma_semaphore, #tpu.memory_space<semaphore_mem>>, %arg20: memref<!tpu.dma_semaphore, #tpu.memory_space<semaphore_mem>>, %arg21: memref<!tpu.dma_semaphore, #tpu.memory_space<semaphore_mem>>, %arg22: memref<!tpu.dma_semaphore, #tpu.memory_space<semaphore_mem>>, %arg23: memref<!tpu.dma_semaphore, #tpu.memory_space<semaphore_mem>>, %arg24: memref<!tpu.dma_semaphore, #tpu.memory_space<semaphore_mem>>, %arg25: memref<!tpu.dma_semaphore, #tpu.memory_space<semaphore_mem>>, %arg26: memref<!tpu.dma_semaphore, #tpu.memory_space<semaphore_mem>>, %arg27: memref<!tpu.dma_semaphore, #tpu.memory_space<semaphore_mem>>, %arg28: memref<!tpu.dma_semaphore, #tpu.memory_space<semaphore_mem>>, %arg29: memref<!tpu.dma_semaphore, #tpu.memory_space<semaphore_mem>>, %arg30: memref<!tpu.dma_semaphore, #tpu.memory_space<semaphore_mem>>) attributes {dimension_semantics = [#tpu.dimension_semantics<core_parallel>, #tpu.dimension_semantics<subcore_parallel>], iteration_bounds = array<i64: 2, 16>, scalar_prefetch = 0 : i64, scratch_operands = 25 : i64, tpu.core_type = #tpu.core_type<sc_vector_subcore>, window_params = [{transform_indices = #map}, {transform_indices = #map1}, {transform_indices = #map1}, {transform_indices = #map}]} {
    %broadcast_in_dim3A = arith.constant 0.000000e+00 : f32
    %broadcast_in_dim3A_0 = vector.broadcast %broadcast_in_dim3A : f32 to vector<16xf32>
    %broadcast_in_dim3A_1 = arith.constant 1.000000e+00 : f32
    %broadcast_in_dim3A_2 = vector.broadcast %broadcast_in_dim3A_1 : f32 to vector<16xf32>
    %broadcast_in_dim3A_3 = arith.constant 0.000000e+00 : f32
    %broadcast_in_dim3A_4 = vector.broadcast %broadcast_in_dim3A_3 : f32 to vector<16xf32>
    %scan3A = arith.constant 0 : i32
    %scan3A_5 = arith.constant 0 : i32
    %scan3A_6 = arith.constant 80 : i32
    %scan3A_7 = arith.addi %scan3A_5, %scan3A_6 : i32
    %scan3A_8 = arith.constant 1 : i32
    scf.for %scan3A_363 = %scan3A_5 to %scan3A_7 step %scan3A_8  : i32 {
      %swap3A = arith.index_cast %scan3A_363 : i32 to index
      %swap3A_364 = arith.constant 0 : index
      %swap3A_365 = tpu.vector_load %arg15[%swap3A, %swap3A_364] {strides = array<i32>} : memref<80x128xf32, #tpu.memory_space<vmem>>, vector<16xf32>,
      tpu.vector_store %arg15[%swap3A, %swap3A_364], %broadcast_in_dim3A_4 {strides = array<i32>} : memref<80x128xf32, #tpu.memory_space<vmem>>, vector<16xf32>,
      %swap3A_366 = arith.index_cast %scan3A_363 : i32 to index
      %swap3A_367 = arith.constant 16 : index
      %swap3A_368 = tpu.vector_load %arg15[%swap3A_366, %swap3A_367] {strides = array<i32>} : memref<80x128xf32, #tpu.memory_space<vmem>>, vector<16xf32>,
      tpu.vector_store %arg15[%swap3A_366, %swap3A_367], %broadcast_in_dim3A_4 {strides = array<i32>} : memref<80x128xf32, #tpu.memory_space<vmem>>, vector<16xf32>,
      %swap3A_369 = arith.index_cast %scan3A_363 : i32 to index
      %swap3A_370 = arith.constant 32 : index
      %swap3A_371 = tpu.vector_load %arg15[%swap3A_369, %swap3A_370] {strides = array<i32>} : memref<80x128xf32, #tpu.memory_space<vmem>>, vector<16xf32>,
      tpu.vector_store %arg15[%swap3A_369, %swap3A_370], %broadcast_in_dim3A_4 {strides = array<i32>} : memref<80x128xf32, #tpu.memory_space<vmem>>, vector<16xf32>,
      %swap3A_372 = arith.index_cast %scan3A_363 : i32 to index
      %swap3A_373 = arith.constant 48 : index
      %swap3A_374 = tpu.vector_load %arg15[%swap3A_372, %swap3A_373] {strides = array<i32>} : memref<80x128xf32, #tpu.memory_space<vmem>>, vector<16xf32>,
      tpu.vector_store %arg15[%swap3A_372, %swap3A_373], %broadcast_in_dim3A_4 {strides = array<i32>} : memref<80x128xf32, #tpu.memory_space<vmem>>, vector<16xf32>,
      %swap3A_375 = arith.index_cast %scan3A_363 : i32 to index
      %swap3A_376 = arith.constant 64 : index
      %swap3A_377 = tpu.vector_load %arg15[%swap3A_375, %swap3A_376] {strides = array<i32>} : memref<80x128xf32, #tpu.memory_space<vmem>>, vector<16xf32>,
      tpu.vector_store %arg15[%swap3A_375, %swap3A_376], %broadcast_in_dim3A_4 {strides = array<i32>} : memref<80x128xf32, #tpu.memory_space<vmem>>, vector<16xf32>,
      %swap3A_378 = arith.index_cast %scan3A_363 : i32 to index
      %swap3A_379 = arith.constant 80 : index
      %swap3A_380 = tpu.vector_load %arg15[%swap3A_378, %swap3A_379] {strides = array<i32>} : memref<80x128xf32, #tpu.memory_space<vmem>>, vector<16xf32>,
      tpu.vector_store %arg15[%swap3A_378, %swap3A_379], %broadcast_in_dim3A_4 {strides = array<i32>} : memref<80x128xf32, #tpu.memory_space<vmem>>, vector<16xf32>,
      %swap3A_381 = arith.index_cast %scan3A_363 : i32 to index
      %swap3A_382 = arith.constant 96 : index
      %swap3A_383 = tpu.vector_load %arg15[%swap3A_381, %swap3A_382] {strides = array<i32>} : memref<80x128xf32, #tpu.memory_space<vmem>>, vector<16xf32>,
      tpu.vector_store %arg15[%swap3A_381, %swap3A_382], %broadcast_in_dim3A_4 {strides = array<i32>} : memref<80x128xf32, #tpu.memory_space<vmem>>, vector<16xf32>,
      %swap3A_384 = arith.index_cast %scan3A_363 : i32 to index
      %swap3A_385 = arith.constant 112 : index
      %swap3A_386 = tpu.vector_load %arg15[%swap3A_384, %swap3A_385] {strides = array<i32>} : memref<80x128xf32, #tpu.memory_space<vmem>>, vector<16xf32>,
      tpu.vector_store %arg15[%swap3A_384, %swap3A_385], %broadcast_in_dim3A_4 {strides = array<i32>} : memref<80x128xf32, #tpu.memory_space<vmem>>, vector<16xf32>,
    }
    %scan3A_9 = arith.constant 80 : i32
    %mul3A = arith.constant 640 : i32
    %mul3A_10 = arith.muli %arg1, %mul3A : i32
    %add3A = arith.constant 0 : i32
    %add3A_11 = arith.addi %mul3A_10, %add3A : i32
    %min3A = arith.constant 9936 : i32
    %min3A_12 = arith.minsi %add3A_11, %min3A : i32
    %dma_start3A = arith.constant 0 : i32
    %dma_start3A_13 = tpu.memref_slice %arg6[%min3A_12, %dma_start3A] : memref<10016x128xf32, #tpu.memory_space<vmem_shared>> -> memref<80x128xf32, #tpu.memory_space<vmem_shared>>
    %dma_start3A_14 = arith.constant 0 : i32
    %dma_start3A_15 = tpu.memref_slice %arg6[%min3A_12, %dma_start3A_14] : memref<10016x128xf32, #tpu.memory_space<vmem_shared>> -> memref<80x128xf32, #tpu.memory_space<vmem_shared>>
    tpu.enqueue_dma source(%arg15 : memref<80x128xf32, #tpu.memory_space<vmem>>) target(%dma_start3A_15 : memref<80x128xf32, #tpu.memory_space<vmem_shared>>) target_semaphore(%arg19 : memref<!tpu.dma_semaphore, #tpu.memory_space<semaphore_mem>>)
    %mul3A_16 = arith.constant 640 : i32
    %mul3A_17 = arith.muli %arg1, %mul3A_16 : i32
    %add3A_18 = arith.constant 80 : i32
    %add3A_19 = arith.addi %mul3A_17, %add3A_18 : i32
    %min3A_20 = arith.constant 9936 : i32
    %min3A_21 = arith.minsi %add3A_19, %min3A_20 : i32
    %dma_start3A_22 = arith.constant 0 : i32
    %dma_start3A_23 = tpu.memref_slice %arg6[%min3A_21, %dma_start3A_22] : memref<10016x128xf32, #tpu.memory_space<vmem_shared>> -> memref<80x128xf32, #tpu.memory_space<vmem_shared>>
    %dma_start3A_24 = arith.constant 0 : i32
    %dma_start3A_25 = tpu.memref_slice %arg6[%min3A_21, %dma_start3A_24] : memref<10016x128xf32, #tpu.memory_space<vmem_shared>> -> memref<80x128xf32, #tpu.memory_space<vmem_shared>>
    tpu.enqueue_dma source(%arg15 : memref<80x128xf32, #tpu.memory_space<vmem>>) target(%dma_start3A_25 : memref<80x128xf32, #tpu.memory_space<vmem_shared>>) target_semaphore(%arg19 : memref<!tpu.dma_semaphore, #tpu.memory_space<semaphore_mem>>)
    %mul3A_26 = arith.constant 640 : i32
    %mul3A_27 = arith.muli %arg1, %mul3A_26 : i32
    %add3A_28 = arith.constant 160 : i32
    %add3A_29 = arith.addi %mul3A_27, %add3A_28 : i32
    %min3A_30 = arith.constant 9936 : i32
    %min3A_31 = arith.minsi %add3A_29, %min3A_30 : i32
    %dma_start3A_32 = arith.constant 0 : i32
    %dma_start3A_33 = tpu.memref_slice %arg6[%min3A_31, %dma_start3A_32] : memref<10016x128xf32, #tpu.memory_space<vmem_shared>> -> memref<80x128xf32, #tpu.memory_space<vmem_shared>>
    %dma_start3A_34 = arith.constant 0 : i32
    %dma_start3A_35 = tpu.memref_slice %arg6[%min3A_31, %dma_start3A_34] : memref<10016x128xf32, #tpu.memory_space<vmem_shared>> -> memref<80x128xf32, #tpu.memory_space<vmem_shared>>
    tpu.enqueue_dma source(%arg15 : memref<80x128xf32, #tpu.memory_space<vmem>>) target(%dma_start3A_35 : memref<80x128xf32, #tpu.memory_space<vmem_shared>>) target_semaphore(%arg19 : memref<!tpu.dma_semaphore, #tpu.memory_space<semaphore_mem>>)
    %mul3A_36 = arith.constant 640 : i32
    %mul3A_37 = arith.muli %arg1, %mul3A_36 : i32
    %add3A_38 = arith.constant 240 : i32
    %add3A_39 = arith.addi %mul3A_37, %add3A_38 : i32
    %min3A_40 = arith.constant 9936 : i32
    %min3A_41 = arith.minsi %add3A_39, %min3A_40 : i32
    %dma_start3A_42 = arith.constant 0 : i32
    %dma_start3A_43 = tpu.memref_slice %arg6[%min3A_41, %dma_start3A_42] : memref<10016x128xf32, #tpu.memory_space<vmem_shared>> -> memref<80x128xf32, #tpu.memory_space<vmem_shared>>
    %dma_start3A_44 = arith.constant 0 : i32
    %dma_start3A_45 = tpu.memref_slice %arg6[%min3A_41, %dma_start3A_44] : memref<10016x128xf32, #tpu.memory_space<vmem_shared>> -> memref<80x128xf32, #tpu.memory_space<vmem_shared>>
    tpu.enqueue_dma source(%arg15 : memref<80x128xf32, #tpu.memory_space<vmem>>) target(%dma_start3A_45 : memref<80x128xf32, #tpu.memory_space<vmem_shared>>) target_semaphore(%arg19 : memref<!tpu.dma_semaphore, #tpu.memory_space<semaphore_mem>>)
    %mul3A_46 = arith.constant 640 : i32
    %mul3A_47 = arith.muli %arg1, %mul3A_46 : i32
    %add3A_48 = arith.constant 320 : i32
    %add3A_49 = arith.addi %mul3A_47, %add3A_48 : i32
    %min3A_50 = arith.constant 9936 : i32
    %min3A_51 = arith.minsi %add3A_49, %min3A_50 : i32
    %dma_start3A_52 = arith.constant 0 : i32
    %dma_start3A_53 = tpu.memref_slice %arg6[%min3A_51, %dma_start3A_52] : memref<10016x128xf32, #tpu.memory_space<vmem_shared>> -> memref<80x128xf32, #tpu.memory_space<vmem_shared>>
    %dma_start3A_54 = arith.constant 0 : i32
    %dma_start3A_55 = tpu.memref_slice %arg6[%min3A_51, %dma_start3A_54] : memref<10016x128xf32, #tpu.memory_space<vmem_shared>> -> memref<80x128xf32, #tpu.memory_space<vmem_shared>>
    tpu.enqueue_dma source(%arg15 : memref<80x128xf32, #tpu.memory_space<vmem>>) target(%dma_start3A_55 : memref<80x128xf32, #tpu.memory_space<vmem_shared>>) target_semaphore(%arg19 : memref<!tpu.dma_semaphore, #tpu.memory_space<semaphore_mem>>)
    %mul3A_56 = arith.constant 640 : i32
    %mul3A_57 = arith.muli %arg1, %mul3A_56 : i32
    %add3A_58 = arith.constant 400 : i32
    %add3A_59 = arith.addi %mul3A_57, %add3A_58 : i32
    %min3A_60 = arith.constant 9936 : i32
    %min3A_61 = arith.minsi %add3A_59, %min3A_60 : i32
    %dma_start3A_62 = arith.constant 0 : i32
    %dma_start3A_63 = tpu.memref_slice %arg6[%min3A_61, %dma_start3A_62] : memref<10016x128xf32, #tpu.memory_space<vmem_shared>> -> memref<80x128xf32, #tpu.memory_space<vmem_shared>>
    %dma_start3A_64 = arith.constant 0 : i32
    %dma_start3A_65 = tpu.memref_slice %arg6[%min3A_61, %dma_start3A_64] : memref<10016x128xf32, #tpu.memory_space<vmem_shared>> -> memref<80x128xf32, #tpu.memory_space<vmem_shared>>
    tpu.enqueue_dma source(%arg15 : memref<80x128xf32, #tpu.memory_space<vmem>>) target(%dma_start3A_65 : memref<80x128xf32, #tpu.memory_space<vmem_shared>>) target_semaphore(%arg19 : memref<!tpu.dma_semaphore, #tpu.memory_space<semaphore_mem>>)
    %mul3A_66 = arith.constant 640 : i32
    %mul3A_67 = arith.muli %arg1, %mul3A_66 : i32
    %add3A_68 = arith.constant 480 : i32
    %add3A_69 = arith.addi %mul3A_67, %add3A_68 : i32
    %min3A_70 = arith.constant 9936 : i32
    %min3A_71 = arith.minsi %add3A_69, %min3A_70 : i32
    %dma_start3A_72 = arith.constant 0 : i32
    %dma_start3A_73 = tpu.memref_slice %arg6[%min3A_71, %dma_start3A_72] : memref<10016x128xf32, #tpu.memory_space<vmem_shared>> -> memref<80x128xf32, #tpu.memory_space<vmem_shared>>
    %dma_start3A_74 = arith.constant 0 : i32
    %dma_start3A_75 = tpu.memref_slice %arg6[%min3A_71, %dma_start3A_74] : memref<10016x128xf32, #tpu.memory_space<vmem_shared>> -> memref<80x128xf32, #tpu.memory_space<vmem_shared>>
    tpu.enqueue_dma source(%arg15 : memref<80x128xf32, #tpu.memory_space<vmem>>) target(%dma_start3A_75 : memref<80x128xf32, #tpu.memory_space<vmem_shared>>) target_semaphore(%arg19 : memref<!tpu.dma_semaphore, #tpu.memory_space<semaphore_mem>>)
    %mul3A_76 = arith.constant 640 : i32
    %mul3A_77 = arith.muli %arg1, %mul3A_76 : i32
    %add3A_78 = arith.constant 560 : i32
    %add3A_79 = arith.addi %mul3A_77, %add3A_78 : i32
    %min3A_80 = arith.constant 9936 : i32
    %min3A_81 = arith.minsi %add3A_79, %min3A_80 : i32
    %dma_start3A_82 = arith.constant 0 : i32
    %dma_start3A_83 = tpu.memref_slice %arg6[%min3A_81, %dma_start3A_82] : memref<10016x128xf32, #tpu.memory_space<vmem_shared>> -> memref<80x128xf32, #tpu.memory_space<vmem_shared>>
    %dma_start3A_84 = arith.constant 0 : i32
    %dma_start3A_85 = tpu.memref_slice %arg6[%min3A_81, %dma_start3A_84] : memref<10016x128xf32, #tpu.memory_space<vmem_shared>> -> memref<80x128xf32, #tpu.memory_space<vmem_shared>>
    tpu.enqueue_dma source(%arg15 : memref<80x128xf32, #tpu.memory_space<vmem>>) target(%dma_start3A_85 : memref<80x128xf32, #tpu.memory_space<vmem_shared>>) target_semaphore(%arg19 : memref<!tpu.dma_semaphore, #tpu.memory_space<semaphore_mem>>)
    %dma_wait3A = arith.constant 0 : i32
    %dma_wait3A_86 = tpu.memref_slice %arg6[%min3A_12, %dma_wait3A] : memref<10016x128xf32, #tpu.memory_space<vmem_shared>> -> memref<80x128xf32, #tpu.memory_space<vmem_shared>>
    %dma_wait3A_87 = arith.constant 0 : i32
    %dma_wait3A_88 = tpu.memref_slice %arg6[%min3A_12, %dma_wait3A_87] : memref<10016x128xf32, #tpu.memory_space<vmem_shared>> -> memref<80x128xf32, #tpu.memory_space<vmem_shared>>
    tpu.wait_dma2 semaphore(%arg19 : memref<!tpu.dma_semaphore, #tpu.memory_space<semaphore_mem>>) src(%arg15 : memref<80x128xf32, #tpu.memory_space<vmem>>) dst(%dma_wait3A_88 : memref<80x128xf32, #tpu.memory_space<vmem_shared>>)
    %dma_wait3A_89 = arith.constant 0 : i32
    %dma_wait3A_90 = tpu.memref_slice %arg6[%min3A_21, %dma_wait3A_89] : memref<10016x128xf32, #tpu.memory_space<vmem_shared>> -> memref<80x128xf32, #tpu.memory_space<vmem_shared>>
    %dma_wait3A_91 = arith.constant 0 : i32
    %dma_wait3A_92 = tpu.memref_slice %arg6[%min3A_21, %dma_wait3A_91] : memref<10016x128xf32, #tpu.memory_space<vmem_shared>> -> memref<80x128xf32, #tpu.memory_space<vmem_shared>>
    tpu.wait_dma2 semaphore(%arg19 : memref<!tpu.dma_semaphore, #tpu.memory_space<semaphore_mem>>) src(%arg15 : memref<80x128xf32, #tpu.memory_space<vmem>>) dst(%dma_wait3A_92 : memref<80x128xf32, #tpu.memory_space<vmem_shared>>)
    %dma_wait3A_93 = arith.constant 0 : i32
    %dma_wait3A_94 = tpu.memref_slice %arg6[%min3A_31, %dma_wait3A_93] : memref<10016x128xf32, #tpu.memory_space<vmem_shared>> -> memref<80x128xf32, #tpu.memory_space<vmem_shared>>
    %dma_wait3A_95 = arith.constant 0 : i32
    %dma_wait3A_96 = tpu.memref_slice %arg6[%min3A_31, %dma_wait3A_95] : memref<10016x128xf32, #tpu.memory_space<vmem_shared>> -> memref<80x128xf32, #tpu.memory_space<vmem_shared>>
    tpu.wait_dma2 semaphore(%arg19 : memref<!tpu.dma_semaphore, #tpu.memory_space<semaphore_mem>>) src(%arg15 : memref<80x128xf32, #tpu.memory_space<vmem>>) dst(%dma_wait3A_96 : memref<80x128xf32, #tpu.memory_space<vmem_shared>>)
    %dma_wait3A_97 = arith.constant 0 : i32
    %dma_wait3A_98 = tpu.memref_slice %arg6[%min3A_41, %dma_wait3A_97] : memref<10016x128xf32, #tpu.memory_space<vmem_shared>> -> memref<80x128xf32, #tpu.memory_space<vmem_shared>>
    %dma_wait3A_99 = arith.constant 0 : i32
    %dma_wait3A_100 = tpu.memref_slice %arg6[%min3A_41, %dma_wait3A_99] : memref<10016x128xf32, #tpu.memory_space<vmem_shared>> -> memref<80x128xf32, #tpu.memory_space<vmem_shared>>
    tpu.wait_dma2 semaphore(%arg19 : memref<!tpu.dma_semaphore, #tpu.memory_space<semaphore_mem>>) src(%arg15 : memref<80x128xf32, #tpu.memory_space<vmem>>) dst(%dma_wait3A_100 : memref<80x128xf32, #tpu.memory_space<vmem_shared>>)
    %dma_wait3A_101 = arith.constant 0 : i32
    %dma_wait3A_102 = tpu.memref_slice %arg6[%min3A_51, %dma_wait3A_101] : memref<10016x128xf32, #tpu.memory_space<vmem_shared>> -> memref<80x128xf32, #tpu.memory_space<vmem_shared>>
    %dma_wait3A_103 = arith.constant 0 : i32
    %dma_wait3A_104 = tpu.memref_slice %arg6[%min3A_51, %dma_wait3A_103] : memref<10016x128xf32, #tpu.memory_space<vmem_shared>> -> memref<80x128xf32, #tpu.memory_space<vmem_shared>>
    tpu.wait_dma2 semaphore(%arg19 : memref<!tpu.dma_semaphore, #tpu.memory_space<semaphore_mem>>) src(%arg15 : memref<80x128xf32, #tpu.memory_space<vmem>>) dst(%dma_wait3A_104 : memref<80x128xf32, #tpu.memory_space<vmem_shared>>)
    %dma_wait3A_105 = arith.constant 0 : i32
    %dma_wait3A_106 = tpu.memref_slice %arg6[%min3A_61, %dma_wait3A_105] : memref<10016x128xf32, #tpu.memory_space<vmem_shared>> -> memref<80x128xf32, #tpu.memory_space<vmem_shared>>
    %dma_wait3A_107 = arith.constant 0 : i32
    %dma_wait3A_108 = tpu.memref_slice %arg6[%min3A_61, %dma_wait3A_107] : memref<10016x128xf32, #tpu.memory_space<vmem_shared>> -> memref<80x128xf32, #tpu.memory_space<vmem_shared>>
    tpu.wait_dma2 semaphore(%arg19 : memref<!tpu.dma_semaphore, #tpu.memory_space<semaphore_mem>>) src(%arg15 : memref<80x128xf32, #tpu.memory_space<vmem>>) dst(%dma_wait3A_108 : memref<80x128xf32, #tpu.memory_space<vmem_shared>>)
    %dma_wait3A_109 = arith.constant 0 : i32
    %dma_wait3A_110 = tpu.memref_slice %arg6[%min3A_71, %dma_wait3A_109] : memref<10016x128xf32, #tpu.memory_space<vmem_shared>> -> memref<80x128xf32, #tpu.memory_space<vmem_shared>>
    %dma_wait3A_111 = arith.constant 0 : i32
    %dma_wait3A_112 = tpu.memref_slice %arg6[%min3A_71, %dma_wait3A_111] : memref<10016x128xf32, #tpu.memory_space<vmem_shared>> -> memref<80x128xf32, #tpu.memory_space<vmem_shared>>
    tpu.wait_dma2 semaphore(%arg19 : memref<!tpu.dma_semaphore, #tpu.memory_space<semaphore_mem>>) src(%arg15 : memref<80x128xf32, #tpu.memory_space<vmem>>) dst(%dma_wait3A_112 : memref<80x128xf32, #tpu.memory_space<vmem_shared>>)
    %dma_wait3A_113 = arith.constant 0 : i32
    %dma_wait3A_114 = tpu.memref_slice %arg6[%min3A_81, %dma_wait3A_113] : memref<10016x128xf32, #tpu.memory_space<vmem_shared>> -> memref<80x128xf32, #tpu.memory_space<vmem_shared>>
    %dma_wait3A_115 = arith.constant 0 : i32
    %dma_wait3A_116 = tpu.memref_slice %arg6[%min3A_81, %dma_wait3A_115] : memref<10016x128xf32, #tpu.memory_space<vmem_shared>> -> memref<80x128xf32, #tpu.memory_space<vmem_shared>>
    tpu.wait_dma2 semaphore(%arg19 : memref<!tpu.dma_semaphore, #tpu.memory_space<semaphore_mem>>) src(%arg15 : memref<80x128xf32, #tpu.memory_space<vmem>>) dst(%dma_wait3A_116 : memref<80x128xf32, #tpu.memory_space<vmem_shared>>)
    %barrier3A = arith.constant 0 : index
    tpu.barrier barrier_id(%barrier3A)
    %mul3A_117 = arith.constant 322560 : i32
    %mul3A_118 = arith.muli %arg0, %mul3A_117 : i32
    %mul3A_119 = arith.constant 20160 : i32
    %mul3A_120 = arith.muli %arg1, %mul3A_119 : i32
    %add3A_121 = arith.addi %mul3A_118, %mul3A_120 : i32
    %add3A_122 = arith.constant 0 : i32
    %add3A_123 = arith.addi %add3A_121, %add3A_122 : i32
    %add3A_124 = arith.constant 0 : i32
    %add3A_125 = arith.addi %add3A_123, %add3A_124 : i32
    %dma_start3A_126 = tpu.memref_slice %arg3[%add3A_125] : memref<645120xi32, #tpu.memory_space<hbm>> -> memref<80xi32, #tpu.memory_space<hbm>>
    %dma_start3A_127 = tpu.memref_slice %arg3[%add3A_125] : memref<645120xi32, #tpu.memory_space<hbm>> -> memref<80xi32, #tpu.memory_space<hbm>>
    tpu.enqueue_dma source(%dma_start3A_127 : memref<80xi32, #tpu.memory_space<hbm>>) target(%arg7 : memref<80xi32, #tpu.memory_space<vmem>>) target_semaphore(%arg27 : memref<!tpu.dma_semaphore, #tpu.memory_space<semaphore_mem>>)
    %add3A_128 = arith.constant 0 : i32
    %add3A_129 = arith.addi %add3A_123, %add3A_128 : i32
    %dma_start3A_130 = tpu.memref_slice %arg4[%add3A_129] : memref<645120xi32, #tpu.memory_space<hbm>> -> memref<80xi32, #tpu.memory_space<hbm>>
    %dma_start3A_131 = tpu.memref_slice %arg4[%add3A_129] : memref<645120xi32, #tpu.memory_space<hbm>> -> memref<80xi32, #tpu.memory_space<hbm>>
    tpu.enqueue_dma source(%dma_start3A_131 : memref<80xi32, #tpu.memory_space<hbm>>) target(%arg11 : memref<80xi32, #tpu.memory_space<vmem>>) target_semaphore(%arg27 : memref<!tpu.dma_semaphore, #tpu.memory_space<semaphore_mem>>)
    %add3A_132 = arith.constant 80 : i32
    %add3A_133 = arith.addi %add3A_123, %add3A_132 : i32
    %dma_start3A_134 = tpu.memref_slice %arg3[%add3A_133] : memref<645120xi32, #tpu.memory_space<hbm>> -> memref<80xi32, #tpu.memory_space<hbm>>
    %dma_start3A_135 = tpu.memref_slice %arg3[%add3A_133] : memref<645120xi32, #tpu.memory_space<hbm>> -> memref<80xi32, #tpu.memory_space<hbm>>
    tpu.enqueue_dma source(%dma_start3A_135 : memref<80xi32, #tpu.memory_space<hbm>>) target(%arg8 : memref<80xi32, #tpu.memory_space<vmem>>) target_semaphore(%arg28 : memref<!tpu.dma_semaphore, #tpu.memory_space<semaphore_mem>>)
    %add3A_136 = arith.constant 80 : i32
    %add3A_137 = arith.addi %add3A_123, %add3A_136 : i32
    %dma_start3A_138 = tpu.memref_slice %arg4[%add3A_137] : memref<645120xi32, #tpu.memory_space<hbm>> -> memref<80xi32, #tpu.memory_space<hbm>>
    %dma_start3A_139 = tpu.memref_slice %arg4[%add3A_137] : memref<645120xi32, #tpu.memory_space<hbm>> -> memref<80xi32, #tpu.memory_space<hbm>>
    tpu.enqueue_dma source(%dma_start3A_139 : memref<80xi32, #tpu.memory_space<hbm>>) target(%arg12 : memref<80xi32, #tpu.memory_space<vmem>>) target_semaphore(%arg28 : memref<!tpu.dma_semaphore, #tpu.memory_space<semaphore_mem>>)
    %add3A_140 = arith.constant 160 : i32
    %add3A_141 = arith.addi %add3A_123, %add3A_140 : i32
    %dma_start3A_142 = tpu.memref_slice %arg3[%add3A_141] : memref<645120xi32, #tpu.memory_space<hbm>> -> memref<80xi32, #tpu.memory_space<hbm>>
    %dma_start3A_143 = tpu.memref_slice %arg3[%add3A_141] : memref<645120xi32, #tpu.memory_space<hbm>> -> memref<80xi32, #tpu.memory_space<hbm>>
    tpu.enqueue_dma source(%dma_start3A_143 : memref<80xi32, #tpu.memory_space<hbm>>) target(%arg9 : memref<80xi32, #tpu.memory_space<vmem>>) target_semaphore(%arg29 : memref<!tpu.dma_semaphore, #tpu.memory_space<semaphore_mem>>)
    %add3A_144 = arith.constant 160 : i32
    %add3A_145 = arith.addi %add3A_123, %add3A_144 : i32
    %dma_start3A_146 = tpu.memref_slice %arg4[%add3A_145] : memref<645120xi32, #tpu.memory_space<hbm>> -> memref<80xi32, #tpu.memory_space<hbm>>
    %dma_start3A_147 = tpu.memref_slice %arg4[%add3A_145] : memref<645120xi32, #tpu.memory_space<hbm>> -> memref<80xi32, #tpu.memory_space<hbm>>
    tpu.enqueue_dma source(%dma_start3A_147 : memref<80xi32, #tpu.memory_space<hbm>>) target(%arg13 : memref<80xi32, #tpu.memory_space<vmem>>) target_semaphore(%arg29 : memref<!tpu.dma_semaphore, #tpu.memory_space<semaphore_mem>>)
    %add3A_148 = arith.constant 240 : i32
    %add3A_149 = arith.addi %add3A_123, %add3A_148 : i32
    %dma_start3A_150 = tpu.memref_slice %arg3[%add3A_149] : memref<645120xi32, #tpu.memory_space<hbm>> -> memref<80xi32, #tpu.memory_space<hbm>>
    %dma_start3A_151 = tpu.memref_slice %arg3[%add3A_149] : memref<645120xi32, #tpu.memory_space<hbm>> -> memref<80xi32, #tpu.memory_space<hbm>>
    tpu.enqueue_dma source(%dma_start3A_151 : memref<80xi32, #tpu.memory_space<hbm>>) target(%arg10 : memref<80xi32, #tpu.memory_space<vmem>>) target_semaphore(%arg30 : memref<!tpu.dma_semaphore, #tpu.memory_space<semaphore_mem>>)
    %add3A_152 = arith.constant 240 : i32
    %add3A_153 = arith.addi %add3A_123, %add3A_152 : i32
    %dma_start3A_154 = tpu.memref_slice %arg4[%add3A_153] : memref<645120xi32, #tpu.memory_space<hbm>> -> memref<80xi32, #tpu.memory_space<hbm>>
    %dma_start3A_155 = tpu.memref_slice %arg4[%add3A_153] : memref<645120xi32, #tpu.memory_space<hbm>> -> memref<80xi32, #tpu.memory_space<hbm>>
    tpu.enqueue_dma source(%dma_start3A_155 : memref<80xi32, #tpu.memory_space<hbm>>) target(%arg14 : memref<80xi32, #tpu.memory_space<vmem>>) target_semaphore(%arg30 : memref<!tpu.dma_semaphore, #tpu.memory_space<semaphore_mem>>)
    %dma_wait3A_156 = tpu.memref_slice %arg3[%add3A_125] : memref<645120xi32, #tpu.memory_space<hbm>> -> memref<80xi32, #tpu.memory_space<hbm>>
    %dma_wait3A_157 = tpu.memref_slice %arg3[%add3A_125] : memref<645120xi32, #tpu.memory_space<hbm>> -> memref<80xi32, #tpu.memory_space<hbm>>
    tpu.wait_dma2 semaphore(%arg27 : memref<!tpu.dma_semaphore, #tpu.memory_space<semaphore_mem>>) src(%dma_wait3A_157 : memref<80xi32, #tpu.memory_space<hbm>>) dst(%arg7 : memref<80xi32, #tpu.memory_space<vmem>>)
    %dma_wait3A_158 = tpu.memref_slice %arg4[%add3A_129] : memref<645120xi32, #tpu.memory_space<hbm>> -> memref<80xi32, #tpu.memory_space<hbm>>
    %dma_wait3A_159 = tpu.memref_slice %arg4[%add3A_129] : memref<645120xi32, #tpu.memory_space<hbm>> -> memref<80xi32, #tpu.memory_space<hbm>>
    tpu.wait_dma2 semaphore(%arg27 : memref<!tpu.dma_semaphore, #tpu.memory_space<semaphore_mem>>) src(%dma_wait3A_159 : memref<80xi32, #tpu.memory_space<hbm>>) dst(%arg11 : memref<80xi32, #tpu.memory_space<vmem>>)
    %dma_start3A_160 = arith.constant 0 : i32
    %dma_start3A_161 = arith.constant 0 : i32
    %dma_start3A_162 = tpu.memref_slice %arg2[%dma_start3A_160, %dma_start3A_161] : memref<20000x128xf32, #tpu.memory_space<hbm>> -> memref<20000x128xf32, #tpu.memory_space<hbm>>
    tpu.enqueue_indirect_dma source(%dma_start3A_162 : memref<20000x128xf32, #tpu.memory_space<hbm>>) target(%arg15 : memref<80x128xf32, #tpu.memory_space<vmem>>) offsets(%arg7 : memref<80xi32, #tpu.memory_space<vmem>>) semaphore(%arg19 : memref<!tpu.dma_semaphore, #tpu.memory_space<semaphore_mem>>)
    %dma_wait3A_163 = tpu.memref_slice %arg3[%add3A_133] : memref<645120xi32, #tpu.memory_space<hbm>> -> memref<80xi32, #tpu.memory_space<hbm>>
    %dma_wait3A_164 = tpu.memref_slice %arg3[%add3A_133] : memref<645120xi32, #tpu.memory_space<hbm>> -> memref<80xi32, #tpu.memory_space<hbm>>
    tpu.wait_dma2 semaphore(%arg28 : memref<!tpu.dma_semaphore, #tpu.memory_space<semaphore_mem>>) src(%dma_wait3A_164 : memref<80xi32, #tpu.memory_space<hbm>>) dst(%arg8 : memref<80xi32, #tpu.memory_space<vmem>>)
    %dma_wait3A_165 = tpu.memref_slice %arg4[%add3A_137] : memref<645120xi32, #tpu.memory_space<hbm>> -> memref<80xi32, #tpu.memory_space<hbm>>
    %dma_wait3A_166 = tpu.memref_slice %arg4[%add3A_137] : memref<645120xi32, #tpu.memory_space<hbm>> -> memref<80xi32, #tpu.memory_space<hbm>>
    tpu.wait_dma2 semaphore(%arg28 : memref<!tpu.dma_semaphore, #tpu.memory_space<semaphore_mem>>) src(%dma_wait3A_166 : memref<80xi32, #tpu.memory_space<hbm>>) dst(%arg12 : memref<80xi32, #tpu.memory_space<vmem>>)
    %dma_start3A_167 = arith.constant 0 : i32
    %dma_start3A_168 = arith.constant 0 : i32
    %dma_start3A_169 = tpu.memref_slice %arg2[%dma_start3A_167, %dma_start3A_168] : memref<20000x128xf32, #tpu.memory_space<hbm>> -> memref<20000x128xf32, #tpu.memory_space<hbm>>
    tpu.enqueue_indirect_dma source(%dma_start3A_169 : memref<20000x128xf32, #tpu.memory_space<hbm>>) target(%arg16 : memref<80x128xf32, #tpu.memory_space<vmem>>) offsets(%arg8 : memref<80xi32, #tpu.memory_space<vmem>>) semaphore(%arg20 : memref<!tpu.dma_semaphore, #tpu.memory_space<semaphore_mem>>)
    %dma_wait3A_170 = tpu.memref_slice %arg3[%add3A_141] : memref<645120xi32, #tpu.memory_space<hbm>> -> memref<80xi32, #tpu.memory_space<hbm>>
    %dma_wait3A_171 = tpu.memref_slice %arg3[%add3A_141] : memref<645120xi32, #tpu.memory_space<hbm>> -> memref<80xi32, #tpu.memory_space<hbm>>
    tpu.wait_dma2 semaphore(%arg29 : memref<!tpu.dma_semaphore, #tpu.memory_space<semaphore_mem>>) src(%dma_wait3A_171 : memref<80xi32, #tpu.memory_space<hbm>>) dst(%arg9 : memref<80xi32, #tpu.memory_space<vmem>>)
    %dma_wait3A_172 = tpu.memref_slice %arg4[%add3A_145] : memref<645120xi32, #tpu.memory_space<hbm>> -> memref<80xi32, #tpu.memory_space<hbm>>
    %dma_wait3A_173 = tpu.memref_slice %arg4[%add3A_145] : memref<645120xi32, #tpu.memory_space<hbm>> -> memref<80xi32, #tpu.memory_space<hbm>>
    tpu.wait_dma2 semaphore(%arg29 : memref<!tpu.dma_semaphore, #tpu.memory_space<semaphore_mem>>) src(%dma_wait3A_173 : memref<80xi32, #tpu.memory_space<hbm>>) dst(%arg13 : memref<80xi32, #tpu.memory_space<vmem>>)
    %dma_start3A_174 = arith.constant 0 : i32
    %dma_start3A_175 = arith.constant 0 : i32
    %dma_start3A_176 = tpu.memref_slice %arg2[%dma_start3A_174, %dma_start3A_175] : memref<20000x128xf32, #tpu.memory_space<hbm>> -> memref<20000x128xf32, #tpu.memory_space<hbm>>
    tpu.enqueue_indirect_dma source(%dma_start3A_176 : memref<20000x128xf32, #tpu.memory_space<hbm>>) target(%arg17 : memref<80x128xf32, #tpu.memory_space<vmem>>) offsets(%arg9 : memref<80xi32, #tpu.memory_space<vmem>>) semaphore(%arg21 : memref<!tpu.dma_semaphore, #tpu.memory_space<semaphore_mem>>)
    %dma_wait3A_177 = tpu.memref_slice %arg3[%add3A_149] : memref<645120xi32, #tpu.memory_space<hbm>> -> memref<80xi32, #tpu.memory_space<hbm>>
    %dma_wait3A_178 = tpu.memref_slice %arg3[%add3A_149] : memref<645120xi32, #tpu.memory_space<hbm>> -> memref<80xi32, #tpu.memory_space<hbm>>
    tpu.wait_dma2 semaphore(%arg30 : memref<!tpu.dma_semaphore, #tpu.memory_space<semaphore_mem>>) src(%dma_wait3A_178 : memref<80xi32, #tpu.memory_space<hbm>>) dst(%arg10 : memref<80xi32, #tpu.memory_space<vmem>>)
    %dma_wait3A_179 = tpu.memref_slice %arg4[%add3A_153] : memref<645120xi32, #tpu.memory_space<hbm>> -> memref<80xi32, #tpu.memory_space<hbm>>
    %dma_wait3A_180 = tpu.memref_slice %arg4[%add3A_153] : memref<645120xi32, #tpu.memory_space<hbm>> -> memref<80xi32, #tpu.memory_space<hbm>>
    tpu.wait_dma2 semaphore(%arg30 : memref<!tpu.dma_semaphore, #tpu.memory_space<semaphore_mem>>) src(%dma_wait3A_180 : memref<80xi32, #tpu.memory_space<hbm>>) dst(%arg14 : memref<80xi32, #tpu.memory_space<vmem>>)
    %dma_start3A_181 = arith.constant 0 : i32
    %dma_start3A_182 = arith.constant 0 : i32
    %dma_start3A_183 = tpu.memref_slice %arg2[%dma_start3A_181, %dma_start3A_182] : memref<20000x128xf32, #tpu.memory_space<hbm>> -> memref<20000x128xf32, #tpu.memory_space<hbm>>
    tpu.enqueue_indirect_dma source(%dma_start3A_183 : memref<20000x128xf32, #tpu.memory_space<hbm>>) target(%arg18 : memref<80x128xf32, #tpu.memory_space<vmem>>) offsets(%arg10 : memref<80xi32, #tpu.memory_space<vmem>>) semaphore(%arg22 : memref<!tpu.dma_semaphore, #tpu.memory_space<semaphore_mem>>)
    %dma_wait3A_184 = arith.constant 0 : i32
    %dma_wait3A_185 = arith.constant 0 : i32
    %dma_wait3A_186 = tpu.memref_slice %arg2[%dma_wait3A_184, %dma_wait3A_185] : memref<20000x128xf32, #tpu.memory_space<hbm>> -> memref<20000x128xf32, #tpu.memory_space<hbm>>
    tpu.wait_indirect_dma semaphore(%arg19 : memref<!tpu.dma_semaphore, #tpu.memory_space<semaphore_mem>>) src(%dma_wait3A_186 : memref<20000x128xf32, #tpu.memory_space<hbm>>) dst(%arg15 : memref<80x128xf32, #tpu.memory_space<vmem>>)
    %dma_start3A_187 = arith.constant 0 : i32
    %dma_start3A_188 = arith.constant 0 : i32
    %dma_start3A_189 = tpu.memref_slice %arg6[%dma_start3A_187, %dma_start3A_188] : memref<10016x128xf32, #tpu.memory_space<vmem_shared>> -> memref<10016x128xf32, #tpu.memory_space<vmem_shared>>
    tpu.enqueue_indirect_dma source(%arg15 : memref<80x128xf32, #tpu.memory_space<vmem>>) target(%dma_start3A_189 : memref<10016x128xf32, #tpu.memory_space<vmem_shared>>) offsets(%arg11 : memref<80xi32, #tpu.memory_space<vmem>>) semaphore(%arg23 : memref<!tpu.dma_semaphore, #tpu.memory_space<semaphore_mem>>) {add = true}
    %dma_wait3A_190 = arith.constant 0 : i32
    %dma_wait3A_191 = arith.constant 0 : i32
    %dma_wait3A_192 = tpu.memref_slice %arg2[%dma_wait3A_190, %dma_wait3A_191] : memref<20000x128xf32, #tpu.memory_space<hbm>> -> memref<20000x128xf32, #tpu.memory_space<hbm>>
    tpu.wait_indirect_dma semaphore(%arg20 : memref<!tpu.dma_semaphore, #tpu.memory_space<semaphore_mem>>) src(%dma_wait3A_192 : memref<20000x128xf32, #tpu.memory_space<hbm>>) dst(%arg16 : memref<80x128xf32, #tpu.memory_space<vmem>>)
    %dma_start3A_193 = arith.constant 0 : i32
    %dma_start3A_194 = arith.constant 0 : i32
    %dma_start3A_195 = tpu.memref_slice %arg6[%dma_start3A_193, %dma_start3A_194] : memref<10016x128xf32, #tpu.memory_space<vmem_shared>> -> memref<10016x128xf32, #tpu.memory_space<vmem_shared>>
    tpu.enqueue_indirect_dma source(%arg16 : memref<80x128xf32, #tpu.memory_space<vmem>>) target(%dma_start3A_195 : memref<10016x128xf32, #tpu.memory_space<vmem_shared>>) offsets(%arg12 : memref<80xi32, #tpu.memory_space<vmem>>) semaphore(%arg24 : memref<!tpu.dma_semaphore, #tpu.memory_space<semaphore_mem>>) {add = true}
    %dma_wait3A_196 = arith.constant 0 : i32
    %dma_wait3A_197 = arith.constant 0 : i32
    %dma_wait3A_198 = tpu.memref_slice %arg2[%dma_wait3A_196, %dma_wait3A_197] : memref<20000x128xf32, #tpu.memory_space<hbm>> -> memref<20000x128xf32, #tpu.memory_space<hbm>>
    tpu.wait_indirect_dma semaphore(%arg21 : memref<!tpu.dma_semaphore, #tpu.memory_space<semaphore_mem>>) src(%dma_wait3A_198 : memref<20000x128xf32, #tpu.memory_space<hbm>>) dst(%arg17 : memref<80x128xf32, #tpu.memory_space<vmem>>)
    %dma_start3A_199 = arith.constant 0 : i32
    %dma_start3A_200 = arith.constant 0 : i32
    %dma_start3A_201 = tpu.memref_slice %arg6[%dma_start3A_199, %dma_start3A_200] : memref<10016x128xf32, #tpu.memory_space<vmem_shared>> -> memref<10016x128xf32, #tpu.memory_space<vmem_shared>>
    tpu.enqueue_indirect_dma source(%arg17 : memref<80x128xf32, #tpu.memory_space<vmem>>) target(%dma_start3A_201 : memref<10016x128xf32, #tpu.memory_space<vmem_shared>>) offsets(%arg13 : memref<80xi32, #tpu.memory_space<vmem>>) semaphore(%arg25 : memref<!tpu.dma_semaphore, #tpu.memory_space<semaphore_mem>>) {add = true}
    %dma_wait3A_202 = arith.constant 0 : i32
    %dma_wait3A_203 = arith.constant 0 : i32
    %dma_wait3A_204 = tpu.memref_slice %arg2[%dma_wait3A_202, %dma_wait3A_203] : memref<20000x128xf32, #tpu.memory_space<hbm>> -> memref<20000x128xf32, #tpu.memory_space<hbm>>
    tpu.wait_indirect_dma semaphore(%arg22 : memref<!tpu.dma_semaphore, #tpu.memory_space<semaphore_mem>>) src(%dma_wait3A_204 : memref<20000x128xf32, #tpu.memory_space<hbm>>) dst(%arg18 : memref<80x128xf32, #tpu.memory_space<vmem>>)
    %dma_start3A_205 = arith.constant 0 : i32
    %dma_start3A_206 = arith.constant 0 : i32
    %dma_start3A_207 = tpu.memref_slice %arg6[%dma_start3A_205, %dma_start3A_206] : memref<10016x128xf32, #tpu.memory_space<vmem_shared>> -> memref<10016x128xf32, #tpu.memory_space<vmem_shared>>
    tpu.enqueue_indirect_dma source(%arg18 : memref<80x128xf32, #tpu.memory_space<vmem>>) target(%dma_start3A_207 : memref<10016x128xf32, #tpu.memory_space<vmem_shared>>) offsets(%arg14 : memref<80xi32, #tpu.memory_space<vmem>>) semaphore(%arg26 : memref<!tpu.dma_semaphore, #tpu.memory_space<semaphore_mem>>) {add = true}
    %scan3A_208 = arith.constant 0 : i32
    %scan3A_209 = arith.constant 1 : i32
    %scan3A_210 = arith.constant 62 : i32
    %scan3A_211 = arith.addi %scan3A_209, %scan3A_210 : i32
    %scan3A_212 = arith.constant 1 : i32
    scf.for %scan3A_363 = %scan3A_209 to %scan3A_211 step %scan3A_212  : i32 {
      %mul3A_364 = arith.constant 320 : i32
      %mul3A_365 = arith.muli %scan3A_363, %mul3A_364 : i32
      %add3A_366 = arith.addi %add3A_121, %mul3A_365 : i32
      %dma_wait3A_367 = arith.constant 0 : i32
      %dma_wait3A_368 = arith.constant 0 : i32
      %dma_wait3A_369 = tpu.memref_slice %arg6[%dma_wait3A_367, %dma_wait3A_368] : memref<10016x128xf32, #tpu.memory_space<vmem_shared>> -> memref<10016x128xf32, #tpu.memory_space<vmem_shared>>
      tpu.wait_indirect_dma semaphore(%arg23 : memref<!tpu.dma_semaphore, #tpu.memory_space<semaphore_mem>>) src(%arg15 : memref<80x128xf32, #tpu.memory_space<vmem>>) dst(%dma_wait3A_369 : memref<10016x128xf32, #tpu.memory_space<vmem_shared>>)
      %add3A_370 = arith.constant 0 : i32
      %add3A_371 = arith.addi %add3A_366, %add3A_370 : i32
      %dma_start3A_372 = tpu.memref_slice %arg3[%add3A_371] : memref<645120xi32, #tpu.memory_space<hbm>> -> memref<80xi32, #tpu.memory_space<hbm>>
      %dma_start3A_373 = tpu.memref_slice %arg3[%add3A_371] : memref<645120xi32, #tpu.memory_space<hbm>> -> memref<80xi32, #tpu.memory_space<hbm>>
      tpu.enqueue_dma source(%dma_start3A_373 : memref<80xi32, #tpu.memory_space<hbm>>) target(%arg7 : memref<80xi32, #tpu.memory_space<vmem>>) target_semaphore(%arg27 : memref<!tpu.dma_semaphore, #tpu.memory_space<semaphore_mem>>)
      %add3A_374 = arith.constant 0 : i32
      %add3A_375 = arith.addi %add3A_366, %add3A_374 : i32
      %dma_start3A_376 = tpu.memref_slice %arg4[%add3A_375] : memref<645120xi32, #tpu.memory_space<hbm>> -> memref<80xi32, #tpu.memory_space<hbm>>
      %dma_start3A_377 = tpu.memref_slice %arg4[%add3A_375] : memref<645120xi32, #tpu.memory_space<hbm>> -> memref<80xi32, #tpu.memory_space<hbm>>
      tpu.enqueue_dma source(%dma_start3A_377 : memref<80xi32, #tpu.memory_space<hbm>>) target(%arg11 : memref<80xi32, #tpu.memory_space<vmem>>) target_semaphore(%arg27 : memref<!tpu.dma_semaphore, #tpu.memory_space<semaphore_mem>>)
      %dma_wait3A_378 = arith.constant 0 : i32
      %dma_wait3A_379 = arith.constant 0 : i32
      %dma_wait3A_380 = tpu.memref_slice %arg6[%dma_wait3A_378, %dma_wait3A_379] : memref<10016x128xf32, #tpu.memory_space<vmem_shared>> -> memref<10016x128xf32, #tpu.memory_space<vmem_shared>>
      tpu.wait_indirect_dma semaphore(%arg24 : memref<!tpu.dma_semaphore, #tpu.memory_space<semaphore_mem>>) src(%arg16 : memref<80x128xf32, #tpu.memory_space<vmem>>) dst(%dma_wait3A_380 : memref<10016x128xf32, #tpu.memory_space<vmem_shared>>)
      %add3A_381 = arith.constant 80 : i32
      %add3A_382 = arith.addi %add3A_366, %add3A_381 : i32
      %dma_start3A_383 = tpu.memref_slice %arg3[%add3A_382] : memref<645120xi32, #tpu.memory_space<hbm>> -> memref<80xi32, #tpu.memory_space<hbm>>
      %dma_start3A_384 = tpu.memref_slice %arg3[%add3A_382] : memref<645120xi32, #tpu.memory_space<hbm>> -> memref<80xi32, #tpu.memory_space<hbm>>
      tpu.enqueue_dma source(%dma_start3A_384 : memref<80xi32, #tpu.memory_space<hbm>>) target(%arg8 : memref<80xi32, #tpu.memory_space<vmem>>) target_semaphore(%arg28 : memref<!tpu.dma_semaphore, #tpu.memory_space<semaphore_mem>>)
      %add3A_385 = arith.constant 80 : i32
      %add3A_386 = arith.addi %add3A_366, %add3A_385 : i32
      %dma_start3A_387 = tpu.memref_slice %arg4[%add3A_386] : memref<645120xi32, #tpu.memory_space<hbm>> -> memref<80xi32, #tpu.memory_space<hbm>>
      %dma_start3A_388 = tpu.memref_slice %arg4[%add3A_386] : memref<645120xi32, #tpu.memory_space<hbm>> -> memref<80xi32, #tpu.memory_space<hbm>>
      tpu.enqueue_dma source(%dma_start3A_388 : memref<80xi32, #tpu.memory_space<hbm>>) target(%arg12 : memref<80xi32, #tpu.memory_space<vmem>>) target_semaphore(%arg28 : memref<!tpu.dma_semaphore, #tpu.memory_space<semaphore_mem>>)
      %dma_wait3A_389 = arith.constant 0 : i32
      %dma_wait3A_390 = arith.constant 0 : i32
      %dma_wait3A_391 = tpu.memref_slice %arg6[%dma_wait3A_389, %dma_wait3A_390] : memref<10016x128xf32, #tpu.memory_space<vmem_shared>> -> memref<10016x128xf32, #tpu.memory_space<vmem_shared>>
      tpu.wait_indirect_dma semaphore(%arg25 : memref<!tpu.dma_semaphore, #tpu.memory_space<semaphore_mem>>) src(%arg17 : memref<80x128xf32, #tpu.memory_space<vmem>>) dst(%dma_wait3A_391 : memref<10016x128xf32, #tpu.memory_space<vmem_shared>>)
      %add3A_392 = arith.constant 160 : i32
      %add3A_393 = arith.addi %add3A_366, %add3A_392 : i32
      %dma_start3A_394 = tpu.memref_slice %arg3[%add3A_393] : memref<645120xi32, #tpu.memory_space<hbm>> -> memref<80xi32, #tpu.memory_space<hbm>>
      %dma_start3A_395 = tpu.memref_slice %arg3[%add3A_393] : memref<645120xi32, #tpu.memory_space<hbm>> -> memref<80xi32, #tpu.memory_space<hbm>>
      tpu.enqueue_dma source(%dma_start3A_395 : memref<80xi32, #tpu.memory_space<hbm>>) target(%arg9 : memref<80xi32, #tpu.memory_space<vmem>>) target_semaphore(%arg29 : memref<!tpu.dma_semaphore, #tpu.memory_space<semaphore_mem>>)
      %add3A_396 = arith.constant 160 : i32
      %add3A_397 = arith.addi %add3A_366, %add3A_396 : i32
      %dma_start3A_398 = tpu.memref_slice %arg4[%add3A_397] : memref<645120xi32, #tpu.memory_space<hbm>> -> memref<80xi32, #tpu.memory_space<hbm>>
      %dma_start3A_399 = tpu.memref_slice %arg4[%add3A_397] : memref<645120xi32, #tpu.memory_space<hbm>> -> memref<80xi32, #tpu.memory_space<hbm>>
      tpu.enqueue_dma source(%dma_start3A_399 : memref<80xi32, #tpu.memory_space<hbm>>) target(%arg13 : memref<80xi32, #tpu.memory_space<vmem>>) target_semaphore(%arg29 : memref<!tpu.dma_semaphore, #tpu.memory_space<semaphore_mem>>)
      %dma_wait3A_400 = arith.constant 0 : i32
      %dma_wait3A_401 = arith.constant 0 : i32
      %dma_wait3A_402 = tpu.memref_slice %arg6[%dma_wait3A_400, %dma_wait3A_401] : memref<10016x128xf32, #tpu.memory_space<vmem_shared>> -> memref<10016x128xf32, #tpu.memory_space<vmem_shared>>
      tpu.wait_indirect_dma semaphore(%arg26 : memref<!tpu.dma_semaphore, #tpu.memory_space<semaphore_mem>>) src(%arg18 : memref<80x128xf32, #tpu.memory_space<vmem>>) dst(%dma_wait3A_402 : memref<10016x128xf32, #tpu.memory_space<vmem_shared>>)
      %add3A_403 = arith.constant 240 : i32
      %add3A_404 = arith.addi %add3A_366, %add3A_403 : i32
      %dma_start3A_405 = tpu.memref_slice %arg3[%add3A_404] : memref<645120xi32, #tpu.memory_space<hbm>> -> memref<80xi32, #tpu.memory_space<hbm>>
      %dma_start3A_406 = tpu.memref_slice %arg3[%add3A_404] : memref<645120xi32, #tpu.memory_space<hbm>> -> memref<80xi32, #tpu.memory_space<hbm>>
      tpu.enqueue_dma source(%dma_start3A_406 : memref<80xi32, #tpu.memory_space<hbm>>) target(%arg10 : memref<80xi32, #tpu.memory_space<vmem>>) target_semaphore(%arg30 : memref<!tpu.dma_semaphore, #tpu.memory_space<semaphore_mem>>)
      %add3A_407 = arith.constant 240 : i32
      %add3A_408 = arith.addi %add3A_366, %add3A_407 : i32
      %dma_start3A_409 = tpu.memref_slice %arg4[%add3A_408] : memref<645120xi32, #tpu.memory_space<hbm>> -> memref<80xi32, #tpu.memory_space<hbm>>
      %dma_start3A_410 = tpu.memref_slice %arg4[%add3A_408] : memref<645120xi32, #tpu.memory_space<hbm>> -> memref<80xi32, #tpu.memory_space<hbm>>
      tpu.enqueue_dma source(%dma_start3A_410 : memref<80xi32, #tpu.memory_space<hbm>>) target(%arg14 : memref<80xi32, #tpu.memory_space<vmem>>) target_semaphore(%arg30 : memref<!tpu.dma_semaphore, #tpu.memory_space<semaphore_mem>>)
      %dma_wait3A_411 = tpu.memref_slice %arg3[%add3A_371] : memref<645120xi32, #tpu.memory_space<hbm>> -> memref<80xi32, #tpu.memory_space<hbm>>
      %dma_wait3A_412 = tpu.memref_slice %arg3[%add3A_371] : memref<645120xi32, #tpu.memory_space<hbm>> -> memref<80xi32, #tpu.memory_space<hbm>>
      tpu.wait_dma2 semaphore(%arg27 : memref<!tpu.dma_semaphore, #tpu.memory_space<semaphore_mem>>) src(%dma_wait3A_412 : memref<80xi32, #tpu.memory_space<hbm>>) dst(%arg7 : memref<80xi32, #tpu.memory_space<vmem>>)
      %dma_wait3A_413 = tpu.memref_slice %arg4[%add3A_375] : memref<645120xi32, #tpu.memory_space<hbm>> -> memref<80xi32, #tpu.memory_space<hbm>>
      %dma_wait3A_414 = tpu.memref_slice %arg4[%add3A_375] : memref<645120xi32, #tpu.memory_space<hbm>> -> memref<80xi32, #tpu.memory_space<hbm>>
      tpu.wait_dma2 semaphore(%arg27 : memref<!tpu.dma_semaphore, #tpu.memory_space<semaphore_mem>>) src(%dma_wait3A_414 : memref<80xi32, #tpu.memory_space<hbm>>) dst(%arg11 : memref<80xi32, #tpu.memory_space<vmem>>)
      %dma_start3A_415 = arith.constant 0 : i32
      %dma_start3A_416 = arith.constant 0 : i32
      %dma_start3A_417 = tpu.memref_slice %arg2[%dma_start3A_415, %dma_start3A_416] : memref<20000x128xf32, #tpu.memory_space<hbm>> -> memref<20000x128xf32, #tpu.memory_space<hbm>>
      tpu.enqueue_indirect_dma source(%dma_start3A_417 : memref<20000x128xf32, #tpu.memory_space<hbm>>) target(%arg15 : memref<80x128xf32, #tpu.memory_space<vmem>>) offsets(%arg7 : memref<80xi32, #tpu.memory_space<vmem>>) semaphore(%arg19 : memref<!tpu.dma_semaphore, #tpu.memory_space<semaphore_mem>>)
      %dma_wait3A_418 = tpu.memref_slice %arg3[%add3A_382] : memref<645120xi32, #tpu.memory_space<hbm>> -> memref<80xi32, #tpu.memory_space<hbm>>
      %dma_wait3A_419 = tpu.memref_slice %arg3[%add3A_382] : memref<645120xi32, #tpu.memory_space<hbm>> -> memref<80xi32, #tpu.memory_space<hbm>>
      tpu.wait_dma2 semaphore(%arg28 : memref<!tpu.dma_semaphore, #tpu.memory_space<semaphore_mem>>) src(%dma_wait3A_419 : memref<80xi32, #tpu.memory_space<hbm>>) dst(%arg8 : memref<80xi32, #tpu.memory_space<vmem>>)
      %dma_wait3A_420 = tpu.memref_slice %arg4[%add3A_386] : memref<645120xi32, #tpu.memory_space<hbm>> -> memref<80xi32, #tpu.memory_space<hbm>>
      %dma_wait3A_421 = tpu.memref_slice %arg4[%add3A_386] : memref<645120xi32, #tpu.memory_space<hbm>> -> memref<80xi32, #tpu.memory_space<hbm>>
      tpu.wait_dma2 semaphore(%arg28 : memref<!tpu.dma_semaphore, #tpu.memory_space<semaphore_mem>>) src(%dma_wait3A_421 : memref<80xi32, #tpu.memory_space<hbm>>) dst(%arg12 : memref<80xi32, #tpu.memory_space<vmem>>)
      %dma_start3A_422 = arith.constant 0 : i32
      %dma_start3A_423 = arith.constant 0 : i32
      %dma_start3A_424 = tpu.memref_slice %arg2[%dma_start3A_422, %dma_start3A_423] : memref<20000x128xf32, #tpu.memory_space<hbm>> -> memref<20000x128xf32, #tpu.memory_space<hbm>>
      tpu.enqueue_indirect_dma source(%dma_start3A_424 : memref<20000x128xf32, #tpu.memory_space<hbm>>) target(%arg16 : memref<80x128xf32, #tpu.memory_space<vmem>>) offsets(%arg8 : memref<80xi32, #tpu.memory_space<vmem>>) semaphore(%arg20 : memref<!tpu.dma_semaphore, #tpu.memory_space<semaphore_mem>>)
      %dma_wait3A_425 = tpu.memref_slice %arg3[%add3A_393] : memref<645120xi32, #tpu.memory_space<hbm>> -> memref<80xi32, #tpu.memory_space<hbm>>
      %dma_wait3A_426 = tpu.memref_slice %arg3[%add3A_393] : memref<645120xi32, #tpu.memory_space<hbm>> -> memref<80xi32, #tpu.memory_space<hbm>>
      tpu.wait_dma2 semaphore(%arg29 : memref<!tpu.dma_semaphore, #tpu.memory_space<semaphore_mem>>) src(%dma_wait3A_426 : memref<80xi32, #tpu.memory_space<hbm>>) dst(%arg9 : memref<80xi32, #tpu.memory_space<vmem>>)
      %dma_wait3A_427 = tpu.memref_slice %arg4[%add3A_397] : memref<645120xi32, #tpu.memory_space<hbm>> -> memref<80xi32, #tpu.memory_space<hbm>>
      %dma_wait3A_428 = tpu.memref_slice %arg4[%add3A_397] : memref<645120xi32, #tpu.memory_space<hbm>> -> memref<80xi32, #tpu.memory_space<hbm>>
      tpu.wait_dma2 semaphore(%arg29 : memref<!tpu.dma_semaphore, #tpu.memory_space<semaphore_mem>>) src(%dma_wait3A_428 : memref<80xi32, #tpu.memory_space<hbm>>) dst(%arg13 : memref<80xi32, #tpu.memory_space<vmem>>)
      %dma_start3A_429 = arith.constant 0 : i32
      %dma_start3A_430 = arith.constant 0 : i32
      %dma_start3A_431 = tpu.memref_slice %arg2[%dma_start3A_429, %dma_start3A_430] : memref<20000x128xf32, #tpu.memory_space<hbm>> -> memref<20000x128xf32, #tpu.memory_space<hbm>>
      tpu.enqueue_indirect_dma source(%dma_start3A_431 : memref<20000x128xf32, #tpu.memory_space<hbm>>) target(%arg17 : memref<80x128xf32, #tpu.memory_space<vmem>>) offsets(%arg9 : memref<80xi32, #tpu.memory_space<vmem>>) semaphore(%arg21 : memref<!tpu.dma_semaphore, #tpu.memory_space<semaphore_mem>>)
      %dma_wait3A_432 = tpu.memref_slice %arg3[%add3A_404] : memref<645120xi32, #tpu.memory_space<hbm>> -> memref<80xi32, #tpu.memory_space<hbm>>
      %dma_wait3A_433 = tpu.memref_slice %arg3[%add3A_404] : memref<645120xi32, #tpu.memory_space<hbm>> -> memref<80xi32, #tpu.memory_space<hbm>>
      tpu.wait_dma2 semaphore(%arg30 : memref<!tpu.dma_semaphore, #tpu.memory_space<semaphore_mem>>) src(%dma_wait3A_433 : memref<80xi32, #tpu.memory_space<hbm>>) dst(%arg10 : memref<80xi32, #tpu.memory_space<vmem>>)
      %dma_wait3A_434 = tpu.memref_slice %arg4[%add3A_408] : memref<645120xi32, #tpu.memory_space<hbm>> -> memref<80xi32, #tpu.memory_space<hbm>>
      %dma_wait3A_435 = tpu.memref_slice %arg4[%add3A_408] : memref<645120xi32, #tpu.memory_space<hbm>> -> memref<80xi32, #tpu.memory_space<hbm>>
      tpu.wait_dma2 semaphore(%arg30 : memref<!tpu.dma_semaphore, #tpu.memory_space<semaphore_mem>>) src(%dma_wait3A_435 : memref<80xi32, #tpu.memory_space<hbm>>) dst(%arg14 : memref<80xi32, #tpu.memory_space<vmem>>)
      %dma_start3A_436 = arith.constant 0 : i32
      %dma_start3A_437 = arith.constant 0 : i32
      %dma_start3A_438 = tpu.memref_slice %arg2[%dma_start3A_436, %dma_start3A_437] : memref<20000x128xf32, #tpu.memory_space<hbm>> -> memref<20000x128xf32, #tpu.memory_space<hbm>>
      tpu.enqueue_indirect_dma source(%dma_start3A_438 : memref<20000x128xf32, #tpu.memory_space<hbm>>) target(%arg18 : memref<80x128xf32, #tpu.memory_space<vmem>>) offsets(%arg10 : memref<80xi32, #tpu.memory_space<vmem>>) semaphore(%arg22 : memref<!tpu.dma_semaphore, #tpu.memory_space<semaphore_mem>>)
      %dma_wait3A_439 = arith.constant 0 : i32
      %dma_wait3A_440 = arith.constant 0 : i32
      %dma_wait3A_441 = tpu.memref_slice %arg2[%dma_wait3A_439, %dma_wait3A_440] : memref<20000x128xf32, #tpu.memory_space<hbm>> -> memref<20000x128xf32, #tpu.memory_space<hbm>>
      tpu.wait_indirect_dma semaphore(%arg19 : memref<!tpu.dma_semaphore, #tpu.memory_space<semaphore_mem>>) src(%dma_wait3A_441 : memref<20000x128xf32, #tpu.memory_space<hbm>>) dst(%arg15 : memref<80x128xf32, #tpu.memory_space<vmem>>)
      %dma_start3A_442 = arith.constant 0 : i32
      %dma_start3A_443 = arith.constant 0 : i32
      %dma_start3A_444 = tpu.memref_slice %arg6[%dma_start3A_442, %dma_start3A_443] : memref<10016x128xf32, #tpu.memory_space<vmem_shared>> -> memref<10016x128xf32, #tpu.memory_space<vmem_shared>>
      tpu.enqueue_indirect_dma source(%arg15 : memref<80x128xf32, #tpu.memory_space<vmem>>) target(%dma_start3A_444 : memref<10016x128xf32, #tpu.memory_space<vmem_shared>>) offsets(%arg11 : memref<80xi32, #tpu.memory_space<vmem>>) semaphore(%arg23 : memref<!tpu.dma_semaphore, #tpu.memory_space<semaphore_mem>>) {add = true}
      %dma_wait3A_445 = arith.constant 0 : i32
      %dma_wait3A_446 = arith.constant 0 : i32
      %dma_wait3A_447 = tpu.memref_slice %arg2[%dma_wait3A_445, %dma_wait3A_446] : memref<20000x128xf32, #tpu.memory_space<hbm>> -> memref<20000x128xf32, #tpu.memory_space<hbm>>
      tpu.wait_indirect_dma semaphore(%arg20 : memref<!tpu.dma_semaphore, #tpu.memory_space<semaphore_mem>>) src(%dma_wait3A_447 : memref<20000x128xf32, #tpu.memory_space<hbm>>) dst(%arg16 : memref<80x128xf32, #tpu.memory_space<vmem>>)
      %dma_start3A_448 = arith.constant 0 : i32
      %dma_start3A_449 = arith.constant 0 : i32
      %dma_start3A_450 = tpu.memref_slice %arg6[%dma_start3A_448, %dma_start3A_449] : memref<10016x128xf32, #tpu.memory_space<vmem_shared>> -> memref<10016x128xf32, #tpu.memory_space<vmem_shared>>
      tpu.enqueue_indirect_dma source(%arg16 : memref<80x128xf32, #tpu.memory_space<vmem>>) target(%dma_start3A_450 : memref<10016x128xf32, #tpu.memory_space<vmem_shared>>) offsets(%arg12 : memref<80xi32, #tpu.memory_space<vmem>>) semaphore(%arg24 : memref<!tpu.dma_semaphore, #tpu.memory_space<semaphore_mem>>) {add = true}
      %dma_wait3A_451 = arith.constant 0 : i32
      %dma_wait3A_452 = arith.constant 0 : i32
      %dma_wait3A_453 = tpu.memref_slice %arg2[%dma_wait3A_451, %dma_wait3A_452] : memref<20000x128xf32, #tpu.memory_space<hbm>> -> memref<20000x128xf32, #tpu.memory_space<hbm>>
      tpu.wait_indirect_dma semaphore(%arg21 : memref<!tpu.dma_semaphore, #tpu.memory_space<semaphore_mem>>) src(%dma_wait3A_453 : memref<20000x128xf32, #tpu.memory_space<hbm>>) dst(%arg17 : memref<80x128xf32, #tpu.memory_space<vmem>>)
      %dma_start3A_454 = arith.constant 0 : i32
      %dma_start3A_455 = arith.constant 0 : i32
      %dma_start3A_456 = tpu.memref_slice %arg6[%dma_start3A_454, %dma_start3A_455] : memref<10016x128xf32, #tpu.memory_space<vmem_shared>> -> memref<10016x128xf32, #tpu.memory_space<vmem_shared>>
      tpu.enqueue_indirect_dma source(%arg17 : memref<80x128xf32, #tpu.memory_space<vmem>>) target(%dma_start3A_456 : memref<10016x128xf32, #tpu.memory_space<vmem_shared>>) offsets(%arg13 : memref<80xi32, #tpu.memory_space<vmem>>) semaphore(%arg25 : memref<!tpu.dma_semaphore, #tpu.memory_space<semaphore_mem>>) {add = true}
      %dma_wait3A_457 = arith.constant 0 : i32
      %dma_wait3A_458 = arith.constant 0 : i32
      %dma_wait3A_459 = tpu.memref_slice %arg2[%dma_wait3A_457, %dma_wait3A_458] : memref<20000x128xf32, #tpu.memory_space<hbm>> -> memref<20000x128xf32, #tpu.memory_space<hbm>>
      tpu.wait_indirect_dma semaphore(%arg22 : memref<!tpu.dma_semaphore, #tpu.memory_space<semaphore_mem>>) src(%dma_wait3A_459 : memref<20000x128xf32, #tpu.memory_space<hbm>>) dst(%arg18 : memref<80x128xf32, #tpu.memory_space<vmem>>)
      %dma_start3A_460 = arith.constant 0 : i32
      %dma_start3A_461 = arith.constant 0 : i32
      %dma_start3A_462 = tpu.memref_slice %arg6[%dma_start3A_460, %dma_start3A_461] : memref<10016x128xf32, #tpu.memory_space<vmem_shared>> -> memref<10016x128xf32, #tpu.memory_space<vmem_shared>>
      tpu.enqueue_indirect_dma source(%arg18 : memref<80x128xf32, #tpu.memory_space<vmem>>) target(%dma_start3A_462 : memref<10016x128xf32, #tpu.memory_space<vmem_shared>>) offsets(%arg14 : memref<80xi32, #tpu.memory_space<vmem>>) semaphore(%arg26 : memref<!tpu.dma_semaphore, #tpu.memory_space<semaphore_mem>>) {add = true}
    }
    %scan3A_213 = arith.constant 62 : i32
    %dma_wait3A_214 = arith.constant 0 : i32
    %dma_wait3A_215 = arith.constant 0 : i32
    %dma_wait3A_216 = tpu.memref_slice %arg6[%dma_wait3A_214, %dma_wait3A_215] : memref<10016x128xf32, #tpu.memory_space<vmem_shared>> -> memref<10016x128xf32, #tpu.memory_space<vmem_shared>>
    tpu.wait_indirect_dma semaphore(%arg23 : memref<!tpu.dma_semaphore, #tpu.memory_space<semaphore_mem>>) src(%arg15 : memref<80x128xf32, #tpu.memory_space<vmem>>) dst(%dma_wait3A_216 : memref<10016x128xf32, #tpu.memory_space<vmem_shared>>)
    %dma_wait3A_217 = arith.constant 0 : i32
    %dma_wait3A_218 = arith.constant 0 : i32
    %dma_wait3A_219 = tpu.memref_slice %arg6[%dma_wait3A_217, %dma_wait3A_218] : memref<10016x128xf32, #tpu.memory_space<vmem_shared>> -> memref<10016x128xf32, #tpu.memory_space<vmem_shared>>
    tpu.wait_indirect_dma semaphore(%arg24 : memref<!tpu.dma_semaphore, #tpu.memory_space<semaphore_mem>>) src(%arg16 : memref<80x128xf32, #tpu.memory_space<vmem>>) dst(%dma_wait3A_219 : memref<10016x128xf32, #tpu.memory_space<vmem_shared>>)
    %dma_wait3A_220 = arith.constant 0 : i32
    %dma_wait3A_221 = arith.constant 0 : i32
    %dma_wait3A_222 = tpu.memref_slice %arg6[%dma_wait3A_220, %dma_wait3A_221] : memref<10016x128xf32, #tpu.memory_space<vmem_shared>> -> memref<10016x128xf32, #tpu.memory_space<vmem_shared>>
    tpu.wait_indirect_dma semaphore(%arg25 : memref<!tpu.dma_semaphore, #tpu.memory_space<semaphore_mem>>) src(%arg17 : memref<80x128xf32, #tpu.memory_space<vmem>>) dst(%dma_wait3A_222 : memref<10016x128xf32, #tpu.memory_space<vmem_shared>>)
    %dma_wait3A_223 = arith.constant 0 : i32
    %dma_wait3A_224 = arith.constant 0 : i32
    %dma_wait3A_225 = tpu.memref_slice %arg6[%dma_wait3A_223, %dma_wait3A_224] : memref<10016x128xf32, #tpu.memory_space<vmem_shared>> -> memref<10016x128xf32, #tpu.memory_space<vmem_shared>>
    tpu.wait_indirect_dma semaphore(%arg26 : memref<!tpu.dma_semaphore, #tpu.memory_space<semaphore_mem>>) src(%arg18 : memref<80x128xf32, #tpu.memory_space<vmem>>) dst(%dma_wait3A_225 : memref<10016x128xf32, #tpu.memory_space<vmem_shared>>)
    %barrier3A_226 = arith.constant 0 : index
    tpu.barrier barrier_id(%barrier3A_226)
    %mul3A_227 = arith.constant 640 : i32
    %mul3A_228 = arith.muli %arg1, %mul3A_227 : i32
    %add3A_229 = arith.constant 0 : i32
    %add3A_230 = arith.addi %mul3A_228, %add3A_229 : i32
    %min3A_231 = arith.constant 9920 : i32
    %min3A_232 = arith.minsi %add3A_230, %min3A_231 : i32
    "tpu.region"() ({
      %run_scoped3A = tpu.sem_alloc : memref<!tpu.dma_semaphore, #tpu.memory_space<semaphore_mem>>
      %dma_start3A_363 = arith.constant 0 : i32
      %dma_start3A_364 = tpu.memref_slice %arg6[%min3A_232, %dma_start3A_363] : memref<10016x128xf32, #tpu.memory_space<vmem_shared>> -> memref<80x128xf32, #tpu.memory_space<vmem_shared>>
      %dma_start3A_365 = arith.constant 0 : i32
      %dma_start3A_366 = tpu.memref_slice %arg6[%min3A_232, %dma_start3A_365] : memref<10016x128xf32, #tpu.memory_space<vmem_shared>> -> memref<80x128xf32, #tpu.memory_space<vmem_shared>>
      tpu.enqueue_dma source(%dma_start3A_366 : memref<80x128xf32, #tpu.memory_space<vmem_shared>>) target(%arg15 : memref<80x128xf32, #tpu.memory_space<vmem>>) target_semaphore(%run_scoped3A : memref<!tpu.dma_semaphore, #tpu.memory_space<semaphore_mem>>)
      %dma_wait3A_367 = arith.constant 0 : i32
      %dma_wait3A_368 = tpu.memref_slice %arg6[%min3A_232, %dma_wait3A_367] : memref<10016x128xf32, #tpu.memory_space<vmem_shared>> -> memref<80x128xf32, #tpu.memory_space<vmem_shared>>
      %dma_wait3A_369 = arith.constant 0 : i32
      %dma_wait3A_370 = tpu.memref_slice %arg6[%min3A_232, %dma_wait3A_369] : memref<10016x128xf32, #tpu.memory_space<vmem_shared>> -> memref<80x128xf32, #tpu.memory_space<vmem_shared>>
      tpu.wait_dma2 semaphore(%run_scoped3A : memref<!tpu.dma_semaphore, #tpu.memory_space<semaphore_mem>>) src(%dma_wait3A_370 : memref<80x128xf32, #tpu.memory_space<vmem_shared>>) dst(%arg15 : memref<80x128xf32, #tpu.memory_space<vmem>>)
      tpu.yield
    }) : () -> ()
    %mul3A_233 = arith.constant 10000 : i32
    %mul3A_234 = arith.muli %arg0, %mul3A_233 : i32
    %add3A_235 = arith.addi %mul3A_234, %min3A_232 : i32
    %dma_start3A_236 = arith.constant 0 : i32
    %dma_start3A_237 = tpu.memref_slice %arg5[%add3A_235, %dma_start3A_236] : memref<20000x128xf32, #tpu.memory_space<hbm>> -> memref<80x128xf32, #tpu.memory_space<hbm>>
    %dma_start3A_238 = arith.constant 0 : i32
    %dma_start3A_239 = tpu.memref_slice %arg5[%add3A_235, %dma_start3A_238] : memref<20000x128xf32, #tpu.memory_space<hbm>> -> memref<80x128xf32, #tpu.memory_space<hbm>>
    tpu.enqueue_dma source(%arg15 : memref<80x128xf32, #tpu.memory_space<vmem>>) target(%dma_start3A_239 : memref<80x128xf32, #tpu.memory_space<hbm>>) target_semaphore(%arg23 : memref<!tpu.dma_semaphore, #tpu.memory_space<semaphore_mem>>)
    %mul3A_240 = arith.constant 640 : i32
    %mul3A_241 = arith.muli %arg1, %mul3A_240 : i32
    %add3A_242 = arith.constant 80 : i32
    %add3A_243 = arith.addi %mul3A_241, %add3A_242 : i32
    %min3A_244 = arith.constant 9920 : i32
    %min3A_245 = arith.minsi %add3A_243, %min3A_244 : i32
    "tpu.region"() ({
      %run_scoped3A = tpu.sem_alloc : memref<!tpu.dma_semaphore, #tpu.memory_space<semaphore_mem>>
      %dma_start3A_363 = arith.constant 0 : i32
      %dma_start3A_364 = tpu.memref_slice %arg6[%min3A_245, %dma_start3A_363] : memref<10016x128xf32, #tpu.memory_space<vmem_shared>> -> memref<80x128xf32, #tpu.memory_space<vmem_shared>>
      %dma_start3A_365 = arith.constant 0 : i32
      %dma_start3A_366 = tpu.memref_slice %arg6[%min3A_245, %dma_start3A_365] : memref<10016x128xf32, #tpu.memory_space<vmem_shared>> -> memref<80x128xf32, #tpu.memory_space<vmem_shared>>
      tpu.enqueue_dma source(%dma_start3A_366 : memref<80x128xf32, #tpu.memory_space<vmem_shared>>) target(%arg16 : memref<80x128xf32, #tpu.memory_space<vmem>>) target_semaphore(%run_scoped3A : memref<!tpu.dma_semaphore, #tpu.memory_space<semaphore_mem>>)
      %dma_wait3A_367 = arith.constant 0 : i32
      %dma_wait3A_368 = tpu.memref_slice %arg6[%min3A_245, %dma_wait3A_367] : memref<10016x128xf32, #tpu.memory_space<vmem_shared>> -> memref<80x128xf32, #tpu.memory_space<vmem_shared>>
      %dma_wait3A_369 = arith.constant 0 : i32
      %dma_wait3A_370 = tpu.memref_slice %arg6[%min3A_245, %dma_wait3A_369] : memref<10016x128xf32, #tpu.memory_space<vmem_shared>> -> memref<80x128xf32, #tpu.memory_space<vmem_shared>>
      tpu.wait_dma2 semaphore(%run_scoped3A : memref<!tpu.dma_semaphore, #tpu.memory_space<semaphore_mem>>) src(%dma_wait3A_370 : memref<80x128xf32, #tpu.memory_space<vmem_shared>>) dst(%arg16 : memref<80x128xf32, #tpu.memory_space<vmem>>)
      tpu.yield
    }) : () -> ()
    %mul3A_246 = arith.constant 10000 : i32
    %mul3A_247 = arith.muli %arg0, %mul3A_246 : i32
    %add3A_248 = arith.addi %mul3A_247, %min3A_245 : i32
    %dma_start3A_249 = arith.constant 0 : i32
    %dma_start3A_250 = tpu.memref_slice %arg5[%add3A_248, %dma_start3A_249] : memref<20000x128xf32, #tpu.memory_space<hbm>> -> memref<80x128xf32, #tpu.memory_space<hbm>>
    %dma_start3A_251 = arith.constant 0 : i32
    %dma_start3A_252 = tpu.memref_slice %arg5[%add3A_248, %dma_start3A_251] : memref<20000x128xf32, #tpu.memory_space<hbm>> -> memref<80x128xf32, #tpu.memory_space<hbm>>
    tpu.enqueue_dma source(%arg16 : memref<80x128xf32, #tpu.memory_space<vmem>>) target(%dma_start3A_252 : memref<80x128xf32, #tpu.memory_space<hbm>>) target_semaphore(%arg24 : memref<!tpu.dma_semaphore, #tpu.memory_space<semaphore_mem>>)
    %mul3A_253 = arith.constant 640 : i32
    %mul3A_254 = arith.muli %arg1, %mul3A_253 : i32
    %add3A_255 = arith.constant 160 : i32
    %add3A_256 = arith.addi %mul3A_254, %add3A_255 : i32
    %min3A_257 = arith.constant 9920 : i32
    %min3A_258 = arith.minsi %add3A_256, %min3A_257 : i32
    "tpu.region"() ({
      %run_scoped3A = tpu.sem_alloc : memref<!tpu.dma_semaphore, #tpu.memory_space<semaphore_mem>>
      %dma_start3A_363 = arith.constant 0 : i32
      %dma_start3A_364 = tpu.memref_slice %arg6[%min3A_258, %dma_start3A_363] : memref<10016x128xf32, #tpu.memory_space<vmem_shared>> -> memref<80x128xf32, #tpu.memory_space<vmem_shared>>
      %dma_start3A_365 = arith.constant 0 : i32
      %dma_start3A_366 = tpu.memref_slice %arg6[%min3A_258, %dma_start3A_365] : memref<10016x128xf32, #tpu.memory_space<vmem_shared>> -> memref<80x128xf32, #tpu.memory_space<vmem_shared>>
      tpu.enqueue_dma source(%dma_start3A_366 : memref<80x128xf32, #tpu.memory_space<vmem_shared>>) target(%arg17 : memref<80x128xf32, #tpu.memory_space<vmem>>) target_semaphore(%run_scoped3A : memref<!tpu.dma_semaphore, #tpu.memory_space<semaphore_mem>>)
      %dma_wait3A_367 = arith.constant 0 : i32
      %dma_wait3A_368 = tpu.memref_slice %arg6[%min3A_258, %dma_wait3A_367] : memref<10016x128xf32, #tpu.memory_space<vmem_shared>> -> memref<80x128xf32, #tpu.memory_space<vmem_shared>>
      %dma_wait3A_369 = arith.constant 0 : i32
      %dma_wait3A_370 = tpu.memref_slice %arg6[%min3A_258, %dma_wait3A_369] : memref<10016x128xf32, #tpu.memory_space<vmem_shared>> -> memref<80x128xf32, #tpu.memory_space<vmem_shared>>
      tpu.wait_dma2 semaphore(%run_scoped3A : memref<!tpu.dma_semaphore, #tpu.memory_space<semaphore_mem>>) src(%dma_wait3A_370 : memref<80x128xf32, #tpu.memory_space<vmem_shared>>) dst(%arg17 : memref<80x128xf32, #tpu.memory_space<vmem>>)
      tpu.yield
    }) : () -> ()
    %mul3A_259 = arith.constant 10000 : i32
    %mul3A_260 = arith.muli %arg0, %mul3A_259 : i32
    %add3A_261 = arith.addi %mul3A_260, %min3A_258 : i32
    %dma_start3A_262 = arith.constant 0 : i32
    %dma_start3A_263 = tpu.memref_slice %arg5[%add3A_261, %dma_start3A_262] : memref<20000x128xf32, #tpu.memory_space<hbm>> -> memref<80x128xf32, #tpu.memory_space<hbm>>
    %dma_start3A_264 = arith.constant 0 : i32
    %dma_start3A_265 = tpu.memref_slice %arg5[%add3A_261, %dma_start3A_264] : memref<20000x128xf32, #tpu.memory_space<hbm>> -> memref<80x128xf32, #tpu.memory_space<hbm>>
    tpu.enqueue_dma source(%arg17 : memref<80x128xf32, #tpu.memory_space<vmem>>) target(%dma_start3A_265 : memref<80x128xf32, #tpu.memory_space<hbm>>) target_semaphore(%arg25 : memref<!tpu.dma_semaphore, #tpu.memory_space<semaphore_mem>>)
    %mul3A_266 = arith.constant 640 : i32
    %mul3A_267 = arith.muli %arg1, %mul3A_266 : i32
    %add3A_268 = arith.constant 240 : i32
    %add3A_269 = arith.addi %mul3A_267, %add3A_268 : i32
    %min3A_270 = arith.constant 9920 : i32
    %min3A_271 = arith.minsi %add3A_269, %min3A_270 : i32
    "tpu.region"() ({
      %run_scoped3A = tpu.sem_alloc : memref<!tpu.dma_semaphore, #tpu.memory_space<semaphore_mem>>
      %dma_start3A_363 = arith.constant 0 : i32
      %dma_start3A_364 = tpu.memref_slice %arg6[%min3A_271, %dma_start3A_363] : memref<10016x128xf32, #tpu.memory_space<vmem_shared>> -> memref<80x128xf32, #tpu.memory_space<vmem_shared>>
      %dma_start3A_365 = arith.constant 0 : i32
      %dma_start3A_366 = tpu.memref_slice %arg6[%min3A_271, %dma_start3A_365] : memref<10016x128xf32, #tpu.memory_space<vmem_shared>> -> memref<80x128xf32, #tpu.memory_space<vmem_shared>>
      tpu.enqueue_dma source(%dma_start3A_366 : memref<80x128xf32, #tpu.memory_space<vmem_shared>>) target(%arg18 : memref<80x128xf32, #tpu.memory_space<vmem>>) target_semaphore(%run_scoped3A : memref<!tpu.dma_semaphore, #tpu.memory_space<semaphore_mem>>)
      %dma_wait3A_367 = arith.constant 0 : i32
      %dma_wait3A_368 = tpu.memref_slice %arg6[%min3A_271, %dma_wait3A_367] : memref<10016x128xf32, #tpu.memory_space<vmem_shared>> -> memref<80x128xf32, #tpu.memory_space<vmem_shared>>
      %dma_wait3A_369 = arith.constant 0 : i32
      %dma_wait3A_370 = tpu.memref_slice %arg6[%min3A_271, %dma_wait3A_369] : memref<10016x128xf32, #tpu.memory_space<vmem_shared>> -> memref<80x128xf32, #tpu.memory_space<vmem_shared>>
      tpu.wait_dma2 semaphore(%run_scoped3A : memref<!tpu.dma_semaphore, #tpu.memory_space<semaphore_mem>>) src(%dma_wait3A_370 : memref<80x128xf32, #tpu.memory_space<vmem_shared>>) dst(%arg18 : memref<80x128xf32, #tpu.memory_space<vmem>>)
      tpu.yield
    }) : () -> ()
    %mul3A_272 = arith.constant 10000 : i32
    %mul3A_273 = arith.muli %arg0, %mul3A_272 : i32
    %add3A_274 = arith.addi %mul3A_273, %min3A_271 : i32
    %dma_start3A_275 = arith.constant 0 : i32
    %dma_start3A_276 = tpu.memref_slice %arg5[%add3A_274, %dma_start3A_275] : memref<20000x128xf32, #tpu.memory_space<hbm>> -> memref<80x128xf32, #tpu.memory_space<hbm>>
    %dma_start3A_277 = arith.constant 0 : i32
    %dma_start3A_278 = tpu.memref_slice %arg5[%add3A_274, %dma_start3A_277] : memref<20000x128xf32, #tpu.memory_space<hbm>> -> memref<80x128xf32, #tpu.memory_space<hbm>>
    tpu.enqueue_dma source(%arg18 : memref<80x128xf32, #tpu.memory_space<vmem>>) target(%dma_start3A_278 : memref<80x128xf32, #tpu.memory_space<hbm>>) target_semaphore(%arg26 : memref<!tpu.dma_semaphore, #tpu.memory_space<semaphore_mem>>)
    %dma_wait3A_279 = arith.constant 0 : i32
    %dma_wait3A_280 = tpu.memref_slice %arg5[%add3A_235, %dma_wait3A_279] : memref<20000x128xf32, #tpu.memory_space<hbm>> -> memref<80x128xf32, #tpu.memory_space<hbm>>
    %dma_wait3A_281 = arith.constant 0 : i32
    %dma_wait3A_282 = tpu.memref_slice %arg5[%add3A_235, %dma_wait3A_281] : memref<20000x128xf32, #tpu.memory_space<hbm>> -> memref<80x128xf32, #tpu.memory_space<hbm>>
    tpu.wait_dma2 semaphore(%arg23 : memref<!tpu.dma_semaphore, #tpu.memory_space<semaphore_mem>>) src(%arg15 : memref<80x128xf32, #tpu.memory_space<vmem>>) dst(%dma_wait3A_282 : memref<80x128xf32, #tpu.memory_space<hbm>>)
    %mul3A_283 = arith.constant 640 : i32
    %mul3A_284 = arith.muli %arg1, %mul3A_283 : i32
    %add3A_285 = arith.constant 320 : i32
    %add3A_286 = arith.addi %mul3A_284, %add3A_285 : i32
    %min3A_287 = arith.constant 9920 : i32
    %min3A_288 = arith.minsi %add3A_286, %min3A_287 : i32
    "tpu.region"() ({
      %run_scoped3A = tpu.sem_alloc : memref<!tpu.dma_semaphore, #tpu.memory_space<semaphore_mem>>
      %dma_start3A_363 = arith.constant 0 : i32
      %dma_start3A_364 = tpu.memref_slice %arg6[%min3A_288, %dma_start3A_363] : memref<10016x128xf32, #tpu.memory_space<vmem_shared>> -> memref<80x128xf32, #tpu.memory_space<vmem_shared>>
      %dma_start3A_365 = arith.constant 0 : i32
      %dma_start3A_366 = tpu.memref_slice %arg6[%min3A_288, %dma_start3A_365] : memref<10016x128xf32, #tpu.memory_space<vmem_shared>> -> memref<80x128xf32, #tpu.memory_space<vmem_shared>>
      tpu.enqueue_dma source(%dma_start3A_366 : memref<80x128xf32, #tpu.memory_space<vmem_shared>>) target(%arg15 : memref<80x128xf32, #tpu.memory_space<vmem>>) target_semaphore(%run_scoped3A : memref<!tpu.dma_semaphore, #tpu.memory_space<semaphore_mem>>)
      %dma_wait3A_367 = arith.constant 0 : i32
      %dma_wait3A_368 = tpu.memref_slice %arg6[%min3A_288, %dma_wait3A_367] : memref<10016x128xf32, #tpu.memory_space<vmem_shared>> -> memref<80x128xf32, #tpu.memory_space<vmem_shared>>
      %dma_wait3A_369 = arith.constant 0 : i32
      %dma_wait3A_370 = tpu.memref_slice %arg6[%min3A_288, %dma_wait3A_369] : memref<10016x128xf32, #tpu.memory_space<vmem_shared>> -> memref<80x128xf32, #tpu.memory_space<vmem_shared>>
      tpu.wait_dma2 semaphore(%run_scoped3A : memref<!tpu.dma_semaphore, #tpu.memory_space<semaphore_mem>>) src(%dma_wait3A_370 : memref<80x128xf32, #tpu.memory_space<vmem_shared>>) dst(%arg15 : memref<80x128xf32, #tpu.memory_space<vmem>>)
      tpu.yield
    }) : () -> ()
    %mul3A_289 = arith.constant 10000 : i32
    %mul3A_290 = arith.muli %arg0, %mul3A_289 : i32
    %add3A_291 = arith.addi %mul3A_290, %min3A_288 : i32
    %dma_start3A_292 = arith.constant 0 : i32
    %dma_start3A_293 = tpu.memref_slice %arg5[%add3A_291, %dma_start3A_292] : memref<20000x128xf32, #tpu.memory_space<hbm>> -> memref<80x128xf32, #tpu.memory_space<hbm>>
    %dma_start3A_294 = arith.constant 0 : i32
    %dma_start3A_295 = tpu.memref_slice %arg5[%add3A_291, %dma_start3A_294] : memref<20000x128xf32, #tpu.memory_space<hbm>> -> memref<80x128xf32, #tpu.memory_space<hbm>>
    tpu.enqueue_dma source(%arg15 : memref<80x128xf32, #tpu.memory_space<vmem>>) target(%dma_start3A_295 : memref<80x128xf32, #tpu.memory_space<hbm>>) target_semaphore(%arg23 : memref<!tpu.dma_semaphore, #tpu.memory_space<semaphore_mem>>)
    %dma_wait3A_296 = arith.constant 0 : i32
    %dma_wait3A_297 = tpu.memref_slice %arg5[%add3A_248, %dma_wait3A_296] : memref<20000x128xf32, #tpu.memory_space<hbm>> -> memref<80x128xf32, #tpu.memory_space<hbm>>
    %dma_wait3A_298 = arith.constant 0 : i32
    %dma_wait3A_299 = tpu.memref_slice %arg5[%add3A_248, %dma_wait3A_298] : memref<20000x128xf32, #tpu.memory_space<hbm>> -> memref<80x128xf32, #tpu.memory_space<hbm>>
    tpu.wait_dma2 semaphore(%arg24 : memref<!tpu.dma_semaphore, #tpu.memory_space<semaphore_mem>>) src(%arg16 : memref<80x128xf32, #tpu.memory_space<vmem>>) dst(%dma_wait3A_299 : memref<80x128xf32, #tpu.memory_space<hbm>>)
    %mul3A_300 = arith.constant 640 : i32
    %mul3A_301 = arith.muli %arg1, %mul3A_300 : i32
    %add3A_302 = arith.constant 400 : i32
    %add3A_303 = arith.addi %mul3A_301, %add3A_302 : i32
    %min3A_304 = arith.constant 9920 : i32
    %min3A_305 = arith.minsi %add3A_303, %min3A_304 : i32
    "tpu.region"() ({
      %run_scoped3A = tpu.sem_alloc : memref<!tpu.dma_semaphore, #tpu.memory_space<semaphore_mem>>
      %dma_start3A_363 = arith.constant 0 : i32
      %dma_start3A_364 = tpu.memref_slice %arg6[%min3A_305, %dma_start3A_363] : memref<10016x128xf32, #tpu.memory_space<vmem_shared>> -> memref<80x128xf32, #tpu.memory_space<vmem_shared>>
      %dma_start3A_365 = arith.constant 0 : i32
      %dma_start3A_366 = tpu.memref_slice %arg6[%min3A_305, %dma_start3A_365] : memref<10016x128xf32, #tpu.memory_space<vmem_shared>> -> memref<80x128xf32, #tpu.memory_space<vmem_shared>>
      tpu.enqueue_dma source(%dma_start3A_366 : memref<80x128xf32, #tpu.memory_space<vmem_shared>>) target(%arg16 : memref<80x128xf32, #tpu.memory_space<vmem>>) target_semaphore(%run_scoped3A : memref<!tpu.dma_semaphore, #tpu.memory_space<semaphore_mem>>)
      %dma_wait3A_367 = arith.constant 0 : i32
      %dma_wait3A_368 = tpu.memref_slice %arg6[%min3A_305, %dma_wait3A_367] : memref<10016x128xf32, #tpu.memory_space<vmem_shared>> -> memref<80x128xf32, #tpu.memory_space<vmem_shared>>
      %dma_wait3A_369 = arith.constant 0 : i32
      %dma_wait3A_370 = tpu.memref_slice %arg6[%min3A_305, %dma_wait3A_369] : memref<10016x128xf32, #tpu.memory_space<vmem_shared>> -> memref<80x128xf32, #tpu.memory_space<vmem_shared>>
      tpu.wait_dma2 semaphore(%run_scoped3A : memref<!tpu.dma_semaphore, #tpu.memory_space<semaphore_mem>>) src(%dma_wait3A_370 : memref<80x128xf32, #tpu.memory_space<vmem_shared>>) dst(%arg16 : memref<80x128xf32, #tpu.memory_space<vmem>>)
      tpu.yield
    }) : () -> ()
    %mul3A_306 = arith.constant 10000 : i32
    %mul3A_307 = arith.muli %arg0, %mul3A_306 : i32
    %add3A_308 = arith.addi %mul3A_307, %min3A_305 : i32
    %dma_start3A_309 = arith.constant 0 : i32
    %dma_start3A_310 = tpu.memref_slice %arg5[%add3A_308, %dma_start3A_309] : memref<20000x128xf32, #tpu.memory_space<hbm>> -> memref<80x128xf32, #tpu.memory_space<hbm>>
    %dma_start3A_311 = arith.constant 0 : i32
    %dma_start3A_312 = tpu.memref_slice %arg5[%add3A_308, %dma_start3A_311] : memref<20000x128xf32, #tpu.memory_space<hbm>> -> memref<80x128xf32, #tpu.memory_space<hbm>>
    tpu.enqueue_dma source(%arg16 : memref<80x128xf32, #tpu.memory_space<vmem>>) target(%dma_start3A_312 : memref<80x128xf32, #tpu.memory_space<hbm>>) target_semaphore(%arg24 : memref<!tpu.dma_semaphore, #tpu.memory_space<semaphore_mem>>)
    %dma_wait3A_313 = arith.constant 0 : i32
    %dma_wait3A_314 = tpu.memref_slice %arg5[%add3A_261, %dma_wait3A_313] : memref<20000x128xf32, #tpu.memory_space<hbm>> -> memref<80x128xf32, #tpu.memory_space<hbm>>
    %dma_wait3A_315 = arith.constant 0 : i32
    %dma_wait3A_316 = tpu.memref_slice %arg5[%add3A_261, %dma_wait3A_315] : memref<20000x128xf32, #tpu.memory_space<hbm>> -> memref<80x128xf32, #tpu.memory_space<hbm>>
    tpu.wait_dma2 semaphore(%arg25 : memref<!tpu.dma_semaphore, #tpu.memory_space<semaphore_mem>>) src(%arg17 : memref<80x128xf32, #tpu.memory_space<vmem>>) dst(%dma_wait3A_316 : memref<80x128xf32, #tpu.memory_space<hbm>>)
    %mul3A_317 = arith.constant 640 : i32
    %mul3A_318 = arith.muli %arg1, %mul3A_317 : i32
    %add3A_319 = arith.constant 480 : i32
    %add3A_320 = arith.addi %mul3A_318, %add3A_319 : i32
    %min3A_321 = arith.constant 9920 : i32
    %min3A_322 = arith.minsi %add3A_320, %min3A_321 : i32
    "tpu.region"() ({
      %run_scoped3A = tpu.sem_alloc : memref<!tpu.dma_semaphore, #tpu.memory_space<semaphore_mem>>
      %dma_start3A_363 = arith.constant 0 : i32
      %dma_start3A_364 = tpu.memref_slice %arg6[%min3A_322, %dma_start3A_363] : memref<10016x128xf32, #tpu.memory_space<vmem_shared>> -> memref<80x128xf32, #tpu.memory_space<vmem_shared>>
      %dma_start3A_365 = arith.constant 0 : i32
      %dma_start3A_366 = tpu.memref_slice %arg6[%min3A_322, %dma_start3A_365] : memref<10016x128xf32, #tpu.memory_space<vmem_shared>> -> memref<80x128xf32, #tpu.memory_space<vmem_shared>>
      tpu.enqueue_dma source(%dma_start3A_366 : memref<80x128xf32, #tpu.memory_space<vmem_shared>>) target(%arg17 : memref<80x128xf32, #tpu.memory_space<vmem>>) target_semaphore(%run_scoped3A : memref<!tpu.dma_semaphore, #tpu.memory_space<semaphore_mem>>)
      %dma_wait3A_367 = arith.constant 0 : i32
      %dma_wait3A_368 = tpu.memref_slice %arg6[%min3A_322, %dma_wait3A_367] : memref<10016x128xf32, #tpu.memory_space<vmem_shared>> -> memref<80x128xf32, #tpu.memory_space<vmem_shared>>
      %dma_wait3A_369 = arith.constant 0 : i32
      %dma_wait3A_370 = tpu.memref_slice %arg6[%min3A_322, %dma_wait3A_369] : memref<10016x128xf32, #tpu.memory_space<vmem_shared>> -> memref<80x128xf32, #tpu.memory_space<vmem_shared>>
      tpu.wait_dma2 semaphore(%run_scoped3A : memref<!tpu.dma_semaphore, #tpu.memory_space<semaphore_mem>>) src(%dma_wait3A_370 : memref<80x128xf32, #tpu.memory_space<vmem_shared>>) dst(%arg17 : memref<80x128xf32, #tpu.memory_space<vmem>>)
      tpu.yield
    }) : () -> ()
    %mul3A_323 = arith.constant 10000 : i32
    %mul3A_324 = arith.muli %arg0, %mul3A_323 : i32
    %add3A_325 = arith.addi %mul3A_324, %min3A_322 : i32
    %dma_start3A_326 = arith.constant 0 : i32
    %dma_start3A_327 = tpu.memref_slice %arg5[%add3A_325, %dma_start3A_326] : memref<20000x128xf32, #tpu.memory_space<hbm>> -> memref<80x128xf32, #tpu.memory_space<hbm>>
    %dma_start3A_328 = arith.constant 0 : i32
    %dma_start3A_329 = tpu.memref_slice %arg5[%add3A_325, %dma_start3A_328] : memref<20000x128xf32, #tpu.memory_space<hbm>> -> memref<80x128xf32, #tpu.memory_space<hbm>>
    tpu.enqueue_dma source(%arg17 : memref<80x128xf32, #tpu.memory_space<vmem>>) target(%dma_start3A_329 : memref<80x128xf32, #tpu.memory_space<hbm>>) target_semaphore(%arg25 : memref<!tpu.dma_semaphore, #tpu.memory_space<semaphore_mem>>)
    %dma_wait3A_330 = arith.constant 0 : i32
    %dma_wait3A_331 = tpu.memref_slice %arg5[%add3A_274, %dma_wait3A_330] : memref<20000x128xf32, #tpu.memory_space<hbm>> -> memref<80x128xf32, #tpu.memory_space<hbm>>
    %dma_wait3A_332 = arith.constant 0 : i32
    %dma_wait3A_333 = tpu.memref_slice %arg5[%add3A_274, %dma_wait3A_332] : memref<20000x128xf32, #tpu.memory_space<hbm>> -> memref<80x128xf32, #tpu.memory_space<hbm>>
    tpu.wait_dma2 semaphore(%arg26 : memref<!tpu.dma_semaphore, #tpu.memory_space<semaphore_mem>>) src(%arg18 : memref<80x128xf32, #tpu.memory_space<vmem>>) dst(%dma_wait3A_333 : memref<80x128xf32, #tpu.memory_space<hbm>>)
    %mul3A_334 = arith.constant 640 : i32
    %mul3A_335 = arith.muli %arg1, %mul3A_334 : i32
    %add3A_336 = arith.constant 560 : i32
    %add3A_337 = arith.addi %mul3A_335, %add3A_336 : i32
    %min3A_338 = arith.constant 9920 : i32
    %min3A_339 = arith.minsi %add3A_337, %min3A_338 : i32
    "tpu.region"() ({
      %run_scoped3A = tpu.sem_alloc : memref<!tpu.dma_semaphore, #tpu.memory_space<semaphore_mem>>
      %dma_start3A_363 = arith.constant 0 : i32
      %dma_start3A_364 = tpu.memref_slice %arg6[%min3A_339, %dma_start3A_363] : memref<10016x128xf32, #tpu.memory_space<vmem_shared>> -> memref<80x128xf32, #tpu.memory_space<vmem_shared>>
      %dma_start3A_365 = arith.constant 0 : i32
      %dma_start3A_366 = tpu.memref_slice %arg6[%min3A_339, %dma_start3A_365] : memref<10016x128xf32, #tpu.memory_space<vmem_shared>> -> memref<80x128xf32, #tpu.memory_space<vmem_shared>>
      tpu.enqueue_dma source(%dma_start3A_366 : memref<80x128xf32, #tpu.memory_space<vmem_shared>>) target(%arg18 : memref<80x128xf32, #tpu.memory_space<vmem>>) target_semaphore(%run_scoped3A : memref<!tpu.dma_semaphore, #tpu.memory_space<semaphore_mem>>)
      %dma_wait3A_367 = arith.constant 0 : i32
      %dma_wait3A_368 = tpu.memref_slice %arg6[%min3A_339, %dma_wait3A_367] : memref<10016x128xf32, #tpu.memory_space<vmem_shared>> -> memref<80x128xf32, #tpu.memory_space<vmem_shared>>
      %dma_wait3A_369 = arith.constant 0 : i32
      %dma_wait3A_370 = tpu.memref_slice %arg6[%min3A_339, %dma_wait3A_369] : memref<10016x128xf32, #tpu.memory_space<vmem_shared>> -> memref<80x128xf32, #tpu.memory_space<vmem_shared>>
      tpu.wait_dma2 semaphore(%run_scoped3A : memref<!tpu.dma_semaphore, #tpu.memory_space<semaphore_mem>>) src(%dma_wait3A_370 : memref<80x128xf32, #tpu.memory_space<vmem_shared>>) dst(%arg18 : memref<80x128xf32, #tpu.memory_space<vmem>>)
      tpu.yield
    }) : () -> ()
    %mul3A_340 = arith.constant 10000 : i32
    %mul3A_341 = arith.muli %arg0, %mul3A_340 : i32
    %add3A_342 = arith.addi %mul3A_341, %min3A_339 : i32
    %dma_start3A_343 = arith.constant 0 : i32
    %dma_start3A_344 = tpu.memref_slice %arg5[%add3A_342, %dma_start3A_343] : memref<20000x128xf32, #tpu.memory_space<hbm>> -> memref<80x128xf32, #tpu.memory_space<hbm>>
    %dma_start3A_345 = arith.constant 0 : i32
    %dma_start3A_346 = tpu.memref_slice %arg5[%add3A_342, %dma_start3A_345] : memref<20000x128xf32, #tpu.memory_space<hbm>> -> memref<80x128xf32, #tpu.memory_space<hbm>>
    tpu.enqueue_dma source(%arg18 : memref<80x128xf32, #tpu.memory_space<vmem>>) target(%dma_start3A_346 : memref<80x128xf32, #tpu.memory_space<hbm>>) target_semaphore(%arg26 : memref<!tpu.dma_semaphore, #tpu.memory_space<semaphore_mem>>)
    %dma_wait3A_347 = arith.constant 0 : i32
    %dma_wait3A_348 = tpu.memref_slice %arg5[%add3A_291, %dma_wait3A_347] : memref<20000x128xf32, #tpu.memory_space<hbm>> -> memref<80x128xf32, #tpu.memory_space<hbm>>
    %dma_wait3A_349 = arith.constant 0 : i32
    %dma_wait3A_350 = tpu.memref_slice %arg5[%add3A_291, %dma_wait3A_349] : memref<20000x128xf32, #tpu.memory_space<hbm>> -> memref<80x128xf32, #tpu.memory_space<hbm>>
    tpu.wait_dma2 semaphore(%arg23 : memref<!tpu.dma_semaphore, #tpu.memory_space<semaphore_mem>>) src(%arg15 : memref<80x128xf32, #tpu.memory_space<vmem>>) dst(%dma_wait3A_350 : memref<80x128xf32, #tpu.memory_space<hbm>>)
    %dma_wait3A_351 = arith.constant 0 : i32
    %dma_wait3A_352 = tpu.memref_slice %arg5[%add3A_308, %dma_wait3A_351] : memref<20000x128xf32, #tpu.memory_space<hbm>> -> memref<80x128xf32, #tpu.memory_space<hbm>>
    %dma_wait3A_353 = arith.constant 0 : i32
    %dma_wait3A_354 = tpu.memref_slice %arg5[%add3A_308, %dma_wait3A_353] : memref<20000x128xf32, #tpu.memory_space<hbm>> -> memref<80x128xf32, #tpu.memory_space<hbm>>
    tpu.wait_dma2 semaphore(%arg24 : memref<!tpu.dma_semaphore, #tpu.memory_space<semaphore_mem>>) src(%arg16 : memref<80x128xf32, #tpu.memory_space<vmem>>) dst(%dma_wait3A_354 : memref<80x128xf32, #tpu.memory_space<hbm>>)
    %dma_wait3A_355 = arith.constant 0 : i32
    %dma_wait3A_356 = tpu.memref_slice %arg5[%add3A_325, %dma_wait3A_355] : memref<20000x128xf32, #tpu.memory_space<hbm>> -> memref<80x128xf32, #tpu.memory_space<hbm>>
    %dma_wait3A_357 = arith.constant 0 : i32
    %dma_wait3A_358 = tpu.memref_slice %arg5[%add3A_325, %dma_wait3A_357] : memref<20000x128xf32, #tpu.memory_space<hbm>> -> memref<80x128xf32, #tpu.memory_space<hbm>>
    tpu.wait_dma2 semaphore(%arg25 : memref<!tpu.dma_semaphore, #tpu.memory_space<semaphore_mem>>) src(%arg17 : memref<80x128xf32, #tpu.memory_space<vmem>>) dst(%dma_wait3A_358 : memref<80x128xf32, #tpu.memory_space<hbm>>)
    %dma_wait3A_359 = arith.constant 0 : i32
    %dma_wait3A_360 = tpu.memref_slice %arg5[%add3A_342, %dma_wait3A_359] : memref<20000x128xf32, #tpu.memory_space<hbm>> -> memref<80x128xf32, #tpu.memory_space<hbm>>
    %dma_wait3A_361 = arith.constant 0 : i32
    %dma_wait3A_362 = tpu.memref_slice %arg5[%add3A_342, %dma_wait3A_361] : memref<20000x128xf32, #tpu.memory_space<hbm>> -> memref<80x128xf32, #tpu.memory_space<hbm>>
    tpu.wait_dma2 semaphore(%arg26 : memref<!tpu.dma_semaphore, #tpu.memory_space<semaphore_mem>>) src(%arg18 : memref<80x128xf32, #tpu.memory_space<vmem>>) dst(%dma_wait3A_362 : memref<80x128xf32, #tpu.memory_space<hbm>>)
    return
  }
}

module attributes {stable_mosaic.version = 14 : i64} {
  func.func @_k2_body(%arg0: i32, %arg1: memref<1x3x1024x128xf32, #tpu.memory_space<vmem>>, %arg2: memref<1x1024x128xf32, #tpu.memory_space<vmem>>, %arg3: memref<128x128xf32, #tpu.memory_space<vmem>>, %arg4: memref<1x1024x128xf32, #tpu.memory_space<vmem>>) attributes {dimension_semantics = [#tpu.dimension_semantics<arbitrary>], iteration_bounds = array<i64: 2>, scalar_prefetch = 0 : i64, scratch_operands = 0 : i64, tpu.core_type = #tpu.core_type<tc>, window_params = [{transform_indices = @transform_0, window_bounds = array<i64: 1, 3, 1024, 128>}, {transform_indices = @transform_1, window_bounds = array<i64: 1, 1024, 128>}, {pipeline_mode = #tpu.pipeline_mode<synchronous>, transform_indices = @transform_2, window_bounds = array<i64: 128, 128>}, {transform_indices = @transform_3, window_bounds = array<i64: 1, 1024, 128>}]} {
    %get3A = arith.constant 0 : index
    %get3A_0 = arith.constant 0 : index
    %get3A_1 = arith.constant 0 : index
    %get3A_2 = arith.constant 0 : index
    %get3A_3 = vector.load %arg1[%get3A, %get3A_0, %get3A_1, %get3A_2] : memref<1x3x1024x128xf32, #tpu.memory_space<vmem>>, vector<1x1x1024x128xf32>
    %get3A_4 = vector.shape_cast %get3A_3 : vector<1x1x1024x128xf32> to vector<1024x128xf32>
    %get3A_5 = arith.constant 0 : index
    %get3A_6 = arith.constant 1 : index
    %get3A_7 = arith.constant 0 : index
    %get3A_8 = arith.constant 0 : index
    %get3A_9 = vector.load %arg1[%get3A_5, %get3A_6, %get3A_7, %get3A_8] : memref<1x3x1024x128xf32, #tpu.memory_space<vmem>>, vector<1x1x1024x128xf32>
    %get3A_10 = vector.shape_cast %get3A_9 : vector<1x1x1024x128xf32> to vector<1024x128xf32>
    %get3A_11 = arith.constant 0 : index
    %get3A_12 = arith.constant 2 : index
    %get3A_13 = arith.constant 0 : index
    %get3A_14 = arith.constant 0 : index
    %get3A_15 = vector.load %arg1[%get3A_11, %get3A_12, %get3A_13, %get3A_14] : memref<1x3x1024x128xf32, #tpu.memory_space<vmem>>, vector<1x1x1024x128xf32>
    %get3A_16 = vector.shape_cast %get3A_15 : vector<1x1x1024x128xf32> to vector<1024x128xf32>
    %get3A_17 = arith.constant 0 : index
    %get3A_18 = arith.constant 0 : index
    %get3A_19 = arith.constant 0 : index
    %get3A_20 = vector.load %arg2[%get3A_17, %get3A_18, %get3A_19] : memref<1x1024x128xf32, #tpu.memory_space<vmem>>, vector<1x1024x128xf32>
    %get3A_21 = vector.shape_cast %get3A_20 : vector<1x1024x128xf32> to vector<1024x128xf32>
    %add3A = arith.addf %get3A_10, %get3A_16 : vector<1024x128xf32>
    %mul3A = arith.constant 5.000000e-01 : f32
    %mul3A_22 = vector.broadcast %mul3A : f32 to vector<1024x128xf32>
    %mul3A_23 = arith.mulf %mul3A_22, %add3A : vector<1024x128xf32>
    %sub3A = arith.subf %mul3A_23, %get3A_4 : vector<1024x128xf32>
    %mul3A_24 = arith.mulf %get3A_21, %sub3A : vector<1024x128xf32>
    %add3A_25 = arith.addf %get3A_4, %mul3A_24 : vector<1024x128xf32>
    %get3A_26 = arith.constant 0 : index
    %get3A_27 = arith.constant 0 : index
    %get3A_28 = vector.load %arg3[%get3A_26, %get3A_27] : memref<128x128xf32, #tpu.memory_space<vmem>>, vector<128x128xf32>
    %dot_general3A = arith.constant dense<0.000000e+00> : vector<1024x128xf32>
    %dot_general3A_29 = tpu.matmul %add3A_25, %get3A_28, %dot_general3A {dimension_numbers = #tpu.dot_dimension_numbers<[1], [0], [0], [1], [0, 0, 1, 1], [], []>, transpose_lhs_hint = false} : vector<1024x128xf32>, vector<128x128xf32>, vector<1024x128xf32> -> vector<1024x128xf32>
    %swap3A = arith.constant 0 : index
    %swap3A_30 = arith.constant 0 : index
    %swap3A_31 = arith.constant 0 : index
    %swap3A_32 = vector.load %arg4[%swap3A, %swap3A_30, %swap3A_31] : memref<1x1024x128xf32, #tpu.memory_space<vmem>>, vector<1x1024x128xf32>
    %swap3A_33 = vector.shape_cast %swap3A_32 : vector<1x1024x128xf32> to vector<1024x128xf32>
    %swap3A_34 = vector.shape_cast %dot_general3A_29 : vector<1024x128xf32> to vector<1x1024x128xf32>
    tpu.vector_store %arg4[%swap3A, %swap3A_30, %swap3A_31], %swap3A_34 {strides = array<i32>} : memref<1x1024x128xf32, #tpu.memory_space<vmem>>, vector<1x1024x128xf32>,
    return
  }
  func.func @transform_0(%arg0: i32) -> (i32, i32, i32, i32) {
    %c0_i32 = arith.constant 0 : i32
    %c0_i32_0 = arith.constant 0 : i32
    %c0_i32_1 = arith.constant 0 : i32
    %c0_i32_2 = arith.constant 0 : i32
    return %arg0, %c0_i32, %c0_i32_0, %c0_i32_1 : i32, i32, i32, i32
  }
  func.func @transform_1(%arg0: i32) -> (i32, i32, i32) {
    %c0_i32 = arith.constant 0 : i32
    %c0_i32_0 = arith.constant 0 : i32
    %c0_i32_1 = arith.constant 0 : i32
    return %arg0, %c0_i32, %c0_i32_0 : i32, i32, i32
  }
  func.func @transform_2(%arg0: i32) -> (i32, i32) {
    %c0_i32 = arith.constant 0 : i32
    %c0_i32_0 = arith.constant 0 : i32
    %c0_i32_1 = arith.constant 0 : i32
    return %c0_i32, %c0_i32_0 : i32, i32
  }
  func.func @transform_3(%arg0: i32) -> (i32, i32, i32) {
    %c0_i32 = arith.constant 0 : i32
    %c0_i32_0 = arith.constant 0 : i32
    %c0_i32_1 = arith.constant 0 : i32
    return %arg0, %c0_i32, %c0_i32_0 : i32, i32, i32
  }
}

module attributes {stable_mosaic.version = 14 : i64} {
  func.func @body(%arg0: i32, %arg1: i32, %arg2: memref<1x400x128xf32, #tpu.memory_space<vmem>>, %arg3: memref<1x400x128xf32, #tpu.memory_space<vmem>>, %arg4: memref<1x400x16xf32, #tpu.memory_space<vmem>>, %arg5: memref<128x128xf32, #tpu.memory_space<vmem>>, %arg6: memref<1x400x128xf32, #tpu.memory_space<vmem>>) attributes {dimension_semantics = [#tpu.dimension_semantics<arbitrary>, #tpu.dimension_semantics<arbitrary>], iteration_bounds = array<i64: 2, 25>, scalar_prefetch = 0 : i64, scratch_operands = 0 : i64, tpu.core_type = #tpu.core_type<tc>, window_params = [{transform_indices = @transform_0, window_bounds = array<i64: 1, 400, 128>}, {transform_indices = @transform_1, window_bounds = array<i64: 1, 400, 128>}, {transform_indices = @transform_2, window_bounds = array<i64: 1, 400, 16>}, {pipeline_mode = #tpu.pipeline_mode<synchronous>, transform_indices = @transform_3, window_bounds = array<i64: 128, 128>}, {transform_indices = @transform_4, window_bounds = array<i64: 1, 400, 128>}]} {
    %get3A = arith.constant 0 : index
    %get3A_0 = arith.constant 0 : index
    %get3A_1 = arith.constant 0 : index
    %get3A_2 = vector.load %arg4[%get3A, %get3A_0, %get3A_1] : memref<1x400x16xf32, #tpu.memory_space<vmem>>, vector<1x400x1xf32>
    %get3A_3 = vector.shape_cast %get3A_2 : vector<1x400x1xf32> to vector<400x1xf32>
    %get3A_4 = arith.constant 0 : index
    %get3A_5 = arith.constant 0 : index
    %get3A_6 = arith.constant 0 : index
    %get3A_7 = vector.load %arg2[%get3A_4, %get3A_5, %get3A_6] : memref<1x400x128xf32, #tpu.memory_space<vmem>>, vector<1x400x128xf32>
    %get3A_8 = vector.shape_cast %get3A_7 : vector<1x400x128xf32> to vector<400x128xf32>
    %get3A_9 = arith.constant 0 : index
    %get3A_10 = arith.constant 0 : index
    %get3A_11 = arith.constant 0 : index
    %get3A_12 = vector.load %arg3[%get3A_9, %get3A_10, %get3A_11] : memref<1x400x128xf32, #tpu.memory_space<vmem>>, vector<1x400x128xf32>
    %get3A_13 = vector.shape_cast %get3A_12 : vector<1x400x128xf32> to vector<400x128xf32>
    %add3A = arith.addf %get3A_8, %get3A_13 : vector<400x128xf32>
    %add3A_14 = arith.constant 1.000000e+00 : f32
    %add3A_15 = vector.broadcast %add3A_14 : f32 to vector<400x1xf32>
    %add3A_16 = arith.addf %get3A_3, %add3A_15 : vector<400x1xf32>
    %div3A = vector.broadcast %add3A_16 : vector<400x1xf32> to vector<400x128xf32>
    %div3A_17 = arith.divf %add3A, %div3A : vector<400x128xf32>
    %get3A_18 = arith.constant 0 : index
    %get3A_19 = arith.constant 0 : index
    %get3A_20 = vector.load %arg5[%get3A_18, %get3A_19] : memref<128x128xf32, #tpu.memory_space<vmem>>, vector<128x128xf32>
    %dot_general3A = arith.constant dense<0.000000e+00> : vector<400x128xf32>
    %dot_general3A_21 = tpu.matmul %div3A_17, %get3A_20, %dot_general3A {dimension_numbers = #tpu.dot_dimension_numbers<[1], [0], [0], [1], [0, 0, 1, 1], [], []>, transpose_lhs_hint = false} : vector<400x128xf32>, vector<128x128xf32>, vector<400x128xf32> -> vector<400x128xf32>
    %max3A = arith.constant 0.000000e+00 : f32
    %max3A_22 = vector.broadcast %max3A : f32 to vector<400x128xf32>
    %max3A_23 = arith.maximumf %dot_general3A_21, %max3A_22 : vector<400x128xf32>
    %swap3A = arith.constant 0 : index
    %swap3A_24 = arith.constant 0 : index
    %swap3A_25 = arith.constant 0 : index
    %swap3A_26 = vector.load %arg6[%swap3A, %swap3A_24, %swap3A_25] : memref<1x400x128xf32, #tpu.memory_space<vmem>>, vector<1x400x128xf32>
    %swap3A_27 = vector.shape_cast %swap3A_26 : vector<1x400x128xf32> to vector<400x128xf32>
    %swap3A_28 = vector.shape_cast %max3A_23 : vector<400x128xf32> to vector<1x400x128xf32>
    tpu.vector_store %arg6[%swap3A, %swap3A_24, %swap3A_25], %swap3A_28 {strides = array<i32>} : memref<1x400x128xf32, #tpu.memory_space<vmem>>, vector<1x400x128xf32>,
    return
  }
  func.func @transform_0(%arg0: i32, %arg1: i32) -> (i32, i32, i32) {
    %c0_i32 = arith.constant 0 : i32
    %c0_i32_0 = arith.constant 0 : i32
    return %arg0, %arg1, %c0_i32 : i32, i32, i32
  }
  func.func @transform_1(%arg0: i32, %arg1: i32) -> (i32, i32, i32) {
    %c0_i32 = arith.constant 0 : i32
    %c0_i32_0 = arith.constant 0 : i32
    return %arg0, %arg1, %c0_i32 : i32, i32, i32
  }
  func.func @transform_2(%arg0: i32, %arg1: i32) -> (i32, i32, i32) {
    %c0_i32 = arith.constant 0 : i32
    %c0_i32_0 = arith.constant 0 : i32
    return %arg0, %arg1, %c0_i32 : i32, i32, i32
  }
  func.func @transform_3(%arg0: i32, %arg1: i32) -> (i32, i32) {
    %c0_i32 = arith.constant 0 : i32
    %c0_i32_0 = arith.constant 0 : i32
    %c0_i32_1 = arith.constant 0 : i32
    return %c0_i32, %c0_i32_0 : i32, i32
  }
  func.func @transform_4(%arg0: i32, %arg1: i32) -> (i32, i32, i32) {
    %c0_i32 = arith.constant 0 : i32
    %c0_i32_0 = arith.constant 0 : i32
    return %arg0, %arg1, %c0_i32 : i32, i32, i32
  }
}

module attributes {stable_mosaic.version = 14 : i64} {
  func.func @body(%arg0: i32, %arg1: i32, %arg2: memref<1x400x128xf32, #tpu.memory_space<vmem>>, %arg3: memref<1x400x128xf32, #tpu.memory_space<vmem>>, %arg4: memref<1x400x16xf32, #tpu.memory_space<vmem>>, %arg5: memref<128x128xf32, #tpu.memory_space<vmem>>, %arg6: memref<1x400x128xf32, #tpu.memory_space<vmem>>) attributes {dimension_semantics = [#tpu.dimension_semantics<arbitrary>, #tpu.dimension_semantics<arbitrary>], iteration_bounds = array<i64: 2, 25>, scalar_prefetch = 0 : i64, scratch_operands = 0 : i64, tpu.core_type = #tpu.core_type<tc>, window_params = [{transform_indices = @transform_0, window_bounds = array<i64: 1, 400, 128>}, {transform_indices = @transform_1, window_bounds = array<i64: 1, 400, 128>}, {transform_indices = @transform_2, window_bounds = array<i64: 1, 400, 16>}, {pipeline_mode = #tpu.pipeline_mode<synchronous>, transform_indices = @transform_3, window_bounds = array<i64: 128, 128>}, {transform_indices = @transform_4, window_bounds = array<i64: 1, 400, 128>}]} {
    %get3A = arith.constant 0 : index
    %get3A_0 = arith.constant 0 : index
    %get3A_1 = arith.constant 0 : index
    %get3A_2 = vector.load %arg4[%get3A, %get3A_0, %get3A_1] : memref<1x400x16xf32, #tpu.memory_space<vmem>>, vector<1x400x1xf32>
    %get3A_3 = vector.shape_cast %get3A_2 : vector<1x400x1xf32> to vector<400x1xf32>
    %get3A_4 = arith.constant 0 : index
    %get3A_5 = arith.constant 0 : index
    %get3A_6 = arith.constant 0 : index
    %get3A_7 = vector.load %arg2[%get3A_4, %get3A_5, %get3A_6] : memref<1x400x128xf32, #tpu.memory_space<vmem>>, vector<1x400x128xf32>
    %get3A_8 = vector.shape_cast %get3A_7 : vector<1x400x128xf32> to vector<400x128xf32>
    %get3A_9 = arith.constant 0 : index
    %get3A_10 = arith.constant 0 : index
    %get3A_11 = arith.constant 0 : index
    %get3A_12 = vector.load %arg3[%get3A_9, %get3A_10, %get3A_11] : memref<1x400x128xf32, #tpu.memory_space<vmem>>, vector<1x400x128xf32>
    %get3A_13 = vector.shape_cast %get3A_12 : vector<1x400x128xf32> to vector<400x128xf32>
    %add3A = arith.addf %get3A_8, %get3A_13 : vector<400x128xf32>
    %add3A_14 = arith.constant 1.000000e+00 : f32
    %add3A_15 = vector.broadcast %add3A_14 : f32 to vector<400x1xf32>
    %add3A_16 = arith.addf %get3A_3, %add3A_15 : vector<400x1xf32>
    %div3A = vector.broadcast %add3A_16 : vector<400x1xf32> to vector<400x128xf32>
    %div3A_17 = arith.divf %add3A, %div3A : vector<400x128xf32>
    %get3A_18 = arith.constant 0 : index
    %get3A_19 = arith.constant 0 : index
    %get3A_20 = vector.load %arg5[%get3A_18, %get3A_19] : memref<128x128xf32, #tpu.memory_space<vmem>>, vector<128x128xf32>
    %dot_general3A = arith.constant dense<0.000000e+00> : vector<400x128xf32>
    %dot_general3A_21 = tpu.matmul %div3A_17, %get3A_20, %dot_general3A {dimension_numbers = #tpu.dot_dimension_numbers<[1], [0], [0], [1], [0, 0, 1, 1], [], []>, transpose_lhs_hint = false} : vector<400x128xf32>, vector<128x128xf32>, vector<400x128xf32> -> vector<400x128xf32>
    %swap3A = arith.constant 0 : index
    %swap3A_22 = arith.constant 0 : index
    %swap3A_23 = arith.constant 0 : index
    %swap3A_24 = vector.load %arg6[%swap3A, %swap3A_22, %swap3A_23] : memref<1x400x128xf32, #tpu.memory_space<vmem>>, vector<1x400x128xf32>
    %swap3A_25 = vector.shape_cast %swap3A_24 : vector<1x400x128xf32> to vector<400x128xf32>
    %swap3A_26 = vector.shape_cast %dot_general3A_21 : vector<400x128xf32> to vector<1x400x128xf32>
    tpu.vector_store %arg6[%swap3A, %swap3A_22, %swap3A_23], %swap3A_26 {strides = array<i32>} : memref<1x400x128xf32, #tpu.memory_space<vmem>>, vector<1x400x128xf32>,
    return
  }
  func.func @transform_0(%arg0: i32, %arg1: i32) -> (i32, i32, i32) {
    %c0_i32 = arith.constant 0 : i32
    %c0_i32_0 = arith.constant 0 : i32
    return %arg0, %arg1, %c0_i32 : i32, i32, i32
  }
  func.func @transform_1(%arg0: i32, %arg1: i32) -> (i32, i32, i32) {
    %c0_i32 = arith.constant 0 : i32
    %c0_i32_0 = arith.constant 0 : i32
    return %arg0, %arg1, %c0_i32 : i32, i32, i32
  }
  func.func @transform_2(%arg0: i32, %arg1: i32) -> (i32, i32, i32) {
    %c0_i32 = arith.constant 0 : i32
    %c0_i32_0 = arith.constant 0 : i32
    return %arg0, %arg1, %c0_i32 : i32, i32, i32
  }
  func.func @transform_3(%arg0: i32, %arg1: i32) -> (i32, i32) {
    %c0_i32 = arith.constant 0 : i32
    %c0_i32_0 = arith.constant 0 : i32
    %c0_i32_1 = arith.constant 0 : i32
    return %c0_i32, %c0_i32_0 : i32, i32
  }
  func.func @transform_4(%arg0: i32, %arg1: i32) -> (i32, i32, i32) {
    %c0_i32 = arith.constant 0 : i32
    %c0_i32_0 = arith.constant 0 : i32
    return %arg0, %arg1, %c0_i32 : i32, i32, i32
  }
}

</mosaic_0001>

<sc_bundles>
// kernel: kernel.12.cloned.1.call-start
scs
__scs_entry_jumppad:
0x0: {  	(pc) =	sbr.rel $0x88, $3  }
0x1: {  	(tag) =	ssettag $0x0;
	lr =	simm.s32 $0x1  }
0x2: {  	[smem:$0x3F98] =	sst lr;
	_ =	strace $0xD0000000  }
0x3: {  	_ = 	snop  }
0x4: {  	_ = 	snop  }
0x5: {  	_ = 	snop  }
0x6: {  	_ = 	snop  }
0x7: {  	_ = 	snop  }
__scs_overlays_trampoline_lowered:
0x8: {  	[smem:$0x3FA7] =	sst s0  }
0x9: {  	[smem:$0x3FA8] =	sst s1  }
0xa: {  	[smem:$0x3FA9] =	sst s2  }
0xb: {  	[smem:$0x3FAA] =	sst s3  }
0xc: {  	[smem:$0x3FAB] =	sst s4  }
0xd: {  	[smem:$0x3FAC] =	sst s5  }
0xe: {  	[smem:$0x3FAD] =	sst s6  }
0xf: {  	[smem:$0x3FAE] =	sst s7  }
0x10: {  	[smem:$0x3FAF] =	sst s8  }
0x11: {  	[smem:$0x3FB0] =	sst s9;
	s0 =	simm.s32 @!p0 $0x0  }
0x12: {  	s1 =	sld [smem:$0x3F96];
	s0 =	simm.s32 @p0 $0x1  }
0x13: {  	[smem:$0x3FB1] =	sst s0;
	s0 =	simm.s32 @!p1 $0x0  }
0x14: {  	s2 =	sld [smem:$0x3F95];
	s0 =	simm.s32 @p1 $0x1  }
0x15: {  	[smem:$0x3FB2] =	sst s0;
	s0 =	simm.s32 @!p2 $0x0  }
0x16: {  	s3 =	sld [smem:$0x3FDB];
	s0 =	simm.s32 @p2 $0x1  }
0x17: {  	s4 =	simm.s32 $0x1BF5;
	[smem:$0x3FB4] =	sst s0  }
0x18: {  	s0 =	sld [smem:$0x3F97];
	_ =	swait.ge [sflag:s4], $0x0  }
0x19: {  	s7 =	sld [smem:$0x3F98]  }
0x1a: {  	s8 =	sadd.s32 $0xFFFFE003, lr  }
0x1b: {  	s9 =	sadd.s32 $0xFFFFFEF7, lr;
	s5 =	simm.s32 $0xFFFFFFFF;
	p2 =	slt.u32 s8, $0xFFFFF086  }
0x1c: {  	p1 =	slt.u32 s9, $0xF7A;
	s5 =	simm.s32 @!p2 $0x0  }
0x1d: {  	s5 =	simm.s32 @p1 $0x1;
	p0 =	seq.s32 s7, s2  }
0x1e: {  	s7 =	smul.u32 @!p0 $0xF7A, s2;
	p2 =	seq.s32 @!p0 s5, $0x0  }
0x1f: {  	s9 =	smul.u32 $0xF7A, s1;
	s8 =	simm.s32 @!p0 $0x1BF5;
	p2 =	por !p2, p0  }
0x20: {  	[sflag:s8] =	ssyncset.s32 @!p0 $0xFFFFF086;
	s6 =	sadd.s32 @!p0 s3, s7;
	s7 =	simm.s32 @!p0 $0x108  }
0x21: {  	s3 =	sadd.s32 s3, s9;
	s6 =	sadd.s32 @!p0 $0x88, s6;
	s7 =	simm.s32 @p2 $0x1082  }
0x22: {  	[simem:s7], [sflag:s8] =	dma.local @!p0 [hbm:s6], $0xF7A  }
0x23: {  	s9 =	sor.u32 $0xD0000000, s2;
	s6 =	simm.s32 $0x108;
	_ =	swait.ge @!p0 [sflag:s8], $0x0  }
0x24: {  	s3 =	sadd.s32 $0x88, s3;
	s6 =	simm.s32 @!p1 $0x1082;
	[sflag:s4] =	ssyncset.s32 $0xFFFFF086  }
0x25: {  	[simem:s6], [sflag:s4] =	dma.local [hbm:s3], $0xF7A  }
0x26: {  	[smem:$0x3F98] =	sst s1;
	(tag) =	ssettag s2;
	_ =	strace s9  }
0x27: {  	s1 =	sld [smem:$0x3FA8]  }
0x28: {  	s2 =	sld [smem:$0x3FA9]  }
0x29: {  	s4 =	sld [smem:$0x3FAB]  }
0x2a: {  	p0 =	seq.s32 s5, $0x0;
	s5 =	sld [smem:$0x3FAC]  }
0x2b: {  	s6 =	sld [smem:$0x3FAD]  }
0x2c: {  	s7 =	sld [smem:$0x3FAE]  }
0x2d: {  	s3 =	simm.s32 $0x108;
	s8 =	sld [smem:$0x3FAF]  }
0x2e: {  	s3 =	simm.s32 @!p0 $0x1082;
	s9 =	sld [smem:$0x3FB0]  }
0x2f: {  	lr =	sadd.s32 s0, s3;
	s0 =	sld [smem:$0x3FA7]  }
0x30: {  	s3 =	sld [smem:$0x3FAA]  }
0x31: {  	[smem:$0x3FB3] =	sst s10  }
0x32: {  	s10 =	sld [smem:$0x3FB1];
	_ =	sdelay $0x3  }
0x33: {  	p0 =	seq.s32 s10, $0x1;
	s10 =	sld [smem:$0x3FB3];
	_ =	sdelay $0x3  }
0x34: {  	[smem:$0x3FB3] =	sst s10  }
0x35: {  	s10 =	sld [smem:$0x3FB2];
	_ =	sdelay $0x3  }
0x36: {  	p1 =	seq.s32 s10, $0x1;
	s10 =	sld [smem:$0x3FB3];
	_ =	sdelay $0x3  }
0x37: {  	[smem:$0x3FB3] =	sst s10  }
0x38: {  	s10 =	sld [smem:$0x3FB4]  }
0x39: {  	_ = 	snop;
	(pc) =	sbr.ind lr, $3  }
0x3a: {  	_ = 	snop  }
0x3b: {  	_ = 	snop  }
0x3c: {  	p2 =	seq.s32 s10, $0x1;
	s10 =	sld [smem:$0x3FB3]  }
0x3d: {  	_ =	shalt  }
0x3e: {  	_ =	shalt  }
0x3f: {  	_ =	shalt  }
0x40: {  	_ =	shalt  }
0x41: {  	_ =	shalt  }
0x42: {  	_ =	shalt  }
0x43: {  	_ =	shalt  }
0x44: {  	_ =	shalt  }
0x45: {  	_ =	shalt  }
0x46: {  	_ =	shalt  }
0x47: {  	_ =	shalt  }
0x48: {  	_ =	shalt  }
0x49: {  	_ =	shalt  }
0x4a: {  	_ =	shalt  }
0x4b: {  	_ =	shalt  }
0x4c: {  	_ =	shalt  }
0x4d: {  	_ =	shalt  }
0x4e: {  	_ =	shalt  }
0x4f: {  	_ =	shalt  }
0x50: {  	_ =	shalt  }
0x51: {  	_ =	shalt  }
0x52: {  	_ =	shalt  }
0x53: {  	_ =	shalt  }
0x54: {  	_ =	shalt  }
0x55: {  	_ =	shalt  }
0x56: {  	_ =	shalt  }
0x57: {  	_ =	shalt  }
0x58: {  	_ =	shalt  }
0x59: {  	_ =	shalt  }
0x5a: {  	_ =	shalt  }
0x5b: {  	_ =	shalt  }
0x5c: {  	_ =	shalt  }
0x5d: {  	_ =	shalt  }
0x5e: {  	_ =	shalt  }
0x5f: {  	_ =	shalt  }
0x60: {  	_ =	shalt  }
0x61: {  	_ =	shalt  }
0x62: {  	_ =	shalt  }
0x63: {  	_ =	shalt  }
0x64: {  	_ =	shalt  }
0x65: {  	_ =	shalt  }
0x66: {  	_ =	shalt  }
0x67: {  	_ =	shalt  }
0x68: {  	_ =	shalt  }
0x69: {  	_ =	shalt  }
0x6a: {  	_ =	shalt  }
0x6b: {  	_ =	shalt  }
0x6c: {  	_ =	shalt  }
0x6d: {  	_ =	shalt  }
0x6e: {  	_ =	shalt  }
0x6f: {  	_ =	shalt  }
0x70: {  	_ =	shalt  }
0x71: {  	_ =	shalt  }
0x72: {  	_ =	shalt  }
0x73: {  	_ =	shalt  }
0x74: {  	_ =	shalt  }
0x75: {  	_ =	shalt  }
0x76: {  	_ =	shalt  }
0x77: {  	_ =	shalt  }
0x78: {  	_ =	shalt  }
0x79: {  	_ =	shalt  }
0x7a: {  	_ =	shalt  }
0x7b: {  	_ =	shalt  }
0x7c: {  	_ =	shalt  }
0x7d: {  	_ =	shalt  }
0x7e: {  	_ =	shalt  }
0x7f: {  	_ =	shalt  }
0x80: {  	_ =	shalt  }
0x81: {  	_ =	shalt  }
0x82: {  	_ =	shalt  }
0x83: {  	_ =	shalt  }
0x84: {  	_ =	shalt  }
0x85: {  	_ =	shalt  }
0x86: {  	_ =	shalt  }
0x87: {  	_ =	shalt  }
.Lfunc_end0:
.L_simem_size_0:
called_computation.1_lowered:
.L_overlay_start_0:
0x88: {  	s2 =	sld [smem:$0x3FD9]  }
0x89: {  	s3 =	sld [smem:$0x3FFE];
	_ =	sdelay $0x1  }
0x8a: {  	s1 =	srdreg.scid  }
0x8b: {  	s0 =	sand.u32 $0x1, s1  }
0x8c: {  	s17 =	sshll.u32 s0, $0xA;
	s2 =	sadd.s32 s3, s2  }
0x8d: {  	s2 =	sadd.s32 s2, s17  }
0x8e: {  	[smem:$0x3FBF] =	sst s2  }
0x8f: {  	_ = 	snop  }
0x90: {  	s2 =	sld [smem:$0x3FC9]  }
0x91: {  	s18 =	sld [smem:$0x3FD0];
	(tm) =	ssettm $0x1  }
0x92: {  	s4 =	sld [smem:$0x3FFB];
	_ =	sdelay $0x3  }
0x93: {  	_ =	strace s4  }
0x94: {  	s4 =	sld [smem:$0x3FFC];
	_ =	sdelay $0x3  }
0x95: {  	_ =	strace s4  }
0x96: {  	s4 =	sld [smem:$0x3FFD];
	_ =	sdelay $0x3  }
0x97: {  	_ =	strace s4  }
0x98: {  	_ =	strace $0x8FFFFFFF  }
0x99: {  	s19 =	sld [smem:$0x3FDB];
	_ =	sdelay $0x1  }
0x9a: {  	s5 =	simm.s32 $_scs_section_size  }
0x9b: {  	s6 =	simm.s32 $_size__tile_overlayer_lowered;
	s7 =	simm.s32 $_tile_overlayer_lowered  }
0x9c: {  	s22 =	simm.s32 $0x1BFF;
	s21 =	sshll.u32 s7, $0x1;
	s4 =	sadd.s32 s5, s19  }
0x9d: {  	s8 =	simm.s32 $0x0;
	s20 =	sshll.u32 s6, $0x1;
	s6 =	sadd.s32 s21, s4  }
0x9e: {  	[timem:s8], [sflag:s22] =	dma.local [hbm:s6], s20  }
0x9f: {  	_ =	swait.ge [sflag:s22], s20  }
0xa0: {  	s5 =	ssub.s32 $0x0, s20;
	[sflag:s22] =	ssyncset.done $0x0  }
0xa1: {  	[sflag:s22] =	ssyncadd.s32 s5;
	_ =	sdelay $0x1  }
0xa2: {  	s23 =	simm.s32 $0x1B8B  }
0xa3: {  	_ =	swait.ge [sflag:s23], $0x1  }
0xa4: {  	[sflag:s23] =	ssyncset.done $0x0  }
0xa5: {  	s25 =	simm.s32 $0x1B8E;
	s24 =	sld [smem:$0x3FFE];
	[sflag:s23] =	ssyncadd.s32 $0xFFFFFFFF  }
0xa6: {  	s26 =	simm.s32 $execute0_lowered;
	[smem:$0x3FD2] =	sst s25  }
0xa7: {  	s6 =	sshll.u32 s26, $0x1;
	_ =	strace $0x80000049;
	[dreg:$0x1] =	wrdreg $0xFFFFFFFF  }
0xa8: {  	s28 =	simm.s32 $_size_execute0_lowered;
	s4 =	sadd.s32 s4, s6;
	[dreg:$0x0] =	wrdreg $0x0  }
0xa9: {  	s6 =	sshll.u32 s28, $0x1;
	[dreg:$0x2] =	wrdreg s4  }
0xaa: {  	[dreg:$0x3] =	wrdreg s6  }
0xab: {  	[dreg:$0x4] =	wrdreg $0xC0  }
0xac: {  	_ =	task [dreg:s8], $0x5FFFF  }
0xad: {  	[dreg:$0x1] =	wrdreg $0xFFFFFFFF  }
0xae: {  	[dreg:$0x0] =	wrdreg $0x60  }
0xaf: {  	[dreg:$0x2] =	wrdreg s2  }
0xb0: {  	[dreg:$0x3] =	wrdreg s18  }
0xb1: {  	[dreg:$0x4] =	wrdreg s24  }
0xb2: {  	[dreg:$0x5] =	wrdreg $0x9  }
0xb3: {  	_ =	task.clear_ibuf [dreg:s8], $0x6FFFF;
	_ =	strace $0x90000049  }
0xb4: {  	s29 =	simm.s32 $0x9;
	_ =	strace $0x8000004B  }
0xb5: {  	_ =	swait.ge [sflag:s29], $0x1  }
0xb6: {  	[sflag:s29] =	ssyncadd.s32 $0xFFFFFFFF  }
0xb7: {  	_ =	strace $0x9000004B  }
0xb8: {  	_ =	sfence  }
0xb9: {  	s30 =	sld [smem:$0x0];
	_ =	sdelay $0x2  }
0xba: {  	s31 =	sshll.u32 s1, $0xD;
	s1 =	sshrl.u32 s1, $0x2  }
0xbb: {  	s3 =	sand.u32 $0x4000, s31;
	s1 =	sadd.s32 s1, s30  }
0xbc: {  	s0 =	sor.u32 s3, s0;
	s1 =	sshll.u32 s1, $0x11  }
0xbd: {  	s0 =	sor.u32 s1, s0  }
0xbe: {  	s0 =	sadd.s32 $0x8F2B, s0  }
0xbf: {  	[sflag:s0] =	ssyncadd.remote.s32 $0x1  }
0xc0: {  	_ =	sfence.sel $0xFFFF  }
0xc1: {  	[dreg:$0x0] =	wrdreg $0xFFFFFFFF;
	(pc) =	sbr.abs _section_cstart, $3  }
0xc2: {  	[dreg:$0x1] =	wrdreg $0xFFFFFFFF  }
0xc3: {  	_ =	task.clear_ibuf [dreg:s8], $0x2FFFF;
	_ =	strace $0x9FFFFFFF  }
0xc4: {  	(tm) =	ssettm $0x7FFFFFFF  }
0xc5: {  	_ =	shalt  }
tec
execute0_lowered:
.L_overlay_start_1:
0x0: {  	(tag) =	ssettag $0x1  }
0x1: {  	s13 =	rddreg [dreg:$0x0]  }
0x2: {  	s17 =	rddreg [dreg:$0x1]  }
0x3: {  	s15 =	rddreg [dreg:$0x2]  }
0x4: {  	s0 =	rddreg [dreg:$0x3]  }
0x5: {  	s2 =	simm.s32 $0x0;
	s1 =	stileid.u32;
	s3 =	srdreg.scid  }
0x6: {  	[smem:$0x7FF] =	sst s2;
	s4 =	smul.u32 $0x2800, s1  }
0x7: {  	s18 =	sand.u32 $0x1, s3;
	s14 =	smul.u32 $0x280, s1;
	_ =	strace $0x8000004A  }
0x8: {  	s16 =	smul.u32 $0x2720, s18;
	s3 =	sadd.s32 s13, s4;
	s4 =	simm.s32 $0x1  }
0x9: {  	[tilespmem:s2], [sflag:$0x1] =	stream.linear.gather [hbm4b:s3+s2], $0x4000, $0x38;
	[tilespmem:$0x6080] =	vst v63  }
0xa: {  	s6 =	sadd.s32 s16, s14;
	_ =	swait.ge [sflag:s4], $0x4000  }
0xb: {  	s5 =	sadd.s32 $0x4C00, s15;
	s6 =	sshll.u32 s6, $0x4;
	[sflag:s4] =	ssyncset.done $0x0  }
0xc: {  	s6 =	sadd.s32 s5, s6;
	[sflag:s4] =	ssyncadd.s32 $0xFFFFC000  }
0xd: {  	[hbm4b:s6+s2] =	stream.linear.scatter [tilespmem:s2], [sflag:$0x1], $0x4000, $0x38;
	[tilespmem:$0x6080] =	vst v63  }
0xe: {  	s8 =	sadd.s32 $0x80, s14;
	_ =	swait.ge [sflag:s4], $0x4000  }
0xf: {  	s7 =	sshll.u32 s8, $0x4;
	[sflag:s4] =	ssyncset.done $0x0  }
0x10: {  	s7 =	sadd.s32 s13, s7;
	[sflag:s4] =	ssyncadd.s32 $0xFFFFC000  }
0x11: {  	[tilespmem:s2], [sflag:$0x1] =	stream.linear.gather [hbm4b:s7+s2], $0x4000, $0x38;
	[tilespmem:$0x6080] =	vst v63  }
0x12: {  	s8 =	sadd.s32 s16, s8;
	_ =	swait.ge [sflag:s4], $0x4000  }
0x13: {  	s8 =	sshll.u32 s8, $0x4;
	[sflag:s4] =	ssyncset.done $0x0  }
0x14: {  	s8 =	sadd.s32 s5, s8;
	[sflag:s4] =	ssyncadd.s32 $0xFFFFC000  }
0x15: {  	[hbm4b:s8+s2] =	stream.linear.scatter [tilespmem:s2], [sflag:$0x1], $0x4000, $0x38;
	[tilespmem:$0x6080] =	vst v63  }
0x16: {  	s10 =	sadd.s32 $0x100, s14;
	_ =	swait.ge [sflag:s4], $0x4000  }
0x17: {  	s9 =	sshll.u32 s10, $0x4;
	[sflag:s4] =	ssyncset.done $0x0  }
0x18: {  	s9 =	sadd.s32 s13, s9;
	[sflag:s4] =	ssyncadd.s32 $0xFFFFC000  }
0x19: {  	[tilespmem:s2], [sflag:$0x1] =	stream.linear.gather [hbm4b:s9+s2], $0x4000, $0x38;
	[tilespmem:$0x6080] =	vst v63  }
0x1a: {  	s10 =	sadd.s32 s16, s10;
	_ =	swait.ge [sflag:s4], $0x4000  }
0x1b: {  	s10 =	sshll.u32 s10, $0x4;
	[sflag:s4] =	ssyncset.done $0x0  }
0x1c: {  	s11 =	smin.u32 s14, $0x2510;
	s10 =	sadd.s32 s5, s10;
	[sflag:s4] =	ssyncadd.s32 $0xFFFFC000  }
0x1d: {  	[hbm4b:s10+s2] =	stream.linear.scatter [tilespmem:s2], [sflag:$0x1], $0x4000, $0x38;
	[tilespmem:$0x6080] =	vst v63  }
0x1e: {  	s12 =	sadd.s32 $0x180, s11;
	_ =	swait.ge [sflag:s4], $0x4000  }
0x1f: {  	s11 =	sshll.u32 s12, $0x4;
	[sflag:s4] =	ssyncset.done $0x0  }
0x20: {  	s11 =	sadd.s32 s13, s11;
	[sflag:s4] =	ssyncadd.s32 $0xFFFFC000  }
0x21: {  	[tilespmem:s2], [sflag:$0x1] =	stream.linear.gather [hbm4b:s11+s2], $0x4000, $0x38;
	[tilespmem:$0x6080] =	vst v63  }
0x22: {  	s12 =	sadd.s32 s16, s12;
	_ =	swait.ge [sflag:s4], $0x4000  }
0x23: {  	s12 =	sshll.u32 s12, $0x4;
	[sflag:s4] =	ssyncset.done $0x0  }
0x24: {  	s14 =	smin.u32 s14, $0x2490;
	s12 =	sadd.s32 s5, s12;
	[sflag:s4] =	ssyncadd.s32 $0xFFFFC000  }
0x25: {  	[hbm4b:s12+s2] =	stream.linear.scatter [tilespmem:s2], [sflag:$0x1], $0x4000, $0x38;
	[tilespmem:$0x6080] =	vst v63  }
0x26: {  	s14 =	sadd.s32 $0x200, s14;
	_ =	swait.ge [sflag:s4], $0x4000  }
0x27: {  	s19 =	sshll.u32 s14, $0x4;
	[sflag:s4] =	ssyncset.done $0x0  }
0x28: {  	s13 =	sadd.s32 s13, s19;
	[sflag:s4] =	ssyncadd.s32 $0xFFFFC000  }
0x29: {  	[tilespmem:s2], [sflag:$0x1] =	stream.linear.gather [hbm4b:s13+s2], $0x4000, $0x38;
	[tilespmem:$0x6080] =	vst v63  }
0x2a: {  	s14 =	sadd.s32 s16, s14;
	_ =	swait.ge [sflag:s4], $0x4000  }
0x2b: {  	s29 =	sshll.u32 s1, $0x6;
	s14 =	sshll.u32 s14, $0x4;
	[sflag:s4] =	ssyncset.done $0x0  }
0x2c: {  	s28 =	sshll.u32 s18, $0xA;
	s14 =	sadd.s32 s5, s14;
	[sflag:s4] =	ssyncadd.s32 $0xFFFFC000  }
0x2d: {  	[hbm4b:s14+s2] =	stream.linear.scatter [tilespmem:s2], [sflag:$0x1], $0x4000, $0x38;
	[tilespmem:$0x6080] =	vst v63  }
0x2e: {  	s19 =	sor.u32 s29, s28;
	_ =	swait.ge [sflag:s4], $0x4000  }
0x2f: {  	s16 =	sshrl.u32 s19, $0x3;
	[sflag:s4] =	ssyncset.done $0x0  }
0x30: {  	s20 =	ssub.s32 $0x2, s18;
	s15 =	sadd.s32 s16, s15;
	[sflag:s4] =	ssyncadd.s32 $0xFFFFC000  }
0x31: {  	s16 =	simm.s32 $0x6000;
	s15 =	sadd.s32 $0x4A00, s15;
	[bflag:$0x0] =	sbarrier.arrive $0xFFFF  }
0x32: {  	[tilespmem:s16], [sflag:$0x1] =	stream.linear.gather [hbm4b:s15+s2], $0x40, $0x38;
	[tilespmem:$0x6080] =	vst v63  }
0x33: {  	s18 =	simm.s32 $0x4000;
	s31 =	sshrl.u32 s20, $0x1;
	_ =	swait.ge [sflag:s4], $0x40  }
0x34: {  	s30 =	sshll.u32 s19, $0x4;
	s19 =	ssub.s32 s20, s31;
	[sflag:s4] =	ssyncset.done $0x0  }
0x35: {  	s17 =	sadd.s32 s17, s30;
	s20 =	smax.u32 s19, $0x1;
	[sflag:s4] =	ssyncadd.s32 $0xFFFFFFC0  }
0x36: {  	[tilespmem:s18], [sflag:$0x1] =	stream.linear.gather [hbm4b:s17+s2], $0x2000, $0x38;
	[tilespmem:$0x6080] =	vst v63  }
0x37: {  	p0 =	sne.s32 s20, $0x1;
	_ =	swait.ge [sflag:s4], $0x2000  }
.Ltmp0:
0x38: {  	[sflag:s4] =	ssyncset.done $0x0;
	(pc) =	sbr.rel @!p0 .LBB2_2-.Ltmp0, $4  }
0x39: {  	s19 =	simm.s32 $0x40;
	[sflag:s4] =	ssyncadd.s32 $0xFFFFE000  }
0x3a: {  	[hbm4b:s5+s19] =	stream.indirect.scatter [tilespmem:s18], [sflag:$0x1], $0x80, s16, s19, $0xb8;
	[tilespmem:$0x6080] =	vst v63  }
0x3b: {  	_ =	swait.ge [sflag:s4], $0x2000  }
0x3c: {  	s20 =	sadd.s32 $0xFFFFFFFF, s20;
	[sflag:s4] =	ssyncset.done $0x0  }
.LBB2_1:
0x3d: {  	p0 =	sne.s32 s20, $0x1;
	s20 =	sadd.s32 $0xFFFFFFFF, s20;
	[sflag:s4] =	ssyncadd.s32 $0xFFFFE000  }
0x3e: {  	[tilespmem:s2], [sflag:$0x1] =	stream.linear.gather [hbm4b:s3+s2], $0x4000, $0x38;
	[tilespmem:$0x6080] =	vst v63  }
0x3f: {  	_ =	swait.ge [sflag:s4], $0x4000  }
0x40: {  	[sflag:s4] =	ssyncset.done $0x0  }
0x41: {  	[sflag:s4] =	ssyncadd.s32 $0xFFFFC000  }
0x42: {  	[hbm4b:s6+s2] =	stream.linear.scatter [tilespmem:s2], [sflag:$0x1], $0x4000, $0x38;
	[tilespmem:$0x6080] =	vst v63  }
0x43: {  	_ =	swait.ge [sflag:s4], $0x4000  }
0x44: {  	[sflag:s4] =	ssyncset.done $0x0  }
0x45: {  	[sflag:s4] =	ssyncadd.s32 $0xFFFFC000  }
0x46: {  	[tilespmem:s2], [sflag:$0x1] =	stream.linear.gather [hbm4b:s7+s2], $0x4000, $0x38;
	[tilespmem:$0x6080] =	vst v63  }
0x47: {  	_ =	swait.ge [sflag:s4], $0x4000  }
0x48: {  	[sflag:s4] =	ssyncset.done $0x0  }
0x49: {  	[sflag:s4] =	ssyncadd.s32 $0xFFFFC000  }
0x4a: {  	[hbm4b:s8+s2] =	stream.linear.scatter [tilespmem:s2], [sflag:$0x1], $0x4000, $0x38;
	[tilespmem:$0x6080] =	vst v63  }
0x4b: {  	_ =	swait.ge [sflag:s4], $0x4000  }
0x4c: {  	[sflag:s4] =	ssyncset.done $0x0  }
0x4d: {  	[sflag:s4] =	ssyncadd.s32 $0xFFFFC000  }
0x4e: {  	[tilespmem:s2], [sflag:$0x1] =	stream.linear.gather [hbm4b:s9+s2], $0x4000, $0x38;
	[tilespmem:$0x6080] =	vst v63  }
0x4f: {  	_ =	swait.ge [sflag:s4], $0x4000  }
0x50: {  	[sflag:s4] =	ssyncset.done $0x0  }
0x51: {  	[sflag:s4] =	ssyncadd.s32 $0xFFFFC000  }
0x52: {  	[hbm4b:s10+s2] =	stream.linear.scatter [tilespmem:s2], [sflag:$0x1], $0x4000, $0x38;
	[tilespmem:$0x6080] =	vst v63  }
0x53: {  	_ =	swait.ge [sflag:s4], $0x4000  }
0x54: {  	[sflag:s4] =	ssyncset.done $0x0  }
0x55: {  	[sflag:s4] =	ssyncadd.s32 $0xFFFFC000  }
0x56: {  	[tilespmem:s2], [sflag:$0x1] =	stream.linear.gather [hbm4b:s11+s2], $0x4000, $0x38;
	[tilespmem:$0x6080] =	vst v63  }
0x57: {  	_ =	swait.ge [sflag:s4], $0x4000  }
0x58: {  	[sflag:s4] =	ssyncset.done $0x0  }
0x59: {  	[sflag:s4] =	ssyncadd.s32 $0xFFFFC000  }
0x5a: {  	[hbm4b:s12+s2] =	stream.linear.scatter [tilespmem:s2], [sflag:$0x1], $0x4000, $0x38;
	[tilespmem:$0x6080] =	vst v63  }
0x5b: {  	_ =	swait.ge [sflag:s4], $0x4000  }
0x5c: {  	[sflag:s4] =	ssyncset.done $0x0  }
0x5d: {  	[sflag:s4] =	ssyncadd.s32 $0xFFFFC000  }
0x5e: {  	[tilespmem:s2], [sflag:$0x1] =	stream.linear.gather [hbm4b:s13+s2], $0x4000, $0x38;
	[tilespmem:$0x6080] =	vst v63  }
0x5f: {  	_ =	swait.ge [sflag:s4], $0x4000  }
0x60: {  	[sflag:s4] =	ssyncset.done $0x0  }
0x61: {  	[sflag:s4] =	ssyncadd.s32 $0xFFFFC000  }
0x62: {  	[hbm4b:s14+s2] =	stream.linear.scatter [tilespmem:s2], [sflag:$0x1], $0x4000, $0x38;
	[tilespmem:$0x6080] =	vst v63  }
0x63: {  	_ =	swait.ge [sflag:s4], $0x4000  }
0x64: {  	[sflag:s4] =	ssyncset.done $0x0  }
0x65: {  	[sflag:s4] =	ssyncadd.s32 $0xFFFFC000  }
0x66: {  	[bflag:$0x0] =	sbarrier.arrive $0xFFFF  }
0x67: {  	[tilespmem:s16], [sflag:$0x1] =	stream.linear.gather [hbm4b:s15+s2], $0x40, $0x38;
	[tilespmem:$0x6080] =	vst v63  }
0x68: {  	_ =	swait.ge [sflag:s4], $0x40  }
0x69: {  	[sflag:s4] =	ssyncset.done $0x0  }
0x6a: {  	[sflag:s4] =	ssyncadd.s32 $0xFFFFFFC0  }
0x6b: {  	[tilespmem:s18], [sflag:$0x1] =	stream.linear.gather [hbm4b:s17+s2], $0x2000, $0x38;
	[tilespmem:$0x6080] =	vst v63  }
0x6c: {  	_ =	swait.ge [sflag:s4], $0x2000  }
.Ltmp1:
0x6d: {  	[sflag:s4] =	ssyncset.done $0x0;
	(pc) =	sbr.rel @p0 .LBB2_1-.Ltmp1, $4  }
0x6e: {  	[sflag:s4] =	ssyncadd.s32 $0xFFFFE000  }
0x6f: {  	[hbm4b:s5+s19] =	stream.indirect.scatter [tilespmem:s18], [sflag:$0x1], $0x80, s16, s19, $0xb8;
	[tilespmem:$0x6080] =	vst v63  }
0x70: {  	_ =	swait.ge [sflag:s4], $0x2000  }
0x71: {  	[sflag:s4] =	ssyncset.done $0x0  }
.LBB2_2:
0x72: {  	[sflag:s4] =	ssyncadd.s32 $0xFFFFE000  }
0x73: {  	_ =	sfence.sel $0x180000  }
0x74: {  	[bflag:$0x0] =	sbarrier.arrive $0xFFFF  }
0x75: {  	p0 =	sne.s32 s1, $0x0;
	_ =	strace $0x9000004A  }
0x76: {  	s0 =	sadd.s32 @!p0 $0x100000, s0;
	[bflag:$0x2] =	sbarrier.arrive $0xFFFF  }
0x77: {  	[sflag:s0] =	ssyncadd.tile.s32 @!p0 $0x1;
	_ =	shalt  }
.Lfunc_end2:
_tile_overlayer_lowered:
.L_overlay_start_2:
0x78: {  	(tag) =	ssettag $0x2  }
0x79: {  	s0 =	rddreg [dreg:$0x0];
	s2 =	stileid.u32  }
0x7a: {  	s1 =	rddreg [dreg:$0x1];
	p0 =	sne.s32 s2, $0x0  }
0x7b: {  	s3 =	rddreg [dreg:$0x2];
	[bflag:$0x3] =	sbarrier.arrive $0xFFFF;
	s2 =	simm.s32 @!p0 $0x1C01  }
0x7c: {  	[timem:s3], [sflag:s2] =	dma.local @!p0 [hbm:s0], s1  }
0x7d: {  	s0 =	simm.s32 @!p0 $0x1  }
0x7e: {  	_ =	swait.ge @!p0 [sflag:s0], s1  }
0x7f: {  	s1 =	ssub.s32 @!p0 $0x0, s1;
	[sflag:s0] =	ssyncset.done @!p0 $0x0  }
0x80: {  	[sflag:s0] =	ssyncadd.s32 @!p0 s1  }
0x81: {  	[bflag:$0x3] =	sbarrier.arrive $0xFFFF  }
0x82: {  	_ =	shalt  }

// kernel: kernel.15.cloned.1.call-start
scs
__scs_entry_jumppad:
0x0: {  	(pc) =	sbr.rel $0x88, $3  }
0x1: {  	(tag) =	ssettag $0x0;
	lr =	simm.s32 $0x1  }
0x2: {  	[smem:$0x3F98] =	sst lr;
	_ =	strace $0xD0000000  }
0x3: {  	_ = 	snop  }
0x4: {  	_ = 	snop  }
0x5: {  	_ = 	snop  }
0x6: {  	_ = 	snop  }
0x7: {  	_ = 	snop  }
__scs_overlays_trampoline_lowered:
0x8: {  	[smem:$0x3FA7] =	sst s0  }
0x9: {  	[smem:$0x3FA8] =	sst s1  }
0xa: {  	[smem:$0x3FA9] =	sst s2  }
0xb: {  	[smem:$0x3FAA] =	sst s3  }
0xc: {  	[smem:$0x3FAB] =	sst s4  }
0xd: {  	[smem:$0x3FAC] =	sst s5  }
0xe: {  	[smem:$0x3FAD] =	sst s6  }
0xf: {  	[smem:$0x3FAE] =	sst s7  }
0x10: {  	[smem:$0x3FAF] =	sst s8  }
0x11: {  	[smem:$0x3FB0] =	sst s9;
	s0 =	simm.s32 @!p0 $0x0  }
0x12: {  	s1 =	sld [smem:$0x3F96];
	s0 =	simm.s32 @p0 $0x1  }
0x13: {  	[smem:$0x3FB1] =	sst s0;
	s0 =	simm.s32 @!p1 $0x0  }
0x14: {  	s2 =	sld [smem:$0x3F95];
	s0 =	simm.s32 @p1 $0x1  }
0x15: {  	[smem:$0x3FB2] =	sst s0;
	s0 =	simm.s32 @!p2 $0x0  }
0x16: {  	s3 =	sld [smem:$0x3FDB];
	s0 =	simm.s32 @p2 $0x1  }
0x17: {  	s4 =	simm.s32 $0x1BF5;
	[smem:$0x3FB4] =	sst s0  }
0x18: {  	s0 =	sld [smem:$0x3F97];
	_ =	swait.ge [sflag:s4], $0x0  }
0x19: {  	s7 =	sld [smem:$0x3F98]  }
0x1a: {  	s8 =	sadd.s32 $0xFFFFE003, lr  }
0x1b: {  	s9 =	sadd.s32 $0xFFFFFEF7, lr;
	s5 =	simm.s32 $0xFFFFFFFF;
	p2 =	slt.u32 s8, $0xFFFFF086  }
0x1c: {  	p1 =	slt.u32 s9, $0xF7A;
	s5 =	simm.s32 @!p2 $0x0  }
0x1d: {  	s5 =	simm.s32 @p1 $0x1;
	p0 =	seq.s32 s7, s2  }
0x1e: {  	s7 =	smul.u32 @!p0 $0xF7A, s2;
	p2 =	seq.s32 @!p0 s5, $0x0  }
0x1f: {  	s9 =	smul.u32 $0xF7A, s1;
	s8 =	simm.s32 @!p0 $0x1BF5;
	p2 =	por !p2, p0  }
0x20: {  	[sflag:s8] =	ssyncset.s32 @!p0 $0xFFFFF086;
	s6 =	sadd.s32 @!p0 s3, s7;
	s7 =	simm.s32 @!p0 $0x108  }
0x21: {  	s3 =	sadd.s32 s3, s9;
	s6 =	sadd.s32 @!p0 $0x88, s6;
	s7 =	simm.s32 @p2 $0x1082  }
0x22: {  	[simem:s7], [sflag:s8] =	dma.local @!p0 [hbm:s6], $0xF7A  }
0x23: {  	s9 =	sor.u32 $0xD0000000, s2;
	s6 =	simm.s32 $0x108;
	_ =	swait.ge @!p0 [sflag:s8], $0x0  }
0x24: {  	s3 =	sadd.s32 $0x88, s3;
	s6 =	simm.s32 @!p1 $0x1082;
	[sflag:s4] =	ssyncset.s32 $0xFFFFF086  }
0x25: {  	[simem:s6], [sflag:s4] =	dma.local [hbm:s3], $0xF7A  }
0x26: {  	[smem:$0x3F98] =	sst s1;
	(tag) =	ssettag s2;
	_ =	strace s9  }
0x27: {  	s1 =	sld [smem:$0x3FA8]  }
0x28: {  	s2 =	sld [smem:$0x3FA9]  }
0x29: {  	s4 =	sld [smem:$0x3FAB]  }
0x2a: {  	p0 =	seq.s32 s5, $0x0;
	s5 =	sld [smem:$0x3FAC]  }
0x2b: {  	s6 =	sld [smem:$0x3FAD]  }
0x2c: {  	s7 =	sld [smem:$0x3FAE]  }
0x2d: {  	s3 =	simm.s32 $0x108;
	s8 =	sld [smem:$0x3FAF]  }
0x2e: {  	s3 =	simm.s32 @!p0 $0x1082;
	s9 =	sld [smem:$0x3FB0]  }
0x2f: {  	lr =	sadd.s32 s0, s3;
	s0 =	sld [smem:$0x3FA7]  }
0x30: {  	s3 =	sld [smem:$0x3FAA]  }
0x31: {  	[smem:$0x3FB3] =	sst s10  }
0x32: {  	s10 =	sld [smem:$0x3FB1];
	_ =	sdelay $0x3  }
0x33: {  	p0 =	seq.s32 s10, $0x1;
	s10 =	sld [smem:$0x3FB3];
	_ =	sdelay $0x3  }
0x34: {  	[smem:$0x3FB3] =	sst s10  }
0x35: {  	s10 =	sld [smem:$0x3FB2];
	_ =	sdelay $0x3  }
0x36: {  	p1 =	seq.s32 s10, $0x1;
	s10 =	sld [smem:$0x3FB3];
	_ =	sdelay $0x3  }
0x37: {  	[smem:$0x3FB3] =	sst s10  }
0x38: {  	s10 =	sld [smem:$0x3FB4]  }
0x39: {  	_ = 	snop;
	(pc) =	sbr.ind lr, $3  }
0x3a: {  	_ = 	snop  }
0x3b: {  	_ = 	snop  }
0x3c: {  	p2 =	seq.s32 s10, $0x1;
	s10 =	sld [smem:$0x3FB3]  }
0x3d: {  	_ =	shalt  }
0x3e: {  	_ =	shalt  }
0x3f: {  	_ =	shalt  }
0x40: {  	_ =	shalt  }
0x41: {  	_ =	shalt  }
0x42: {  	_ =	shalt  }
0x43: {  	_ =	shalt  }
0x44: {  	_ =	shalt  }
0x45: {  	_ =	shalt  }
0x46: {  	_ =	shalt  }
0x47: {  	_ =	shalt  }
0x48: {  	_ =	shalt  }
0x49: {  	_ =	shalt  }
0x4a: {  	_ =	shalt  }
0x4b: {  	_ =	shalt  }
0x4c: {  	_ =	shalt  }
0x4d: {  	_ =	shalt  }
0x4e: {  	_ =	shalt  }
0x4f: {  	_ =	shalt  }
0x50: {  	_ =	shalt  }
0x51: {  	_ =	shalt  }
0x52: {  	_ =	shalt  }
0x53: {  	_ =	shalt  }
0x54: {  	_ =	shalt  }
0x55: {  	_ =	shalt  }
0x56: {  	_ =	shalt  }
0x57: {  	_ =	shalt  }
0x58: {  	_ =	shalt  }
0x59: {  	_ =	shalt  }
0x5a: {  	_ =	shalt  }
0x5b: {  	_ =	shalt  }
0x5c: {  	_ =	shalt  }
0x5d: {  	_ =	shalt  }
0x5e: {  	_ =	shalt  }
0x5f: {  	_ =	shalt  }
0x60: {  	_ =	shalt  }
0x61: {  	_ =	shalt  }
0x62: {  	_ =	shalt  }
0x63: {  	_ =	shalt  }
0x64: {  	_ =	shalt  }
0x65: {  	_ =	shalt  }
0x66: {  	_ =	shalt  }
0x67: {  	_ =	shalt  }
0x68: {  	_ =	shalt  }
0x69: {  	_ =	shalt  }
0x6a: {  	_ =	shalt  }
0x6b: {  	_ =	shalt  }
0x6c: {  	_ =	shalt  }
0x6d: {  	_ =	shalt  }
0x6e: {  	_ =	shalt  }
0x6f: {  	_ =	shalt  }
0x70: {  	_ =	shalt  }
0x71: {  	_ =	shalt  }
0x72: {  	_ =	shalt  }
0x73: {  	_ =	shalt  }
0x74: {  	_ =	shalt  }
0x75: {  	_ =	shalt  }
0x76: {  	_ =	shalt  }
0x77: {  	_ =	shalt  }
0x78: {  	_ =	shalt  }
0x79: {  	_ =	shalt  }
0x7a: {  	_ =	shalt  }
0x7b: {  	_ =	shalt  }
0x7c: {  	_ =	shalt  }
0x7d: {  	_ =	shalt  }
0x7e: {  	_ =	shalt  }
0x7f: {  	_ =	shalt  }
0x80: {  	_ =	shalt  }
0x81: {  	_ =	shalt  }
0x82: {  	_ =	shalt  }
0x83: {  	_ =	shalt  }
0x84: {  	_ =	shalt  }
0x85: {  	_ =	shalt  }
0x86: {  	_ =	shalt  }
0x87: {  	_ =	shalt  }
.Lfunc_end0:
.L_simem_size_0:
called_computation.2_lowered:
.L_overlay_start_0:
0x88: {  	s2 =	sld [smem:$0x3FD9]  }
0x89: {  	s3 =	sld [smem:$0x3FFE];
	_ =	sdelay $0x1  }
0x8a: {  	s1 =	srdreg.scid  }
0x8b: {  	s0 =	sand.u32 $0x1, s1  }
0x8c: {  	s17 =	sshll.u32 s0, $0xA;
	s2 =	sadd.s32 s3, s2  }
0x8d: {  	s2 =	sadd.s32 s2, s17  }
0x8e: {  	[smem:$0x3FBF] =	sst s2  }
0x8f: {  	_ = 	snop  }
0x90: {  	s2 =	sld [smem:$0x3FD0];
	(tm) =	ssettm $0x1  }
0x91: {  	s18 =	sld [smem:$0x3FFB];
	_ =	sdelay $0x3  }
0x92: {  	_ =	strace s18  }
0x93: {  	s3 =	sld [smem:$0x3FFC];
	_ =	sdelay $0x3  }
0x94: {  	_ =	strace s3  }
0x95: {  	s3 =	sld [smem:$0x3FFD];
	_ =	sdelay $0x3  }
0x96: {  	_ =	strace s3  }
0x97: {  	_ =	strace $0x8FFFFFFF  }
0x98: {  	s19 =	sld [smem:$0x3FDB];
	_ =	sdelay $0x1  }
0x99: {  	s4 =	simm.s32 $_scs_section_size  }
0x9a: {  	s5 =	simm.s32 $_size__tile_overlayer_lowered;
	s6 =	simm.s32 $_tile_overlayer_lowered  }
0x9b: {  	s22 =	simm.s32 $0x1BFF;
	s21 =	sshll.u32 s6, $0x1;
	s3 =	sadd.s32 s4, s19  }
0x9c: {  	s7 =	simm.s32 $0x0;
	s20 =	sshll.u32 s5, $0x1;
	s5 =	sadd.s32 s21, s3  }
0x9d: {  	[timem:s7], [sflag:s22] =	dma.local [hbm:s5], s20  }
0x9e: {  	_ =	swait.ge [sflag:s22], s20  }
0x9f: {  	s4 =	ssub.s32 $0x0, s20;
	[sflag:s22] =	ssyncset.done $0x0  }
0xa0: {  	[sflag:s22] =	ssyncadd.s32 s4;
	_ =	sdelay $0x1  }
0xa1: {  	s23 =	simm.s32 $0x1B8B  }
0xa2: {  	_ =	swait.ge [sflag:s23], $0x1  }
0xa3: {  	[sflag:s23] =	ssyncset.done $0x0  }
0xa4: {  	s25 =	simm.s32 $0x1B8E;
	s24 =	sld [smem:$0x3FFE];
	[sflag:s23] =	ssyncadd.s32 $0xFFFFFFFF  }
0xa5: {  	s26 =	simm.s32 $execute0_lowered;
	[smem:$0x3FD2] =	sst s25  }
0xa6: {  	s5 =	sshll.u32 s26, $0x1;
	_ =	strace $0x8000004C;
	[dreg:$0x1] =	wrdreg $0xFFFFFFFF  }
0xa7: {  	s28 =	simm.s32 $_size_execute0_lowered;
	s3 =	sadd.s32 s3, s5;
	[dreg:$0x0] =	wrdreg $0x0  }
0xa8: {  	s5 =	sshll.u32 s28, $0x1;
	[dreg:$0x2] =	wrdreg s3  }
0xa9: {  	[dreg:$0x3] =	wrdreg s5  }
0xaa: {  	[dreg:$0x4] =	wrdreg $0xC0  }
0xab: {  	_ =	task [dreg:s7], $0x5FFFF  }
0xac: {  	[dreg:$0x1] =	wrdreg $0xFFFFFFFF  }
0xad: {  	[dreg:$0x0] =	wrdreg $0x60  }
0xae: {  	[dreg:$0x2] =	wrdreg s24  }
0xaf: {  	[dreg:$0x3] =	wrdreg s2  }
0xb0: {  	[dreg:$0x4] =	wrdreg $0x0  }
0xb1: {  	[dreg:$0x5] =	wrdreg $0x9  }
0xb2: {  	_ =	task.clear_ibuf [dreg:s7], $0x6FFFF;
	_ =	strace $0x9000004C  }
0xb3: {  	s29 =	simm.s32 $0x9;
	_ =	strace $0x8000004E  }
0xb4: {  	_ =	swait.ge [sflag:s29], $0x1  }
0xb5: {  	[sflag:s29] =	ssyncadd.s32 $0xFFFFFFFF  }
0xb6: {  	_ =	strace $0x9000004E  }
0xb7: {  	_ =	sfence  }
0xb8: {  	s30 =	sld [smem:$0x0];
	_ =	sdelay $0x2  }
0xb9: {  	s31 =	sshll.u32 s1, $0xD;
	s1 =	sshrl.u32 s1, $0x2  }
0xba: {  	s3 =	sand.u32 $0x4000, s31;
	s1 =	sadd.s32 s1, s30  }
0xbb: {  	s0 =	sor.u32 s3, s0;
	s1 =	sshll.u32 s1, $0x11  }
0xbc: {  	s0 =	sor.u32 s1, s0  }
0xbd: {  	s0 =	sadd.s32 $0x8F2B, s0  }
0xbe: {  	[sflag:s0] =	ssyncadd.remote.s32 $0x1  }
0xbf: {  	_ =	sfence.sel $0xFFFF  }
0xc0: {  	[dreg:$0x0] =	wrdreg $0xFFFFFFFF;
	(pc) =	sbr.abs _section_cstart, $3  }
0xc1: {  	[dreg:$0x1] =	wrdreg $0xFFFFFFFF  }
0xc2: {  	_ =	task.clear_ibuf [dreg:s7], $0x2FFFF;
	_ =	strace $0x9FFFFFFF  }
0xc3: {  	(tm) =	ssettm $0x7FFFFFFF  }
tec
execute0_lowered:
.L_overlay_start_1:
0x0: {  	(tag) =	ssettag $0x1  }
0x1: {  	s0 =	srdreg.scid;
	s3 =	rddreg [dreg:$0x0]  }
0x2: {  	s23 =	stileid.u32;
	s11 =	rddreg [dreg:$0x1]  }
0x3: {  	s1 =	simm.s32 $0x0;
	s28 =	simm.s32 $0x1B400;
	s17 =	smul.u32 $0x280, s23  }
0x4: {  	s29 =	simm.s32 $0x2;
	s13 =	sand.u32 $0x1, s0;
	s7 =	smul.u32 $0x4EC0, s23  }
0x5: {  	s30 =	simm.s32 $0x3;
	s31 =	simm.s32 $0x5;
	s26 =	smul.u32 $0x4EC00, s13  }
0x6: {  	[smem:$0x7FF] =	sst s1;
	s0 =	ssub.s32 $0x2, s13;
	s12 =	smul.u32 $0x2710, s13  }
0x7: {  	s2 =	sshrl.u32 s0, $0x1;
	s10 =	sor.u32 $0x50, s17;
	s16 =	sadd.s32 $0xA0, s17  }
0x8: {  	s6 =	sadd.s32 $0xF0, s17;
	s8 =	sadd.s32 $0x140, s17;
	s9 =	sadd.s32 $0x190, s17  }
0x9: {  	s4 =	sadd.s32 $0x1E0, s17;
	s5 =	sadd.s32 $0x230, s17;
	s0 =	ssub.s32 s0, s2  }
0xa: {  	s14 =	sadd.s32 s12, s17;
	s2 =	sadd.s32 s7, s26;
	s18 =	sadd.s32 s12, s10  }
0xb: {  	s20 =	sadd.s32 s12, s16;
	s22 =	sadd.s32 s12, s6;
	s25 =	sadd.s32 s12, s8  }
0xc: {  	s10 =	sshll.u32 s10, $0x7;
	s15 =	sshll.u32 s14, $0x4;
	s19 =	sshll.u32 s18, $0x4  }
0xd: {  	s21 =	sshll.u32 s20, $0x4;
	s14 =	sshll.u32 s25, $0x4;
	s7 =	sadd.s32 s11, s15  }
0xe: {  	s24 =	sshll.u32 s22, $0x4;
	s14 =	sadd.s32 s11, s14;
	[dreg:$0x8] =	wrdreg s7  }
0xf: {  	s7 =	sadd.s32 s11, s19;
	[dreg:$0xc] =	wrdreg s14;
	s14 =	smin.u32 s4, $0x26C0  }
0x10: {  	[dreg:$0x9] =	wrdreg s7;
	s7 =	sadd.s32 s11, s21;
	s19 =	sadd.s32 s12, s14  }
0x11: {  	s21 =	sadd.s32 $0x190, s2;
	[dreg:$0xa] =	wrdreg s7;
	s7 =	sadd.s32 s11, s24  }
0x12: {  	s26 =	sshll.u32 s19, $0x4;
	[dreg:$0xb] =	wrdreg s7;
	s7 =	smin.u32 s9, $0x26C0  }
0x13: {  	s19 =	sshll.u32 s13, $0x4;
	s22 =	sshrl.u32 s21, $0x3;
	s15 =	sadd.s32 s12, s7  }
0x14: {  	s24 =	smul.u32 $0x28000, s13;
	s18 =	sshll.u32 s15, $0x4;
	s15 =	smin.u32 s5, $0x26C0  }
0x15: {  	s20 =	sor.u32 s23, s19;
	s18 =	sadd.s32 s11, s18;
	s12 =	sadd.s32 s12, s15  }
0x16: {  	[dreg:$0xd] =	wrdreg s18;
	s18 =	sadd.s32 s11, s26;
	s12 =	sshll.u32 s12, $0x4  }
0x17: {  	[dreg:$0xe] =	wrdreg s18;
	s11 =	sadd.s32 s11, s12;
	s18 =	smul.u32 $0x500, s20  }
0x18: {  	s12 =	sadd.s32 $0x53000, s3;
	s20 =	smul.u32 $0x2800, s13;
	[dreg:$0xf] =	wrdreg s11  }
0x19: {  	s13 =	sadd.s32 $0x66C00, s3;
	s11 =	rddreg [dreg:$0x2];
	s21 =	sadd.s32 s22, s12  }
0x1a: {  	s19 =	sadd.s32 s22, s13;
	_ =	strace $0x8000004D;
	[dreg:$0x4] =	wrdreg s21  }
0x1b: {  	s0 =	smax.u32 s0, $0x1;
	s22 =	sadd.s32 $0x7A800, s3;
	[dreg:$0x5] =	wrdreg s19  }
0x1c: {  	s20 =	sadd.s32 s17, s20;
	s18 =	sadd.s32 s22, s18;
	[smem:$0x7F1] =	sst s0  }
0x1d: {  	s17 =	sor.u32 s17, s24;
	s10 =	sadd.s32 s10, s11;
	[dreg:$0x10] =	wrdreg s18  }
0x1e: {  	s25 =	sshrl.u32 s17, $0x3;
	s26 =	sadd.s32 $0x2800, s17;
	s21 =	sadd.s32 $0x5000, s17  }
0x1f: {  	[dreg:$0x17] =	wrdreg s10;
	s24 =	sadd.s32 s22, s25;
	s25 =	sshrl.u32 s26, $0x3  }
0x20: {  	s26 =	sshrl.u32 s21, $0x3;
	s18 =	sadd.s32 s22, s25;
	[dreg:$0x11] =	wrdreg s24  }
0x21: {  	s21 =	sadd.s32 $0x140, s2;
	s19 =	sadd.s32 s22, s26;
	[dreg:$0x12] =	wrdreg s18  }
0x22: {  	s25 =	sadd.s32 $0x7800, s17;
	s17 =	sadd.s32 $0x14000, s17;
	[dreg:$0x13] =	wrdreg s19  }
0x23: {  	s18 =	sshrl.u32 s21, $0x3;
	s19 =	sshrl.u32 s25, $0x3;
	s21 =	sshll.u32 s8, $0x7  }
0x24: {  	s8 =	smin.u32 s5, $0x26D0;
	s5 =	sshll.u32 s14, $0x7;
	s14 =	sadd.s32 $0x1900, s24  }
0x25: {  	s17 =	sshrl.u32 s17, $0x3;
	s19 =	sadd.s32 s22, s19;
	[smem:$0x7F4] =	sst s14  }
0x26: {  	s16 =	sshll.u32 s16, $0x7;
	s17 =	sadd.s32 s22, s17;
	[dreg:$0x14] =	wrdreg s19  }
0x27: {  	s25 =	smul.u32 $0x50000, s23;
	s26 =	sadd.s32 s18, s12;
	[dreg:$0x15] =	wrdreg s17  }
0x28: {  	s22 =	sshrl.u32 s20, $0x3;
	s18 =	sadd.s32 s18, s13;
	[dreg:$0x6] =	wrdreg s26  }
0x29: {  	s20 =	sadd.s32 $0x4C00, s3;
	s23 =	sadd.s32 s21, s11;
	[dreg:$0x7] =	wrdreg s18  }
0x2a: {  	s17 =	sadd.s32 s22, s3;
	s18 =	sadd.s32 s16, s11;
	s19 =	sshll.u32 s6, $0x7  }
0x2b: {  	s22 =	smin.u32 s9, $0x26D0;
	[dreg:$0x1a] =	wrdreg s23;
	s6 =	smin.u32 s4, $0x26D0  }
0x2c: {  	s4 =	sshll.u32 s8, $0x7;
	[dreg:$0x18] =	wrdreg s18;
	s3 =	sadd.s32 s19, s11  }
0x2d: {  	s9 =	sshrl.u32 s2, $0x3;
	s10 =	sadd.s32 s4, s11;
	[dreg:$0x19] =	wrdreg s3  }
0x2e: {  	s0 =	simm.s32 $0x13C00;
	s16 =	sadd.s32 s13, s9;
	[dreg:$0x1d] =	wrdreg s10  }
0x2f: {  	s18 =	sadd.s32 s12, s9;
	s19 =	sadd.s32 $0xA, s9;
	[dreg:$0x1e] =	wrdreg s16  }
0x30: {  	s21 =	sadd.s32 $0x14, s9;
	s8 =	sadd.s32 $0x84800, s17;
	[dreg:$0x1f] =	wrdreg s18  }
0x31: {  	s4 =	sshll.u32 s7, $0x7;
	s9 =	sadd.s32 $0xF0, s2;
	[smem:$0x7F0] =	sst s8  }
0x32: {  	s7 =	sshll.u32 s15, $0x7;
	s15 =	sadd.s32 $0x1E00, s24;
	[smem:$0x7F2] =	sst s9  }
0x33: {  	s26 =	sshrl.u32 s25, $0x2;
	s17 =	sadd.s32 $0x2D00, s24;
	[smem:$0x7F5] =	sst s15  }
0x34: {  	s25 =	sadd.s32 s26, s11;
	s26 =	sshll.u32 s22, $0x7;
	[smem:$0x7F7] =	sst s17  }
0x35: {  	s14 =	simm.s32 $0x7;
	s3 =	sadd.s32 s26, s11;
	[dreg:$0x16] =	wrdreg s25  }
0x36: {  	s2 =	simm.s32 $0x1;
	s22 =	sadd.s32 s13, s19;
	[dreg:$0x1b] =	wrdreg s3  }
0x37: {  	s23 =	sadd.s32 s13, s21;
	s26 =	sadd.s32 s12, s21;
	[smem:$0x7E9] =	sst s22  }
0x38: {  	s10 =	sadd.s32 $0x1400, s24;
	s16 =	sadd.s32 $0x2300, s24;
	[smem:$0x7EB] =	sst s23  }
0x39: {  	s18 =	sadd.s32 $0x3200, s24;
	s21 =	sadd.s32 $0x3C00, s24;
	[smem:$0x7EC] =	sst s26  }
0x3a: {  	s8 =	simm.s32 $0x13B80;
	s17 =	simm.s32 $0x8;
	[smem:$0x7F3] =	sst s10  }
0x3b: {  	s9 =	simm.s32 $0x4;
	s15 =	simm.s32 $0xA;
	[smem:$0x7F6] =	sst s16  }
0x3c: {  	s3 =	sshll.u32 s6, $0x7;
	s6 =	sadd.s32 s5, s11;
	[smem:$0x7F8] =	sst s18  }
0x3d: {  	[smem:$0x7FA] =	sst s21;
	s22 =	sadd.s32 $0x4100, s24;
	s23 =	sadd.s32 $0x4600, s24  }
0x3e: {  	s26 =	sadd.s32 $0x4B00, s24;
	s5 =	simm.s32 $0x13980;
	[smem:$0x7EE] =	sst s6  }
0x3f: {  	s16 =	simm.s32 $0x50;
	s18 =	simm.s32 $0x16400;
	[smem:$0x7FB] =	sst s22  }
0x40: {  	s10 =	simm.s32 $0x6;
	s21 =	simm.s32 $0x1DC00;
	[smem:$0x7FC] =	sst s23  }
0x41: {  	s3 =	sadd.s32 s3, s11;
	[smem:$0x7FD] =	sst s26;
	s6 =	simm.s32 $0x13B00  }
0x42: {  	s26 =	simm.s32 $0x18C00;
	[dreg:$0x1c] =	wrdreg s3;
	s3 =	sadd.s32 s12, s19  }
0x43: {  	s23 =	simm.s32 $0x0;
	s19 =	sadd.s32 $0x3700, s24;
	[smem:$0x7EA] =	sst s3  }
0x44: {  	s3 =	sadd.s32 s4, s11;
	[smem:$0x7F9] =	sst s19;
	s4 =	simm.s32 $0x13A80  }
0x45: {  	s19 =	simm.s32 $0x9;
	[smem:$0x7ED] =	sst s3;
	s3 =	sadd.s32 s7, s11  }
0x46: {  	v0 =	vimm.f32 $0.0e+00;
	v1 =	vimm.f32 $1.000000000e+00;
	s7 =	simm.s32 $0x13A00;
	[smem:$0x7EF] =	sst s3;
	s3 =	simm.s32 $0x13900  }
.LBB2_1:
0x47: {  	[smem:$0x7E8] =	sst s23;
	s23 =	simm.s32 $0x0;
	s24 =	simm.s32 $0x200  }
.LBB2_2:
0x48: {  	p0 =	sne.s32 s24, $0x9E00;
	[tilespmem:s23+$0x13C70] =	vst v0  }
0x49: {  	[tilespmem:s23+$0x13C00] =	vst v0  }
0x4a: {  	[tilespmem:s23+$0x13C10] =	vst v0  }
.Ltmp0:
0x4b: {  	[tilespmem:s23+$0x13C20] =	vst v0;
	(pc) =	sbr.rel @p0 .LBB2_2-.Ltmp0, $4  }
0x4c: {  	[tilespmem:s23+$0x13C30] =	vst v0  }
0x4d: {  	[tilespmem:s23+$0x13C40] =	vst v0  }
0x4e: {  	[tilespmem:s23+$0x13C50] =	vst v0  }
0x4f: {  	[tilespmem:s23+$0x13C60] =	vst v0;
	s23 =	sshra.s32 s24, $0x2;
	s24 =	sadd.s32 $0x200, s24  }
0x50: {  	[tilespmem:s23+$0x13C70] =	vst v0  }
0x51: {  	[tilespmem:s23+$0x13C00] =	vst v0  }
0x52: {  	[tilespmem:s23+$0x13C10] =	vst v0  }
0x53: {  	[tilespmem:s23+$0x13C20] =	vst v0  }
0x54: {  	[tilespmem:s23+$0x13C30] =	vst v0  }
0x55: {  	[tilespmem:s23+$0x13C40] =	vst v0  }
0x56: {  	[tilespmem:s23+$0x13C50] =	vst v0  }
0x57: {  	[tilespmem:s23+$0x13C60] =	vst v0  }
0x58: {  	[spmem:s25] =	stream.linear.scatter [tilespmem:s0], [sflag:$0x1], $0x2800, $0x38;
	[tilespmem:$0x1E100] =	vst v63  }
0x59: {  	s22 =	rddreg [dreg:$0x17]  }
0x5a: {  	[spmem:s22] =	stream.linear.scatter [tilespmem:s0], [sflag:$0x1], $0x2800, $0x38;
	[tilespmem:$0x1E100] =	vst v63  }
0x5b: {  	s23 =	rddreg [dreg:$0x18]  }
0x5c: {  	[spmem:s23] =	stream.linear.scatter [tilespmem:s0], [sflag:$0x1], $0x2800, $0x38;
	[tilespmem:$0x1E100] =	vst v63  }
0x5d: {  	s24 =	rddreg [dreg:$0x19]  }
0x5e: {  	[spmem:s24] =	stream.linear.scatter [tilespmem:s0], [sflag:$0x1], $0x2800, $0x38;
	[tilespmem:$0x1E100] =	vst v63  }
0x5f: {  	s25 =	rddreg [dreg:$0x1a]  }
0x60: {  	[spmem:s25] =	stream.linear.scatter [tilespmem:s0], [sflag:$0x1], $0x2800, $0x38;
	[tilespmem:$0x1E100] =	vst v63  }
0x61: {  	s23 =	rddreg [dreg:$0x1b]  }
0x62: {  	[spmem:s23] =	stream.linear.scatter [tilespmem:s0], [sflag:$0x1], $0x2800, $0x38;
	[tilespmem:$0x1E100] =	vst v63  }
0x63: {  	s24 =	rddreg [dreg:$0x1c]  }
0x64: {  	[spmem:s24] =	stream.linear.scatter [tilespmem:s0], [sflag:$0x1], $0x2800, $0x38;
	[tilespmem:$0x1E100] =	vst v63  }
0x65: {  	s25 =	rddreg [dreg:$0x1d]  }
0x66: {  	[spmem:s25] =	stream.linear.scatter [tilespmem:s0], [sflag:$0x1], $0x2800, $0x38;
	[tilespmem:$0x1E100] =	vst v63  }
0x67: {  	_ =	swait.ge [sflag:s2], $0x2800  }
0x68: {  	[sflag:s2] =	ssyncset.done $0x0  }
0x69: {  	[sflag:s2] =	ssyncadd.s32 $0xFFFFD800  }
0x6a: {  	_ =	swait.ge [sflag:s2], $0x2800  }
0x6b: {  	[sflag:s2] =	ssyncset.done $0x0  }
0x6c: {  	[sflag:s2] =	ssyncadd.s32 $0xFFFFD800  }
0x6d: {  	_ =	swait.ge [sflag:s2], $0x2800  }
0x6e: {  	[sflag:s2] =	ssyncset.done $0x0  }
0x6f: {  	[sflag:s2] =	ssyncadd.s32 $0xFFFFD800  }
0x70: {  	_ =	swait.ge [sflag:s2], $0x2800  }
0x71: {  	[sflag:s2] =	ssyncset.done $0x0  }
0x72: {  	[sflag:s2] =	ssyncadd.s32 $0xFFFFD800  }
0x73: {  	_ =	swait.ge [sflag:s2], $0x2800  }
0x74: {  	[sflag:s2] =	ssyncset.done $0x0  }
0x75: {  	[sflag:s2] =	ssyncadd.s32 $0xFFFFD800  }
0x76: {  	_ =	swait.ge [sflag:s2], $0x2800  }
0x77: {  	[sflag:s2] =	ssyncset.done $0x0  }
0x78: {  	[sflag:s2] =	ssyncadd.s32 $0xFFFFD800  }
0x79: {  	_ =	swait.ge [sflag:s2], $0x2800  }
0x7a: {  	[sflag:s2] =	ssyncset.done $0x0  }
0x7b: {  	[sflag:s2] =	ssyncadd.s32 $0xFFFFD800  }
0x7c: {  	_ =	swait.ge [sflag:s2], $0x2800  }
0x7d: {  	[sflag:s2] =	ssyncset.done $0x0  }
0x7e: {  	s23 =	simm.s32 $0x40;
	s24 =	simm.s32 $0x0;
	[sflag:s2] =	ssyncadd.s32 $0xFFFFD800  }
.LBB2_4:
0x7f: {  	p0 =	sne.s32 s23, $0x9FC0;
	[tilespmem:s24+$0x1B400] =	vst v0;
	s24 =	smov.u32 s23;
	s23 =	sadd.s32 $0x40, s23  }
.Ltmp1:
0x80: {  	(pc) =	sbr.rel @p0 .LBB2_4-.Ltmp1, $2  }
0x81: {  	_ =	sdelay $0x2  }
0x82: {  	s24 =	sshra.s32 s24, $0x2  }
0x83: {  	[tilespmem:s24+$0x1B400] =	vst v0  }
0x84: {  	[bflag:$0x0] =	sbarrier.arrive $0xFFFF  }
0x85: {  	s22 =	rddreg [dreg:$0x1e]  }
0x86: {  	s23 =	simm.s32 $0x0;
	s25 =	rddreg [dreg:$0x1f]  }
0x87: {  	[tilespmem:s3], [sflag:$0x7] =	stream.linear.gather [hbm4b:s22+s23], $0x50, $0x38;
	[tilespmem:$0x1E100] =	vst v63  }
0x88: {  	s24 =	sld [smem:$0x7E9]  }
0x89: {  	[tilespmem:s4], [sflag:$0x7] =	stream.linear.gather [hbm4b:s25+s23], $0x50, $0x38;
	[tilespmem:$0x1E100] =	vst v63  }
0x8a: {  	s25 =	sld [smem:$0x7EA]  }
0x8b: {  	[tilespmem:s5], [sflag:$0x8] =	stream.linear.gather [hbm4b:s24+s23], $0x50, $0x38;
	[tilespmem:$0x1E100] =	vst v63  }
0x8c: {  	s24 =	sld [smem:$0x7EB]  }
0x8d: {  	[tilespmem:s6], [sflag:$0x8] =	stream.linear.gather [hbm4b:s25+s23], $0x50, $0x38;
	[tilespmem:$0x1E100] =	vst v63  }
0x8e: {  	s25 =	sld [smem:$0x7EC]  }
0x8f: {  	[tilespmem:s7], [sflag:$0x9] =	stream.linear.gather [hbm4b:s24+s23], $0x50, $0x38;
	[tilespmem:$0x1E100] =	vst v63  }
0x90: {  	_ = 	snop  }
0x91: {  	[tilespmem:s8], [sflag:$0x9] =	stream.linear.gather [hbm4b:s25+s23], $0x50, $0x38;
	[tilespmem:$0x1E100] =	vst v63  }
0x92: {  	_ =	swait.ge [sflag:s14], $0x50  }
0x93: {  	[sflag:s14] =	ssyncset.done $0x0  }
0x94: {  	[sflag:s14] =	ssyncadd.s32 $0xFFFFFFB0  }
0x95: {  	_ =	swait.ge [sflag:s14], $0x50  }
0x96: {  	[sflag:s14] =	ssyncset.done $0x0  }
0x97: {  	[sflag:s14] =	ssyncadd.s32 $0xFFFFFFB0  }
0x98: {  	[tilespmem:s0], [sflag:$0x1] =	stream.indirect.gather [hbm4b:s20+s16], $0x80, s3, s16, $0xb8;
	[tilespmem:$0x1E100] =	vst v63  }
0x99: {  	_ =	swait.ge [sflag:s17], $0x50  }
0x9a: {  	[sflag:s17] =	ssyncset.done $0x0  }
0x9b: {  	[sflag:s17] =	ssyncadd.s32 $0xFFFFFFB0  }
0x9c: {  	_ =	swait.ge [sflag:s17], $0x50  }
0x9d: {  	[sflag:s17] =	ssyncset.done $0x0  }
0x9e: {  	[sflag:s17] =	ssyncadd.s32 $0xFFFFFFB0  }
0x9f: {  	[tilespmem:s18], [sflag:$0x2] =	stream.indirect.gather [hbm4b:s20+s16], $0x80, s5, s16, $0xb8;
	[tilespmem:$0x1E100] =	vst v63  }
0xa0: {  	_ =	swait.ge [sflag:s19], $0x50  }
0xa1: {  	[sflag:s19] =	ssyncset.done $0x0  }
0xa2: {  	[sflag:s19] =	ssyncadd.s32 $0xFFFFFFB0  }
0xa3: {  	_ =	swait.ge [sflag:s19], $0x50  }
0xa4: {  	[sflag:s19] =	ssyncset.done $0x0  }
0xa5: {  	[sflag:s19] =	ssyncadd.s32 $0xFFFFFFB0  }
0xa6: {  	[tilespmem:s26], [sflag:$0x3] =	stream.indirect.gather [hbm4b:s20+s16], $0x80, s7, s16, $0xb8;
	[tilespmem:$0x1E100] =	vst v63  }
0xa7: {  	_ =	swait.ge [sflag:s2], $0x2800  }
0xa8: {  	[sflag:s2] =	ssyncset.done $0x0  }
0xa9: {  	[sflag:s2] =	ssyncadd.s32 $0xFFFFD800  }
0xaa: {  	[spmem:s11] =	stream.indirect.scatter.add.f32 [tilespmem:s0], [sflag:$0x4], $0x80, s4, s16, $0xb8;
	[tilespmem:$0x1E100] =	vst v63  }
0xab: {  	v2 =	vld [tilespmem:$0x13A80];
	_ =	sdelay $0x7  }
0xac: {  	[tilespmem:v2+s28+$0x0] =	vst.idx.add.f32.msk $0xffff, v1  }
0xad: {  	v2 =	vld [tilespmem:$0x13A90];
	_ =	sdelay $0x7  }
0xae: {  	[tilespmem:v2+s28+$0x0] =	vst.idx.add.f32.msk $0xffff, v1  }
0xaf: {  	v2 =	vld [tilespmem:$0x13AA0];
	_ =	sdelay $0x7  }
0xb0: {  	[tilespmem:v2+s28+$0x0] =	vst.idx.add.f32.msk $0xffff, v1  }
0xb1: {  	v2 =	vld [tilespmem:$0x13AB0];
	_ =	sdelay $0x7  }
0xb2: {  	[tilespmem:v2+s28+$0x0] =	vst.idx.add.f32.msk $0xffff, v1  }
0xb3: {  	v2 =	vld [tilespmem:$0x13AC0];
	_ =	sdelay $0x7  }
0xb4: {  	[tilespmem:v2+s28+$0x0] =	vst.idx.add.f32.msk $0xffff, v1  }
0xb5: {  	_ =	swait.ge [sflag:s29], $0x2800  }
0xb6: {  	[sflag:s29] =	ssyncset.done $0x0  }
0xb7: {  	[sflag:s29] =	ssyncadd.s32 $0xFFFFD800  }
0xb8: {  	[spmem:s11] =	stream.indirect.scatter.add.f32 [tilespmem:s18], [sflag:$0x5], $0x80, s6, s16, $0xb8;
	[tilespmem:$0x1E100] =	vst v63  }
0xb9: {  	v2 =	vld [tilespmem:$0x13B00];
	_ =	sdelay $0x7  }
0xba: {  	[tilespmem:v2+s28+$0x0] =	vst.idx.add.f32.msk $0xffff, v1  }
0xbb: {  	v2 =	vld [tilespmem:$0x13B10];
	_ =	sdelay $0x7  }
0xbc: {  	[tilespmem:v2+s28+$0x0] =	vst.idx.add.f32.msk $0xffff, v1  }
0xbd: {  	v2 =	vld [tilespmem:$0x13B20];
	_ =	sdelay $0x7  }
0xbe: {  	[tilespmem:v2+s28+$0x0] =	vst.idx.add.f32.msk $0xffff, v1  }
0xbf: {  	v2 =	vld [tilespmem:$0x13B30];
	_ =	sdelay $0x7  }
0xc0: {  	[tilespmem:v2+s28+$0x0] =	vst.idx.add.f32.msk $0xffff, v1  }
0xc1: {  	v2 =	vld [tilespmem:$0x13B40];
	_ =	sdelay $0x7  }
0xc2: {  	[tilespmem:v2+s28+$0x0] =	vst.idx.add.f32.msk $0xffff, v1  }
0xc3: {  	_ =	swait.ge [sflag:s30], $0x2800  }
0xc4: {  	[sflag:s30] =	ssyncset.done $0x0  }
0xc5: {  	[sflag:s30] =	ssyncadd.s32 $0xFFFFD800  }
0xc6: {  	[spmem:s11] =	stream.indirect.scatter.add.f32 [tilespmem:s26], [sflag:$0x6], $0x80, s8, s16, $0xb8;
	[tilespmem:$0x1E100] =	vst v63  }
0xc7: {  	v2 =	vld [tilespmem:$0x13B80];
	_ =	sdelay $0x7  }
0xc8: {  	[tilespmem:v2+s28+$0x0] =	vst.idx.add.f32.msk $0xffff, v1  }
0xc9: {  	v2 =	vld [tilespmem:$0x13B90];
	_ =	sdelay $0x7  }
0xca: {  	[tilespmem:v2+s28+$0x0] =	vst.idx.add.f32.msk $0xffff, v1  }
0xcb: {  	v2 =	vld [tilespmem:$0x13BA0];
	_ =	sdelay $0x7  }
0xcc: {  	[tilespmem:v2+s28+$0x0] =	vst.idx.add.f32.msk $0xffff, v1  }
0xcd: {  	v2 =	vld [tilespmem:$0x13BB0];
	_ =	sdelay $0x7  }
0xce: {  	[tilespmem:v2+s28+$0x0] =	vst.idx.add.f32.msk $0xffff, v1  }
0xcf: {  	v2 =	vld [tilespmem:$0x13BC0];
	_ =	sdelay $0x6  }
0xd0: {  	s24 =	sld [smem:$0x7F2]  }
0xd1: {  	[tilespmem:v2+s28+$0x0] =	vst.idx.add.f32.msk $0xffff, v1  }
.LBB2_6:
0xd2: {  	_ =	swait.ge [sflag:s9], $0x2800  }
0xd3: {  	s25 =	sshrl.u32 s24, $0x3;
	[sflag:s9] =	ssyncset.done $0x0  }
0xd4: {  	s22 =	sadd.s32 s13, s25;
	[sflag:s9] =	ssyncadd.s32 $0xFFFFD800  }
0xd5: {  	[tilespmem:s3], [sflag:$0x7] =	stream.linear.gather [hbm4b:s22+s1], $0x50, $0x38;
	[tilespmem:$0x1E100] =	vst v63  }
0xd6: {  	s25 =	sadd.s32 s12, s25  }
0xd7: {  	[tilespmem:s4], [sflag:$0x7] =	stream.linear.gather [hbm4b:s25+s1], $0x50, $0x38;
	[tilespmem:$0x1E100] =	vst v63  }
0xd8: {  	_ =	swait.ge [sflag:s31], $0x2800  }
0xd9: {  	s22 =	rddreg [dreg:$0x7];
	[sflag:s31] =	ssyncset.done $0x0  }
0xda: {  	s25 =	rddreg [dreg:$0x6];
	[sflag:s31] =	ssyncadd.s32 $0xFFFFD800;
	s22 =	sadd.s32 s23, s22  }
0xdb: {  	[tilespmem:s5], [sflag:$0x8] =	stream.linear.gather [hbm4b:s22+s1], $0x50, $0x38;
	[tilespmem:$0x1E100] =	vst v63  }
0xdc: {  	s25 =	sadd.s32 s23, s25  }
0xdd: {  	[tilespmem:s6], [sflag:$0x8] =	stream.linear.gather [hbm4b:s25+s1], $0x50, $0x38;
	[tilespmem:$0x1E100] =	vst v63  }
0xde: {  	_ =	swait.ge [sflag:s10], $0x2800  }
0xdf: {  	s22 =	rddreg [dreg:$0x5];
	[sflag:s10] =	ssyncset.done $0x0  }
0xe0: {  	s25 =	rddreg [dreg:$0x4];
	[sflag:s10] =	ssyncadd.s32 $0xFFFFD800;
	s22 =	sadd.s32 s23, s22  }
0xe1: {  	[tilespmem:s7], [sflag:$0x9] =	stream.linear.gather [hbm4b:s22+s1], $0x50, $0x38;
	[tilespmem:$0x1E100] =	vst v63  }
0xe2: {  	s25 =	sadd.s32 s23, s25  }
0xe3: {  	[tilespmem:s8], [sflag:$0x9] =	stream.linear.gather [hbm4b:s25+s1], $0x50, $0x38;
	[tilespmem:$0x1E100] =	vst v63  }
0xe4: {  	_ =	swait.ge [sflag:s14], $0x50  }
0xe5: {  	[sflag:s14] =	ssyncset.done $0x0  }
0xe6: {  	[sflag:s14] =	ssyncadd.s32 $0xFFFFFFB0  }
0xe7: {  	_ =	swait.ge [sflag:s14], $0x50  }
0xe8: {  	[sflag:s14] =	ssyncset.done $0x0  }
0xe9: {  	[sflag:s14] =	ssyncadd.s32 $0xFFFFFFB0  }
0xea: {  	[tilespmem:s0], [sflag:$0x1] =	stream.indirect.gather [hbm4b:s20+s16], $0x80, s3, s16, $0xb8;
	[tilespmem:$0x1E100] =	vst v63  }
0xeb: {  	_ =	swait.ge [sflag:s17], $0x50  }
0xec: {  	[sflag:s17] =	ssyncset.done $0x0  }
0xed: {  	[sflag:s17] =	ssyncadd.s32 $0xFFFFFFB0  }
0xee: {  	_ =	swait.ge [sflag:s17], $0x50  }
0xef: {  	[sflag:s17] =	ssyncset.done $0x0  }
0xf0: {  	[sflag:s17] =	ssyncadd.s32 $0xFFFFFFB0  }
0xf1: {  	[tilespmem:s18], [sflag:$0x2] =	stream.indirect.gather [hbm4b:s20+s16], $0x80, s5, s16, $0xb8;
	[tilespmem:$0x1E100] =	vst v63  }
0xf2: {  	_ =	swait.ge [sflag:s19], $0x50  }
0xf3: {  	[sflag:s19] =	ssyncset.done $0x0  }
0xf4: {  	[sflag:s19] =	ssyncadd.s32 $0xFFFFFFB0  }
0xf5: {  	_ =	swait.ge [sflag:s19], $0x50  }
0xf6: {  	[sflag:s19] =	ssyncset.done $0x0  }
0xf7: {  	[sflag:s19] =	ssyncadd.s32 $0xFFFFFFB0  }
0xf8: {  	[tilespmem:s26], [sflag:$0x3] =	stream.indirect.gather [hbm4b:s20+s16], $0x80, s7, s16, $0xb8;
	[tilespmem:$0x1E100] =	vst v63  }
0xf9: {  	_ =	swait.ge [sflag:s2], $0x2800  }
0xfa: {  	[sflag:s2] =	ssyncset.done $0x0  }
0xfb: {  	[sflag:s2] =	ssyncadd.s32 $0xFFFFD800  }
0xfc: {  	[spmem:s11] =	stream.indirect.scatter.add.f32 [tilespmem:s0], [sflag:$0x4], $0x80, s4, s16, $0xb8;
	[tilespmem:$0x1E100] =	vst v63  }
0xfd: {  	v2 =	vld [tilespmem:$0x13A80];
	_ =	sdelay $0x7  }
0xfe: {  	[tilespmem:v2+s28+$0x0] =	vst.idx.add.f32.msk $0xffff, v1  }
0xff: {  	v2 =	vld [tilespmem:$0x13A90];
	_ =	sdelay $0x7  }
0x100: {  	[tilespmem:v2+s28+$0x0] =	vst.idx.add.f32.msk $0xffff, v1  }
0x101: {  	v2 =	vld [tilespmem:$0x13AA0];
	_ =	sdelay $0x7  }
0x102: {  	[tilespmem:v2+s28+$0x0] =	vst.idx.add.f32.msk $0xffff, v1  }
0x103: {  	v2 =	vld [tilespmem:$0x13AB0];
	_ =	sdelay $0x7  }
0x104: {  	[tilespmem:v2+s28+$0x0] =	vst.idx.add.f32.msk $0xffff, v1  }
0x105: {  	v2 =	vld [tilespmem:$0x13AC0];
	_ =	sdelay $0x7  }
0x106: {  	[tilespmem:v2+s28+$0x0] =	vst.idx.add.f32.msk $0xffff, v1  }
0x107: {  	_ =	swait.ge [sflag:s29], $0x2800  }
0x108: {  	[sflag:s29] =	ssyncset.done $0x0  }
0x109: {  	[sflag:s29] =	ssyncadd.s32 $0xFFFFD800  }
0x10a: {  	[spmem:s11] =	stream.indirect.scatter.add.f32 [tilespmem:s18], [sflag:$0x5], $0x80, s6, s16, $0xb8;
	[tilespmem:$0x1E100] =	vst v63  }
0x10b: {  	v2 =	vld [tilespmem:$0x13B00];
	_ =	sdelay $0x7  }
0x10c: {  	[tilespmem:v2+s28+$0x0] =	vst.idx.add.f32.msk $0xffff, v1  }
0x10d: {  	v2 =	vld [tilespmem:$0x13B10];
	_ =	sdelay $0x7  }
0x10e: {  	[tilespmem:v2+s28+$0x0] =	vst.idx.add.f32.msk $0xffff, v1  }
0x10f: {  	v2 =	vld [tilespmem:$0x13B20];
	_ =	sdelay $0x7  }
0x110: {  	[tilespmem:v2+s28+$0x0] =	vst.idx.add.f32.msk $0xffff, v1  }
0x111: {  	v2 =	vld [tilespmem:$0x13B30];
	_ =	sdelay $0x7  }
0x112: {  	[tilespmem:v2+s28+$0x0] =	vst.idx.add.f32.msk $0xffff, v1  }
0x113: {  	v2 =	vld [tilespmem:$0x13B40];
	_ =	sdelay $0x7  }
0x114: {  	[tilespmem:v2+s28+$0x0] =	vst.idx.add.f32.msk $0xffff, v1  }
0x115: {  	_ =	swait.ge [sflag:s30], $0x2800  }
0x116: {  	[sflag:s30] =	ssyncset.done $0x0  }
0x117: {  	[sflag:s30] =	ssyncadd.s32 $0xFFFFD800  }
0x118: {  	[spmem:s11] =	stream.indirect.scatter.add.f32 [tilespmem:s26], [sflag:$0x6], $0x80, s8, s16, $0xb8;
	[tilespmem:$0x1E100] =	vst v63  }
0x119: {  	v2 =	vld [tilespmem:$0x13B80];
	_ =	sdelay $0x7  }
0x11a: {  	[tilespmem:v2+s28+$0x0] =	vst.idx.add.f32.msk $0xffff, v1  }
0x11b: {  	v2 =	vld [tilespmem:$0x13B90];
	_ =	sdelay $0x7  }
0x11c: {  	[tilespmem:v2+s28+$0x0] =	vst.idx.add.f32.msk $0xffff, v1  }
0x11d: {  	v2 =	vld [tilespmem:$0x13BA0];
	_ =	sdelay $0x7  }
0x11e: {  	[tilespmem:v2+s28+$0x0] =	vst.idx.add.f32.msk $0xffff, v1  }
0x11f: {  	v2 =	vld [tilespmem:$0x13BB0];
	_ =	sdelay $0x7  }
0x120: {  	[tilespmem:v2+s28+$0x0] =	vst.idx.add.f32.msk $0xffff, v1  }
0x121: {  	v2 =	vld [tilespmem:$0x13BC0];
	_ =	sdelay $0x2  }
0x122: {  	p0 =	sne.s32 s23, $0x99C  }
.Ltmp2:
0x123: {  	_ = 	snop;
	(pc) =	sbr.rel @p0 .LBB2_6-.Ltmp2, $2  }
0x124: {  	_ =	sdelay $0x2  }
0x125: {  	s24 =	sadd.s32 $0xF0, s24;
	s23 =	sadd.s32 $0x1E, s23;
	[tilespmem:v2+s28+$0x0] =	vst.idx.add.f32.msk $0xffff, v1  }
0x126: {  	_ =	swait.ge [sflag:s9], $0x2800  }
0x127: {  	[sflag:s9] =	ssyncset.done $0x0  }
0x128: {  	[sflag:s9] =	ssyncadd.s32 $0xFFFFD800  }
0x129: {  	_ =	swait.ge [sflag:s31], $0x2800  }
0x12a: {  	[sflag:s31] =	ssyncset.done $0x0  }
0x12b: {  	[sflag:s31] =	ssyncadd.s32 $0xFFFFD800  }
0x12c: {  	_ =	swait.ge [sflag:s10], $0x2800  }
0x12d: {  	[sflag:s10] =	ssyncset.done $0x0  }
0x12e: {  	s23 =	simm.s32 $0x0;
	s22 =	rddreg [dreg:$0x10];
	[sflag:s10] =	ssyncadd.s32 $0xFFFFD800  }
0x12f: {  	[hbm4b:s22+s23] =	stream.linear.scatter [tilespmem:s28], [sflag:$0xA], $0x2800, $0x38;
	[tilespmem:$0x1E100] =	vst v63  }
0x130: {  	_ =	swait.ge [sflag:s15], $0x2800  }
0x131: {  	[sflag:s15] =	ssyncset.done $0x0  }
0x132: {  	[sflag:s15] =	ssyncadd.s32 $0xFFFFD800  }
0x133: {  	[bflag:$0x0] =	sbarrier.arrive $0xFFFF  }
0x134: {  	s25 =	rddreg [dreg:$0x16]  }
0x135: {  	[tilespmem:s0], [sflag:$0xA] =	stream.linear.gather [spmem:s25], $0x2800, $0x38;
	[tilespmem:$0x1E100] =	vst v63  }
0x136: {  	_ =	swait.ge [sflag:s15], $0x2800  }
0x137: {  	[sflag:s15] =	ssyncset.done $0x0  }
0x138: {  	s24 =	rddreg [dreg:$0x8];
	[sflag:s15] =	ssyncadd.s32 $0xFFFFD800  }
0x139: {  	[hbm4b:s24+s23] =	stream.linear.scatter [tilespmem:s0], [sflag:$0x4], $0x2800, $0x38;
	[tilespmem:$0x1E100] =	vst v63  }
0x13a: {  	s24 =	rddreg [dreg:$0x17]  }
0x13b: {  	[tilespmem:s18], [sflag:$0xA] =	stream.linear.gather [spmem:s24], $0x2800, $0x38;
	[tilespmem:$0x1E100] =	vst v63  }
0x13c: {  	_ =	swait.ge [sflag:s15], $0x2800  }
0x13d: {  	[sflag:s15] =	ssyncset.done $0x0  }
0x13e: {  	s24 =	rddreg [dreg:$0x9];
	[sflag:s15] =	ssyncadd.s32 $0xFFFFD800  }
0x13f: {  	[hbm4b:s24+s23] =	stream.linear.scatter [tilespmem:s18], [sflag:$0x5], $0x2800, $0x38;
	[tilespmem:$0x1E100] =	vst v63  }
0x140: {  	s24 =	rddreg [dreg:$0x18]  }
0x141: {  	[tilespmem:s26], [sflag:$0xA] =	stream.linear.gather [spmem:s24], $0x2800, $0x38;
	[tilespmem:$0x1E100] =	vst v63  }
0x142: {  	_ =	swait.ge [sflag:s15], $0x2800  }
0x143: {  	[sflag:s15] =	ssyncset.done $0x0  }
0x144: {  	s24 =	rddreg [dreg:$0xa];
	[sflag:s15] =	ssyncadd.s32 $0xFFFFD800  }
0x145: {  	[hbm4b:s24+s23] =	stream.linear.scatter [tilespmem:s26], [sflag:$0x6], $0x2800, $0x38;
	[tilespmem:$0x1E100] =	vst v63  }
0x146: {  	_ =	swait.ge [sflag:s9], $0x2800  }
0x147: {  	[sflag:s9] =	ssyncset.done $0x0  }
0x148: {  	s24 =	rddreg [dreg:$0x19];
	[sflag:s9] =	ssyncadd.s32 $0xFFFFD800  }
0x149: {  	[tilespmem:s0], [sflag:$0xA] =	stream.linear.gather [spmem:s24], $0x2800, $0x38;
	[tilespmem:$0x1E100] =	vst v63  }
0x14a: {  	_ =	swait.ge [sflag:s15], $0x2800  }
0x14b: {  	[sflag:s15] =	ssyncset.done $0x0  }
0x14c: {  	s24 =	rddreg [dreg:$0xb];
	[sflag:s15] =	ssyncadd.s32 $0xFFFFD800  }
0x14d: {  	[hbm4b:s24+s23] =	stream.linear.scatter [tilespmem:s0], [sflag:$0x4], $0x2800, $0x38;
	[tilespmem:$0x1E100] =	vst v63  }
0x14e: {  	_ =	swait.ge [sflag:s31], $0x2800  }
0x14f: {  	[sflag:s31] =	ssyncset.done $0x0  }
0x150: {  	s24 =	rddreg [dreg:$0x1a];
	[sflag:s31] =	ssyncadd.s32 $0xFFFFD800  }
0x151: {  	[tilespmem:s18], [sflag:$0xA] =	stream.linear.gather [spmem:s24], $0x2800, $0x38;
	[tilespmem:$0x1E100] =	vst v63  }
0x152: {  	_ =	swait.ge [sflag:s15], $0x2800  }
0x153: {  	[sflag:s15] =	ssyncset.done $0x0  }
0x154: {  	s24 =	rddreg [dreg:$0xc];
	[sflag:s15] =	ssyncadd.s32 $0xFFFFD800  }
0x155: {  	[hbm4b:s24+s23] =	stream.linear.scatter [tilespmem:s18], [sflag:$0x5], $0x2800, $0x38;
	[tilespmem:$0x1E100] =	vst v63  }
0x156: {  	_ =	swait.ge [sflag:s10], $0x2800  }
0x157: {  	s24 =	sld [smem:$0x7ED]  }
0x158: {  	[sflag:s10] =	ssyncset.done $0x0  }
0x159: {  	[sflag:s10] =	ssyncadd.s32 $0xFFFFD800  }
0x15a: {  	[tilespmem:s26], [sflag:$0xA] =	stream.linear.gather [spmem:s24], $0x2800, $0x38;
	[tilespmem:$0x1E100] =	vst v63  }
0x15b: {  	_ =	swait.ge [sflag:s15], $0x2800  }
0x15c: {  	[sflag:s15] =	ssyncset.done $0x0  }
0x15d: {  	s24 =	rddreg [dreg:$0xd];
	[sflag:s15] =	ssyncadd.s32 $0xFFFFD800  }
0x15e: {  	[hbm4b:s24+s23] =	stream.linear.scatter [tilespmem:s26], [sflag:$0x6], $0x2800, $0x38;
	[tilespmem:$0x1E100] =	vst v63  }
0x15f: {  	_ =	swait.ge [sflag:s9], $0x2800  }
0x160: {  	s24 =	sld [smem:$0x7EE]  }
0x161: {  	[sflag:s9] =	ssyncset.done $0x0  }
0x162: {  	[sflag:s9] =	ssyncadd.s32 $0xFFFFD800  }
0x163: {  	[tilespmem:s0], [sflag:$0xA] =	stream.linear.gather [spmem:s24], $0x2800, $0x38;
	[tilespmem:$0x1E100] =	vst v63  }
0x164: {  	_ =	swait.ge [sflag:s15], $0x2800  }
0x165: {  	[sflag:s15] =	ssyncset.done $0x0  }
0x166: {  	s24 =	rddreg [dreg:$0xe];
	[sflag:s15] =	ssyncadd.s32 $0xFFFFD800  }
0x167: {  	[hbm4b:s24+s23] =	stream.linear.scatter [tilespmem:s0], [sflag:$0x4], $0x2800, $0x38;
	[tilespmem:$0x1E100] =	vst v63  }
0x168: {  	_ =	swait.ge [sflag:s31], $0x2800  }
0x169: {  	s24 =	sld [smem:$0x7EF]  }
0x16a: {  	[sflag:s31] =	ssyncset.done $0x0  }
0x16b: {  	[sflag:s31] =	ssyncadd.s32 $0xFFFFD800  }
0x16c: {  	[tilespmem:s18], [sflag:$0xA] =	stream.linear.gather [spmem:s24], $0x2800, $0x38;
	[tilespmem:$0x1E100] =	vst v63  }
0x16d: {  	_ =	swait.ge [sflag:s15], $0x2800  }
0x16e: {  	[sflag:s15] =	ssyncset.done $0x0  }
0x16f: {  	s24 =	rddreg [dreg:$0xf];
	[sflag:s15] =	ssyncadd.s32 $0xFFFFD800  }
0x170: {  	[hbm4b:s24+s23] =	stream.linear.scatter [tilespmem:s18], [sflag:$0x5], $0x2800, $0x38;
	[tilespmem:$0x1E100] =	vst v63  }
0x171: {  	_ =	swait.ge [sflag:s9], $0x2800  }
0x172: {  	[sflag:s9] =	ssyncset.done $0x0  }
0x173: {  	[sflag:s9] =	ssyncadd.s32 $0xFFFFD800  }
0x174: {  	_ =	swait.ge [sflag:s31], $0x2800  }
0x175: {  	[sflag:s31] =	ssyncset.done $0x0  }
0x176: {  	[sflag:s31] =	ssyncadd.s32 $0xFFFFD800  }
0x177: {  	_ =	swait.ge [sflag:s10], $0x2800  }
0x178: {  	[sflag:s10] =	ssyncset.done $0x0  }
0x179: {  	[sflag:s10] =	ssyncadd.s32 $0xFFFFD800  }
0x17a: {  	[tilespmem:$0x1DE80] =	vst v0  }
0x17b: {  	[tilespmem:$0x1DE90] =	vst v0  }
0x17c: {  	[tilespmem:$0x1DEA0] =	vst v0  }
0x17d: {  	[tilespmem:$0x1DEB0] =	vst v0  }
0x17e: {  	[tilespmem:$0x1DEC0] =	vst v0  }
0x17f: {  	[tilespmem:$0x1DED0] =	vst v0  }
0x180: {  	[tilespmem:$0x1DEE0] =	vst v0  }
0x181: {  	[tilespmem:$0x1DEF0] =	vst v0  }
0x182: {  	[tilespmem:$0x1DF00] =	vst v0  }
0x183: {  	[tilespmem:$0x1DF10] =	vst v0  }
0x184: {  	[tilespmem:$0x1DF20] =	vst v0  }
0x185: {  	[tilespmem:$0x1DF30] =	vst v0  }
0x186: {  	[tilespmem:$0x1DF40] =	vst v0  }
0x187: {  	[tilespmem:$0x1DF50] =	vst v0  }
0x188: {  	[tilespmem:$0x1DF60] =	vst v0  }
0x189: {  	[tilespmem:$0x1DF70] =	vst v0  }
0x18a: {  	[tilespmem:$0x1DF80] =	vst v0  }
0x18b: {  	[tilespmem:$0x1DF90] =	vst v0  }
0x18c: {  	[tilespmem:$0x1DFA0] =	vst v0  }
0x18d: {  	[tilespmem:$0x1DFB0] =	vst v0  }
0x18e: {  	[tilespmem:$0x1DFC0] =	vst v0  }
0x18f: {  	[tilespmem:$0x1DFD0] =	vst v0  }
0x190: {  	[tilespmem:$0x1DFE0] =	vst v0  }
0x191: {  	[tilespmem:$0x1DFF0] =	vst v0  }
0x192: {  	[tilespmem:$0x1E000] =	vst v0  }
0x193: {  	[tilespmem:$0x1E010] =	vst v0  }
0x194: {  	[tilespmem:$0x1E020] =	vst v0  }
0x195: {  	[tilespmem:$0x1E030] =	vst v0  }
0x196: {  	[tilespmem:$0x1E040] =	vst v0  }
0x197: {  	[tilespmem:$0x1E050] =	vst v0  }
0x198: {  	[tilespmem:$0x1E060] =	vst v0  }
0x199: {  	[tilespmem:$0x1E070] =	vst v0  }
0x19a: {  	[tilespmem:$0x1E080] =	vst v0  }
0x19b: {  	[tilespmem:$0x1E090] =	vst v0  }
0x19c: {  	[tilespmem:$0x1E0A0] =	vst v0  }
0x19d: {  	[tilespmem:$0x1E0B0] =	vst v0  }
0x19e: {  	[tilespmem:$0x1E0C0] =	vst v0  }
0x19f: {  	[tilespmem:$0x1E0D0] =	vst v0  }
0x1a0: {  	[tilespmem:$0x1E0E0] =	vst v0  }
0x1a1: {  	s24 =	rddreg [dreg:$0x11];
	[tilespmem:$0x1E0F0] =	vst v0  }
0x1a2: {  	[tilespmem:s21], [sflag:$0xA] =	stream.linear.gather [hbm4b:s24+s23], $0x280, $0x38;
	[tilespmem:$0x1E100] =	vst v63  }
0x1a3: {  	_ =	swait.ge [sflag:s15], $0x280  }
0x1a4: {  	[sflag:s15] =	ssyncset.done $0x0  }
0x1a5: {  	s23 =	simm.s32 $0x0;
	[sflag:s15] =	ssyncadd.s32 $0xFFFFFD80  }
0x1a6: {  	s24 =	simm.s32 $0x40;
	v2 =	vld [tilespmem:s23+$0x1DC00]  }
.LBB2_8:
0x1a7: {  	p0 =	sne.s32 s24, $0x9C0;
	v3 =	vld [tilespmem:s23+$0x1DE80];
	_ =	sdelay $0x2  }
.Ltmp3:
0x1a8: {  	(pc) =	sbr.rel @p0 .LBB2_8-.Ltmp3, $4  }
0x1a9: {  	_ = 	snop  }
0x1aa: {  	v3 =	vadd.f32 v2, v3  }
0x1ab: {  	s22 =	sshra.s32 s24, $0x2  }
0x1ac: {  	s24 =	sadd.s32 $0x40, s24;
	v2 =	vld [tilespmem:s22+$0x1DC00];
	[tilespmem:s23+$0x1DE80] =	vst v3;
	s23 =	smov.u32 s22  }
0x1ad: {  	v3 =	vld [tilespmem:s23+$0x1DE80];
	_ =	sdelay $0x4  }
0x1ae: {  	v2 =	vadd.f32 v2, v3;
	_ =	sdelay $0x1  }
0x1af: {  	s22 =	simm.s32 $0x0;
	s24 =	rddreg [dreg:$0x12];
	[tilespmem:s23+$0x1DE80] =	vst v2  }
0x1b0: {  	[tilespmem:s21], [sflag:$0xA] =	stream.linear.gather [hbm4b:s24+s22], $0x280, $0x38;
	[tilespmem:$0x1E100] =	vst v63  }
0x1b1: {  	_ =	swait.ge [sflag:s15], $0x280  }
0x1b2: {  	[sflag:s15] =	ssyncset.done $0x0  }
0x1b3: {  	s23 =	simm.s32 $0x0;
	[sflag:s15] =	ssyncadd.s32 $0xFFFFFD80  }
0x1b4: {  	s24 =	simm.s32 $0x40;
	v2 =	vld [tilespmem:s23+$0x1DC00]  }
.LBB2_10:
0x1b5: {  	p0 =	sne.s32 s24, $0x9C0;
	v3 =	vld [tilespmem:s23+$0x1DE80];
	_ =	sdelay $0x2  }
.Ltmp4:
0x1b6: {  	(pc) =	sbr.rel @p0 .LBB2_10-.Ltmp4, $4  }
0x1b7: {  	_ = 	snop  }
0x1b8: {  	v3 =	vadd.f32 v2, v3  }
0x1b9: {  	s22 =	sshra.s32 s24, $0x2  }
0x1ba: {  	s24 =	sadd.s32 $0x40, s24;
	v2 =	vld [tilespmem:s22+$0x1DC00];
	[tilespmem:s23+$0x1DE80] =	vst v3;
	s23 =	smov.u32 s22  }
0x1bb: {  	v3 =	vld [tilespmem:s23+$0x1DE80];
	_ =	sdelay $0x4  }
0x1bc: {  	v2 =	vadd.f32 v2, v3;
	_ =	sdelay $0x1  }
0x1bd: {  	s22 =	simm.s32 $0x0;
	s24 =	rddreg [dreg:$0x13];
	[tilespmem:s23+$0x1DE80] =	vst v2  }
0x1be: {  	[tilespmem:s21], [sflag:$0xA] =	stream.linear.gather [hbm4b:s24+s22], $0x280, $0x38;
	[tilespmem:$0x1E100] =	vst v63  }
0x1bf: {  	_ =	swait.ge [sflag:s15], $0x280  }
0x1c0: {  	[sflag:s15] =	ssyncset.done $0x0  }
0x1c1: {  	s23 =	simm.s32 $0x0;
	[sflag:s15] =	ssyncadd.s32 $0xFFFFFD80  }
0x1c2: {  	s24 =	simm.s32 $0x40;
	v2 =	vld [tilespmem:s23+$0x1DC00]  }
.LBB2_12:
0x1c3: {  	p0 =	sne.s32 s24, $0x9C0;
	v3 =	vld [tilespmem:s23+$0x1DE80];
	_ =	sdelay $0x2  }
.Ltmp5:
0x1c4: {  	(pc) =	sbr.rel @p0 .LBB2_12-.Ltmp5, $4  }
0x1c5: {  	_ = 	snop  }
0x1c6: {  	v3 =	vadd.f32 v2, v3  }
0x1c7: {  	s22 =	sshra.s32 s24, $0x2  }
0x1c8: {  	s24 =	sadd.s32 $0x40, s24;
	v2 =	vld [tilespmem:s22+$0x1DC00];
	[tilespmem:s23+$0x1DE80] =	vst v3;
	s23 =	smov.u32 s22  }
0x1c9: {  	v3 =	vld [tilespmem:s23+$0x1DE80];
	_ =	sdelay $0x4  }
0x1ca: {  	v2 =	vadd.f32 v2, v3;
	_ =	sdelay $0x1  }
0x1cb: {  	s22 =	simm.s32 $0x0;
	s24 =	rddreg [dreg:$0x14];
	[tilespmem:s23+$0x1DE80] =	vst v2  }
0x1cc: {  	[tilespmem:s21], [sflag:$0xA] =	stream.linear.gather [hbm4b:s24+s22], $0x280, $0x38;
	[tilespmem:$0x1E100] =	vst v63  }
0x1cd: {  	_ =	swait.ge [sflag:s15], $0x280  }
0x1ce: {  	[sflag:s15] =	ssyncset.done $0x0  }
0x1cf: {  	s23 =	simm.s32 $0x0;
	[sflag:s15] =	ssyncadd.s32 $0xFFFFFD80  }
0x1d0: {  	s24 =	simm.s32 $0x40;
	v2 =	vld [tilespmem:s23+$0x1DC00]  }
.LBB2_14:
0x1d1: {  	p0 =	sne.s32 s24, $0x9C0;
	v3 =	vld [tilespmem:s23+$0x1DE80];
	_ =	sdelay $0x2  }
.Ltmp6:
0x1d2: {  	(pc) =	sbr.rel @p0 .LBB2_14-.Ltmp6, $4  }
0x1d3: {  	_ = 	snop  }
0x1d4: {  	v3 =	vadd.f32 v2, v3  }
0x1d5: {  	s22 =	sshra.s32 s24, $0x2  }
0x1d6: {  	s24 =	sadd.s32 $0x40, s24;
	v2 =	vld [tilespmem:s22+$0x1DC00];
	[tilespmem:s23+$0x1DE80] =	vst v3;
	s23 =	smov.u32 s22  }
0x1d7: {  	v3 =	vld [tilespmem:s23+$0x1DE80];
	_ =	sdelay $0x4  }
0x1d8: {  	s24 =	sld [smem:$0x7F3];
	v2 =	vadd.f32 v2, v3;
	_ =	sdelay $0x1  }
0x1d9: {  	s22 =	simm.s32 $0x0;
	[tilespmem:s23+$0x1DE80] =	vst v2  }
0x1da: {  	[tilespmem:s21], [sflag:$0xA] =	stream.linear.gather [hbm4b:s24+s22], $0x280, $0x38;
	[tilespmem:$0x1E100] =	vst v63  }
0x1db: {  	_ =	swait.ge [sflag:s15], $0x280  }
0x1dc: {  	[sflag:s15] =	ssyncset.done $0x0  }
0x1dd: {  	s23 =	simm.s32 $0x0;
	[sflag:s15] =	ssyncadd.s32 $0xFFFFFD80  }
0x1de: {  	s24 =	simm.s32 $0x40;
	v2 =	vld [tilespmem:s23+$0x1DC00]  }
.LBB2_16:
0x1df: {  	p0 =	sne.s32 s24, $0x9C0;
	v3 =	vld [tilespmem:s23+$0x1DE80];
	_ =	sdelay $0x2  }
.Ltmp7:
0x1e0: {  	(pc) =	sbr.rel @p0 .LBB2_16-.Ltmp7, $4  }
0x1e1: {  	_ = 	snop  }
0x1e2: {  	v3 =	vadd.f32 v2, v3  }
0x1e3: {  	s22 =	sshra.s32 s24, $0x2  }
0x1e4: {  	s24 =	sadd.s32 $0x40, s24;
	v2 =	vld [tilespmem:s22+$0x1DC00];
	[tilespmem:s23+$0x1DE80] =	vst v3;
	s23 =	smov.u32 s22  }
0x1e5: {  	v3 =	vld [tilespmem:s23+$0x1DE80];
	_ =	sdelay $0x4  }
0x1e6: {  	s24 =	sld [smem:$0x7F4];
	v2 =	vadd.f32 v2, v3;
	_ =	sdelay $0x1  }
0x1e7: {  	s22 =	simm.s32 $0x0;
	[tilespmem:s23+$0x1DE80] =	vst v2  }
0x1e8: {  	[tilespmem:s21], [sflag:$0xA] =	stream.linear.gather [hbm4b:s24+s22], $0x280, $0x38;
	[tilespmem:$0x1E100] =	vst v63  }
0x1e9: {  	_ =	swait.ge [sflag:s15], $0x280  }
0x1ea: {  	[sflag:s15] =	ssyncset.done $0x0  }
0x1eb: {  	s23 =	simm.s32 $0x0;
	[sflag:s15] =	ssyncadd.s32 $0xFFFFFD80  }
0x1ec: {  	s24 =	simm.s32 $0x40;
	v2 =	vld [tilespmem:s23+$0x1DC00]  }
.LBB2_18:
0x1ed: {  	p0 =	sne.s32 s24, $0x9C0;
	v3 =	vld [tilespmem:s23+$0x1DE80];
	_ =	sdelay $0x2  }
.Ltmp8:
0x1ee: {  	(pc) =	sbr.rel @p0 .LBB2_18-.Ltmp8, $4  }
0x1ef: {  	_ = 	snop  }
0x1f0: {  	v3 =	vadd.f32 v2, v3  }
0x1f1: {  	s22 =	sshra.s32 s24, $0x2  }
0x1f2: {  	s24 =	sadd.s32 $0x40, s24;
	v2 =	vld [tilespmem:s22+$0x1DC00];
	[tilespmem:s23+$0x1DE80] =	vst v3;
	s23 =	smov.u32 s22  }
0x1f3: {  	v3 =	vld [tilespmem:s23+$0x1DE80];
	_ =	sdelay $0x4  }
0x1f4: {  	s24 =	sld [smem:$0x7F5];
	v2 =	vadd.f32 v2, v3;
	_ =	sdelay $0x1  }
0x1f5: {  	s22 =	simm.s32 $0x0;
	[tilespmem:s23+$0x1DE80] =	vst v2  }
0x1f6: {  	[tilespmem:s21], [sflag:$0xA] =	stream.linear.gather [hbm4b:s24+s22], $0x280, $0x38;
	[tilespmem:$0x1E100] =	vst v63  }
0x1f7: {  	_ =	swait.ge [sflag:s15], $0x280  }
0x1f8: {  	[sflag:s15] =	ssyncset.done $0x0  }
0x1f9: {  	s23 =	simm.s32 $0x0;
	[sflag:s15] =	ssyncadd.s32 $0xFFFFFD80  }
0x1fa: {  	s24 =	simm.s32 $0x40;
	v2 =	vld [tilespmem:s23+$0x1DC00]  }
.LBB2_20:
0x1fb: {  	p0 =	sne.s32 s24, $0x9C0;
	v3 =	vld [tilespmem:s23+$0x1DE80];
	_ =	sdelay $0x2  }
.Ltmp9:
0x1fc: {  	(pc) =	sbr.rel @p0 .LBB2_20-.Ltmp9, $4  }
0x1fd: {  	_ = 	snop  }
0x1fe: {  	v3 =	vadd.f32 v2, v3  }
0x1ff: {  	s22 =	sshra.s32 s24, $0x2  }
0x200: {  	s24 =	sadd.s32 $0x40, s24;
	v2 =	vld [tilespmem:s22+$0x1DC00];
	[tilespmem:s23+$0x1DE80] =	vst v3;
	s23 =	smov.u32 s22  }
0x201: {  	v3 =	vld [tilespmem:s23+$0x1DE80];
	_ =	sdelay $0x4  }
0x202: {  	s24 =	sld [smem:$0x7F6];
	v2 =	vadd.f32 v2, v3;
	_ =	sdelay $0x1  }
0x203: {  	s22 =	simm.s32 $0x0;
	[tilespmem:s23+$0x1DE80] =	vst v2  }
0x204: {  	[tilespmem:s21], [sflag:$0xA] =	stream.linear.gather [hbm4b:s24+s22], $0x280, $0x38;
	[tilespmem:$0x1E100] =	vst v63  }
0x205: {  	_ =	swait.ge [sflag:s15], $0x280  }
0x206: {  	[sflag:s15] =	ssyncset.done $0x0  }
0x207: {  	s23 =	simm.s32 $0x0;
	[sflag:s15] =	ssyncadd.s32 $0xFFFFFD80  }
0x208: {  	s24 =	simm.s32 $0x40;
	v2 =	vld [tilespmem:s23+$0x1DC00]  }
.LBB2_22:
0x209: {  	p0 =	sne.s32 s24, $0x9C0;
	v3 =	vld [tilespmem:s23+$0x1DE80];
	_ =	sdelay $0x2  }
.Ltmp10:
0x20a: {  	(pc) =	sbr.rel @p0 .LBB2_22-.Ltmp10, $4  }
0x20b: {  	_ = 	snop  }
0x20c: {  	v3 =	vadd.f32 v2, v3  }
0x20d: {  	s22 =	sshra.s32 s24, $0x2  }
0x20e: {  	s24 =	sadd.s32 $0x40, s24;
	v2 =	vld [tilespmem:s22+$0x1DC00];
	[tilespmem:s23+$0x1DE80] =	vst v3;
	s23 =	smov.u32 s22  }
0x20f: {  	v3 =	vld [tilespmem:s23+$0x1DE80];
	_ =	sdelay $0x4  }
0x210: {  	v2 =	vadd.f32 v2, v3;
	_ =	sdelay $0x1  }
0x211: {  	s22 =	simm.s32 $0x0;
	s24 =	rddreg [dreg:$0x15];
	[tilespmem:s23+$0x1DE80] =	vst v2  }
0x212: {  	[tilespmem:s21], [sflag:$0xA] =	stream.linear.gather [hbm4b:s24+s22], $0x280, $0x38;
	[tilespmem:$0x1E100] =	vst v63  }
0x213: {  	_ =	swait.ge [sflag:s15], $0x280  }
0x214: {  	[sflag:s15] =	ssyncset.done $0x0  }
0x215: {  	s23 =	simm.s32 $0x0;
	[sflag:s15] =	ssyncadd.s32 $0xFFFFFD80  }
0x216: {  	s24 =	simm.s32 $0x40;
	v2 =	vld [tilespmem:s23+$0x1DC00]  }
.LBB2_24:
0x217: {  	p0 =	sne.s32 s24, $0x9C0;
	v3 =	vld [tilespmem:s23+$0x1DE80];
	_ =	sdelay $0x2  }
.Ltmp11:
0x218: {  	(pc) =	sbr.rel @p0 .LBB2_24-.Ltmp11, $4  }
0x219: {  	_ = 	snop  }
0x21a: {  	v3 =	vadd.f32 v2, v3  }
0x21b: {  	s22 =	sshra.s32 s24, $0x2  }
0x21c: {  	s24 =	sadd.s32 $0x40, s24;
	v2 =	vld [tilespmem:s22+$0x1DC00];
	[tilespmem:s23+$0x1DE80] =	vst v3;
	s23 =	smov.u32 s22  }
0x21d: {  	v3 =	vld [tilespmem:s23+$0x1DE80];
	_ =	sdelay $0x4  }
0x21e: {  	s24 =	sld [smem:$0x7F7];
	v2 =	vadd.f32 v2, v3;
	_ =	sdelay $0x1  }
0x21f: {  	s22 =	simm.s32 $0x0;
	[tilespmem:s23+$0x1DE80] =	vst v2  }
0x220: {  	[tilespmem:s21], [sflag:$0xA] =	stream.linear.gather [hbm4b:s24+s22], $0x280, $0x38;
	[tilespmem:$0x1E100] =	vst v63  }
0x221: {  	_ =	swait.ge [sflag:s15], $0x280  }
0x222: {  	[sflag:s15] =	ssyncset.done $0x0  }
0x223: {  	s23 =	simm.s32 $0x0;
	[sflag:s15] =	ssyncadd.s32 $0xFFFFFD80  }
0x224: {  	s24 =	simm.s32 $0x40;
	v2 =	vld [tilespmem:s23+$0x1DC00]  }
.LBB2_26:
0x225: {  	p0 =	sne.s32 s24, $0x9C0;
	v3 =	vld [tilespmem:s23+$0x1DE80];
	_ =	sdelay $0x2  }
.Ltmp12:
0x226: {  	(pc) =	sbr.rel @p0 .LBB2_26-.Ltmp12, $4  }
0x227: {  	_ = 	snop  }
0x228: {  	v3 =	vadd.f32 v2, v3  }
0x229: {  	s22 =	sshra.s32 s24, $0x2  }
0x22a: {  	s24 =	sadd.s32 $0x40, s24;
	v2 =	vld [tilespmem:s22+$0x1DC00];
	[tilespmem:s23+$0x1DE80] =	vst v3;
	s23 =	smov.u32 s22  }
0x22b: {  	v3 =	vld [tilespmem:s23+$0x1DE80];
	_ =	sdelay $0x4  }
0x22c: {  	s24 =	sld [smem:$0x7F8];
	v2 =	vadd.f32 v2, v3;
	_ =	sdelay $0x1  }
0x22d: {  	s22 =	simm.s32 $0x0;
	[tilespmem:s23+$0x1DE80] =	vst v2  }
0x22e: {  	[tilespmem:s21], [sflag:$0xA] =	stream.linear.gather [hbm4b:s24+s22], $0x280, $0x38;
	[tilespmem:$0x1E100] =	vst v63  }
0x22f: {  	_ =	swait.ge [sflag:s15], $0x280  }
0x230: {  	[sflag:s15] =	ssyncset.done $0x0  }
0x231: {  	s23 =	simm.s32 $0x0;
	[sflag:s15] =	ssyncadd.s32 $0xFFFFFD80  }
0x232: {  	s24 =	simm.s32 $0x40;
	v2 =	vld [tilespmem:s23+$0x1DC00]  }
.LBB2_28:
0x233: {  	p0 =	sne.s32 s24, $0x9C0;
	v3 =	vld [tilespmem:s23+$0x1DE80];
	_ =	sdelay $0x2  }
.Ltmp13:
0x234: {  	(pc) =	sbr.rel @p0 .LBB2_28-.Ltmp13, $4  }
0x235: {  	_ = 	snop  }
0x236: {  	v3 =	vadd.f32 v2, v3  }
0x237: {  	s22 =	sshra.s32 s24, $0x2  }
0x238: {  	s24 =	sadd.s32 $0x40, s24;
	v2 =	vld [tilespmem:s22+$0x1DC00];
	[tilespmem:s23+$0x1DE80] =	vst v3;
	s23 =	smov.u32 s22  }
0x239: {  	v3 =	vld [tilespmem:s23+$0x1DE80];
	_ =	sdelay $0x4  }
0x23a: {  	s24 =	sld [smem:$0x7F9];
	v2 =	vadd.f32 v2, v3;
	_ =	sdelay $0x1  }
0x23b: {  	s22 =	simm.s32 $0x0;
	[tilespmem:s23+$0x1DE80] =	vst v2  }
0x23c: {  	[tilespmem:s21], [sflag:$0xA] =	stream.linear.gather [hbm4b:s24+s22], $0x280, $0x38;
	[tilespmem:$0x1E100] =	vst v63  }
0x23d: {  	_ =	swait.ge [sflag:s15], $0x280  }
0x23e: {  	[sflag:s15] =	ssyncset.done $0x0  }
0x23f: {  	s23 =	simm.s32 $0x0;
	[sflag:s15] =	ssyncadd.s32 $0xFFFFFD80  }
0x240: {  	s24 =	simm.s32 $0x40;
	v2 =	vld [tilespmem:s23+$0x1DC00]  }
.LBB2_30:
0x241: {  	p0 =	sne.s32 s24, $0x9C0;
	v3 =	vld [tilespmem:s23+$0x1DE80];
	_ =	sdelay $0x2  }
.Ltmp14:
0x242: {  	(pc) =	sbr.rel @p0 .LBB2_30-.Ltmp14, $4  }
0x243: {  	_ = 	snop  }
0x244: {  	v3 =	vadd.f32 v2, v3  }
0x245: {  	s22 =	sshra.s32 s24, $0x2  }
0x246: {  	s24 =	sadd.s32 $0x40, s24;
	v2 =	vld [tilespmem:s22+$0x1DC00];
	[tilespmem:s23+$0x1DE80] =	vst v3;
	s23 =	smov.u32 s22  }
0x247: {  	v3 =	vld [tilespmem:s23+$0x1DE80];
	_ =	sdelay $0x4  }
0x248: {  	s24 =	sld [smem:$0x7FA];
	v2 =	vadd.f32 v2, v3;
	_ =	sdelay $0x1  }
0x249: {  	s22 =	simm.s32 $0x0;
	[tilespmem:s23+$0x1DE80] =	vst v2  }
0x24a: {  	[tilespmem:s21], [sflag:$0xA] =	stream.linear.gather [hbm4b:s24+s22], $0x280, $0x38;
	[tilespmem:$0x1E100] =	vst v63  }
0x24b: {  	_ =	swait.ge [sflag:s15], $0x280  }
0x24c: {  	[sflag:s15] =	ssyncset.done $0x0  }
0x24d: {  	s23 =	simm.s32 $0x0;
	[sflag:s15] =	ssyncadd.s32 $0xFFFFFD80  }
0x24e: {  	s24 =	simm.s32 $0x40;
	v2 =	vld [tilespmem:s23+$0x1DC00]  }
.LBB2_32:
0x24f: {  	p0 =	sne.s32 s24, $0x9C0;
	v3 =	vld [tilespmem:s23+$0x1DE80];
	_ =	sdelay $0x2  }
.Ltmp15:
0x250: {  	(pc) =	sbr.rel @p0 .LBB2_32-.Ltmp15, $4  }
0x251: {  	_ = 	snop  }
0x252: {  	v3 =	vadd.f32 v2, v3  }
0x253: {  	s22 =	sshra.s32 s24, $0x2  }
0x254: {  	s24 =	sadd.s32 $0x40, s24;
	v2 =	vld [tilespmem:s22+$0x1DC00];
	[tilespmem:s23+$0x1DE80] =	vst v3;
	s23 =	smov.u32 s22  }
0x255: {  	v3 =	vld [tilespmem:s23+$0x1DE80];
	_ =	sdelay $0x4  }
0x256: {  	s24 =	sld [smem:$0x7FB];
	v2 =	vadd.f32 v2, v3;
	_ =	sdelay $0x1  }
0x257: {  	s22 =	simm.s32 $0x0;
	[tilespmem:s23+$0x1DE80] =	vst v2  }
0x258: {  	[tilespmem:s21], [sflag:$0xA] =	stream.linear.gather [hbm4b:s24+s22], $0x280, $0x38;
	[tilespmem:$0x1E100] =	vst v63  }
0x259: {  	_ =	swait.ge [sflag:s15], $0x280  }
0x25a: {  	[sflag:s15] =	ssyncset.done $0x0  }
0x25b: {  	s23 =	simm.s32 $0x0;
	[sflag:s15] =	ssyncadd.s32 $0xFFFFFD80  }
0x25c: {  	s24 =	simm.s32 $0x40;
	v2 =	vld [tilespmem:s23+$0x1DC00]  }
.LBB2_34:
0x25d: {  	p0 =	sne.s32 s24, $0x9C0;
	v3 =	vld [tilespmem:s23+$0x1DE80];
	_ =	sdelay $0x2  }
.Ltmp16:
0x25e: {  	(pc) =	sbr.rel @p0 .LBB2_34-.Ltmp16, $4  }
0x25f: {  	_ = 	snop  }
0x260: {  	v3 =	vadd.f32 v2, v3  }
0x261: {  	s22 =	sshra.s32 s24, $0x2  }
0x262: {  	s24 =	sadd.s32 $0x40, s24;
	v2 =	vld [tilespmem:s22+$0x1DC00];
	[tilespmem:s23+$0x1DE80] =	vst v3;
	s23 =	smov.u32 s22  }
0x263: {  	v3 =	vld [tilespmem:s23+$0x1DE80];
	_ =	sdelay $0x4  }
0x264: {  	s24 =	sld [smem:$0x7FC];
	v2 =	vadd.f32 v2, v3;
	_ =	sdelay $0x1  }
0x265: {  	s22 =	simm.s32 $0x0;
	[tilespmem:s23+$0x1DE80] =	vst v2  }
0x266: {  	[tilespmem:s21], [sflag:$0xA] =	stream.linear.gather [hbm4b:s24+s22], $0x280, $0x38;
	[tilespmem:$0x1E100] =	vst v63  }
0x267: {  	_ =	swait.ge [sflag:s15], $0x280  }
0x268: {  	[sflag:s15] =	ssyncset.done $0x0  }
0x269: {  	s23 =	simm.s32 $0x0;
	[sflag:s15] =	ssyncadd.s32 $0xFFFFFD80  }
0x26a: {  	s24 =	simm.s32 $0x40;
	v2 =	vld [tilespmem:s23+$0x1DC00]  }
.LBB2_36:
0x26b: {  	p0 =	sne.s32 s24, $0x9C0;
	v3 =	vld [tilespmem:s23+$0x1DE80];
	_ =	sdelay $0x2  }
.Ltmp17:
0x26c: {  	(pc) =	sbr.rel @p0 .LBB2_36-.Ltmp17, $4  }
0x26d: {  	_ = 	snop  }
0x26e: {  	v3 =	vadd.f32 v2, v3  }
0x26f: {  	s22 =	sshra.s32 s24, $0x2  }
0x270: {  	s24 =	sadd.s32 $0x40, s24;
	v2 =	vld [tilespmem:s22+$0x1DC00];
	[tilespmem:s23+$0x1DE80] =	vst v3;
	s23 =	smov.u32 s22  }
0x271: {  	v3 =	vld [tilespmem:s23+$0x1DE80];
	_ =	sdelay $0x4  }
0x272: {  	s24 =	sld [smem:$0x7FD];
	v2 =	vadd.f32 v2, v3;
	_ =	sdelay $0x1  }
0x273: {  	s22 =	simm.s32 $0x0;
	[tilespmem:s23+$0x1DE80] =	vst v2  }
0x274: {  	[tilespmem:s21], [sflag:$0xA] =	stream.linear.gather [hbm4b:s24+s22], $0x280, $0x38;
	[tilespmem:$0x1E100] =	vst v63  }
0x275: {  	_ =	swait.ge [sflag:s15], $0x280  }
0x276: {  	[sflag:s15] =	ssyncset.done $0x0  }
0x277: {  	s23 =	simm.s32 $0x0;
	[sflag:s15] =	ssyncadd.s32 $0xFFFFFD80  }
0x278: {  	s24 =	simm.s32 $0x40;
	v2 =	vld [tilespmem:s23+$0x1DC00]  }
.LBB2_38:
0x279: {  	p0 =	sne.s32 s24, $0x9C0;
	v3 =	vld [tilespmem:s23+$0x1DE80];
	_ =	sdelay $0x2  }
.Ltmp18:
0x27a: {  	(pc) =	sbr.rel @p0 .LBB2_38-.Ltmp18, $4  }
0x27b: {  	_ = 	snop  }
0x27c: {  	v3 =	vadd.f32 v2, v3  }
0x27d: {  	s22 =	sshra.s32 s24, $0x2  }
0x27e: {  	s24 =	sadd.s32 $0x40, s24;
	v2 =	vld [tilespmem:s22+$0x1DC00];
	[tilespmem:s23+$0x1DE80] =	vst v3;
	s23 =	smov.u32 s22  }
0x27f: {  	v3 =	vld [tilespmem:s23+$0x1DE80];
	_ =	sdelay $0x4  }
0x280: {  	s22 =	sld [smem:$0x7F0];
	v2 =	vadd.f32 v2, v3;
	_ =	sdelay $0x1  }
0x281: {  	s24 =	simm.s32 $0x1DE80;
	[tilespmem:s23+$0x1DE80] =	vst v2  }
0x282: {  	[hbm4b:s22+s1] =	stream.linear.scatter [tilespmem:s24], [sflag:$0xA], $0x280, $0x38;
	[tilespmem:$0x1E100] =	vst v63  }
0x283: {  	_ =	swait.ge [sflag:s15], $0x280  }
0x284: {  	s22 =	sld [smem:$0x7E8]  }
0x285: {  	s24 =	sld [smem:$0x7F1];
	_ =	sdelay $0x1  }
0x286: {  	s23 =	sadd.s32 $0x1, s22  }
0x287: {  	p0 =	sne.s32 s23, s24  }
.Ltmp19:
0x288: {  	_ = 	snop;
	(pc) =	sbr.rel @p0 .LBB2_1-.Ltmp19, $3  }
0x289: {  	_ =	sdelay $0x1  }
0x28a: {  	[sflag:s15] =	ssyncset.done $0x0  }
0x28b: {  	[sflag:s15] =	ssyncadd.s32 $0xFFFFFD80  }
0x28c: {  	_ =	sfence.sel $0x180000  }
0x28d: {  	[bflag:$0x0] =	sbarrier.arrive $0xFFFF  }
0x28e: {  	_ =	strace $0x9000004D  }
0x28f: {  	s0 =	stileid.u32;
	[bflag:$0x2] =	sbarrier.arrive $0xFFFF  }
0x290: {  	p0 =	sne.s32 s0, $0x0;
	s0 =	rddreg [dreg:$0x3]  }
0x291: {  	s0 =	sadd.s32 @!p0 $0x100000, s0  }
0x292: {  	[sflag:s0] =	ssyncadd.tile.s32 @!p0 $0x1;
	_ =	shalt  }
.Lfunc_end2:
_tile_overlayer_lowered:
.L_overlay_start_2:
0x293: {  	(tag) =	ssettag $0x2  }
0x294: {  	s0 =	rddreg [dreg:$0x0];
	s2 =	stileid.u32  }
0x295: {  	s1 =	rddreg [dreg:$0x1];
	p0 =	sne.s32 s2, $0x0  }
0x296: {  	s3 =	rddreg [dreg:$0x2];
	[bflag:$0x3] =	sbarrier.arrive $0xFFFF;
	s2 =	simm.s32 @!p0 $0x1C0A  }
0x297: {  	[timem:s3], [sflag:s2] =	dma.local @!p0 [hbm:s0], s1  }
0x298: {  	s0 =	simm.s32 @!p0 $0xA  }
0x299: {  	_ =	swait.ge @!p0 [sflag:s0], s1  }
0x29a: {  	s1 =	ssub.s32 @!p0 $0x0, s1;
	[sflag:s0] =	ssyncset.done @!p0 $0x0  }
0x29b: {  	[sflag:s0] =	ssyncadd.s32 @!p0 s1  }
0x29c: {  	[bflag:$0x3] =	sbarrier.arrive $0xFFFF  }
0x29d: {  	_ =	shalt  }

// kernel: kernel.18.cloned.1.call-start
scs
__scs_entry_jumppad:
0x0: {  	(pc) =	sbr.rel $0x88, $3  }
0x1: {  	(tag) =	ssettag $0x0;
	lr =	simm.s32 $0x1  }
0x2: {  	[smem:$0x3F98] =	sst lr;
	_ =	strace $0xD0000000  }
0x3: {  	_ = 	snop  }
0x4: {  	_ = 	snop  }
0x5: {  	_ = 	snop  }
0x6: {  	_ = 	snop  }
0x7: {  	_ = 	snop  }
__scs_overlays_trampoline_lowered:
0x8: {  	[smem:$0x3FA7] =	sst s0  }
0x9: {  	[smem:$0x3FA8] =	sst s1  }
0xa: {  	[smem:$0x3FA9] =	sst s2  }
0xb: {  	[smem:$0x3FAA] =	sst s3  }
0xc: {  	[smem:$0x3FAB] =	sst s4  }
0xd: {  	[smem:$0x3FAC] =	sst s5  }
0xe: {  	[smem:$0x3FAD] =	sst s6  }
0xf: {  	[smem:$0x3FAE] =	sst s7  }
0x10: {  	[smem:$0x3FAF] =	sst s8  }
0x11: {  	[smem:$0x3FB0] =	sst s9;
	s0 =	simm.s32 @!p0 $0x0  }
0x12: {  	s1 =	sld [smem:$0x3F96];
	s0 =	simm.s32 @p0 $0x1  }
0x13: {  	[smem:$0x3FB1] =	sst s0;
	s0 =	simm.s32 @!p1 $0x0  }
0x14: {  	s2 =	sld [smem:$0x3F95];
	s0 =	simm.s32 @p1 $0x1  }
0x15: {  	[smem:$0x3FB2] =	sst s0;
	s0 =	simm.s32 @!p2 $0x0  }
0x16: {  	s3 =	sld [smem:$0x3FDB];
	s0 =	simm.s32 @p2 $0x1  }
0x17: {  	s4 =	simm.s32 $0x1BF5;
	[smem:$0x3FB4] =	sst s0  }
0x18: {  	s0 =	sld [smem:$0x3F97];
	_ =	swait.ge [sflag:s4], $0x0  }
0x19: {  	s7 =	sld [smem:$0x3F98]  }
0x1a: {  	s8 =	sadd.s32 $0xFFFFE003, lr  }
0x1b: {  	s9 =	sadd.s32 $0xFFFFFEF7, lr;
	s5 =	simm.s32 $0xFFFFFFFF;
	p2 =	slt.u32 s8, $0xFFFFF086  }
0x1c: {  	p1 =	slt.u32 s9, $0xF7A;
	s5 =	simm.s32 @!p2 $0x0  }
0x1d: {  	s5 =	simm.s32 @p1 $0x1;
	p0 =	seq.s32 s7, s2  }
0x1e: {  	s7 =	smul.u32 @!p0 $0xF7A, s2;
	p2 =	seq.s32 @!p0 s5, $0x0  }
0x1f: {  	s9 =	smul.u32 $0xF7A, s1;
	s8 =	simm.s32 @!p0 $0x1BF5;
	p2 =	por !p2, p0  }
0x20: {  	[sflag:s8] =	ssyncset.s32 @!p0 $0xFFFFF086;
	s6 =	sadd.s32 @!p0 s3, s7;
	s7 =	simm.s32 @!p0 $0x108  }
0x21: {  	s3 =	sadd.s32 s3, s9;
	s6 =	sadd.s32 @!p0 $0x88, s6;
	s7 =	simm.s32 @p2 $0x1082  }
0x22: {  	[simem:s7], [sflag:s8] =	dma.local @!p0 [hbm:s6], $0xF7A  }
0x23: {  	s9 =	sor.u32 $0xD0000000, s2;
	s6 =	simm.s32 $0x108;
	_ =	swait.ge @!p0 [sflag:s8], $0x0  }
0x24: {  	s3 =	sadd.s32 $0x88, s3;
	s6 =	simm.s32 @!p1 $0x1082;
	[sflag:s4] =	ssyncset.s32 $0xFFFFF086  }
0x25: {  	[simem:s6], [sflag:s4] =	dma.local [hbm:s3], $0xF7A  }
0x26: {  	[smem:$0x3F98] =	sst s1;
	(tag) =	ssettag s2;
	_ =	strace s9  }
0x27: {  	s1 =	sld [smem:$0x3FA8]  }
0x28: {  	s2 =	sld [smem:$0x3FA9]  }
0x29: {  	s4 =	sld [smem:$0x3FAB]  }
0x2a: {  	p0 =	seq.s32 s5, $0x0;
	s5 =	sld [smem:$0x3FAC]  }
0x2b: {  	s6 =	sld [smem:$0x3FAD]  }
0x2c: {  	s7 =	sld [smem:$0x3FAE]  }
0x2d: {  	s3 =	simm.s32 $0x108;
	s8 =	sld [smem:$0x3FAF]  }
0x2e: {  	s3 =	simm.s32 @!p0 $0x1082;
	s9 =	sld [smem:$0x3FB0]  }
0x2f: {  	lr =	sadd.s32 s0, s3;
	s0 =	sld [smem:$0x3FA7]  }
0x30: {  	s3 =	sld [smem:$0x3FAA]  }
0x31: {  	[smem:$0x3FB3] =	sst s10  }
0x32: {  	s10 =	sld [smem:$0x3FB1];
	_ =	sdelay $0x3  }
0x33: {  	p0 =	seq.s32 s10, $0x1;
	s10 =	sld [smem:$0x3FB3];
	_ =	sdelay $0x3  }
0x34: {  	[smem:$0x3FB3] =	sst s10  }
0x35: {  	s10 =	sld [smem:$0x3FB2];
	_ =	sdelay $0x3  }
0x36: {  	p1 =	seq.s32 s10, $0x1;
	s10 =	sld [smem:$0x3FB3];
	_ =	sdelay $0x3  }
0x37: {  	[smem:$0x3FB3] =	sst s10  }
0x38: {  	s10 =	sld [smem:$0x3FB4]  }
0x39: {  	_ = 	snop;
	(pc) =	sbr.ind lr, $3  }
0x3a: {  	_ = 	snop  }
0x3b: {  	_ = 	snop  }
0x3c: {  	p2 =	seq.s32 s10, $0x1;
	s10 =	sld [smem:$0x3FB3]  }
0x3d: {  	_ =	shalt  }
0x3e: {  	_ =	shalt  }
0x3f: {  	_ =	shalt  }
0x40: {  	_ =	shalt  }
0x41: {  	_ =	shalt  }
0x42: {  	_ =	shalt  }
0x43: {  	_ =	shalt  }
0x44: {  	_ =	shalt  }
0x45: {  	_ =	shalt  }
0x46: {  	_ =	shalt  }
0x47: {  	_ =	shalt  }
0x48: {  	_ =	shalt  }
0x49: {  	_ =	shalt  }
0x4a: {  	_ =	shalt  }
0x4b: {  	_ =	shalt  }
0x4c: {  	_ =	shalt  }
0x4d: {  	_ =	shalt  }
0x4e: {  	_ =	shalt  }
0x4f: {  	_ =	shalt  }
0x50: {  	_ =	shalt  }
0x51: {  	_ =	shalt  }
0x52: {  	_ =	shalt  }
0x53: {  	_ =	shalt  }
0x54: {  	_ =	shalt  }
0x55: {  	_ =	shalt  }
0x56: {  	_ =	shalt  }
0x57: {  	_ =	shalt  }
0x58: {  	_ =	shalt  }
0x59: {  	_ =	shalt  }
0x5a: {  	_ =	shalt  }
0x5b: {  	_ =	shalt  }
0x5c: {  	_ =	shalt  }
0x5d: {  	_ =	shalt  }
0x5e: {  	_ =	shalt  }
0x5f: {  	_ =	shalt  }
0x60: {  	_ =	shalt  }
0x61: {  	_ =	shalt  }
0x62: {  	_ =	shalt  }
0x63: {  	_ =	shalt  }
0x64: {  	_ =	shalt  }
0x65: {  	_ =	shalt  }
0x66: {  	_ =	shalt  }
0x67: {  	_ =	shalt  }
0x68: {  	_ =	shalt  }
0x69: {  	_ =	shalt  }
0x6a: {  	_ =	shalt  }
0x6b: {  	_ =	shalt  }
0x6c: {  	_ =	shalt  }
0x6d: {  	_ =	shalt  }
0x6e: {  	_ =	shalt  }
0x6f: {  	_ =	shalt  }
0x70: {  	_ =	shalt  }
0x71: {  	_ =	shalt  }
0x72: {  	_ =	shalt  }
0x73: {  	_ =	shalt  }
0x74: {  	_ =	shalt  }
0x75: {  	_ =	shalt  }
0x76: {  	_ =	shalt  }
0x77: {  	_ =	shalt  }
0x78: {  	_ =	shalt  }
0x79: {  	_ =	shalt  }
0x7a: {  	_ =	shalt  }
0x7b: {  	_ =	shalt  }
0x7c: {  	_ =	shalt  }
0x7d: {  	_ =	shalt  }
0x7e: {  	_ =	shalt  }
0x7f: {  	_ =	shalt  }
0x80: {  	_ =	shalt  }
0x81: {  	_ =	shalt  }
0x82: {  	_ =	shalt  }
0x83: {  	_ =	shalt  }
0x84: {  	_ =	shalt  }
0x85: {  	_ =	shalt  }
0x86: {  	_ =	shalt  }
0x87: {  	_ =	shalt  }
.Lfunc_end0:
.L_simem_size_0:
called_computation.3_lowered:
.L_overlay_start_0:
0x88: {  	s2 =	sld [smem:$0x3FD9]  }
0x89: {  	s3 =	sld [smem:$0x3FFE];
	_ =	sdelay $0x1  }
0x8a: {  	s1 =	srdreg.scid  }
0x8b: {  	s0 =	sand.u32 $0x1, s1  }
0x8c: {  	s17 =	sshll.u32 s0, $0xA;
	s2 =	sadd.s32 s3, s2  }
0x8d: {  	s2 =	sadd.s32 s2, s17  }
0x8e: {  	[smem:$0x3FBF] =	sst s2  }
0x8f: {  	_ = 	snop  }
0x90: {  	s2 =	sld [smem:$0x3FD0];
	(tm) =	ssettm $0x1  }
0x91: {  	s18 =	sld [smem:$0x3FFB];
	_ =	sdelay $0x3  }
0x92: {  	_ =	strace s18  }
0x93: {  	s3 =	sld [smem:$0x3FFC];
	_ =	sdelay $0x3  }
0x94: {  	_ =	strace s3  }
0x95: {  	s3 =	sld [smem:$0x3FFD];
	_ =	sdelay $0x3  }
0x96: {  	_ =	strace s3  }
0x97: {  	_ =	strace $0x8FFFFFFF  }
0x98: {  	s19 =	sld [smem:$0x3FDB];
	_ =	sdelay $0x1  }
0x99: {  	s4 =	simm.s32 $_scs_section_size  }
0x9a: {  	s5 =	simm.s32 $_size__tile_overlayer_lowered;
	s6 =	simm.s32 $_tile_overlayer_lowered  }
0x9b: {  	s22 =	simm.s32 $0x1BFF;
	s21 =	sshll.u32 s6, $0x1;
	s3 =	sadd.s32 s4, s19  }
0x9c: {  	s7 =	simm.s32 $0x0;
	s20 =	sshll.u32 s5, $0x1;
	s5 =	sadd.s32 s21, s3  }
0x9d: {  	[timem:s7], [sflag:s22] =	dma.local [hbm:s5], s20  }
0x9e: {  	_ =	swait.ge [sflag:s22], s20  }
0x9f: {  	s4 =	ssub.s32 $0x0, s20;
	[sflag:s22] =	ssyncset.done $0x0  }
0xa0: {  	[sflag:s22] =	ssyncadd.s32 s4;
	_ =	sdelay $0x1  }
0xa1: {  	s23 =	simm.s32 $0x1B8B  }
0xa2: {  	_ =	swait.ge [sflag:s23], $0x1  }
0xa3: {  	[sflag:s23] =	ssyncset.done $0x0  }
0xa4: {  	s25 =	simm.s32 $0x1B8E;
	s24 =	sld [smem:$0x3FFE];
	[sflag:s23] =	ssyncadd.s32 $0xFFFFFFFF  }
0xa5: {  	s26 =	simm.s32 $execute0_lowered;
	[smem:$0x3FD2] =	sst s25  }
0xa6: {  	s5 =	sshll.u32 s26, $0x1;
	_ =	strace $0x8000004F;
	[dreg:$0x1] =	wrdreg $0xFFFFFFFF  }
0xa7: {  	s28 =	simm.s32 $_size_execute0_lowered;
	s3 =	sadd.s32 s3, s5;
	[dreg:$0x0] =	wrdreg $0x0  }
0xa8: {  	s5 =	sshll.u32 s28, $0x1;
	[dreg:$0x2] =	wrdreg s3  }
0xa9: {  	[dreg:$0x3] =	wrdreg s5  }
0xaa: {  	[dreg:$0x4] =	wrdreg $0xC0  }
0xab: {  	_ =	task [dreg:s7], $0x5FFFF  }
0xac: {  	[dreg:$0x1] =	wrdreg $0xFFFFFFFF  }
0xad: {  	[dreg:$0x0] =	wrdreg $0x60  }
0xae: {  	[dreg:$0x2] =	wrdreg s2  }
0xaf: {  	[dreg:$0x3] =	wrdreg s24  }
0xb0: {  	[dreg:$0x4] =	wrdreg $0x0  }
0xb1: {  	[dreg:$0x5] =	wrdreg $0x9  }
0xb2: {  	_ =	task.clear_ibuf [dreg:s7], $0x6FFFF;
	_ =	strace $0x9000004F  }
0xb3: {  	s29 =	simm.s32 $0x9;
	_ =	strace $0x80000051  }
0xb4: {  	_ =	swait.ge [sflag:s29], $0x1  }
0xb5: {  	[sflag:s29] =	ssyncadd.s32 $0xFFFFFFFF  }
0xb6: {  	_ =	strace $0x90000051  }
0xb7: {  	_ =	sfence  }
0xb8: {  	s30 =	sld [smem:$0x0];
	_ =	sdelay $0x2  }
0xb9: {  	s31 =	sshll.u32 s1, $0xD;
	s1 =	sshrl.u32 s1, $0x2  }
0xba: {  	s3 =	sand.u32 $0x4000, s31;
	s1 =	sadd.s32 s1, s30  }
0xbb: {  	s0 =	sor.u32 s3, s0;
	s1 =	sshll.u32 s1, $0x11  }
0xbc: {  	s0 =	sor.u32 s1, s0  }
0xbd: {  	s0 =	sadd.s32 $0x8F2B, s0  }
0xbe: {  	[sflag:s0] =	ssyncadd.remote.s32 $0x1  }
0xbf: {  	_ =	sfence.sel $0xFFFF  }
0xc0: {  	[dreg:$0x0] =	wrdreg $0xFFFFFFFF;
	(pc) =	sbr.abs _section_cstart, $3  }
0xc1: {  	[dreg:$0x1] =	wrdreg $0xFFFFFFFF  }
0xc2: {  	_ =	task.clear_ibuf [dreg:s7], $0x2FFFF;
	_ =	strace $0x9FFFFFFF  }
0xc3: {  	(tm) =	ssettm $0x7FFFFFFF  }
tec
execute0_lowered:
.L_overlay_start_1:
0x0: {  	(tag) =	ssettag $0x1  }
0x1: {  	s31 =	rddreg [dreg:$0x0]  }
0x2: {  	s0 =	rddreg [dreg:$0x1]  }
0x3: {  	s2 =	rddreg [dreg:$0x2]  }
0x4: {  	s3 =	simm.s32 $0x0;
	s4 =	srdreg.scid;
	s20 =	stileid.u32  }
0x5: {  	s29 =	simm.s32 $0x13A80;
	s28 =	simm.s32 $0xA;
	s30 =	simm.s32 $0xB  }
0x6: {  	[smem:$0x7FF] =	sst s3;
	s21 =	sadd.s32 $0x85200, s0;
	s6 =	smul.u32 $0x280, s20  }
0x7: {  	s4 =	sand.u32 $0x1, s4;
	s22 =	sadd.s32 $0x53000, s0;
	s9 =	smul.u32 $0x4EC0, s20  }
0x8: {  	s7 =	sadd.s32 $0x98E00, s0;
	s5 =	ssub.s32 $0x2, s4;
	s8 =	smul.u32 $0x4EC00, s4  }
0x9: {  	_ =	strace $0x80000050;
	s12 =	smul.u32 $0x2710, s4;
	s16 =	sshrl.u32 s5, $0x1  }
0xa: {  	s10 =	sadd.s32 $0xA0, s6;
	s11 =	sadd.s32 $0xF0, s6;
	s13 =	sadd.s32 $0x140, s6  }
0xb: {  	s14 =	sadd.s32 $0x190, s6;
	s15 =	sadd.s32 $0x1E0, s6;
	s0 =	ssub.s32 s5, s16  }
0xc: {  	s5 =	sor.u32 $0x50, s6;
	s16 =	sadd.s32 $0x230, s6;
	s4 =	sadd.s32 s9, s8  }
0xd: {  	s6 =	sadd.s32 s12, s6;
	s18 =	sadd.s32 s12, s10;
	s25 =	sadd.s32 s12, s11  }
0xe: {  	s26 =	sadd.s32 s12, s13;
	s11 =	sshll.u32 s11, $0x7;
	s6 =	sshll.u32 s6, $0x4  }
0xf: {  	s17 =	sadd.s32 s12, s5;
	s23 =	sshll.u32 s18, $0x4;
	s1 =	sadd.s32 $0x230, s4  }
0x10: {  	s8 =	sshll.u32 s26, $0x4;
	s18 =	sadd.s32 $0x1E0, s4;
	s0 =	smax.u32 s0, $0x1  }
0x11: {  	s5 =	sshll.u32 s5, $0x7;
	s6 =	sadd.s32 s7, s6;
	[smem:$0x7FC] =	sst s0  }
0x12: {  	s19 =	sshll.u32 s17, $0x4;
	s24 =	sadd.s32 s7, s23;
	[dreg:$0xb] =	wrdreg s6  }
0x13: {  	s9 =	sshrl.u32 s1, $0x3;
	s5 =	sadd.s32 s5, s2;
	[dreg:$0xd] =	wrdreg s24  }
0x14: {  	s23 =	sshrl.u32 s18, $0x3;
	s6 =	sadd.s32 s7, s19;
	[dreg:$0x14] =	wrdreg s5  }
0x15: {  	s0 =	simm.s32 $0xC;
	s17 =	sadd.s32 s9, s22;
	[dreg:$0xc] =	wrdreg s6  }
0x16: {  	s19 =	sadd.s32 s9, s21;
	s24 =	sadd.s32 s23, s22;
	[dreg:$0x4] =	wrdreg s17  }
0x17: {  	s26 =	sadd.s32 s23, s21;
	s9 =	smin.u32 s14, $0x26C0;
	[dreg:$0x5] =	wrdreg s19  }
0x18: {  	s14 =	smin.u32 s14, $0x26D0;
	s6 =	sshll.u32 s25, $0x4;
	[dreg:$0x6] =	wrdreg s24  }
0x19: {  	s25 =	sadd.s32 $0x190, s4;
	[dreg:$0x7] =	wrdreg s26;
	s19 =	sadd.s32 s12, s9  }
0x1a: {  	s17 =	smin.u32 s15, $0x26C0;
	s24 =	smul.u32 $0x50000, s20;
	s20 =	sshll.u32 s14, $0x7  }
0x1b: {  	s6 =	sadd.s32 s7, s6;
	s1 =	sshrl.u32 s25, $0x3;
	s5 =	sadd.s32 s20, s2  }
0x1c: {  	[dreg:$0xe] =	wrdreg s6;
	s6 =	sadd.s32 s7, s8;
	s18 =	sadd.s32 s1, s22  }
0x1d: {  	s8 =	sadd.s32 s1, s21;
	s26 =	sshrl.u32 s24, $0x2;
	[dreg:$0x18] =	wrdreg s5  }
0x1e: {  	s1 =	sshll.u32 s10, $0x7;
	s10 =	smov.u32 s21;
	[dreg:$0xf] =	wrdreg s6  }
0x1f: {  	s24 =	smin.u32 s16, $0x26D0;
	[dreg:$0x8] =	wrdreg s18;
	s6 =	sshll.u32 s19, $0x4  }
0x20: {  	s18 =	sadd.s32 s12, s17;
	[dreg:$0x9] =	wrdreg s8;
	s8 =	sadd.s32 s1, s2  }
0x21: {  	s19 =	smin.u32 s16, $0x26C0;
	s6 =	sadd.s32 s7, s6;
	[dreg:$0x15] =	wrdreg s8  }
0x22: {  	s23 =	sshll.u32 s18, $0x4;
	s12 =	sadd.s32 s12, s19;
	[dreg:$0x10] =	wrdreg s6  }
0x23: {  	s12 =	sshll.u32 s12, $0x4;
	s6 =	sadd.s32 s7, s23;
	s23 =	smin.u32 s15, $0x26D0  }
0x24: {  	s15 =	smov.u32 s22;
	[dreg:$0x11] =	wrdreg s6;
	s25 =	sadd.s32 s7, s12  }
0x25: {  	s6 =	sadd.s32 s26, s2;
	s12 =	sshll.u32 s13, $0x7;
	s13 =	sadd.s32 s11, s2  }
0x26: {  	s5 =	sshll.u32 s23, $0x7;
	s23 =	sshll.u32 s17, $0x7;
	[dreg:$0xa] =	wrdreg s15  }
0x27: {  	s7 =	simm.s32 $0x16500;
	s17 =	simm.s32 $0x3;
	[dreg:$0x12] =	wrdreg s25  }
0x28: {  	[dreg:$0x13] =	wrdreg s6;
	s18 =	sadd.s32 s12, s2;
	s6 =	sshll.u32 s24, $0x7  }
0x29: {  	s25 =	sshrl.u32 s4, $0x3;
	s5 =	sadd.s32 s5, s2;
	[dreg:$0x16] =	wrdreg s13  }
0x2a: {  	s24 =	sadd.s32 s23, s2;
	s23 =	simm.s32 $0x13A00;
	[dreg:$0x17] =	wrdreg s18  }
0x2b: {  	[dreg:$0x19] =	wrdreg s5;
	s26 =	sadd.s32 s6, s2;
	s1 =	sadd.s32 $0xA, s25  }
0x2c: {  	s11 =	sadd.s32 s21, s25;
	s12 =	sadd.s32 s22, s25;
	s14 =	sadd.s32 $0x14, s25  }
0x2d: {  	s16 =	sadd.s32 $0x1E, s25;
	[smem:$0x7FA] =	sst s24;
	s25 =	sshll.u32 s19, $0x7  }
0x2e: {  	s24 =	simm.s32 $0x13C00;
	s19 =	simm.s32 $0x7;
	[dreg:$0x1a] =	wrdreg s26  }
0x2f: {  	s6 =	simm.s32 $0x0;
	s8 =	sadd.s32 s21, s1;
	[dreg:$0x1d] =	wrdreg s11  }
0x30: {  	s5 =	sadd.s32 s22, s1;
	[dreg:$0x1e] =	wrdreg s12;
	s18 =	sadd.s32 s21, s14  }
0x31: {  	s20 =	sadd.s32 s21, s16;
	s21 =	sadd.s32 s22, s16;
	[dreg:$0x1b] =	wrdreg s8  }
0x32: {  	s26 =	sadd.s32 $0x140, s4;
	s11 =	simm.s32 $0x1;
	[dreg:$0x1c] =	wrdreg s5  }
0x33: {  	s4 =	simm.s32 $0x13C80;
	s12 =	simm.s32 $0x1B500;
	[dreg:$0x1f] =	wrdreg s18  }
0x34: {  	s16 =	simm.s32 $0x2;
	s1 =	simm.s32 $0x6;
	[smem:$0x7F7] =	sst s20  }
0x35: {  	s5 =	sadd.s32 s22, s14;
	[smem:$0x7F8] =	sst s21;
	s22 =	sshll.u32 s9, $0x7  }
0x36: {  	[smem:$0x7FD] =	sst s26;
	s9 =	simm.s32 $0x13D00;
	s14 =	simm.s32 $0x13900  }
0x37: {  	s20 =	simm.s32 $0x13B00;
	s21 =	simm.s32 $0x13980;
	s26 =	simm.s32 $0x50  }
0x38: {  	s8 =	simm.s32 $0x18D00;
	[smem:$0x7F6] =	sst s5;
	s5 =	sadd.s32 s22, s2  }
0x39: {  	s18 =	simm.s32 $0x5;
	[smem:$0x7F9] =	sst s5;
	s5 =	sadd.s32 s25, s2  }
0x3a: {  	v0 =	vimm.f32 $0.0e+00;
	s22 =	simm.s32 $0x13B80;
	s25 =	simm.s32 $0x9;
	[smem:$0x7FB] =	sst s5  }
.LBB2_1:
0x3b: {  	[smem:$0x7F5] =	sst s6;
	s5 =	simm.s32 $0x0;
	s6 =	simm.s32 $0x200  }
.LBB2_2:
0x3c: {  	p0 =	sne.s32 s6, $0x9E00;
	[tilespmem:s5+$0x13D70] =	vst v0  }
0x3d: {  	[tilespmem:s5+$0x13D00] =	vst v0  }
0x3e: {  	[tilespmem:s5+$0x13D10] =	vst v0  }
.Ltmp0:
0x3f: {  	[tilespmem:s5+$0x13D20] =	vst v0;
	(pc) =	sbr.rel @p0 .LBB2_2-.Ltmp0, $4  }
0x40: {  	[tilespmem:s5+$0x13D30] =	vst v0  }
0x41: {  	[tilespmem:s5+$0x13D40] =	vst v0  }
0x42: {  	[tilespmem:s5+$0x13D50] =	vst v0  }
0x43: {  	[tilespmem:s5+$0x13D60] =	vst v0;
	s5 =	sshra.s32 s6, $0x2;
	s6 =	sadd.s32 $0x200, s6  }
0x44: {  	[tilespmem:s5+$0x13D70] =	vst v0  }
0x45: {  	[tilespmem:s5+$0x13D00] =	vst v0  }
0x46: {  	[tilespmem:s5+$0x13D10] =	vst v0  }
0x47: {  	[tilespmem:s5+$0x13D20] =	vst v0  }
0x48: {  	[tilespmem:s5+$0x13D30] =	vst v0  }
0x49: {  	[tilespmem:s5+$0x13D40] =	vst v0  }
0x4a: {  	[tilespmem:s5+$0x13D50] =	vst v0  }
0x4b: {  	[tilespmem:s5+$0x13D60] =	vst v0;
	s6 =	rddreg [dreg:$0x13]  }
0x4c: {  	[spmem:s6] =	stream.linear.scatter [tilespmem:s9], [sflag:$0x1], $0x2800, $0x38;
	[tilespmem:$0x1DD00] =	vst v63  }
0x4d: {  	s6 =	rddreg [dreg:$0x14]  }
0x4e: {  	[spmem:s6] =	stream.linear.scatter [tilespmem:s9], [sflag:$0x1], $0x2800, $0x38;
	[tilespmem:$0x1DD00] =	vst v63  }
0x4f: {  	s6 =	rddreg [dreg:$0x15]  }
0x50: {  	[spmem:s6] =	stream.linear.scatter [tilespmem:s9], [sflag:$0x1], $0x2800, $0x38;
	[tilespmem:$0x1DD00] =	vst v63  }
0x51: {  	_ = 	snop  }
0x52: {  	[spmem:s13] =	stream.linear.scatter [tilespmem:s9], [sflag:$0x1], $0x2800, $0x38;
	[tilespmem:$0x1DD00] =	vst v63  }
0x53: {  	s13 =	rddreg [dreg:$0x17]  }
0x54: {  	[spmem:s13] =	stream.linear.scatter [tilespmem:s9], [sflag:$0x1], $0x2800, $0x38;
	[tilespmem:$0x1DD00] =	vst v63  }
0x55: {  	s6 =	rddreg [dreg:$0x18]  }
0x56: {  	[spmem:s6] =	stream.linear.scatter [tilespmem:s9], [sflag:$0x1], $0x2800, $0x38;
	[tilespmem:$0x1DD00] =	vst v63  }
0x57: {  	s13 =	rddreg [dreg:$0x19]  }
0x58: {  	[spmem:s13] =	stream.linear.scatter [tilespmem:s9], [sflag:$0x1], $0x2800, $0x38;
	[tilespmem:$0x1DD00] =	vst v63  }
0x59: {  	s6 =	rddreg [dreg:$0x1a]  }
0x5a: {  	[spmem:s6] =	stream.linear.scatter [tilespmem:s9], [sflag:$0x1], $0x2800, $0x38;
	[tilespmem:$0x1DD00] =	vst v63  }
0x5b: {  	_ =	swait.ge [sflag:s11], $0x2800  }
0x5c: {  	[sflag:s11] =	ssyncset.done $0x0  }
0x5d: {  	[sflag:s11] =	ssyncadd.s32 $0xFFFFD800  }
0x5e: {  	_ =	swait.ge [sflag:s11], $0x2800  }
0x5f: {  	[sflag:s11] =	ssyncset.done $0x0  }
0x60: {  	[sflag:s11] =	ssyncadd.s32 $0xFFFFD800  }
0x61: {  	_ =	swait.ge [sflag:s11], $0x2800  }
0x62: {  	[sflag:s11] =	ssyncset.done $0x0  }
0x63: {  	[sflag:s11] =	ssyncadd.s32 $0xFFFFD800  }
0x64: {  	_ =	swait.ge [sflag:s11], $0x2800  }
0x65: {  	[sflag:s11] =	ssyncset.done $0x0  }
0x66: {  	[sflag:s11] =	ssyncadd.s32 $0xFFFFD800  }
0x67: {  	_ =	swait.ge [sflag:s11], $0x2800  }
0x68: {  	[sflag:s11] =	ssyncset.done $0x0  }
0x69: {  	[sflag:s11] =	ssyncadd.s32 $0xFFFFD800  }
0x6a: {  	_ =	swait.ge [sflag:s11], $0x2800  }
0x6b: {  	[sflag:s11] =	ssyncset.done $0x0  }
0x6c: {  	[sflag:s11] =	ssyncadd.s32 $0xFFFFD800  }
0x6d: {  	_ =	swait.ge [sflag:s11], $0x2800  }
0x6e: {  	[sflag:s11] =	ssyncset.done $0x0  }
0x6f: {  	[sflag:s11] =	ssyncadd.s32 $0xFFFFD800  }
0x70: {  	_ =	swait.ge [sflag:s11], $0x2800  }
0x71: {  	[sflag:s11] =	ssyncset.done $0x0  }
0x72: {  	[sflag:s11] =	ssyncadd.s32 $0xFFFFD800  }
0x73: {  	[bflag:$0x0] =	sbarrier.arrive $0xFFFF  }
0x74: {  	s5 =	simm.s32 $0x0;
	s6 =	rddreg [dreg:$0x1d]  }
0x75: {  	[tilespmem:s14], [sflag:$0x9] =	stream.linear.gather [hbm4b:s6+s5], $0x50, $0x38;
	[tilespmem:$0x1DD00] =	vst v63  }
0x76: {  	s13 =	rddreg [dreg:$0x1e]  }
0x77: {  	[tilespmem:s20], [sflag:$0x9] =	stream.linear.gather [hbm4b:s13+s5], $0x50, $0x38;
	[tilespmem:$0x1DD00] =	vst v63  }
0x78: {  	s13 =	rddreg [dreg:$0x1b]  }
0x79: {  	[tilespmem:s21], [sflag:$0xA] =	stream.linear.gather [hbm4b:s13+s5], $0x50, $0x38;
	[tilespmem:$0x1DD00] =	vst v63  }
0x7a: {  	s13 =	rddreg [dreg:$0x1c]  }
0x7b: {  	[tilespmem:s22], [sflag:$0xA] =	stream.linear.gather [hbm4b:s13+s5], $0x50, $0x38;
	[tilespmem:$0x1DD00] =	vst v63  }
0x7c: {  	s13 =	rddreg [dreg:$0x1f]  }
0x7d: {  	[tilespmem:s23], [sflag:$0xB] =	stream.linear.gather [hbm4b:s13+s5], $0x50, $0x38;
	[tilespmem:$0x1DD00] =	vst v63  }
0x7e: {  	s13 =	sld [smem:$0x7F6];
	_ =	sdelay $0x2  }
0x7f: {  	[tilespmem:s24], [sflag:$0xB] =	stream.linear.gather [hbm4b:s13+s5], $0x50, $0x38;
	[tilespmem:$0x1DD00] =	vst v63  }
0x80: {  	s13 =	sld [smem:$0x7F7];
	_ =	sdelay $0x2  }
0x81: {  	[tilespmem:s29], [sflag:$0xC] =	stream.linear.gather [hbm4b:s13+s5], $0x50, $0x38;
	[tilespmem:$0x1DD00] =	vst v63  }
0x82: {  	s13 =	sld [smem:$0x7F8];
	_ =	sdelay $0x2  }
0x83: {  	[tilespmem:s4], [sflag:$0xC] =	stream.linear.gather [hbm4b:s13+s5], $0x50, $0x38;
	[tilespmem:$0x1DD00] =	vst v63  }
0x84: {  	_ =	swait.ge [sflag:s25], $0x50  }
0x85: {  	[sflag:s25] =	ssyncset.done $0x0  }
0x86: {  	[sflag:s25] =	ssyncadd.s32 $0xFFFFFFB0  }
0x87: {  	_ =	swait.ge [sflag:s25], $0x50  }
0x88: {  	[sflag:s25] =	ssyncset.done $0x0  }
0x89: {  	[sflag:s25] =	ssyncadd.s32 $0xFFFFFFB0  }
0x8a: {  	[tilespmem:s9], [sflag:$0x1] =	stream.indirect.gather [hbm4b:s31+s26], $0x80, s14, s26, $0xb8;
	[tilespmem:$0x1DD00] =	vst v63  }
0x8b: {  	_ =	swait.ge [sflag:s28], $0x50  }
0x8c: {  	[sflag:s28] =	ssyncset.done $0x0  }
0x8d: {  	[sflag:s28] =	ssyncadd.s32 $0xFFFFFFB0  }
0x8e: {  	_ =	swait.ge [sflag:s28], $0x50  }
0x8f: {  	[sflag:s28] =	ssyncset.done $0x0  }
0x90: {  	[sflag:s28] =	ssyncadd.s32 $0xFFFFFFB0  }
0x91: {  	[tilespmem:s7], [sflag:$0x2] =	stream.indirect.gather [hbm4b:s31+s26], $0x80, s21, s26, $0xb8;
	[tilespmem:$0x1DD00] =	vst v63  }
0x92: {  	_ =	swait.ge [sflag:s30], $0x50  }
0x93: {  	[sflag:s30] =	ssyncset.done $0x0  }
0x94: {  	[sflag:s30] =	ssyncadd.s32 $0xFFFFFFB0  }
0x95: {  	_ =	swait.ge [sflag:s30], $0x50  }
0x96: {  	[sflag:s30] =	ssyncset.done $0x0  }
0x97: {  	[sflag:s30] =	ssyncadd.s32 $0xFFFFFFB0  }
0x98: {  	[tilespmem:s8], [sflag:$0x3] =	stream.indirect.gather [hbm4b:s31+s26], $0x80, s23, s26, $0xb8;
	[tilespmem:$0x1DD00] =	vst v63  }
0x99: {  	_ =	swait.ge [sflag:s0], $0x50  }
0x9a: {  	[sflag:s0] =	ssyncset.done $0x0  }
0x9b: {  	[sflag:s0] =	ssyncadd.s32 $0xFFFFFFB0  }
0x9c: {  	_ =	swait.ge [sflag:s0], $0x50  }
0x9d: {  	[sflag:s0] =	ssyncset.done $0x0  }
0x9e: {  	[sflag:s0] =	ssyncadd.s32 $0xFFFFFFB0  }
0x9f: {  	[tilespmem:s12], [sflag:$0x4] =	stream.indirect.gather [hbm4b:s31+s26], $0x80, s29, s26, $0xb8;
	[tilespmem:$0x1DD00] =	vst v63  }
0xa0: {  	_ =	swait.ge [sflag:s11], $0x2800  }
0xa1: {  	[sflag:s11] =	ssyncset.done $0x0  }
0xa2: {  	[sflag:s11] =	ssyncadd.s32 $0xFFFFD800  }
0xa3: {  	[spmem:s2] =	stream.indirect.scatter.add.f32 [tilespmem:s9], [sflag:$0x5], $0x80, s20, s26, $0xb8;
	[tilespmem:$0x1DD00] =	vst v63  }
0xa4: {  	_ =	swait.ge [sflag:s16], $0x2800  }
0xa5: {  	[sflag:s16] =	ssyncset.done $0x0  }
0xa6: {  	[sflag:s16] =	ssyncadd.s32 $0xFFFFD800  }
0xa7: {  	[spmem:s2] =	stream.indirect.scatter.add.f32 [tilespmem:s7], [sflag:$0x6], $0x80, s22, s26, $0xb8;
	[tilespmem:$0x1DD00] =	vst v63  }
0xa8: {  	_ =	swait.ge [sflag:s17], $0x2800  }
0xa9: {  	[sflag:s17] =	ssyncset.done $0x0  }
0xaa: {  	s13 =	simm.s32 $0x4;
	[sflag:s17] =	ssyncadd.s32 $0xFFFFD800  }
0xab: {  	[spmem:s2] =	stream.indirect.scatter.add.f32 [tilespmem:s8], [sflag:$0x7], $0x80, s24, s26, $0xb8;
	[tilespmem:$0x1DD00] =	vst v63  }
0xac: {  	_ =	swait.ge [sflag:s13], $0x2800  }
0xad: {  	[sflag:s13] =	ssyncset.done $0x0  }
0xae: {  	[sflag:s13] =	ssyncadd.s32 $0xFFFFD800  }
0xaf: {  	[spmem:s2] =	stream.indirect.scatter.add.f32 [tilespmem:s12], [sflag:$0x8], $0x80, s4, s26, $0xb8;
	[tilespmem:$0x1DD00] =	vst v63  }
0xb0: {  	_ =	swait.ge [sflag:s18], $0x2800  }
0xb1: {  	s13 =	sld [smem:$0x7FD];
	_ =	sdelay $0x2  }
0xb2: {  	[sflag:s18] =	ssyncset.done $0x0;
	s5 =	sshrl.u32 s13, $0x3  }
0xb3: {  	[sflag:s18] =	ssyncadd.s32 $0xFFFFD800;
	s18 =	sadd.s32 s10, s5  }
0xb4: {  	[tilespmem:s14], [sflag:$0x9] =	stream.linear.gather [hbm4b:s18+s3], $0x50, $0x38;
	[tilespmem:$0x1DD00] =	vst v63  }
0xb5: {  	s5 =	sadd.s32 s15, s5  }
0xb6: {  	[tilespmem:s20], [sflag:$0x9] =	stream.linear.gather [hbm4b:s5+s3], $0x50, $0x38;
	[tilespmem:$0x1DD00] =	vst v63  }
0xb7: {  	_ =	swait.ge [sflag:s1], $0x2800  }
0xb8: {  	s15 =	rddreg [dreg:$0x9];
	[sflag:s1] =	ssyncset.done $0x0  }
0xb9: {  	s18 =	rddreg [dreg:$0x8];
	[sflag:s1] =	ssyncadd.s32 $0xFFFFD800;
	s5 =	sadd.s32 $0x0, s15  }
0xba: {  	[tilespmem:s21], [sflag:$0xA] =	stream.linear.gather [hbm4b:s5+s3], $0x50, $0x38;
	[tilespmem:$0x1DD00] =	vst v63  }
0xbb: {  	s6 =	sadd.s32 $0x0, s18  }
0xbc: {  	[tilespmem:s22], [sflag:$0xA] =	stream.linear.gather [hbm4b:s6+s3], $0x50, $0x38;
	[tilespmem:$0x1DD00] =	vst v63  }
0xbd: {  	_ =	swait.ge [sflag:s19], $0x2800  }
0xbe: {  	s15 =	rddreg [dreg:$0x7];
	[sflag:s19] =	ssyncset.done $0x0  }
0xbf: {  	s18 =	rddreg [dreg:$0x6];
	[sflag:s19] =	ssyncadd.s32 $0xFFFFD800;
	s5 =	sadd.s32 $0x0, s15  }
0xc0: {  	[tilespmem:s23], [sflag:$0xB] =	stream.linear.gather [hbm4b:s5+s3], $0x50, $0x38;
	[tilespmem:$0x1DD00] =	vst v63  }
0xc1: {  	s1 =	sadd.s32 $0x0, s18;
	s15 =	simm.s32 $0x8  }
0xc2: {  	[tilespmem:s24], [sflag:$0xB] =	stream.linear.gather [hbm4b:s1+s3], $0x50, $0x38;
	[tilespmem:$0x1DD00] =	vst v63  }
0xc3: {  	_ =	swait.ge [sflag:s15], $0x2800  }
0xc4: {  	s6 =	rddreg [dreg:$0x5];
	[sflag:s15] =	ssyncset.done $0x0  }
0xc5: {  	s18 =	rddreg [dreg:$0x4];
	[sflag:s15] =	ssyncadd.s32 $0xFFFFD800;
	s5 =	sadd.s32 $0x0, s6  }
0xc6: {  	[tilespmem:s29], [sflag:$0xC] =	stream.linear.gather [hbm4b:s5+s3], $0x50, $0x38;
	[tilespmem:$0x1DD00] =	vst v63  }
0xc7: {  	s19 =	sadd.s32 $0x0, s18  }
0xc8: {  	[tilespmem:s4], [sflag:$0xC] =	stream.linear.gather [hbm4b:s19+s3], $0x50, $0x38;
	[tilespmem:$0x1DD00] =	vst v63  }
0xc9: {  	_ =	swait.ge [sflag:s25], $0x50  }
0xca: {  	[sflag:s25] =	ssyncset.done $0x0  }
0xcb: {  	[sflag:s25] =	ssyncadd.s32 $0xFFFFFFB0  }
0xcc: {  	_ =	swait.ge [sflag:s25], $0x50  }
0xcd: {  	[sflag:s25] =	ssyncset.done $0x0  }
0xce: {  	[sflag:s25] =	ssyncadd.s32 $0xFFFFFFB0  }
0xcf: {  	[tilespmem:s9], [sflag:$0x1] =	stream.indirect.gather [hbm4b:s31+s26], $0x80, s14, s26, $0xb8;
	[tilespmem:$0x1DD00] =	vst v63  }
0xd0: {  	_ =	swait.ge [sflag:s28], $0x50  }
0xd1: {  	[sflag:s28] =	ssyncset.done $0x0  }
0xd2: {  	[sflag:s28] =	ssyncadd.s32 $0xFFFFFFB0  }
0xd3: {  	_ =	swait.ge [sflag:s28], $0x50  }
0xd4: {  	[sflag:s28] =	ssyncset.done $0x0  }
0xd5: {  	[sflag:s28] =	ssyncadd.s32 $0xFFFFFFB0  }
0xd6: {  	[tilespmem:s7], [sflag:$0x2] =	stream.indirect.gather [hbm4b:s31+s26], $0x80, s21, s26, $0xb8;
	[tilespmem:$0x1DD00] =	vst v63  }
0xd7: {  	_ =	swait.ge [sflag:s30], $0x50  }
0xd8: {  	[sflag:s30] =	ssyncset.done $0x0  }
0xd9: {  	[sflag:s30] =	ssyncadd.s32 $0xFFFFFFB0  }
0xda: {  	_ =	swait.ge [sflag:s30], $0x50  }
0xdb: {  	[sflag:s30] =	ssyncset.done $0x0  }
0xdc: {  	[sflag:s30] =	ssyncadd.s32 $0xFFFFFFB0  }
0xdd: {  	[tilespmem:s8], [sflag:$0x3] =	stream.indirect.gather [hbm4b:s31+s26], $0x80, s23, s26, $0xb8;
	[tilespmem:$0x1DD00] =	vst v63  }
0xde: {  	_ =	swait.ge [sflag:s0], $0x50  }
0xdf: {  	[sflag:s0] =	ssyncset.done $0x0  }
0xe0: {  	[sflag:s0] =	ssyncadd.s32 $0xFFFFFFB0  }
0xe1: {  	_ =	swait.ge [sflag:s0], $0x50  }
0xe2: {  	[sflag:s0] =	ssyncset.done $0x0  }
0xe3: {  	[sflag:s0] =	ssyncadd.s32 $0xFFFFFFB0  }
0xe4: {  	[tilespmem:s12], [sflag:$0x4] =	stream.indirect.gather [hbm4b:s31+s26], $0x80, s29, s26, $0xb8;
	[tilespmem:$0x1DD00] =	vst v63  }
0xe5: {  	_ =	swait.ge [sflag:s11], $0x2800  }
0xe6: {  	[sflag:s11] =	ssyncset.done $0x0  }
0xe7: {  	[sflag:s11] =	ssyncadd.s32 $0xFFFFD800  }
0xe8: {  	[spmem:s2] =	stream.indirect.scatter.add.f32 [tilespmem:s9], [sflag:$0x5], $0x80, s20, s26, $0xb8;
	[tilespmem:$0x1DD00] =	vst v63  }
0xe9: {  	s1 =	simm.s32 $0x6;
	s6 =	simm.s32 $0x4;
	_ =	swait.ge [sflag:s16], $0x2800  }
0xea: {  	s18 =	simm.s32 $0x3;
	s5 =	sadd.s32 $0x140, s13;
	[sflag:s16] =	ssyncset.done $0x0  }
0xeb: {  	s19 =	simm.s32 $0x5;
	s4 =	simm.s32 $0x13A80;
	[sflag:s16] =	ssyncadd.s32 $0xFFFFD800  }
0xec: {  	[spmem:s2] =	stream.indirect.scatter.add.f32 [tilespmem:s7], [sflag:$0x6], $0x80, s22, s26, $0xb8;
	[tilespmem:$0x1DD00] =	vst v63  }
0xed: {  	s14 =	simm.s32 $0x13C00;
	s21 =	simm.s32 $0x13900;
	_ =	swait.ge [sflag:s17], $0x2800  }
0xee: {  	s23 =	simm.s32 $0x13980;
	s29 =	simm.s32 $0x13A00;
	[sflag:s17] =	ssyncset.done $0x0  }
0xef: {  	s11 =	simm.s32 $0x13C80;
	s20 =	simm.s32 $0x13D00;
	[sflag:s17] =	ssyncadd.s32 $0xFFFFD800  }
0xf0: {  	[spmem:s2] =	stream.indirect.scatter.add.f32 [tilespmem:s8], [sflag:$0x7], $0x80, s24, s26, $0xb8;
	[tilespmem:$0x1DD00] =	vst v63  }
0xf1: {  	s9 =	simm.s32 $0x28;
	s16 =	simm.s32 $0x7;
	_ =	swait.ge [sflag:s6], $0x2800  }
0xf2: {  	s22 =	simm.s32 $0x13B00;
	s7 =	simm.s32 $0x1;
	[sflag:s6] =	ssyncset.done $0x0  }
0xf3: {  	s17 =	simm.s32 $0x2;
	s24 =	simm.s32 $0x13B80;
	[sflag:s6] =	ssyncadd.s32 $0xFFFFD800  }
.LBB2_4:
0xf4: {  	s8 =	simm.s32 $0x1B500  }
0xf5: {  	[spmem:s2] =	stream.indirect.scatter.add.f32 [tilespmem:s8], [sflag:$0x8], $0x80, s11, s26, $0xb8;
	[tilespmem:$0x1DD00] =	vst v63  }
0xf6: {  	_ =	swait.ge [sflag:s19], $0x2800  }
0xf7: {  	s12 =	sshrl.u32 s5, $0x3;
	[sflag:s19] =	ssyncset.done $0x0  }
0xf8: {  	s13 =	smov.u32 s10;
	s10 =	sadd.s32 s10, s12;
	[sflag:s19] =	ssyncadd.s32 $0xFFFFD800  }
0xf9: {  	[tilespmem:s21], [sflag:$0x9] =	stream.linear.gather [hbm4b:s10+s3], $0x50, $0x38;
	[tilespmem:$0x1DD00] =	vst v63  }
0xfa: {  	s10 =	rddreg [dreg:$0xa]  }
0xfb: {  	s10 =	sadd.s32 s10, s12  }
0xfc: {  	[tilespmem:s22], [sflag:$0x9] =	stream.linear.gather [hbm4b:s10+s3], $0x50, $0x38;
	[tilespmem:$0x1DD00] =	vst v63  }
0xfd: {  	_ =	swait.ge [sflag:s1], $0x2800  }
0xfe: {  	s6 =	smov.u32 s9;
	s10 =	rddreg [dreg:$0x9];
	[sflag:s1] =	ssyncset.done $0x0  }
0xff: {  	s12 =	rddreg [dreg:$0x8];
	[sflag:s1] =	ssyncadd.s32 $0xFFFFD800;
	s10 =	sadd.s32 s6, s10  }
0x100: {  	[tilespmem:s23], [sflag:$0xA] =	stream.linear.gather [hbm4b:s10+s3], $0x50, $0x38;
	[tilespmem:$0x1DD00] =	vst v63  }
0x101: {  	s12 =	sadd.s32 s6, s12  }
0x102: {  	[tilespmem:s24], [sflag:$0xA] =	stream.linear.gather [hbm4b:s12+s3], $0x50, $0x38;
	[tilespmem:$0x1DD00] =	vst v63  }
0x103: {  	_ =	swait.ge [sflag:s16], $0x2800  }
0x104: {  	s10 =	rddreg [dreg:$0x7];
	[sflag:s16] =	ssyncset.done $0x0  }
0x105: {  	s12 =	rddreg [dreg:$0x6];
	[sflag:s16] =	ssyncadd.s32 $0xFFFFD800;
	s10 =	sadd.s32 s6, s10  }
0x106: {  	[tilespmem:s29], [sflag:$0xB] =	stream.linear.gather [hbm4b:s10+s3], $0x50, $0x38;
	[tilespmem:$0x1DD00] =	vst v63  }
0x107: {  	s12 =	sadd.s32 s6, s12  }
0x108: {  	[tilespmem:s14], [sflag:$0xB] =	stream.linear.gather [hbm4b:s12+s3], $0x50, $0x38;
	[tilespmem:$0x1DD00] =	vst v63  }
0x109: {  	_ =	swait.ge [sflag:s15], $0x2800  }
0x10a: {  	s10 =	rddreg [dreg:$0x5];
	[sflag:s15] =	ssyncset.done $0x0  }
0x10b: {  	s12 =	rddreg [dreg:$0x4];
	[sflag:s15] =	ssyncadd.s32 $0xFFFFD800;
	s10 =	sadd.s32 s6, s10  }
0x10c: {  	[tilespmem:s4], [sflag:$0xC] =	stream.linear.gather [hbm4b:s10+s3], $0x50, $0x38;
	[tilespmem:$0x1DD00] =	vst v63  }
0x10d: {  	s6 =	sadd.s32 s6, s12  }
0x10e: {  	[tilespmem:s11], [sflag:$0xC] =	stream.linear.gather [hbm4b:s6+s3], $0x50, $0x38;
	[tilespmem:$0x1DD00] =	vst v63  }
0x10f: {  	_ =	swait.ge [sflag:s25], $0x50  }
0x110: {  	[sflag:s25] =	ssyncset.done $0x0  }
0x111: {  	[sflag:s25] =	ssyncadd.s32 $0xFFFFFFB0  }
0x112: {  	_ =	swait.ge [sflag:s25], $0x50  }
0x113: {  	[sflag:s25] =	ssyncset.done $0x0  }
0x114: {  	[sflag:s25] =	ssyncadd.s32 $0xFFFFFFB0  }
0x115: {  	[tilespmem:s20], [sflag:$0x1] =	stream.indirect.gather [hbm4b:s31+s26], $0x80, s21, s26, $0xb8;
	[tilespmem:$0x1DD00] =	vst v63  }
0x116: {  	_ =	swait.ge [sflag:s28], $0x50  }
0x117: {  	[sflag:s28] =	ssyncset.done $0x0  }
0x118: {  	[sflag:s28] =	ssyncadd.s32 $0xFFFFFFB0  }
0x119: {  	_ =	swait.ge [sflag:s28], $0x50  }
0x11a: {  	[sflag:s28] =	ssyncset.done $0x0  }
0x11b: {  	s10 =	smov.u32 s13;
	s13 =	simm.s32 $0x16500;
	[sflag:s28] =	ssyncadd.s32 $0xFFFFFFB0  }
0x11c: {  	[tilespmem:s13], [sflag:$0x2] =	stream.indirect.gather [hbm4b:s31+s26], $0x80, s23, s26, $0xb8;
	[tilespmem:$0x1DD00] =	vst v63  }
0x11d: {  	_ =	swait.ge [sflag:s30], $0x50  }
0x11e: {  	[sflag:s30] =	ssyncset.done $0x0  }
0x11f: {  	[sflag:s30] =	ssyncadd.s32 $0xFFFFFFB0  }
0x120: {  	_ =	swait.ge [sflag:s30], $0x50  }
0x121: {  	[sflag:s30] =	ssyncset.done $0x0  }
0x122: {  	s12 =	simm.s32 $0x18D00;
	[sflag:s30] =	ssyncadd.s32 $0xFFFFFFB0  }
0x123: {  	[tilespmem:s12], [sflag:$0x3] =	stream.indirect.gather [hbm4b:s31+s26], $0x80, s29, s26, $0xb8;
	[tilespmem:$0x1DD00] =	vst v63  }
0x124: {  	_ =	swait.ge [sflag:s0], $0x50  }
0x125: {  	[sflag:s0] =	ssyncset.done $0x0  }
0x126: {  	[sflag:s0] =	ssyncadd.s32 $0xFFFFFFB0  }
0x127: {  	_ =	swait.ge [sflag:s0], $0x50  }
0x128: {  	[sflag:s0] =	ssyncset.done $0x0  }
0x129: {  	[sflag:s0] =	ssyncadd.s32 $0xFFFFFFB0  }
0x12a: {  	[tilespmem:s8], [sflag:$0x4] =	stream.indirect.gather [hbm4b:s31+s26], $0x80, s4, s26, $0xb8;
	[tilespmem:$0x1DD00] =	vst v63  }
0x12b: {  	_ =	swait.ge [sflag:s7], $0x2800  }
0x12c: {  	[sflag:s7] =	ssyncset.done $0x0  }
0x12d: {  	[sflag:s7] =	ssyncadd.s32 $0xFFFFD800  }
0x12e: {  	[spmem:s2] =	stream.indirect.scatter.add.f32 [tilespmem:s20], [sflag:$0x5], $0x80, s22, s26, $0xb8;
	[tilespmem:$0x1DD00] =	vst v63  }
0x12f: {  	_ =	swait.ge [sflag:s17], $0x2800  }
0x130: {  	[sflag:s17] =	ssyncset.done $0x0  }
0x131: {  	[sflag:s17] =	ssyncadd.s32 $0xFFFFD800  }
0x132: {  	[spmem:s2] =	stream.indirect.scatter.add.f32 [tilespmem:s13], [sflag:$0x6], $0x80, s24, s26, $0xb8;
	[tilespmem:$0x1DD00] =	vst v63  }
0x133: {  	_ =	swait.ge [sflag:s18], $0x2800  }
0x134: {  	p0 =	sne.s32 s9, $0x988;
	[sflag:s18] =	ssyncset.done $0x0  }
.Ltmp1:
0x135: {  	s6 =	simm.s32 $0x4;
	[sflag:s18] =	ssyncadd.s32 $0xFFFFD800;
	(pc) =	sbr.rel @p0 .LBB2_4-.Ltmp1, $4  }
0x136: {  	[spmem:s2] =	stream.indirect.scatter.add.f32 [tilespmem:s12], [sflag:$0x7], $0x80, s14, s26, $0xb8;
	[tilespmem:$0x1DD00] =	vst v63  }
0x137: {  	_ =	swait.ge [sflag:s6], $0x2800  }
0x138: {  	[sflag:s6] =	ssyncset.done $0x0  }
0x139: {  	s9 =	sadd.s32 $0x28, s9;
	s5 =	sadd.s32 $0x140, s5;
	[sflag:s6] =	ssyncadd.s32 $0xFFFFD800  }
0x13a: {  	s6 =	simm.s32 $0x1B500  }
0x13b: {  	[spmem:s2] =	stream.indirect.scatter.add.f32 [tilespmem:s6], [sflag:$0x8], $0x80, s11, s26, $0xb8;
	[tilespmem:$0x1DD00] =	vst v63  }
0x13c: {  	_ =	swait.ge [sflag:s19], $0x2800  }
0x13d: {  	[sflag:s19] =	ssyncset.done $0x0  }
0x13e: {  	[sflag:s19] =	ssyncadd.s32 $0xFFFFD800  }
0x13f: {  	_ =	swait.ge [sflag:s1], $0x2800  }
0x140: {  	[sflag:s1] =	ssyncset.done $0x0  }
0x141: {  	[sflag:s1] =	ssyncadd.s32 $0xFFFFD800  }
0x142: {  	_ =	swait.ge [sflag:s16], $0x2800  }
0x143: {  	[sflag:s16] =	ssyncset.done $0x0  }
0x144: {  	[sflag:s16] =	ssyncadd.s32 $0xFFFFD800  }
0x145: {  	_ =	swait.ge [sflag:s15], $0x2800  }
0x146: {  	[sflag:s15] =	ssyncset.done $0x0  }
0x147: {  	[sflag:s15] =	ssyncadd.s32 $0xFFFFD800  }
0x148: {  	[bflag:$0x0] =	sbarrier.arrive $0xFFFF  }
0x149: {  	s4 =	simm.s32 $0xD;
	s5 =	rddreg [dreg:$0x13]  }
0x14a: {  	[tilespmem:s20], [sflag:$0xD] =	stream.linear.gather [spmem:s5], $0x2800, $0x38;
	[tilespmem:$0x1DD00] =	vst v63  }
0x14b: {  	_ =	swait.ge [sflag:s4], $0x2800  }
0x14c: {  	[sflag:s4] =	ssyncset.done $0x0  }
0x14d: {  	s18 =	rddreg [dreg:$0xb];
	[sflag:s4] =	ssyncadd.s32 $0xFFFFD800  }
0x14e: {  	[hbm4b:s18+s3] =	stream.linear.scatter [tilespmem:s20], [sflag:$0x5], $0x2800, $0x38;
	[tilespmem:$0x1DD00] =	vst v63  }
0x14f: {  	s8 =	simm.s32 $0x16500;
	s21 =	rddreg [dreg:$0x14]  }
0x150: {  	[tilespmem:s8], [sflag:$0xD] =	stream.linear.gather [spmem:s21], $0x2800, $0x38;
	[tilespmem:$0x1DD00] =	vst v63  }
0x151: {  	_ =	swait.ge [sflag:s4], $0x2800  }
0x152: {  	[sflag:s4] =	ssyncset.done $0x0  }
0x153: {  	s22 =	rddreg [dreg:$0xc];
	[sflag:s4] =	ssyncadd.s32 $0xFFFFD800  }
0x154: {  	[hbm4b:s22+s3] =	stream.linear.scatter [tilespmem:s8], [sflag:$0x6], $0x2800, $0x38;
	[tilespmem:$0x1DD00] =	vst v63  }
0x155: {  	s7 =	simm.s32 $0x18D00;
	s23 =	rddreg [dreg:$0x15]  }
0x156: {  	[tilespmem:s7], [sflag:$0xD] =	stream.linear.gather [spmem:s23], $0x2800, $0x38;
	[tilespmem:$0x1DD00] =	vst v63  }
0x157: {  	_ =	swait.ge [sflag:s4], $0x2800  }
0x158: {  	[sflag:s4] =	ssyncset.done $0x0  }
0x159: {  	s24 =	rddreg [dreg:$0xd];
	[sflag:s4] =	ssyncadd.s32 $0xFFFFD800  }
0x15a: {  	[hbm4b:s24+s3] =	stream.linear.scatter [tilespmem:s7], [sflag:$0x7], $0x2800, $0x38;
	[tilespmem:$0x1DD00] =	vst v63  }
0x15b: {  	s13 =	rddreg [dreg:$0x16]  }
0x15c: {  	[tilespmem:s6], [sflag:$0xD] =	stream.linear.gather [spmem:s13], $0x2800, $0x38;
	[tilespmem:$0x1DD00] =	vst v63  }
0x15d: {  	_ =	swait.ge [sflag:s4], $0x2800  }
0x15e: {  	[sflag:s4] =	ssyncset.done $0x0  }
0x15f: {  	s9 =	rddreg [dreg:$0xe];
	[sflag:s4] =	ssyncadd.s32 $0xFFFFD800  }
0x160: {  	[hbm4b:s9+s3] =	stream.linear.scatter [tilespmem:s6], [sflag:$0x8], $0x2800, $0x38;
	[tilespmem:$0x1DD00] =	vst v63  }
0x161: {  	_ =	swait.ge [sflag:s19], $0x2800  }
0x162: {  	[sflag:s19] =	ssyncset.done $0x0  }
0x163: {  	s11 =	rddreg [dreg:$0x17];
	[sflag:s19] =	ssyncadd.s32 $0xFFFFD800  }
0x164: {  	[tilespmem:s20], [sflag:$0xD] =	stream.linear.gather [spmem:s11], $0x2800, $0x38;
	[tilespmem:$0x1DD00] =	vst v63  }
0x165: {  	_ =	swait.ge [sflag:s4], $0x2800  }
0x166: {  	[sflag:s4] =	ssyncset.done $0x0  }
0x167: {  	s12 =	rddreg [dreg:$0xf];
	[sflag:s4] =	ssyncadd.s32 $0xFFFFD800  }
0x168: {  	[hbm4b:s12+s3] =	stream.linear.scatter [tilespmem:s20], [sflag:$0x5], $0x2800, $0x38;
	[tilespmem:$0x1DD00] =	vst v63  }
0x169: {  	_ =	swait.ge [sflag:s1], $0x2800  }
0x16a: {  	s14 =	sld [smem:$0x7F9]  }
0x16b: {  	[sflag:s1] =	ssyncset.done $0x0  }
0x16c: {  	[sflag:s1] =	ssyncadd.s32 $0xFFFFD800  }
0x16d: {  	[tilespmem:s8], [sflag:$0xD] =	stream.linear.gather [spmem:s14], $0x2800, $0x38;
	[tilespmem:$0x1DD00] =	vst v63  }
0x16e: {  	_ =	swait.ge [sflag:s4], $0x2800  }
0x16f: {  	[sflag:s4] =	ssyncset.done $0x0  }
0x170: {  	s17 =	rddreg [dreg:$0x10];
	[sflag:s4] =	ssyncadd.s32 $0xFFFFD800  }
0x171: {  	[hbm4b:s17+s3] =	stream.linear.scatter [tilespmem:s8], [sflag:$0x6], $0x2800, $0x38;
	[tilespmem:$0x1DD00] =	vst v63  }
0x172: {  	_ =	swait.ge [sflag:s16], $0x2800  }
0x173: {  	s18 =	sld [smem:$0x7FA]  }
0x174: {  	[sflag:s16] =	ssyncset.done $0x0  }
0x175: {  	[sflag:s16] =	ssyncadd.s32 $0xFFFFD800  }
0x176: {  	[tilespmem:s7], [sflag:$0xD] =	stream.linear.gather [spmem:s18], $0x2800, $0x38;
	[tilespmem:$0x1DD00] =	vst v63  }
0x177: {  	_ =	swait.ge [sflag:s4], $0x2800  }
0x178: {  	[sflag:s4] =	ssyncset.done $0x0  }
0x179: {  	s20 =	rddreg [dreg:$0x11];
	[sflag:s4] =	ssyncadd.s32 $0xFFFFD800  }
0x17a: {  	[hbm4b:s20+s3] =	stream.linear.scatter [tilespmem:s7], [sflag:$0x7], $0x2800, $0x38;
	[tilespmem:$0x1DD00] =	vst v63  }
0x17b: {  	_ =	swait.ge [sflag:s15], $0x2800  }
0x17c: {  	s21 =	sld [smem:$0x7FB]  }
0x17d: {  	[sflag:s15] =	ssyncset.done $0x0  }
0x17e: {  	[sflag:s15] =	ssyncadd.s32 $0xFFFFD800  }
0x17f: {  	[tilespmem:s6], [sflag:$0xD] =	stream.linear.gather [spmem:s21], $0x2800, $0x38;
	[tilespmem:$0x1DD00] =	vst v63  }
0x180: {  	_ =	swait.ge [sflag:s4], $0x2800  }
0x181: {  	[sflag:s4] =	ssyncset.done $0x0  }
0x182: {  	s22 =	rddreg [dreg:$0x12];
	[sflag:s4] =	ssyncadd.s32 $0xFFFFD800  }
0x183: {  	[hbm4b:s22+s3] =	stream.linear.scatter [tilespmem:s6], [sflag:$0x8], $0x2800, $0x38;
	[tilespmem:$0x1DD00] =	vst v63  }
0x184: {  	_ =	swait.ge [sflag:s19], $0x2800  }
0x185: {  	[sflag:s19] =	ssyncset.done $0x0  }
0x186: {  	[sflag:s19] =	ssyncadd.s32 $0xFFFFD800  }
0x187: {  	_ =	swait.ge [sflag:s1], $0x2800  }
0x188: {  	[sflag:s1] =	ssyncset.done $0x0  }
0x189: {  	[sflag:s1] =	ssyncadd.s32 $0xFFFFD800  }
0x18a: {  	_ =	swait.ge [sflag:s16], $0x2800  }
0x18b: {  	[sflag:s16] =	ssyncset.done $0x0  }
0x18c: {  	[sflag:s16] =	ssyncadd.s32 $0xFFFFD800  }
0x18d: {  	_ =	swait.ge [sflag:s15], $0x2800  }
0x18e: {  	s23 =	sld [smem:$0x7F5]  }
0x18f: {  	s24 =	sld [smem:$0x7FC]  }
0x190: {  	s29 =	simm.s32 $0x13A80;
	s9 =	simm.s32 $0x13D00;
	s11 =	simm.s32 $0x1  }
0x191: {  	s12 =	simm.s32 $0x1B500;
	s14 =	simm.s32 $0x13900;
	s6 =	sadd.s32 $0x1, s23  }
0x192: {  	s8 =	simm.s32 $0x18D00;
	s17 =	simm.s32 $0x3;
	p0 =	sne.s32 s6, s24  }
.Ltmp2:
0x193: {  	s18 =	simm.s32 $0x5;
	s20 =	simm.s32 $0x13B00;
	(pc) =	sbr.rel @p0 .LBB2_1-.Ltmp2, $4  }
0x194: {  	s7 =	simm.s32 $0x16500;
	s21 =	simm.s32 $0x13980;
	s4 =	simm.s32 $0x13C80  }
0x195: {  	s22 =	simm.s32 $0x13B80;
	s19 =	simm.s32 $0x7;
	[sflag:s15] =	ssyncset.done $0x0  }
0x196: {  	s1 =	simm.s32 $0x6;
	s16 =	simm.s32 $0x2;
	[sflag:s15] =	ssyncadd.s32 $0xFFFFD800  }
0x197: {  	s15 =	rddreg [dreg:$0xa];
	s23 =	simm.s32 $0x13A00;
	s24 =	simm.s32 $0x13C00  }
0x198: {  	_ =	sfence.sel $0x180000  }
0x199: {  	[bflag:$0x0] =	sbarrier.arrive $0xFFFF  }
0x19a: {  	_ =	strace $0x90000050  }
0x19b: {  	s0 =	stileid.u32;
	[bflag:$0x2] =	sbarrier.arrive $0xFFFF  }
0x19c: {  	p0 =	sne.s32 s0, $0x0;
	s0 =	rddreg [dreg:$0x3]  }
0x19d: {  	s0 =	sadd.s32 @!p0 $0x100000, s0  }
0x19e: {  	[sflag:s0] =	ssyncadd.tile.s32 @!p0 $0x1;
	_ =	shalt  }
.Lfunc_end2:
_tile_overlayer_lowered:
.L_overlay_start_2:
0x19f: {  	(tag) =	ssettag $0x2  }
0x1a0: {  	s0 =	rddreg [dreg:$0x0];
	s2 =	stileid.u32  }
0x1a1: {  	s1 =	rddreg [dreg:$0x1];
	p0 =	sne.s32 s2, $0x0  }
0x1a2: {  	s3 =	rddreg [dreg:$0x2];
	[bflag:$0x3] =	sbarrier.arrive $0xFFFF;
	s2 =	simm.s32 @!p0 $0x1C0D  }
0x1a3: {  	[timem:s3], [sflag:s2] =	dma.local @!p0 [hbm:s0], s1  }
0x1a4: {  	s0 =	simm.s32 @!p0 $0xD  }
0x1a5: {  	_ =	swait.ge @!p0 [sflag:s0], s1  }
0x1a6: {  	s1 =	ssub.s32 @!p0 $0x0, s1;
	[sflag:s0] =	ssyncset.done @!p0 $0x0  }
0x1a7: {  	[sflag:s0] =	ssyncadd.s32 @!p0 s1  }
0x1a8: {  	[bflag:$0x3] =	sbarrier.arrive $0xFFFF  }
0x1a9: {  	_ =	shalt  }

// kernel: kernel.9.cloned.1.call-start
scs
__scs_entry_jumppad:
0x0: {  	(pc) =	sbr.rel $0x88, $3  }
0x1: {  	(tag) =	ssettag $0x0;
	lr =	simm.s32 $0x1  }
0x2: {  	[smem:$0x3F98] =	sst lr;
	_ =	strace $0xD0000000  }
0x3: {  	_ = 	snop  }
0x4: {  	_ = 	snop  }
0x5: {  	_ = 	snop  }
0x6: {  	_ = 	snop  }
0x7: {  	_ = 	snop  }
__scs_overlays_trampoline_lowered:
0x8: {  	[smem:$0x3FA7] =	sst s0  }
0x9: {  	[smem:$0x3FA8] =	sst s1  }
0xa: {  	[smem:$0x3FA9] =	sst s2  }
0xb: {  	[smem:$0x3FAA] =	sst s3  }
0xc: {  	[smem:$0x3FAB] =	sst s4  }
0xd: {  	[smem:$0x3FAC] =	sst s5  }
0xe: {  	[smem:$0x3FAD] =	sst s6  }
0xf: {  	[smem:$0x3FAE] =	sst s7  }
0x10: {  	[smem:$0x3FAF] =	sst s8  }
0x11: {  	[smem:$0x3FB0] =	sst s9;
	s0 =	simm.s32 @!p0 $0x0  }
0x12: {  	s1 =	sld [smem:$0x3F96];
	s0 =	simm.s32 @p0 $0x1  }
0x13: {  	[smem:$0x3FB1] =	sst s0;
	s0 =	simm.s32 @!p1 $0x0  }
0x14: {  	s2 =	sld [smem:$0x3F95];
	s0 =	simm.s32 @p1 $0x1  }
0x15: {  	[smem:$0x3FB2] =	sst s0;
	s0 =	simm.s32 @!p2 $0x0  }
0x16: {  	s3 =	sld [smem:$0x3FDB];
	s0 =	simm.s32 @p2 $0x1  }
0x17: {  	s4 =	simm.s32 $0x1BF5;
	[smem:$0x3FB4] =	sst s0  }
0x18: {  	s0 =	sld [smem:$0x3F97];
	_ =	swait.ge [sflag:s4], $0x0  }
0x19: {  	s7 =	sld [smem:$0x3F98]  }
0x1a: {  	s8 =	sadd.s32 $0xFFFFE003, lr  }
0x1b: {  	s9 =	sadd.s32 $0xFFFFFEF7, lr;
	s5 =	simm.s32 $0xFFFFFFFF;
	p2 =	slt.u32 s8, $0xFFFFF086  }
0x1c: {  	p1 =	slt.u32 s9, $0xF7A;
	s5 =	simm.s32 @!p2 $0x0  }
0x1d: {  	s5 =	simm.s32 @p1 $0x1;
	p0 =	seq.s32 s7, s2  }
0x1e: {  	s7 =	smul.u32 @!p0 $0xF7A, s2;
	p2 =	seq.s32 @!p0 s5, $0x0  }
0x1f: {  	s9 =	smul.u32 $0xF7A, s1;
	s8 =	simm.s32 @!p0 $0x1BF5;
	p2 =	por !p2, p0  }
0x20: {  	[sflag:s8] =	ssyncset.s32 @!p0 $0xFFFFF086;
	s6 =	sadd.s32 @!p0 s3, s7;
	s7 =	simm.s32 @!p0 $0x108  }
0x21: {  	s3 =	sadd.s32 s3, s9;
	s6 =	sadd.s32 @!p0 $0x88, s6;
	s7 =	simm.s32 @p2 $0x1082  }
0x22: {  	[simem:s7], [sflag:s8] =	dma.local @!p0 [hbm:s6], $0xF7A  }
0x23: {  	s9 =	sor.u32 $0xD0000000, s2;
	s6 =	simm.s32 $0x108;
	_ =	swait.ge @!p0 [sflag:s8], $0x0  }
0x24: {  	s3 =	sadd.s32 $0x88, s3;
	s6 =	simm.s32 @!p1 $0x1082;
	[sflag:s4] =	ssyncset.s32 $0xFFFFF086  }
0x25: {  	[simem:s6], [sflag:s4] =	dma.local [hbm:s3], $0xF7A  }
0x26: {  	[smem:$0x3F98] =	sst s1;
	(tag) =	ssettag s2;
	_ =	strace s9  }
0x27: {  	s1 =	sld [smem:$0x3FA8]  }
0x28: {  	s2 =	sld [smem:$0x3FA9]  }
0x29: {  	s4 =	sld [smem:$0x3FAB]  }
0x2a: {  	p0 =	seq.s32 s5, $0x0;
	s5 =	sld [smem:$0x3FAC]  }
0x2b: {  	s6 =	sld [smem:$0x3FAD]  }
0x2c: {  	s7 =	sld [smem:$0x3FAE]  }
0x2d: {  	s3 =	simm.s32 $0x108;
	s8 =	sld [smem:$0x3FAF]  }
0x2e: {  	s3 =	simm.s32 @!p0 $0x1082;
	s9 =	sld [smem:$0x3FB0]  }
0x2f: {  	lr =	sadd.s32 s0, s3;
	s0 =	sld [smem:$0x3FA7]  }
0x30: {  	s3 =	sld [smem:$0x3FAA]  }
0x31: {  	[smem:$0x3FB3] =	sst s10  }
0x32: {  	s10 =	sld [smem:$0x3FB1];
	_ =	sdelay $0x3  }
0x33: {  	p0 =	seq.s32 s10, $0x1;
	s10 =	sld [smem:$0x3FB3];
	_ =	sdelay $0x3  }
0x34: {  	[smem:$0x3FB3] =	sst s10  }
0x35: {  	s10 =	sld [smem:$0x3FB2];
	_ =	sdelay $0x3  }
0x36: {  	p1 =	seq.s32 s10, $0x1;
	s10 =	sld [smem:$0x3FB3];
	_ =	sdelay $0x3  }
0x37: {  	[smem:$0x3FB3] =	sst s10  }
0x38: {  	s10 =	sld [smem:$0x3FB4]  }
0x39: {  	_ = 	snop;
	(pc) =	sbr.ind lr, $3  }
0x3a: {  	_ = 	snop  }
0x3b: {  	_ = 	snop  }
0x3c: {  	p2 =	seq.s32 s10, $0x1;
	s10 =	sld [smem:$0x3FB3]  }
0x3d: {  	_ =	shalt  }
0x3e: {  	_ =	shalt  }
0x3f: {  	_ =	shalt  }
0x40: {  	_ =	shalt  }
0x41: {  	_ =	shalt  }
0x42: {  	_ =	shalt  }
0x43: {  	_ =	shalt  }
0x44: {  	_ =	shalt  }
0x45: {  	_ =	shalt  }
0x46: {  	_ =	shalt  }
0x47: {  	_ =	shalt  }
0x48: {  	_ =	shalt  }
0x49: {  	_ =	shalt  }
0x4a: {  	_ =	shalt  }
0x4b: {  	_ =	shalt  }
0x4c: {  	_ =	shalt  }
0x4d: {  	_ =	shalt  }
0x4e: {  	_ =	shalt  }
0x4f: {  	_ =	shalt  }
0x50: {  	_ =	shalt  }
0x51: {  	_ =	shalt  }
0x52: {  	_ =	shalt  }
0x53: {  	_ =	shalt  }
0x54: {  	_ =	shalt  }
0x55: {  	_ =	shalt  }
0x56: {  	_ =	shalt  }
0x57: {  	_ =	shalt  }
0x58: {  	_ =	shalt  }
0x59: {  	_ =	shalt  }
0x5a: {  	_ =	shalt  }
0x5b: {  	_ =	shalt  }
0x5c: {  	_ =	shalt  }
0x5d: {  	_ =	shalt  }
0x5e: {  	_ =	shalt  }
0x5f: {  	_ =	shalt  }
0x60: {  	_ =	shalt  }
0x61: {  	_ =	shalt  }
0x62: {  	_ =	shalt  }
0x63: {  	_ =	shalt  }
0x64: {  	_ =	shalt  }
0x65: {  	_ =	shalt  }
0x66: {  	_ =	shalt  }
0x67: {  	_ =	shalt  }
0x68: {  	_ =	shalt  }
0x69: {  	_ =	shalt  }
0x6a: {  	_ =	shalt  }
0x6b: {  	_ =	shalt  }
0x6c: {  	_ =	shalt  }
0x6d: {  	_ =	shalt  }
0x6e: {  	_ =	shalt  }
0x6f: {  	_ =	shalt  }
0x70: {  	_ =	shalt  }
0x71: {  	_ =	shalt  }
0x72: {  	_ =	shalt  }
0x73: {  	_ =	shalt  }
0x74: {  	_ =	shalt  }
0x75: {  	_ =	shalt  }
0x76: {  	_ =	shalt  }
0x77: {  	_ =	shalt  }
0x78: {  	_ =	shalt  }
0x79: {  	_ =	shalt  }
0x7a: {  	_ =	shalt  }
0x7b: {  	_ =	shalt  }
0x7c: {  	_ =	shalt  }
0x7d: {  	_ =	shalt  }
0x7e: {  	_ =	shalt  }
0x7f: {  	_ =	shalt  }
0x80: {  	_ =	shalt  }
0x81: {  	_ =	shalt  }
0x82: {  	_ =	shalt  }
0x83: {  	_ =	shalt  }
0x84: {  	_ =	shalt  }
0x85: {  	_ =	shalt  }
0x86: {  	_ =	shalt  }
0x87: {  	_ =	shalt  }
.Lfunc_end0:
.L_simem_size_0:
called_computation_lowered:
.L_overlay_start_0:
0x88: {  	s2 =	sld [smem:$0x3FD9]  }
0x89: {  	s3 =	sld [smem:$0x3FFE];
	_ =	sdelay $0x1  }
0x8a: {  	s1 =	srdreg.scid  }
0x8b: {  	s0 =	sand.u32 $0x1, s1  }
0x8c: {  	s17 =	sshll.u32 s0, $0xA;
	s2 =	sadd.s32 s3, s2  }
0x8d: {  	s2 =	sadd.s32 s2, s17  }
0x8e: {  	[smem:$0x3FBF] =	sst s2  }
0x8f: {  	_ = 	snop  }
0x90: {  	s2 =	sld [smem:$0x3FC9]  }
0x91: {  	s18 =	sld [smem:$0x3FD0];
	(tm) =	ssettm $0x1  }
0x92: {  	s4 =	sld [smem:$0x3FFB];
	_ =	sdelay $0x3  }
0x93: {  	_ =	strace s4  }
0x94: {  	s4 =	sld [smem:$0x3FFC];
	_ =	sdelay $0x3  }
0x95: {  	_ =	strace s4  }
0x96: {  	s4 =	sld [smem:$0x3FFD];
	_ =	sdelay $0x3  }
0x97: {  	_ =	strace s4  }
0x98: {  	_ =	strace $0x8FFFFFFF  }
0x99: {  	s19 =	sld [smem:$0x3FDB];
	_ =	sdelay $0x1  }
0x9a: {  	s5 =	simm.s32 $_scs_section_size  }
0x9b: {  	s6 =	simm.s32 $_size__tile_overlayer_lowered;
	s7 =	simm.s32 $_tile_overlayer_lowered  }
0x9c: {  	s22 =	simm.s32 $0x1BFF;
	s21 =	sshll.u32 s7, $0x1;
	s4 =	sadd.s32 s5, s19  }
0x9d: {  	s8 =	simm.s32 $0x0;
	s20 =	sshll.u32 s6, $0x1;
	s6 =	sadd.s32 s21, s4  }
0x9e: {  	[timem:s8], [sflag:s22] =	dma.local [hbm:s6], s20  }
0x9f: {  	_ =	swait.ge [sflag:s22], s20  }
0xa0: {  	s5 =	ssub.s32 $0x0, s20;
	[sflag:s22] =	ssyncset.done $0x0  }
0xa1: {  	[sflag:s22] =	ssyncadd.s32 s5;
	_ =	sdelay $0x1  }
0xa2: {  	s23 =	simm.s32 $0x1B8B  }
0xa3: {  	_ =	swait.ge [sflag:s23], $0x1  }
0xa4: {  	[sflag:s23] =	ssyncset.done $0x0  }
0xa5: {  	s25 =	simm.s32 $0x1B8E;
	s24 =	sld [smem:$0x3FFE];
	[sflag:s23] =	ssyncadd.s32 $0xFFFFFFFF  }
0xa6: {  	s26 =	simm.s32 $execute0_lowered;
	[smem:$0x3FD2] =	sst s25  }
0xa7: {  	s6 =	sshll.u32 s26, $0x1;
	_ =	strace $0x80000046;
	[dreg:$0x1] =	wrdreg $0xFFFFFFFF  }
0xa8: {  	s28 =	simm.s32 $_size_execute0_lowered;
	s4 =	sadd.s32 s4, s6;
	[dreg:$0x0] =	wrdreg $0x0  }
0xa9: {  	s6 =	sshll.u32 s28, $0x1;
	[dreg:$0x2] =	wrdreg s4  }
0xaa: {  	[dreg:$0x3] =	wrdreg s6  }
0xab: {  	[dreg:$0x4] =	wrdreg $0xC0  }
0xac: {  	_ =	task [dreg:s8], $0x5FFFF  }
0xad: {  	[dreg:$0x1] =	wrdreg $0xFFFFFFFF  }
0xae: {  	[dreg:$0x0] =	wrdreg $0x60  }
0xaf: {  	[dreg:$0x2] =	wrdreg s2  }
0xb0: {  	[dreg:$0x3] =	wrdreg s24  }
0xb1: {  	[dreg:$0x4] =	wrdreg s18  }
0xb2: {  	[dreg:$0x5] =	wrdreg $0x9  }
0xb3: {  	_ =	task.clear_ibuf [dreg:s8], $0x6FFFF;
	_ =	strace $0x90000046  }
0xb4: {  	s29 =	simm.s32 $0x9;
	_ =	strace $0x80000048  }
0xb5: {  	_ =	swait.ge [sflag:s29], $0x1  }
0xb6: {  	[sflag:s29] =	ssyncadd.s32 $0xFFFFFFFF  }
0xb7: {  	_ =	strace $0x90000048  }
0xb8: {  	_ =	sfence  }
0xb9: {  	s30 =	sld [smem:$0x0];
	_ =	sdelay $0x2  }
0xba: {  	s31 =	sshll.u32 s1, $0xD;
	s1 =	sshrl.u32 s1, $0x2  }
0xbb: {  	s3 =	sand.u32 $0x4000, s31;
	s1 =	sadd.s32 s1, s30  }
0xbc: {  	s0 =	sor.u32 s3, s0;
	s1 =	sshll.u32 s1, $0x11  }
0xbd: {  	s0 =	sor.u32 s1, s0  }
0xbe: {  	s0 =	sadd.s32 $0x8F2B, s0  }
0xbf: {  	[sflag:s0] =	ssyncadd.remote.s32 $0x1  }
0xc0: {  	_ =	sfence.sel $0xFFFF  }
0xc1: {  	[dreg:$0x0] =	wrdreg $0xFFFFFFFF;
	(pc) =	sbr.abs _section_cstart, $3  }
0xc2: {  	[dreg:$0x1] =	wrdreg $0xFFFFFFFF  }
0xc3: {  	_ =	task.clear_ibuf [dreg:s8], $0x2FFFF;
	_ =	strace $0x9FFFFFFF  }
0xc4: {  	(tm) =	ssettm $0x7FFFFFFF  }
0xc5: {  	_ =	shalt  }
tec
execute0_lowered:
.L_overlay_start_1:
0x0: {  	(tag) =	ssettag $0x1  }
0x1: {  	s1 =	rddreg [dreg:$0x0]  }
0x2: {  	s5 =	rddreg [dreg:$0x1]  }
0x3: {  	s8 =	rddreg [dreg:$0x2]  }
0x4: {  	s0 =	rddreg [dreg:$0x3];
	s2 =	simm.s32 $0x0  }
0x5: {  	s3 =	srdreg.scid;
	s15 =	simm.s32 $0x80;
	s16 =	simm.s32 $0x1  }
0x6: {  	s17 =	simm.s32 $0x3080;
	s18 =	simm.s32 $0x3480;
	s19 =	simm.s32 $0x0  }
0x7: {  	[smem:$0x7FF] =	sst s2;
	s7 =	sadd.s32 $0x4C00, s5;
	s6 =	sand.u32 $0x1, s3  }
0x8: {  	s3 =	stileid.u32;
	_ =	strace $0x80000047;
	s9 =	sshll.u32 s6, $0xA  }
0x9: {  	s4 =	sshll.u32 s3, $0x6;
	s10 =	sshll.u32 s6, $0x4;
	s11 =	sshll.u32 s6, $0x7  }
0xa: {  	s6 =	ssub.s32 $0x2, s6;
	s9 =	sor.u32 s4, s9;
	s10 =	sor.u32 s3, s10  }
0xb: {  	s11 =	sadd.s32 s11, s5;
	s28 =	sshrl.u32 s6, $0x1;
	s12 =	smul.u32 $0xC0, s10  }
0xc: {  	s9 =	sshrl.u32 s9, $0x3;
	s10 =	smul.u32 $0xC00, s10;
	s14 =	ssub.s32 s6, s28  }
0xd: {  	s13 =	sadd.s32 s9, s5;
	s9 =	sadd.s32 $0x4A00, s11;
	s11 =	smax.u32 s14, $0x1  }
0xe: {  	s14 =	simm.s32 $0x60;
	s29 =	sshrl.u32 s12, $0x3;
	s12 =	sadd.s32 $0x60, s12  }
0xf: {  	s6 =	sadd.s32 s8, s10;
	s10 =	sadd.s32 $0x5000, s13;
	s13 =	simm.s32 $0x2  }
0x10: {  	s5 =	sadd.s32 s7, s29;
	s30 =	sshrl.u32 s12, $0x3;
	s31 =	sshll.u32 s12, $0x4  }
0x11: {  	v0 =	vlaneseq.u32;
	s12 =	sshllo.u32 s3, $0x6;
	s7 =	sadd.s32 s7, s30;
	s8 =	sadd.s32 s8, s31  }
.LBB2_1:
0x12: {  	[tilespmem:s2], [sflag:$0x2] =	stream.linear.gather [hbm4b:s5+s2], $0x60, $0x38;
	[tilespmem:$0x3500] =	vst v63  }
0x13: {  	_ =	swait.ge [sflag:s13], $0x60  }
0x14: {  	[sflag:s13] =	ssyncset.done $0x0  }
0x15: {  	[sflag:s13] =	ssyncadd.s32 $0xFFFFFFA0  }
0x16: {  	[tilespmem:s15], [sflag:$0x1] =	stream.indirect.gather [hbm4b:s1+s14], $0x80, s2, s14, $0xb8;
	[tilespmem:$0x3500] =	vst v63  }
0x17: {  	_ =	swait.ge [sflag:s16], $0x3000  }
0x18: {  	[sflag:s16] =	ssyncset.done $0x0  }
0x19: {  	[sflag:s16] =	ssyncadd.s32 $0xFFFFD000  }
0x1a: {  	[hbm4b:s6+s2] =	stream.linear.scatter [tilespmem:s15], [sflag:$0x2], $0x3000, $0x38;
	[tilespmem:$0x3500] =	vst v63  }
0x1b: {  	_ =	swait.ge [sflag:s13], $0x3000  }
0x1c: {  	[sflag:s13] =	ssyncset.done $0x0  }
0x1d: {  	[sflag:s13] =	ssyncadd.s32 $0xFFFFD000  }
0x1e: {  	[tilespmem:s2], [sflag:$0x2] =	stream.linear.gather [hbm4b:s7+s2], $0x60, $0x38;
	[tilespmem:$0x3500] =	vst v63  }
0x1f: {  	_ =	swait.ge [sflag:s13], $0x60  }
0x20: {  	[sflag:s13] =	ssyncset.done $0x0  }
0x21: {  	[sflag:s13] =	ssyncadd.s32 $0xFFFFFFA0  }
0x22: {  	[tilespmem:s15], [sflag:$0x1] =	stream.indirect.gather [hbm4b:s1+s14], $0x80, s2, s14, $0xb8;
	[tilespmem:$0x3500] =	vst v63  }
0x23: {  	_ =	swait.ge [sflag:s16], $0x3000  }
0x24: {  	[sflag:s16] =	ssyncset.done $0x0  }
0x25: {  	[sflag:s16] =	ssyncadd.s32 $0xFFFFD000  }
0x26: {  	[hbm4b:s8+s2] =	stream.linear.scatter [tilespmem:s15], [sflag:$0x2], $0x3000, $0x38;
	[tilespmem:$0x3500] =	vst v63  }
0x27: {  	_ =	swait.ge [sflag:s13], $0x3000  }
0x28: {  	[sflag:s13] =	ssyncset.done $0x0  }
0x29: {  	[sflag:s13] =	ssyncadd.s32 $0xFFFFD000  }
0x2a: {  	[tilespmem:s17], [sflag:$0x2] =	stream.linear.gather [hbm4b:s9+s2], $0x400, $0x38;
	[tilespmem:$0x3500] =	vst v63  }
0x2b: {  	_ =	swait.ge [sflag:s13], $0x400  }
0x2c: {  	[sflag:s13] =	ssyncset.done $0x0  }
0x2d: {  	s20 =	smov.u32 s4;
	[sflag:s13] =	ssyncadd.s32 $0xFFFFFC00  }
.LBB2_2:
0x2e: {  	v2 =	vmov s20;
	_ =	sdelay $0x2  }
0x2f: {  	s21 =	simm.s32 $0x3080  }
0x30: {  	v4 =	vld [tilespmem:s21+$0x0]  }
0x31: {  	v1 =	vld.idx.msk [tilespmem:v2+s21+$0x0], $0xffff;
	_ =	sdelay $0x2  }
0x32: {  	s31 =	simm.s32 $0x0  }
0x33: {  	v5 =	vor.u32 s31, v0  }
0x34: {  	v3 =	vimm.s32 $0x0;
	s22 =	simm.s32 $0x3090;
	vm1 =	vgt.u32 v5, v2;
	s21 =	simm.s32 $0x10;
	vm0 =	veq.s32 v4, v1  }
.LBB2_3:
0x35: {  	v4 =	vld [tilespmem:s22+$0x0];
	p0 =	sne.s32 s21, $0x3F0;
	vm0 =	vmand vm1, vm0;
	s23 =	smov.u32 s21;
	s21 =	sadd.s32 $0x10, s21  }
.Ltmp0:
0x36: {  	v5 =	vmpcnt.ones.xlane vm0;
	(pc) =	sbr.rel @p0 .LBB2_3-.Ltmp0, $4  }
0x37: {  	_ = 	snop  }
0x38: {  	v3 =	vadd.s32 v3, v5  }
0x39: {  	v5 =	vor.u32 s23, v0  }
0x3a: {  	s22 =	sadd.s32 $0x10, s22;
	vm1 =	vgt.u32 v5, v2;
	vm0 =	veq.s32 v4, v1  }
0x3b: {  	vm0 =	vmand vm1, vm0;
	s21 =	ssub.s32 s20, s4  }
0x3c: {  	p0 =	sne.s32 s20, s12;
	v2 =	vmpcnt.ones.xlane vm0;
	v4 =	vmov s21  }
.Ltmp1:
0x3d: {  	_ = 	snop;
	(pc) =	sbr.rel @p0 .LBB2_2-.Ltmp1, $4  }
0x3e: {  	v2 =	vadd.s32 v3, v2  }
0x3f: {  	vm15 =	veq.s32 v2, $0x0  }
0x40: {  	s31 =	sadd.s32 $0x1, s20;
	v1 =	vnsel vm15, $0x2710, v1  }
0x41: {  	s20 =	smov.u32 s31;
	[tilespmem:v4+s18+$0x0] =	vst.idx.msk $0x1, v1  }
0x42: {  	s19 =	sadd.s32 $0x1, s19  }
0x43: {  	p0 =	sne.s32 s19, s11  }
.Ltmp2:
0x44: {  	_ = 	snop;
	(pc) =	sbr.rel @p0 .LBB2_1-.Ltmp2, $4  }
0x45: {  	[hbm4b:s10+s2] =	stream.linear.scatter [tilespmem:s18], [sflag:$0x2], $0x40, $0x38;
	[tilespmem:$0x3500] =	vst v63  }
0x46: {  	_ =	swait.ge [sflag:s13], $0x40  }
0x47: {  	[sflag:s13] =	ssyncset.done $0x0  }
0x48: {  	[sflag:s13] =	ssyncadd.s32 $0xFFFFFFC0  }
0x49: {  	_ =	sfence.sel $0x180000  }
0x4a: {  	[bflag:$0x0] =	sbarrier.arrive $0xFFFF  }
0x4b: {  	p0 =	sne.s32 s3, $0x0;
	_ =	strace $0x90000047  }
0x4c: {  	s0 =	sadd.s32 @!p0 $0x100000, s0;
	[bflag:$0x2] =	sbarrier.arrive $0xFFFF  }
0x4d: {  	[sflag:s0] =	ssyncadd.tile.s32 @!p0 $0x1;
	_ =	shalt  }
.Lfunc_end2:
_tile_overlayer_lowered:
.L_overlay_start_2:
0x4e: {  	(tag) =	ssettag $0x2  }
0x4f: {  	s0 =	rddreg [dreg:$0x0];
	s2 =	stileid.u32  }
0x50: {  	s1 =	rddreg [dreg:$0x1];
	p0 =	sne.s32 s2, $0x0  }
0x51: {  	s3 =	rddreg [dreg:$0x2];
	[bflag:$0x3] =	sbarrier.arrive $0xFFFF;
	s2 =	simm.s32 @!p0 $0x1C02  }
0x52: {  	[timem:s3], [sflag:s2] =	dma.local @!p0 [hbm:s0], s1  }
0x53: {  	s0 =	simm.s32 @!p0 $0x2  }
0x54: {  	_ =	swait.ge @!p0 [sflag:s0], s1  }
0x55: {  	s1 =	ssub.s32 @!p0 $0x0, s1;
	[sflag:s0] =	ssyncset.done @!p0 $0x0  }
0x56: {  	[sflag:s0] =	ssyncadd.s32 @!p0 s1  }
0x57: {  	[bflag:$0x3] =	sbarrier.arrive $0xFFFF  }
0x58: {  	_ =	shalt  }

</sc_bundles>
